<compile_context>
chip_gen: v7x
topology: tpu7x:2x2x1
jax: 0.10.2.dev20260603
libtpu: 0.0.44.dev20260713+nightly
codegen_flags: <defaults>
</compile_context>

<pallas_src>
import functools

import jax
import jax.numpy as jnp
from jax.experimental import pallas as pl
from jax.experimental.pallas import tpu as pltpu
from jax.experimental.pallas import tpu_sc as plsc

_N = 10000
_E = 320000
_IN = 128
_HID = 64
_OUT = 2
_EPS = 1e-5

_NC = 2
_NS = 16
_NW = _NC * _NS
_CH = 128
_RPW = 80
_RT = _NW * _RPW
_EPAD = _RT * _CH
_NPAD = 10112
_RPS = _NPAD // _NS
_K = 8

_mesh = plsc.VectorSubcoreMesh(core_axis_name="c", subcore_axis_name="s")
_sc_params = pltpu.CompilerParams(use_tc_tiling_on_sc=False)


def _sc_propagate(table, srcp, dstp, zeros, d, rpw0, rpw1, slab, kring):
    assert 16 * (rpw0 + rpw1) == _RT
    _K = kring
    _W = slab * _CH
    rmax = max(rpw0, rpw1) // slab


    @functools.partial(
        pl.kernel,
        out_type=jax.ShapeDtypeStruct((_NC, _NPAD, d), jnp.float32),
        mesh=_mesh,
        scratch_types=[
            pltpu.VMEM((rmax, _W), jnp.int32),
            pltpu.VMEM((rmax, _W), jnp.int32),
            pltpu.VMEM((_K, _W, d), jnp.float32),
            pltpu.VMEM_SHARED((_NPAD, d), jnp.float32),
            pltpu.SemaphoreType.DMA((_K,)),
            pltpu.SemaphoreType.DMA((_K,)),
        ],
        compiler_params=_sc_params,
    )
    def k(table_hbm, src_hbm, dst_hbm, z_hbm, out_hbm,
          sidx, didx, rows, acc_sh, gsem, ssem):
        c = jax.lax.axis_index("c")
        s = jax.lax.axis_index("s")
        pltpu.sync_copy(z_hbm.at[pl.ds(s * _RPS, _RPS)],
                        acc_sh.at[pl.ds(s * _RPS, _RPS)])

        def pipeline(rpw_rows, base_rows):
            rpw, base = rpw_rows // slab, base_rows // slab
            pltpu.sync_copy(src_hbm.at[pl.ds(base, rpw)], sidx.at[pl.ds(0, rpw)])
            pltpu.sync_copy(dst_hbm.at[pl.ds(base, rpw)], didx.at[pl.ds(0, rpw)])

            for kk in range(_K):
                pltpu.async_copy(table_hbm.at[sidx.at[kk]], rows.at[kk],
                                 gsem.at[kk])

            @pl.loop(0, rpw, step=_K)
            def _(j):
                for kk in range(_K):
                    pltpu.make_async_copy(z_hbm.at[pl.ds(0, _W)],
                                          rows.at[kk], gsem.at[kk]).wait()
                    pltpu.async_copy(rows.at[kk], acc_sh.at[didx.at[j + kk]],
                                     ssem.at[kk], add=True)
                for kk in range(_K):
                    pltpu.make_async_copy(z_hbm.at[pl.ds(0, _W)],
                                          rows.at[kk], ssem.at[kk]).wait()

                    @pl.when(j + _K + kk < rpw)
                    def _():
                        pltpu.async_copy(table_hbm.at[sidx.at[j + _K + kk]],
                                         rows.at[kk], gsem.at[kk])

        if rpw0 > 0:
            @pl.when(c == 0)
            def _():
                pipeline(rpw0, s * rpw0)
        if rpw1 > 0:
            @pl.when(c == 1)
            def _():
                pipeline(rpw1, 16 * rpw0 + s * rpw1)

        plsc.subcore_barrier()
        pltpu.sync_copy(acc_sh.at[pl.ds(s * _RPS, _RPS)],
                        out_hbm.at[c].at[pl.ds(s * _RPS, _RPS)])

    return k(table, srcp, dstp, zeros)


def _sc_degree(dstp, ones_rows, zeros):

    @functools.partial(
        pl.kernel,
        out_type=jax.ShapeDtypeStruct((_NC, _NPAD, 16), jnp.float32),
        mesh=_mesh,
        scratch_types=[
            pltpu.VMEM((_RPW // 4, 4 * _CH), jnp.int32),
            pltpu.VMEM((4 * _CH, 16), jnp.float32),
            pltpu.VMEM_SHARED((_NPAD, 16), jnp.float32),
            pltpu.SemaphoreType.DMA,
        ],
        compiler_params=_sc_params,
    )
    def k(dst_hbm, ones_hbm, z_hbm, out_hbm, didx, rows, acc_sh, dsem):
        c = jax.lax.axis_index("c")
        s = jax.lax.axis_index("s")
        wid = s * _NC + c
        pltpu.sync_copy(z_hbm.at[pl.ds(s * _RPS, _RPS)],
                        acc_sh.at[pl.ds(s * _RPS, _RPS)])
        pltpu.sync_copy(dst_hbm.at[pl.ds(wid * (_RPW // 4), _RPW // 4)], didx)
        pltpu.sync_copy(ones_hbm, rows)
        plsc.subcore_barrier()

        @pl.loop(0, _RPW // 4)
        def _(j):
            pltpu.async_copy(rows, acc_sh.at[didx.at[j]], dsem, add=True)

        @pl.loop(0, _RPW // 4)
        def _(j):
            pltpu.make_async_copy(ones_hbm, rows, dsem).wait()

        plsc.subcore_barrier()
        pltpu.sync_copy(acc_sh.at[pl.ds(s * _RPS, _RPS)],
                        out_hbm.at[c].at[pl.ds(s * _RPS, _RPS)])

    return k(dstp, ones_rows, zeros)


def _tc_matmul(x_pad, W1):
    def body(x_ref, w_ref, o_ref):
        o_ref[...] = jnp.dot(x_ref[...], w_ref[...],
                             preferred_element_type=jnp.float32)

    return pl.pallas_call(
        body, out_shape=jax.ShapeDtypeStruct((_NPAD, _HID), jnp.float32),
    )(x_pad, W1)


def _tc_prescale(h1, hist):

    def body(h1_ref, hist_ref, hs_ref, dis_ref):
        hist = hist_ref[...]
        deg = hist[0, :, 0:1] + hist[1, :, 0:1] + 1.0
        dis = jax.lax.rsqrt(deg)
        row = jax.lax.broadcasted_iota(jnp.int32, (_NPAD, 1), 0)
        dis = jnp.where(row < _N, dis, 0.0)
        dis_ref[...] = dis
        hs_ref[...] = h1_ref[...] * dis

    return pl.pallas_call(
        body,
        out_shape=(
            jax.ShapeDtypeStruct((_NPAD, _HID), jnp.float32),
            jax.ShapeDtypeStruct((_NPAD, 1), jnp.float32),
        ),
    )(h1, hist)


def _tc_middle(acc1, hs1, dis, b1, gamma, beta, W2p):

    def body(acc_ref, hs1_ref, dis_ref, b1_ref, g_ref, bt_ref, w2_ref, o_ref):
        dis = dis_ref[...]
        conv1 = (acc_ref[0] + acc_ref[1] + hs1_ref[...]) * dis + b1_ref[...]
        v = conv1[:_N]
        mean = jnp.mean(v, axis=0, keepdims=True)
        var = jnp.mean((v - mean) ** 2, axis=0, keepdims=True)
        bnr = (conv1 - mean) * jax.lax.rsqrt(var + _EPS) * g_ref[...] + bt_ref[...]
        bnr = jnp.maximum(bnr, 0.0)
        h2 = jnp.dot(bnr, w2_ref[...], preferred_element_type=jnp.float32)
        o_ref[...] = h2 * dis

    return pl.pallas_call(
        body, out_shape=jax.ShapeDtypeStruct((_NPAD, 16), jnp.float32),
    )(acc1, hs1, dis, b1.reshape(1, _HID), gamma.reshape(1, _HID),
      beta.reshape(1, _HID), W2p)


def _tc_final(acc2, hs2, dis, b2):
    def body(acc_ref, hs2_ref, dis_ref, b2_ref, o_ref):
        t = acc_ref[0, :_N, :_OUT] + acc_ref[1, :_N, :_OUT] + hs2_ref[:_N, :_OUT]
        o_ref[...] = t * dis_ref[:_N] + b2_ref[...]

    return pl.pallas_call(
        body, out_shape=jax.ShapeDtypeStruct((_N, _OUT), jnp.float32),
    )(acc2, hs2, dis, b2.reshape(1, _OUT))


def kernel(x, edge_index, W1, b1, gamma, beta, W2, b2):
    src = edge_index[0]
    dst = edge_index[1]
    pad = _EPAD - _E
    padv = jnp.full((pad,), _N, dtype=jnp.int32)
    srcp = jnp.concatenate([src, padv]).reshape(_RT // 4, 4 * _CH)
    dstp = jnp.concatenate([dst, padv]).reshape(_RT // 4, 4 * _CH)

    x_pad = jnp.pad(x, ((0, _NPAD - _N), (0, 0)))
    W2p = jnp.pad(W2, ((0, 0), (0, 16 - _OUT)))
    zeros64 = jnp.zeros((_NPAD, _HID), jnp.float32)
    zeros16 = jnp.zeros((_NPAD, 16), jnp.float32)
    ones_rows = jnp.ones((4 * _CH, 16), jnp.float32)

    hist = _sc_degree(dstp, ones_rows, zeros16)
    h1 = _tc_matmul(x_pad, W1)
    hs1, dis = _tc_prescale(h1, hist)
    acc1 = _sc_propagate(hs1, srcp, dstp, zeros64, _HID, 80, 80, 4, 2)
    hs2 = _tc_middle(acc1, hs1, dis, b1, gamma, beta, W2p)
    acc2 = _sc_propagate(hs2, srcp, dstp, zeros16, 16, 80, 80, 4, 4)
    return _tc_final(acc2, hs2, dis, b2)

# --- scband reference (transcript-rebuilt; emitter-appended) ---
"""Pipeline reference for scband-gcn-49100066128549 (READ-ONLY COPY).

The authoritative reference and input builder live on the scoring server;
editing this copy changes nothing except your own understanding.
"""

import jax, jax.numpy as jnp
import numpy as np

N_NODES = 10000
N_EDGES = 320000
IN_DIM = 128
HID_DIM = 64
OUT_DIM = 2
EPS = 1e-5


def setup_inputs(seed: int = 0) -> dict:
    key = jax.random.key(seed)
    ks = jax.random.split(key, 8)
    x = jax.random.normal(ks[0], (N_NODES, IN_DIM), dtype=jnp.float32)
    edge_index = jax.random.randint(ks[1], (2, N_EDGES), 0, N_NODES, dtype=jnp.int64 if jax.config.jax_enable_x64 else jnp.int32).astype(jnp.int32)
    W1 = jax.random.normal(ks[2], (IN_DIM, HID_DIM), dtype=jnp.float32) * (1.0 / np.sqrt(IN_DIM))
    b1 = jnp.zeros((HID_DIM,), dtype=jnp.float32)
    gamma = jnp.ones((HID_DIM,), dtype=jnp.float32)
    beta = jnp.zeros((HID_DIM,), dtype=jnp.float32)
    W2 = jax.random.normal(ks[3], (HID_DIM, OUT_DIM), dtype=jnp.float32) * (1.0 / np.sqrt(HID_DIM))
    b2 = jnp.zeros((OUT_DIM,), dtype=jnp.float32)
    return {"x": x, "edge_index": edge_index, "W1": W1, "b1": b1, "gamma": gamma, "beta": beta, "W2": W2, "b2": b2}


def _gcn_conv(x, src, dst, W, b, n):
    # PyG GCNConv: linear transform, add self-loops, symmetric degree normalization, scatter-add
    h = x @ W
    loop = jnp.arange(n, dtype=src.dtype)
    src_a = jnp.concatenate([src, loop])
    dst_a = jnp.concatenate([dst, loop])
    deg = jnp.zeros((n,), dtype=h.dtype).at[dst_a].add(1.0)
    deg_inv_sqrt = jnp.where(deg > 0, deg ** -0.5, 0.0)
    norm = deg_inv_sqrt[src_a] * deg_inv_sqrt[dst_a]
    msg = h[src_a] * norm[:, None]
    out = jnp.zeros_like(h).at[dst_a].add(msg)
    return out + b


def _batchnorm(h, gamma, beta):
    mean = jnp.mean(h, axis=0)
    var = jnp.mean((h - mean) ** 2, axis=0)  # biased, as torch BatchNorm1d uses for normalization
    return (h - mean) / jnp.sqrt(var + EPS) * gamma + beta


def reference(x, edge_index, W1, b1, gamma, beta, W2, b2):
    src = edge_index[0]
    dst = edge_index[1]
    h = _gcn_conv(x, src, dst, W1, b1, N_NODES)
    h = _batchnorm(h, gamma, beta)
    # dropout is identity in eval mode
    h = jax.nn.relu(h)
    out = _gcn_conv(h, src, dst, W2, b2, N_NODES)
    return out

if __name__ == "__main__":
    import jax
    _d = setup_inputs()
    print(jax.jit(kernel)(*tuple(_d.values())))

</pallas_src>

<mosaic_0001>
#map = affine_map<(d0, d1) -> (0, 0)>
#map1 = affine_map<(d0, d1) -> (0, 0, 0)>
module attributes {stable_mosaic.version = 14 : i64} {
  func.func @k(%arg0: i32, %arg1: i32, %arg2: memref<10112x16xf32, #tpu.memory_space<hbm>>, %arg3: memref<640x512xi32, #tpu.memory_space<hbm>>, %arg4: memref<640x512xi32, #tpu.memory_space<hbm>>, %arg5: memref<10112x16xf32, #tpu.memory_space<hbm>>, %arg6: memref<2x10112x16xf32, #tpu.memory_space<hbm>>, %arg7: memref<20x512xi32, #tpu.memory_space<vmem>>, %arg8: memref<20x512xi32, #tpu.memory_space<vmem>>, %arg9: memref<4x512x16xf32, #tpu.memory_space<vmem>>, %arg10: memref<10112x16xf32, #tpu.memory_space<vmem_shared>>, %arg11: memref<4x!tpu.dma_semaphore, #tpu.memory_space<semaphore_mem>>, %arg12: memref<4x!tpu.dma_semaphore, #tpu.memory_space<semaphore_mem>>) attributes {dimension_semantics = [#tpu.dimension_semantics<core_parallel>, #tpu.dimension_semantics<subcore_parallel>], iteration_bounds = array<i64: 2, 16>, scalar_prefetch = 0 : i64, scratch_operands = 6 : i64, tpu.core_type = #tpu.core_type<sc_vector_subcore>, window_params = [{transform_indices = #map}, {transform_indices = #map}, {transform_indices = #map}, {transform_indices = #map}, {transform_indices = #map1}]} {
    %mul3A = arith.constant 632 : i32
    %mul3A_0 = arith.muli %arg1, %mul3A : i32
    %mul3A_1 = arith.constant 632 : i32
    %mul3A_2 = arith.muli %arg1, %mul3A_1 : i32
    "tpu.region"() ({
      %run_scoped3A = tpu.sem_alloc : memref<!tpu.dma_semaphore, #tpu.memory_space<semaphore_mem>>
      %dma_start3A = arith.constant 0 : i32
      %dma_start3A_14 = tpu.memref_slice %arg10[%mul3A_2, %dma_start3A] : memref<10112x16xf32, #tpu.memory_space<vmem_shared>> -> memref<632x16xf32, #tpu.memory_space<vmem_shared>>
      %dma_start3A_15 = arith.constant 0 : i32
      %dma_start3A_16 = tpu.memref_slice %arg5[%mul3A_0, %dma_start3A_15] : memref<10112x16xf32, #tpu.memory_space<hbm>> -> memref<632x16xf32, #tpu.memory_space<hbm>>
      tpu.enqueue_dma source(%dma_start3A_16 : memref<632x16xf32, #tpu.memory_space<hbm>>) target(%dma_start3A_14 : memref<632x16xf32, #tpu.memory_space<vmem_shared>>) target_semaphore(%run_scoped3A : memref<!tpu.dma_semaphore, #tpu.memory_space<semaphore_mem>>)
      %dma_wait3A = arith.constant 0 : i32
      %dma_wait3A_17 = tpu.memref_slice %arg10[%mul3A_2, %dma_wait3A] : memref<10112x16xf32, #tpu.memory_space<vmem_shared>> -> memref<632x16xf32, #tpu.memory_space<vmem_shared>>
      %dma_wait3A_18 = arith.constant 0 : i32
      %dma_wait3A_19 = tpu.memref_slice %arg5[%mul3A_0, %dma_wait3A_18] : memref<10112x16xf32, #tpu.memory_space<hbm>> -> memref<632x16xf32, #tpu.memory_space<hbm>>
      tpu.wait_dma2 semaphore(%run_scoped3A : memref<!tpu.dma_semaphore, #tpu.memory_space<semaphore_mem>>) src(%dma_wait3A_19 : memref<632x16xf32, #tpu.memory_space<hbm>>) dst(%dma_wait3A_17 : memref<632x16xf32, #tpu.memory_space<vmem_shared>>)
      tpu.yield
    }) : () -> ()
    %eq3A = arith.constant 0 : i32
    %eq3A_3 = arith.cmpi eq, %arg0, %eq3A : i32
    %convert_element_type3A = arith.extui %eq3A_3 : i1 to i32
    %cond3A = arith.constant 0 : i32
    %cond3A_4 = arith.cmpi ne, %convert_element_type3A, %cond3A : i32
    scf.if %cond3A_4 {
      %mul3A_14 = arith.constant 80 : i32
      %mul3A_15 = arith.muli %arg1, %mul3A_14 : i32
      %jit3A = arith.constant 4 : i32
      %div3A = arith.divsi %mul3A_15, %jit3A : i32
      %sign3A = arith.constant 0 : i32
      %sign3A_16 = arith.cmpi sgt, %mul3A_15, %sign3A : i32
      %sign3A_17 = arith.extui %sign3A_16 : i1 to i32
      %sign3A_18 = arith.constant 0 : i32
      %sign3A_19 = arith.cmpi slt, %mul3A_15, %sign3A_18 : i32
      %sign3A_20 = arith.extui %sign3A_19 : i1 to i32
      %sign3A_21 = arith.subi %sign3A_17, %sign3A_20 : i32
      %sign3A_22 = arith.constant 0 : i32
      %sign3A_23 = arith.cmpi sgt, %jit3A, %sign3A_22 : i32
      %sign3A_24 = arith.extui %sign3A_23 : i1 to i32
      %sign3A_25 = arith.constant 0 : i32
      %sign3A_26 = arith.cmpi slt, %jit3A, %sign3A_25 : i32
      %sign3A_27 = arith.extui %sign3A_26 : i1 to i32
      %sign3A_28 = arith.subi %sign3A_24, %sign3A_27 : i32
      %ne3A = arith.cmpi ne, %sign3A_21, %sign3A_28 : i32
      %rem3A = arith.remsi %mul3A_15, %jit3A : i32
      %ne3A_29 = arith.constant 0 : i32
      %ne3A_30 = arith.cmpi ne, %rem3A, %ne3A_29 : i32
      %and3A = arith.andi %ne3A, %ne3A_30 : i1
      %sub3A = arith.constant 1 : i32
      %sub3A_31 = arith.subi %div3A, %sub3A : i32
      %select_n3A = arith.select %and3A, %sub3A_31, %div3A : i32
      "tpu.region"() ({
        %run_scoped3A = tpu.sem_alloc : memref<!tpu.dma_semaphore, #tpu.memory_space<semaphore_mem>>
        %dma_start3A_95 = arith.constant 0 : i32
        %dma_start3A_96 = arith.constant 0 : i32
        %dma_start3A_97 = tpu.memref_slice %arg7[%dma_start3A_95, %dma_start3A_96] : memref<20x512xi32, #tpu.memory_space<vmem>> -> memref<20x512xi32, #tpu.memory_space<vmem>>
        %dma_start3A_98 = arith.constant 0 : i32
        %dma_start3A_99 = tpu.memref_slice %arg3[%select_n3A, %dma_start3A_98] : memref<640x512xi32, #tpu.memory_space<hbm>> -> memref<20x512xi32, #tpu.memory_space<hbm>>
        %dma_start3A_100 = arith.constant 0 : i32
        %dma_start3A_101 = arith.constant 0 : i32
        %dma_start3A_102 = tpu.memref_slice %arg7[%dma_start3A_100, %dma_start3A_101] : memref<20x512xi32, #tpu.memory_space<vmem>> -> memref<20x512xi32, #tpu.memory_space<vmem>>
        %dma_start3A_103 = arith.constant 0 : i32
        %dma_start3A_104 = tpu.memref_slice %arg3[%select_n3A, %dma_start3A_103] : memref<640x512xi32, #tpu.memory_space<hbm>> -> memref<20x512xi32, #tpu.memory_space<hbm>>
        tpu.enqueue_dma source(%dma_start3A_104 : memref<20x512xi32, #tpu.memory_space<hbm>>) target(%dma_start3A_102 : memref<20x512xi32, #tpu.memory_space<vmem>>) target_semaphore(%run_scoped3A : memref<!tpu.dma_semaphore, #tpu.memory_space<semaphore_mem>>)
        %dma_wait3A = arith.constant 0 : i32
        %dma_wait3A_105 = arith.constant 0 : i32
        %dma_wait3A_106 = tpu.memref_slice %arg7[%dma_wait3A, %dma_wait3A_105] : memref<20x512xi32, #tpu.memory_space<vmem>> -> memref<20x512xi32, #tpu.memory_space<vmem>>
        %dma_wait3A_107 = arith.constant 0 : i32
        %dma_wait3A_108 = tpu.memref_slice %arg3[%select_n3A, %dma_wait3A_107] : memref<640x512xi32, #tpu.memory_space<hbm>> -> memref<20x512xi32, #tpu.memory_space<hbm>>
        %dma_wait3A_109 = arith.constant 0 : i32
        %dma_wait3A_110 = arith.constant 0 : i32
        %dma_wait3A_111 = tpu.memref_slice %arg7[%dma_wait3A_109, %dma_wait3A_110] : memref<20x512xi32, #tpu.memory_space<vmem>> -> memref<20x512xi32, #tpu.memory_space<vmem>>
        %dma_wait3A_112 = arith.constant 0 : i32
        %dma_wait3A_113 = tpu.memref_slice %arg3[%select_n3A, %dma_wait3A_112] : memref<640x512xi32, #tpu.memory_space<hbm>> -> memref<20x512xi32, #tpu.memory_space<hbm>>
        tpu.wait_dma2 semaphore(%run_scoped3A : memref<!tpu.dma_semaphore, #tpu.memory_space<semaphore_mem>>) src(%dma_wait3A_113 : memref<20x512xi32, #tpu.memory_space<hbm>>) dst(%dma_wait3A_111 : memref<20x512xi32, #tpu.memory_space<vmem>>)
        tpu.yield
      }) : () -> ()
      "tpu.region"() ({
        %run_scoped3A = tpu.sem_alloc : memref<!tpu.dma_semaphore, #tpu.memory_space<semaphore_mem>>
        %dma_start3A_95 = arith.constant 0 : i32
        %dma_start3A_96 = arith.constant 0 : i32
        %dma_start3A_97 = tpu.memref_slice %arg8[%dma_start3A_95, %dma_start3A_96] : memref<20x512xi32, #tpu.memory_space<vmem>> -> memref<20x512xi32, #tpu.memory_space<vmem>>
        %dma_start3A_98 = arith.constant 0 : i32
        %dma_start3A_99 = tpu.memref_slice %arg4[%select_n3A, %dma_start3A_98] : memref<640x512xi32, #tpu.memory_space<hbm>> -> memref<20x512xi32, #tpu.memory_space<hbm>>
        %dma_start3A_100 = arith.constant 0 : i32
        %dma_start3A_101 = arith.constant 0 : i32
        %dma_start3A_102 = tpu.memref_slice %arg8[%dma_start3A_100, %dma_start3A_101] : memref<20x512xi32, #tpu.memory_space<vmem>> -> memref<20x512xi32, #tpu.memory_space<vmem>>
        %dma_start3A_103 = arith.constant 0 : i32
        %dma_start3A_104 = tpu.memref_slice %arg4[%select_n3A, %dma_start3A_103] : memref<640x512xi32, #tpu.memory_space<hbm>> -> memref<20x512xi32, #tpu.memory_space<hbm>>
        tpu.enqueue_dma source(%dma_start3A_104 : memref<20x512xi32, #tpu.memory_space<hbm>>) target(%dma_start3A_102 : memref<20x512xi32, #tpu.memory_space<vmem>>) target_semaphore(%run_scoped3A : memref<!tpu.dma_semaphore, #tpu.memory_space<semaphore_mem>>)
        %dma_wait3A = arith.constant 0 : i32
        %dma_wait3A_105 = arith.constant 0 : i32
        %dma_wait3A_106 = tpu.memref_slice %arg8[%dma_wait3A, %dma_wait3A_105] : memref<20x512xi32, #tpu.memory_space<vmem>> -> memref<20x512xi32, #tpu.memory_space<vmem>>
        %dma_wait3A_107 = arith.constant 0 : i32
        %dma_wait3A_108 = tpu.memref_slice %arg4[%select_n3A, %dma_wait3A_107] : memref<640x512xi32, #tpu.memory_space<hbm>> -> memref<20x512xi32, #tpu.memory_space<hbm>>
        %dma_wait3A_109 = arith.constant 0 : i32
        %dma_wait3A_110 = arith.constant 0 : i32
        %dma_wait3A_111 = tpu.memref_slice %arg8[%dma_wait3A_109, %dma_wait3A_110] : memref<20x512xi32, #tpu.memory_space<vmem>> -> memref<20x512xi32, #tpu.memory_space<vmem>>
        %dma_wait3A_112 = arith.constant 0 : i32
        %dma_wait3A_113 = tpu.memref_slice %arg4[%select_n3A, %dma_wait3A_112] : memref<640x512xi32, #tpu.memory_space<hbm>> -> memref<20x512xi32, #tpu.memory_space<hbm>>
        tpu.wait_dma2 semaphore(%run_scoped3A : memref<!tpu.dma_semaphore, #tpu.memory_space<semaphore_mem>>) src(%dma_wait3A_113 : memref<20x512xi32, #tpu.memory_space<hbm>>) dst(%dma_wait3A_111 : memref<20x512xi32, #tpu.memory_space<vmem>>)
        tpu.yield
      }) : () -> ()
      %dma_start3A = arith.constant 0 : i32
      %dma_start3A_32 = arith.constant 0 : i32
      %dma_start3A_33 = arith.constant 0 : i32
      %dma_start3A_34 = arith.constant 0 : i32
      %dma_start3A_35 = arith.constant 0 : i32
      %dma_start3A_36 = tpu.memref_slice %arg9[%dma_start3A_32, %dma_start3A_34, %dma_start3A_35] : memref<4x512x16xf32, #tpu.memory_space<vmem>> -> memref<1x512x16xf32, #tpu.memory_space<vmem>>
      %dma_start3A_37 = tpu.memref_squeeze %dma_start3A_36 : memref<1x512x16xf32, #tpu.memory_space<vmem>> -> memref<512x16xf32, #tpu.memory_space<vmem>>
      %dma_start3A_38 = arith.constant 0 : i32
      %dma_start3A_39 = tpu.memref_slice %arg7[%dma_start3A, %dma_start3A_38] : memref<20x512xi32, #tpu.memory_space<vmem>> -> memref<1x512xi32, #tpu.memory_space<vmem>>
      %dma_start3A_40 = tpu.memref_squeeze %dma_start3A_39 : memref<1x512xi32, #tpu.memory_space<vmem>> -> memref<512xi32, #tpu.memory_space<vmem>>
      %dma_start3A_41 = arith.constant 0 : i32
      %dma_start3A_42 = arith.constant 0 : i32
      %dma_start3A_43 = tpu.memref_slice %arg2[%dma_start3A_41, %dma_start3A_42] : memref<10112x16xf32, #tpu.memory_space<hbm>> -> memref<10112x16xf32, #tpu.memory_space<hbm>>
      %dma_start3A_44 = tpu.memref_slice %arg11[%dma_start3A_33] : memref<4x!tpu.dma_semaphore, #tpu.memory_space<semaphore_mem>> -> memref<1x!tpu.dma_semaphore, #tpu.memory_space<semaphore_mem>>
      %dma_start3A_45 = tpu.memref_squeeze %dma_start3A_44 : memref<1x!tpu.dma_semaphore, #tpu.memory_space<semaphore_mem>> -> memref<!tpu.dma_semaphore, #tpu.memory_space<semaphore_mem>>
      tpu.enqueue_indirect_dma source(%dma_start3A_43 : memref<10112x16xf32, #tpu.memory_space<hbm>>) target(%dma_start3A_37 : memref<512x16xf32, #tpu.memory_space<vmem>>) offsets(%dma_start3A_40 : memref<512xi32, #tpu.memory_space<vmem>>) semaphore(%dma_start3A_45 : memref<!tpu.dma_semaphore, #tpu.memory_space<semaphore_mem>>)
      %dma_start3A_46 = arith.constant 1 : i32
      %dma_start3A_47 = arith.constant 1 : i32
      %dma_start3A_48 = arith.constant 1 : i32
      %dma_start3A_49 = arith.constant 0 : i32
      %dma_start3A_50 = arith.constant 0 : i32
      %dma_start3A_51 = tpu.memref_slice %arg9[%dma_start3A_47, %dma_start3A_49, %dma_start3A_50] : memref<4x512x16xf32, #tpu.memory_space<vmem>> -> memref<1x512x16xf32, #tpu.memory_space<vmem>>
      %dma_start3A_52 = tpu.memref_squeeze %dma_start3A_51 : memref<1x512x16xf32, #tpu.memory_space<vmem>> -> memref<512x16xf32, #tpu.memory_space<vmem>>
      %dma_start3A_53 = arith.constant 0 : i32
      %dma_start3A_54 = tpu.memref_slice %arg7[%dma_start3A_46, %dma_start3A_53] : memref<20x512xi32, #tpu.memory_space<vmem>> -> memref<1x512xi32, #tpu.memory_space<vmem>>
      %dma_start3A_55 = tpu.memref_squeeze %dma_start3A_54 : memref<1x512xi32, #tpu.memory_space<vmem>> -> memref<512xi32, #tpu.memory_space<vmem>>
      %dma_start3A_56 = arith.constant 0 : i32
      %dma_start3A_57 = arith.constant 0 : i32
      %dma_start3A_58 = tpu.memref_slice %arg2[%dma_start3A_56, %dma_start3A_57] : memref<10112x16xf32, #tpu.memory_space<hbm>> -> memref<10112x16xf32, #tpu.memory_space<hbm>>
      %dma_start3A_59 = tpu.memref_slice %arg11[%dma_start3A_48] : memref<4x!tpu.dma_semaphore, #tpu.memory_space<semaphore_mem>> -> memref<1x!tpu.dma_semaphore, #tpu.memory_space<semaphore_mem>>
      %dma_start3A_60 = tpu.memref_squeeze %dma_start3A_59 : memref<1x!tpu.dma_semaphore, #tpu.memory_space<semaphore_mem>> -> memref<!tpu.dma_semaphore, #tpu.memory_space<semaphore_mem>>
      tpu.enqueue_indirect_dma source(%dma_start3A_58 : memref<10112x16xf32, #tpu.memory_space<hbm>>) target(%dma_start3A_52 : memref<512x16xf32, #tpu.memory_space<vmem>>) offsets(%dma_start3A_55 : memref<512xi32, #tpu.memory_space<vmem>>) semaphore(%dma_start3A_60 : memref<!tpu.dma_semaphore, #tpu.memory_space<semaphore_mem>>)
      %dma_start3A_61 = arith.constant 2 : i32
      %dma_start3A_62 = arith.constant 2 : i32
      %dma_start3A_63 = arith.constant 2 : i32
      %dma_start3A_64 = arith.constant 0 : i32
      %dma_start3A_65 = arith.constant 0 : i32
      %dma_start3A_66 = tpu.memref_slice %arg9[%dma_start3A_62, %dma_start3A_64, %dma_start3A_65] : memref<4x512x16xf32, #tpu.memory_space<vmem>> -> memref<1x512x16xf32, #tpu.memory_space<vmem>>
      %dma_start3A_67 = tpu.memref_squeeze %dma_start3A_66 : memref<1x512x16xf32, #tpu.memory_space<vmem>> -> memref<512x16xf32, #tpu.memory_space<vmem>>
      %dma_start3A_68 = arith.constant 0 : i32
      %dma_start3A_69 = tpu.memref_slice %arg7[%dma_start3A_61, %dma_start3A_68] : memref<20x512xi32, #tpu.memory_space<vmem>> -> memref<1x512xi32, #tpu.memory_space<vmem>>
      %dma_start3A_70 = tpu.memref_squeeze %dma_start3A_69 : memref<1x512xi32, #tpu.memory_space<vmem>> -> memref<512xi32, #tpu.memory_space<vmem>>
      %dma_start3A_71 = arith.constant 0 : i32
      %dma_start3A_72 = arith.constant 0 : i32
      %dma_start3A_73 = tpu.memref_slice %arg2[%dma_start3A_71, %dma_start3A_72] : memref<10112x16xf32, #tpu.memory_space<hbm>> -> memref<10112x16xf32, #tpu.memory_space<hbm>>
      %dma_start3A_74 = tpu.memref_slice %arg11[%dma_start3A_63] : memref<4x!tpu.dma_semaphore, #tpu.memory_space<semaphore_mem>> -> memref<1x!tpu.dma_semaphore, #tpu.memory_space<semaphore_mem>>
      %dma_start3A_75 = tpu.memref_squeeze %dma_start3A_74 : memref<1x!tpu.dma_semaphore, #tpu.memory_space<semaphore_mem>> -> memref<!tpu.dma_semaphore, #tpu.memory_space<semaphore_mem>>
      tpu.enqueue_indirect_dma source(%dma_start3A_73 : memref<10112x16xf32, #tpu.memory_space<hbm>>) target(%dma_start3A_67 : memref<512x16xf32, #tpu.memory_space<vmem>>) offsets(%dma_start3A_70 : memref<512xi32, #tpu.memory_space<vmem>>) semaphore(%dma_start3A_75 : memref<!tpu.dma_semaphore, #tpu.memory_space<semaphore_mem>>)
      %dma_start3A_76 = arith.constant 3 : i32
      %dma_start3A_77 = arith.constant 3 : i32
      %dma_start3A_78 = arith.constant 3 : i32
      %dma_start3A_79 = arith.constant 0 : i32
      %dma_start3A_80 = arith.constant 0 : i32
      %dma_start3A_81 = tpu.memref_slice %arg9[%dma_start3A_77, %dma_start3A_79, %dma_start3A_80] : memref<4x512x16xf32, #tpu.memory_space<vmem>> -> memref<1x512x16xf32, #tpu.memory_space<vmem>>
      %dma_start3A_82 = tpu.memref_squeeze %dma_start3A_81 : memref<1x512x16xf32, #tpu.memory_space<vmem>> -> memref<512x16xf32, #tpu.memory_space<vmem>>
      %dma_start3A_83 = arith.constant 0 : i32
      %dma_start3A_84 = tpu.memref_slice %arg7[%dma_start3A_76, %dma_start3A_83] : memref<20x512xi32, #tpu.memory_space<vmem>> -> memref<1x512xi32, #tpu.memory_space<vmem>>
      %dma_start3A_85 = tpu.memref_squeeze %dma_start3A_84 : memref<1x512xi32, #tpu.memory_space<vmem>> -> memref<512xi32, #tpu.memory_space<vmem>>
      %dma_start3A_86 = arith.constant 0 : i32
      %dma_start3A_87 = arith.constant 0 : i32
      %dma_start3A_88 = tpu.memref_slice %arg2[%dma_start3A_86, %dma_start3A_87] : memref<10112x16xf32, #tpu.memory_space<hbm>> -> memref<10112x16xf32, #tpu.memory_space<hbm>>
      %dma_start3A_89 = tpu.memref_slice %arg11[%dma_start3A_78] : memref<4x!tpu.dma_semaphore, #tpu.memory_space<semaphore_mem>> -> memref<1x!tpu.dma_semaphore, #tpu.memory_space<semaphore_mem>>
      %dma_start3A_90 = tpu.memref_squeeze %dma_start3A_89 : memref<1x!tpu.dma_semaphore, #tpu.memory_space<semaphore_mem>> -> memref<!tpu.dma_semaphore, #tpu.memory_space<semaphore_mem>>
      tpu.enqueue_indirect_dma source(%dma_start3A_88 : memref<10112x16xf32, #tpu.memory_space<hbm>>) target(%dma_start3A_82 : memref<512x16xf32, #tpu.memory_space<vmem>>) offsets(%dma_start3A_85 : memref<512xi32, #tpu.memory_space<vmem>>) semaphore(%dma_start3A_90 : memref<!tpu.dma_semaphore, #tpu.memory_space<semaphore_mem>>)
      %scan3A = arith.constant 0 : i32
      %scan3A_91 = arith.constant 5 : i32
      %scan3A_92 = arith.addi %scan3A, %scan3A_91 : i32
      %scan3A_93 = arith.constant 1 : i32
      scf.for %scan3A_95 = %scan3A to %scan3A_92 step %scan3A_93  : i32 {
        %mul3A_96 = arith.constant 4 : i32
        %mul3A_97 = arith.muli %scan3A_95, %mul3A_96 : i32
        %add3A = arith.constant 0 : i32
        %add3A_98 = arith.addi %add3A, %mul3A_97 : i32
        %dma_wait3A = arith.constant 0 : i32
        %dma_wait3A_99 = arith.constant 0 : i32
        %dma_wait3A_100 = arith.constant 0 : i32
        %dma_wait3A_101 = arith.constant 0 : i32
        %dma_wait3A_102 = tpu.memref_slice %arg9[%dma_wait3A, %dma_wait3A_100, %dma_wait3A_101] : memref<4x512x16xf32, #tpu.memory_space<vmem>> -> memref<1x512x16xf32, #tpu.memory_space<vmem>>
        %dma_wait3A_103 = tpu.memref_squeeze %dma_wait3A_102 : memref<1x512x16xf32, #tpu.memory_space<vmem>> -> memref<512x16xf32, #tpu.memory_space<vmem>>
        %dma_wait3A_104 = arith.constant 0 : i32
        %dma_wait3A_105 = arith.constant 0 : i32
        %dma_wait3A_106 = tpu.memref_slice %arg5[%dma_wait3A_104, %dma_wait3A_105] : memref<10112x16xf32, #tpu.memory_space<hbm>> -> memref<512x16xf32, #tpu.memory_space<hbm>>
        %dma_wait3A_107 = tpu.memref_slice %arg11[%dma_wait3A_99] : memref<4x!tpu.dma_semaphore, #tpu.memory_space<semaphore_mem>> -> memref<1x!tpu.dma_semaphore, #tpu.memory_space<semaphore_mem>>
        %dma_wait3A_108 = tpu.memref_squeeze %dma_wait3A_107 : memref<1x!tpu.dma_semaphore, #tpu.memory_space<semaphore_mem>> -> memref<!tpu.dma_semaphore, #tpu.memory_space<semaphore_mem>>
        %dma_wait3A_109 = arith.constant 0 : i32
        %dma_wait3A_110 = arith.constant 0 : i32
        %dma_wait3A_111 = tpu.memref_slice %arg9[%dma_wait3A, %dma_wait3A_109, %dma_wait3A_110] : memref<4x512x16xf32, #tpu.memory_space<vmem>> -> memref<1x512x16xf32, #tpu.memory_space<vmem>>
        %dma_wait3A_112 = tpu.memref_squeeze %dma_wait3A_111 : memref<1x512x16xf32, #tpu.memory_space<vmem>> -> memref<512x16xf32, #tpu.memory_space<vmem>>
        %dma_wait3A_113 = arith.constant 0 : i32
        %dma_wait3A_114 = arith.constant 0 : i32
        %dma_wait3A_115 = tpu.memref_slice %arg5[%dma_wait3A_113, %dma_wait3A_114] : memref<10112x16xf32, #tpu.memory_space<hbm>> -> memref<512x16xf32, #tpu.memory_space<hbm>>
        tpu.wait_dma2 semaphore(%dma_wait3A_108 : memref<!tpu.dma_semaphore, #tpu.memory_space<semaphore_mem>>) src(%dma_wait3A_115 : memref<512x16xf32, #tpu.memory_space<hbm>>) dst(%dma_wait3A_112 : memref<512x16xf32, #tpu.memory_space<vmem>>)
        %add3A_116 = arith.constant 0 : i32
        %add3A_117 = arith.addi %add3A_98, %add3A_116 : i32
        %dma_start3A_118 = arith.constant 0 : i32
        %dma_start3A_119 = arith.constant 0 : i32
        %dma_start3A_120 = arith.constant 0 : i32
        %dma_start3A_121 = arith.constant 0 : i32
        %dma_start3A_122 = tpu.memref_slice %arg9[%dma_start3A_118, %dma_start3A_120, %dma_start3A_121] : memref<4x512x16xf32, #tpu.memory_space<vmem>> -> memref<1x512x16xf32, #tpu.memory_space<vmem>>
        %dma_start3A_123 = tpu.memref_squeeze %dma_start3A_122 : memref<1x512x16xf32, #tpu.memory_space<vmem>> -> memref<512x16xf32, #tpu.memory_space<vmem>>
        %dma_start3A_124 = arith.constant 0 : i32
        %dma_start3A_125 = tpu.memref_slice %arg8[%add3A_117, %dma_start3A_124] : memref<20x512xi32, #tpu.memory_space<vmem>> -> memref<1x512xi32, #tpu.memory_space<vmem>>
        %dma_start3A_126 = tpu.memref_squeeze %dma_start3A_125 : memref<1x512xi32, #tpu.memory_space<vmem>> -> memref<512xi32, #tpu.memory_space<vmem>>
        %dma_start3A_127 = arith.constant 0 : i32
        %dma_start3A_128 = arith.constant 0 : i32
        %dma_start3A_129 = tpu.memref_slice %arg10[%dma_start3A_127, %dma_start3A_128] : memref<10112x16xf32, #tpu.memory_space<vmem_shared>> -> memref<10112x16xf32, #tpu.memory_space<vmem_shared>>
        %dma_start3A_130 = tpu.memref_slice %arg12[%dma_start3A_119] : memref<4x!tpu.dma_semaphore, #tpu.memory_space<semaphore_mem>> -> memref<1x!tpu.dma_semaphore, #tpu.memory_space<semaphore_mem>>
        %dma_start3A_131 = tpu.memref_squeeze %dma_start3A_130 : memref<1x!tpu.dma_semaphore, #tpu.memory_space<semaphore_mem>> -> memref<!tpu.dma_semaphore, #tpu.memory_space<semaphore_mem>>
        tpu.enqueue_indirect_dma source(%dma_start3A_123 : memref<512x16xf32, #tpu.memory_space<vmem>>) target(%dma_start3A_129 : memref<10112x16xf32, #tpu.memory_space<vmem_shared>>) offsets(%dma_start3A_126 : memref<512xi32, #tpu.memory_space<vmem>>) semaphore(%dma_start3A_131 : memref<!tpu.dma_semaphore, #tpu.memory_space<semaphore_mem>>) {add = true}
        %dma_wait3A_132 = arith.constant 1 : i32
        %dma_wait3A_133 = arith.constant 1 : i32
        %dma_wait3A_134 = arith.constant 0 : i32
        %dma_wait3A_135 = arith.constant 0 : i32
        %dma_wait3A_136 = tpu.memref_slice %arg9[%dma_wait3A_132, %dma_wait3A_134, %dma_wait3A_135] : memref<4x512x16xf32, #tpu.memory_space<vmem>> -> memref<1x512x16xf32, #tpu.memory_space<vmem>>
        %dma_wait3A_137 = tpu.memref_squeeze %dma_wait3A_136 : memref<1x512x16xf32, #tpu.memory_space<vmem>> -> memref<512x16xf32, #tpu.memory_space<vmem>>
        %dma_wait3A_138 = arith.constant 0 : i32
        %dma_wait3A_139 = arith.constant 0 : i32
        %dma_wait3A_140 = tpu.memref_slice %arg5[%dma_wait3A_138, %dma_wait3A_139] : memref<10112x16xf32, #tpu.memory_space<hbm>> -> memref<512x16xf32, #tpu.memory_space<hbm>>
        %dma_wait3A_141 = tpu.memref_slice %arg11[%dma_wait3A_133] : memref<4x!tpu.dma_semaphore, #tpu.memory_space<semaphore_mem>> -> memref<1x!tpu.dma_semaphore, #tpu.memory_space<semaphore_mem>>
        %dma_wait3A_142 = tpu.memref_squeeze %dma_wait3A_141 : memref<1x!tpu.dma_semaphore, #tpu.memory_space<semaphore_mem>> -> memref<!tpu.dma_semaphore, #tpu.memory_space<semaphore_mem>>
        %dma_wait3A_143 = arith.constant 0 : i32
        %dma_wait3A_144 = arith.constant 0 : i32
        %dma_wait3A_145 = tpu.memref_slice %arg9[%dma_wait3A_132, %dma_wait3A_143, %dma_wait3A_144] : memref<4x512x16xf32, #tpu.memory_space<vmem>> -> memref<1x512x16xf32, #tpu.memory_space<vmem>>
        %dma_wait3A_146 = tpu.memref_squeeze %dma_wait3A_145 : memref<1x512x16xf32, #tpu.memory_space<vmem>> -> memref<512x16xf32, #tpu.memory_space<vmem>>
        %dma_wait3A_147 = arith.constant 0 : i32
        %dma_wait3A_148 = arith.constant 0 : i32
        %dma_wait3A_149 = tpu.memref_slice %arg5[%dma_wait3A_147, %dma_wait3A_148] : memref<10112x16xf32, #tpu.memory_space<hbm>> -> memref<512x16xf32, #tpu.memory_space<hbm>>
        tpu.wait_dma2 semaphore(%dma_wait3A_142 : memref<!tpu.dma_semaphore, #tpu.memory_space<semaphore_mem>>) src(%dma_wait3A_149 : memref<512x16xf32, #tpu.memory_space<hbm>>) dst(%dma_wait3A_146 : memref<512x16xf32, #tpu.memory_space<vmem>>)
        %add3A_150 = arith.constant 1 : i32
        %add3A_151 = arith.addi %add3A_98, %add3A_150 : i32
        %dma_start3A_152 = arith.constant 1 : i32
        %dma_start3A_153 = arith.constant 1 : i32
        %dma_start3A_154 = arith.constant 0 : i32
        %dma_start3A_155 = arith.constant 0 : i32
        %dma_start3A_156 = tpu.memref_slice %arg9[%dma_start3A_152, %dma_start3A_154, %dma_start3A_155] : memref<4x512x16xf32, #tpu.memory_space<vmem>> -> memref<1x512x16xf32, #tpu.memory_space<vmem>>
        %dma_start3A_157 = tpu.memref_squeeze %dma_start3A_156 : memref<1x512x16xf32, #tpu.memory_space<vmem>> -> memref<512x16xf32, #tpu.memory_space<vmem>>
        %dma_start3A_158 = arith.constant 0 : i32
        %dma_start3A_159 = tpu.memref_slice %arg8[%add3A_151, %dma_start3A_158] : memref<20x512xi32, #tpu.memory_space<vmem>> -> memref<1x512xi32, #tpu.memory_space<vmem>>
        %dma_start3A_160 = tpu.memref_squeeze %dma_start3A_159 : memref<1x512xi32, #tpu.memory_space<vmem>> -> memref<512xi32, #tpu.memory_space<vmem>>
        %dma_start3A_161 = arith.constant 0 : i32
        %dma_start3A_162 = arith.constant 0 : i32
        %dma_start3A_163 = tpu.memref_slice %arg10[%dma_start3A_161, %dma_start3A_162] : memref<10112x16xf32, #tpu.memory_space<vmem_shared>> -> memref<10112x16xf32, #tpu.memory_space<vmem_shared>>
        %dma_start3A_164 = tpu.memref_slice %arg12[%dma_start3A_153] : memref<4x!tpu.dma_semaphore, #tpu.memory_space<semaphore_mem>> -> memref<1x!tpu.dma_semaphore, #tpu.memory_space<semaphore_mem>>
        %dma_start3A_165 = tpu.memref_squeeze %dma_start3A_164 : memref<1x!tpu.dma_semaphore, #tpu.memory_space<semaphore_mem>> -> memref<!tpu.dma_semaphore, #tpu.memory_space<semaphore_mem>>
        tpu.enqueue_indirect_dma source(%dma_start3A_157 : memref<512x16xf32, #tpu.memory_space<vmem>>) target(%dma_start3A_163 : memref<10112x16xf32, #tpu.memory_space<vmem_shared>>) offsets(%dma_start3A_160 : memref<512xi32, #tpu.memory_space<vmem>>) semaphore(%dma_start3A_165 : memref<!tpu.dma_semaphore, #tpu.memory_space<semaphore_mem>>) {add = true}
        %dma_wait3A_166 = arith.constant 2 : i32
        %dma_wait3A_167 = arith.constant 2 : i32
        %dma_wait3A_168 = arith.constant 0 : i32
        %dma_wait3A_169 = arith.constant 0 : i32
        %dma_wait3A_170 = tpu.memref_slice %arg9[%dma_wait3A_166, %dma_wait3A_168, %dma_wait3A_169] : memref<4x512x16xf32, #tpu.memory_space<vmem>> -> memref<1x512x16xf32, #tpu.memory_space<vmem>>
        %dma_wait3A_171 = tpu.memref_squeeze %dma_wait3A_170 : memref<1x512x16xf32, #tpu.memory_space<vmem>> -> memref<512x16xf32, #tpu.memory_space<vmem>>
        %dma_wait3A_172 = arith.constant 0 : i32
        %dma_wait3A_173 = arith.constant 0 : i32
        %dma_wait3A_174 = tpu.memref_slice %arg5[%dma_wait3A_172, %dma_wait3A_173] : memref<10112x16xf32, #tpu.memory_space<hbm>> -> memref<512x16xf32, #tpu.memory_space<hbm>>
        %dma_wait3A_175 = tpu.memref_slice %arg11[%dma_wait3A_167] : memref<4x!tpu.dma_semaphore, #tpu.memory_space<semaphore_mem>> -> memref<1x!tpu.dma_semaphore, #tpu.memory_space<semaphore_mem>>
        %dma_wait3A_176 = tpu.memref_squeeze %dma_wait3A_175 : memref<1x!tpu.dma_semaphore, #tpu.memory_space<semaphore_mem>> -> memref<!tpu.dma_semaphore, #tpu.memory_space<semaphore_mem>>
        %dma_wait3A_177 = arith.constant 0 : i32
        %dma_wait3A_178 = arith.constant 0 : i32
        %dma_wait3A_179 = tpu.memref_slice %arg9[%dma_wait3A_166, %dma_wait3A_177, %dma_wait3A_178] : memref<4x512x16xf32, #tpu.memory_space<vmem>> -> memref<1x512x16xf32, #tpu.memory_space<vmem>>
        %dma_wait3A_180 = tpu.memref_squeeze %dma_wait3A_179 : memref<1x512x16xf32, #tpu.memory_space<vmem>> -> memref<512x16xf32, #tpu.memory_space<vmem>>
        %dma_wait3A_181 = arith.constant 0 : i32
        %dma_wait3A_182 = arith.constant 0 : i32
        %dma_wait3A_183 = tpu.memref_slice %arg5[%dma_wait3A_181, %dma_wait3A_182] : memref<10112x16xf32, #tpu.memory_space<hbm>> -> memref<512x16xf32, #tpu.memory_space<hbm>>
        tpu.wait_dma2 semaphore(%dma_wait3A_176 : memref<!tpu.dma_semaphore, #tpu.memory_space<semaphore_mem>>) src(%dma_wait3A_183 : memref<512x16xf32, #tpu.memory_space<hbm>>) dst(%dma_wait3A_180 : memref<512x16xf32, #tpu.memory_space<vmem>>)
        %add3A_184 = arith.constant 2 : i32
        %add3A_185 = arith.addi %add3A_98, %add3A_184 : i32
        %dma_start3A_186 = arith.constant 2 : i32
        %dma_start3A_187 = arith.constant 2 : i32
        %dma_start3A_188 = arith.constant 0 : i32
        %dma_start3A_189 = arith.constant 0 : i32
        %dma_start3A_190 = tpu.memref_slice %arg9[%dma_start3A_186, %dma_start3A_188, %dma_start3A_189] : memref<4x512x16xf32, #tpu.memory_space<vmem>> -> memref<1x512x16xf32, #tpu.memory_space<vmem>>
        %dma_start3A_191 = tpu.memref_squeeze %dma_start3A_190 : memref<1x512x16xf32, #tpu.memory_space<vmem>> -> memref<512x16xf32, #tpu.memory_space<vmem>>
        %dma_start3A_192 = arith.constant 0 : i32
        %dma_start3A_193 = tpu.memref_slice %arg8[%add3A_185, %dma_start3A_192] : memref<20x512xi32, #tpu.memory_space<vmem>> -> memref<1x512xi32, #tpu.memory_space<vmem>>
        %dma_start3A_194 = tpu.memref_squeeze %dma_start3A_193 : memref<1x512xi32, #tpu.memory_space<vmem>> -> memref<512xi32, #tpu.memory_space<vmem>>
        %dma_start3A_195 = arith.constant 0 : i32
        %dma_start3A_196 = arith.constant 0 : i32
        %dma_start3A_197 = tpu.memref_slice %arg10[%dma_start3A_195, %dma_start3A_196] : memref<10112x16xf32, #tpu.memory_space<vmem_shared>> -> memref<10112x16xf32, #tpu.memory_space<vmem_shared>>
        %dma_start3A_198 = tpu.memref_slice %arg12[%dma_start3A_187] : memref<4x!tpu.dma_semaphore, #tpu.memory_space<semaphore_mem>> -> memref<1x!tpu.dma_semaphore, #tpu.memory_space<semaphore_mem>>
        %dma_start3A_199 = tpu.memref_squeeze %dma_start3A_198 : memref<1x!tpu.dma_semaphore, #tpu.memory_space<semaphore_mem>> -> memref<!tpu.dma_semaphore, #tpu.memory_space<semaphore_mem>>
        tpu.enqueue_indirect_dma source(%dma_start3A_191 : memref<512x16xf32, #tpu.memory_space<vmem>>) target(%dma_start3A_197 : memref<10112x16xf32, #tpu.memory_space<vmem_shared>>) offsets(%dma_start3A_194 : memref<512xi32, #tpu.memory_space<vmem>>) semaphore(%dma_start3A_199 : memref<!tpu.dma_semaphore, #tpu.memory_space<semaphore_mem>>) {add = true}
        %dma_wait3A_200 = arith.constant 3 : i32
        %dma_wait3A_201 = arith.constant 3 : i32
        %dma_wait3A_202 = arith.constant 0 : i32
        %dma_wait3A_203 = arith.constant 0 : i32
        %dma_wait3A_204 = tpu.memref_slice %arg9[%dma_wait3A_200, %dma_wait3A_202, %dma_wait3A_203] : memref<4x512x16xf32, #tpu.memory_space<vmem>> -> memref<1x512x16xf32, #tpu.memory_space<vmem>>
        %dma_wait3A_205 = tpu.memref_squeeze %dma_wait3A_204 : memref<1x512x16xf32, #tpu.memory_space<vmem>> -> memref<512x16xf32, #tpu.memory_space<vmem>>
        %dma_wait3A_206 = arith.constant 0 : i32
        %dma_wait3A_207 = arith.constant 0 : i32
        %dma_wait3A_208 = tpu.memref_slice %arg5[%dma_wait3A_206, %dma_wait3A_207] : memref<10112x16xf32, #tpu.memory_space<hbm>> -> memref<512x16xf32, #tpu.memory_space<hbm>>
        %dma_wait3A_209 = tpu.memref_slice %arg11[%dma_wait3A_201] : memref<4x!tpu.dma_semaphore, #tpu.memory_space<semaphore_mem>> -> memref<1x!tpu.dma_semaphore, #tpu.memory_space<semaphore_mem>>
        %dma_wait3A_210 = tpu.memref_squeeze %dma_wait3A_209 : memref<1x!tpu.dma_semaphore, #tpu.memory_space<semaphore_mem>> -> memref<!tpu.dma_semaphore, #tpu.memory_space<semaphore_mem>>
        %dma_wait3A_211 = arith.constant 0 : i32
        %dma_wait3A_212 = arith.constant 0 : i32
        %dma_wait3A_213 = tpu.memref_slice %arg9[%dma_wait3A_200, %dma_wait3A_211, %dma_wait3A_212] : memref<4x512x16xf32, #tpu.memory_space<vmem>> -> memref<1x512x16xf32, #tpu.memory_space<vmem>>
        %dma_wait3A_214 = tpu.memref_squeeze %dma_wait3A_213 : memref<1x512x16xf32, #tpu.memory_space<vmem>> -> memref<512x16xf32, #tpu.memory_space<vmem>>
        %dma_wait3A_215 = arith.constant 0 : i32
        %dma_wait3A_216 = arith.constant 0 : i32
        %dma_wait3A_217 = tpu.memref_slice %arg5[%dma_wait3A_215, %dma_wait3A_216] : memref<10112x16xf32, #tpu.memory_space<hbm>> -> memref<512x16xf32, #tpu.memory_space<hbm>>
        tpu.wait_dma2 semaphore(%dma_wait3A_210 : memref<!tpu.dma_semaphore, #tpu.memory_space<semaphore_mem>>) src(%dma_wait3A_217 : memref<512x16xf32, #tpu.memory_space<hbm>>) dst(%dma_wait3A_214 : memref<512x16xf32, #tpu.memory_space<vmem>>)
        %add3A_218 = arith.constant 3 : i32
        %add3A_219 = arith.addi %add3A_98, %add3A_218 : i32
        %dma_start3A_220 = arith.constant 3 : i32
        %dma_start3A_221 = arith.constant 3 : i32
        %dma_start3A_222 = arith.constant 0 : i32
        %dma_start3A_223 = arith.constant 0 : i32
        %dma_start3A_224 = tpu.memref_slice %arg9[%dma_start3A_220, %dma_start3A_222, %dma_start3A_223] : memref<4x512x16xf32, #tpu.memory_space<vmem>> -> memref<1x512x16xf32, #tpu.memory_space<vmem>>
        %dma_start3A_225 = tpu.memref_squeeze %dma_start3A_224 : memref<1x512x16xf32, #tpu.memory_space<vmem>> -> memref<512x16xf32, #tpu.memory_space<vmem>>
        %dma_start3A_226 = arith.constant 0 : i32
        %dma_start3A_227 = tpu.memref_slice %arg8[%add3A_219, %dma_start3A_226] : memref<20x512xi32, #tpu.memory_space<vmem>> -> memref<1x512xi32, #tpu.memory_space<vmem>>
        %dma_start3A_228 = tpu.memref_squeeze %dma_start3A_227 : memref<1x512xi32, #tpu.memory_space<vmem>> -> memref<512xi32, #tpu.memory_space<vmem>>
        %dma_start3A_229 = arith.constant 0 : i32
        %dma_start3A_230 = arith.constant 0 : i32
        %dma_start3A_231 = tpu.memref_slice %arg10[%dma_start3A_229, %dma_start3A_230] : memref<10112x16xf32, #tpu.memory_space<vmem_shared>> -> memref<10112x16xf32, #tpu.memory_space<vmem_shared>>
        %dma_start3A_232 = tpu.memref_slice %arg12[%dma_start3A_221] : memref<4x!tpu.dma_semaphore, #tpu.memory_space<semaphore_mem>> -> memref<1x!tpu.dma_semaphore, #tpu.memory_space<semaphore_mem>>
        %dma_start3A_233 = tpu.memref_squeeze %dma_start3A_232 : memref<1x!tpu.dma_semaphore, #tpu.memory_space<semaphore_mem>> -> memref<!tpu.dma_semaphore, #tpu.memory_space<semaphore_mem>>
        tpu.enqueue_indirect_dma source(%dma_start3A_225 : memref<512x16xf32, #tpu.memory_space<vmem>>) target(%dma_start3A_231 : memref<10112x16xf32, #tpu.memory_space<vmem_shared>>) offsets(%dma_start3A_228 : memref<512xi32, #tpu.memory_space<vmem>>) semaphore(%dma_start3A_233 : memref<!tpu.dma_semaphore, #tpu.memory_space<semaphore_mem>>) {add = true}
        %dma_wait3A_234 = arith.constant 0 : i32
        %dma_wait3A_235 = arith.constant 0 : i32
        %dma_wait3A_236 = arith.constant 0 : i32
        %dma_wait3A_237 = arith.constant 0 : i32
        %dma_wait3A_238 = tpu.memref_slice %arg9[%dma_wait3A_234, %dma_wait3A_236, %dma_wait3A_237] : memref<4x512x16xf32, #tpu.memory_space<vmem>> -> memref<1x512x16xf32, #tpu.memory_space<vmem>>
        %dma_wait3A_239 = tpu.memref_squeeze %dma_wait3A_238 : memref<1x512x16xf32, #tpu.memory_space<vmem>> -> memref<512x16xf32, #tpu.memory_space<vmem>>
        %dma_wait3A_240 = arith.constant 0 : i32
        %dma_wait3A_241 = arith.constant 0 : i32
        %dma_wait3A_242 = tpu.memref_slice %arg5[%dma_wait3A_240, %dma_wait3A_241] : memref<10112x16xf32, #tpu.memory_space<hbm>> -> memref<512x16xf32, #tpu.memory_space<hbm>>
        %dma_wait3A_243 = tpu.memref_slice %arg12[%dma_wait3A_235] : memref<4x!tpu.dma_semaphore, #tpu.memory_space<semaphore_mem>> -> memref<1x!tpu.dma_semaphore, #tpu.memory_space<semaphore_mem>>
        %dma_wait3A_244 = tpu.memref_squeeze %dma_wait3A_243 : memref<1x!tpu.dma_semaphore, #tpu.memory_space<semaphore_mem>> -> memref<!tpu.dma_semaphore, #tpu.memory_space<semaphore_mem>>
        %dma_wait3A_245 = arith.constant 0 : i32
        %dma_wait3A_246 = arith.constant 0 : i32
        %dma_wait3A_247 = tpu.memref_slice %arg9[%dma_wait3A_234, %dma_wait3A_245, %dma_wait3A_246] : memref<4x512x16xf32, #tpu.memory_space<vmem>> -> memref<1x512x16xf32, #tpu.memory_space<vmem>>
        %dma_wait3A_248 = tpu.memref_squeeze %dma_wait3A_247 : memref<1x512x16xf32, #tpu.memory_space<vmem>> -> memref<512x16xf32, #tpu.memory_space<vmem>>
        %dma_wait3A_249 = arith.constant 0 : i32
        %dma_wait3A_250 = arith.constant 0 : i32
        %dma_wait3A_251 = tpu.memref_slice %arg5[%dma_wait3A_249, %dma_wait3A_250] : memref<10112x16xf32, #tpu.memory_space<hbm>> -> memref<512x16xf32, #tpu.memory_space<hbm>>
        tpu.wait_dma2 semaphore(%dma_wait3A_244 : memref<!tpu.dma_semaphore, #tpu.memory_space<semaphore_mem>>) src(%dma_wait3A_251 : memref<512x16xf32, #tpu.memory_space<hbm>>) dst(%dma_wait3A_248 : memref<512x16xf32, #tpu.memory_space<vmem>>)
        %add3A_252 = arith.constant 4 : i32
        %add3A_253 = arith.addi %add3A_98, %add3A_252 : i32
        %add3A_254 = arith.constant 0 : i32
        %add3A_255 = arith.addi %add3A_253, %add3A_254 : i32
        %lt3A = arith.constant 20 : i32
        %lt3A_256 = arith.cmpi slt, %add3A_255, %lt3A : i32
        %convert_element_type3A_257 = arith.extui %lt3A_256 : i1 to i32
        %cond3A_258 = arith.constant 0 : i32
        %cond3A_259 = arith.cmpi ne, %convert_element_type3A_257, %cond3A_258 : i32
        scf.if %cond3A_259 {
          %add3A_341 = arith.constant 4 : i32
          %add3A_342 = arith.addi %add3A_98, %add3A_341 : i32
          %add3A_343 = arith.constant 0 : i32
          %add3A_344 = arith.addi %add3A_342, %add3A_343 : i32
          %dma_start3A_345 = arith.constant 0 : i32
          %dma_start3A_346 = arith.constant 0 : i32
          %dma_start3A_347 = arith.constant 0 : i32
          %dma_start3A_348 = arith.constant 0 : i32
          %dma_start3A_349 = tpu.memref_slice %arg9[%dma_start3A_345, %dma_start3A_347, %dma_start3A_348] : memref<4x512x16xf32, #tpu.memory_space<vmem>> -> memref<1x512x16xf32, #tpu.memory_space<vmem>>
          %dma_start3A_350 = tpu.memref_squeeze %dma_start3A_349 : memref<1x512x16xf32, #tpu.memory_space<vmem>> -> memref<512x16xf32, #tpu.memory_space<vmem>>
          %dma_start3A_351 = arith.constant 0 : i32
          %dma_start3A_352 = tpu.memref_slice %arg7[%add3A_344, %dma_start3A_351] : memref<20x512xi32, #tpu.memory_space<vmem>> -> memref<1x512xi32, #tpu.memory_space<vmem>>
          %dma_start3A_353 = tpu.memref_squeeze %dma_start3A_352 : memref<1x512xi32, #tpu.memory_space<vmem>> -> memref<512xi32, #tpu.memory_space<vmem>>
          %dma_start3A_354 = arith.constant 0 : i32
          %dma_start3A_355 = arith.constant 0 : i32
          %dma_start3A_356 = tpu.memref_slice %arg2[%dma_start3A_354, %dma_start3A_355] : memref<10112x16xf32, #tpu.memory_space<hbm>> -> memref<10112x16xf32, #tpu.memory_space<hbm>>
          %dma_start3A_357 = tpu.memref_slice %arg11[%dma_start3A_346] : memref<4x!tpu.dma_semaphore, #tpu.memory_space<semaphore_mem>> -> memref<1x!tpu.dma_semaphore, #tpu.memory_space<semaphore_mem>>
          %dma_start3A_358 = tpu.memref_squeeze %dma_start3A_357 : memref<1x!tpu.dma_semaphore, #tpu.memory_space<semaphore_mem>> -> memref<!tpu.dma_semaphore, #tpu.memory_space<semaphore_mem>>
          tpu.enqueue_indirect_dma source(%dma_start3A_356 : memref<10112x16xf32, #tpu.memory_space<hbm>>) target(%dma_start3A_350 : memref<512x16xf32, #tpu.memory_space<vmem>>) offsets(%dma_start3A_353 : memref<512xi32, #tpu.memory_space<vmem>>) semaphore(%dma_start3A_358 : memref<!tpu.dma_semaphore, #tpu.memory_space<semaphore_mem>>)
        } else {
        }
        %dma_wait3A_260 = arith.constant 1 : i32
        %dma_wait3A_261 = arith.constant 1 : i32
        %dma_wait3A_262 = arith.constant 0 : i32
        %dma_wait3A_263 = arith.constant 0 : i32
        %dma_wait3A_264 = tpu.memref_slice %arg9[%dma_wait3A_260, %dma_wait3A_262, %dma_wait3A_263] : memref<4x512x16xf32, #tpu.memory_space<vmem>> -> memref<1x512x16xf32, #tpu.memory_space<vmem>>
        %dma_wait3A_265 = tpu.memref_squeeze %dma_wait3A_264 : memref<1x512x16xf32, #tpu.memory_space<vmem>> -> memref<512x16xf32, #tpu.memory_space<vmem>>
        %dma_wait3A_266 = arith.constant 0 : i32
        %dma_wait3A_267 = arith.constant 0 : i32
        %dma_wait3A_268 = tpu.memref_slice %arg5[%dma_wait3A_266, %dma_wait3A_267] : memref<10112x16xf32, #tpu.memory_space<hbm>> -> memref<512x16xf32, #tpu.memory_space<hbm>>
        %dma_wait3A_269 = tpu.memref_slice %arg12[%dma_wait3A_261] : memref<4x!tpu.dma_semaphore, #tpu.memory_space<semaphore_mem>> -> memref<1x!tpu.dma_semaphore, #tpu.memory_space<semaphore_mem>>
        %dma_wait3A_270 = tpu.memref_squeeze %dma_wait3A_269 : memref<1x!tpu.dma_semaphore, #tpu.memory_space<semaphore_mem>> -> memref<!tpu.dma_semaphore, #tpu.memory_space<semaphore_mem>>
        %dma_wait3A_271 = arith.constant 0 : i32
        %dma_wait3A_272 = arith.constant 0 : i32
        %dma_wait3A_273 = tpu.memref_slice %arg9[%dma_wait3A_260, %dma_wait3A_271, %dma_wait3A_272] : memref<4x512x16xf32, #tpu.memory_space<vmem>> -> memref<1x512x16xf32, #tpu.memory_space<vmem>>
        %dma_wait3A_274 = tpu.memref_squeeze %dma_wait3A_273 : memref<1x512x16xf32, #tpu.memory_space<vmem>> -> memref<512x16xf32, #tpu.memory_space<vmem>>
        %dma_wait3A_275 = arith.constant 0 : i32
        %dma_wait3A_276 = arith.constant 0 : i32
        %dma_wait3A_277 = tpu.memref_slice %arg5[%dma_wait3A_275, %dma_wait3A_276] : memref<10112x16xf32, #tpu.memory_space<hbm>> -> memref<512x16xf32, #tpu.memory_space<hbm>>
        tpu.wait_dma2 semaphore(%dma_wait3A_270 : memref<!tpu.dma_semaphore, #tpu.memory_space<semaphore_mem>>) src(%dma_wait3A_277 : memref<512x16xf32, #tpu.memory_space<hbm>>) dst(%dma_wait3A_274 : memref<512x16xf32, #tpu.memory_space<vmem>>)
        %add3A_278 = arith.constant 4 : i32
        %add3A_279 = arith.addi %add3A_98, %add3A_278 : i32
        %add3A_280 = arith.constant 1 : i32
        %add3A_281 = arith.addi %add3A_279, %add3A_280 : i32
        %lt3A_282 = arith.constant 20 : i32
        %lt3A_283 = arith.cmpi slt, %add3A_281, %lt3A_282 : i32
        %convert_element_type3A_284 = arith.extui %lt3A_283 : i1 to i32
        %cond3A_285 = arith.constant 0 : i32
        %cond3A_286 = arith.cmpi ne, %convert_element_type3A_284, %cond3A_285 : i32
        scf.if %cond3A_286 {
          %add3A_341 = arith.constant 4 : i32
          %add3A_342 = arith.addi %add3A_98, %add3A_341 : i32
          %add3A_343 = arith.constant 1 : i32
          %add3A_344 = arith.addi %add3A_342, %add3A_343 : i32
          %dma_start3A_345 = arith.constant 1 : i32
          %dma_start3A_346 = arith.constant 1 : i32
          %dma_start3A_347 = arith.constant 0 : i32
          %dma_start3A_348 = arith.constant 0 : i32
          %dma_start3A_349 = tpu.memref_slice %arg9[%dma_start3A_345, %dma_start3A_347, %dma_start3A_348] : memref<4x512x16xf32, #tpu.memory_space<vmem>> -> memref<1x512x16xf32, #tpu.memory_space<vmem>>
          %dma_start3A_350 = tpu.memref_squeeze %dma_start3A_349 : memref<1x512x16xf32, #tpu.memory_space<vmem>> -> memref<512x16xf32, #tpu.memory_space<vmem>>
          %dma_start3A_351 = arith.constant 0 : i32
          %dma_start3A_352 = tpu.memref_slice %arg7[%add3A_344, %dma_start3A_351] : memref<20x512xi32, #tpu.memory_space<vmem>> -> memref<1x512xi32, #tpu.memory_space<vmem>>
          %dma_start3A_353 = tpu.memref_squeeze %dma_start3A_352 : memref<1x512xi32, #tpu.memory_space<vmem>> -> memref<512xi32, #tpu.memory_space<vmem>>
          %dma_start3A_354 = arith.constant 0 : i32
          %dma_start3A_355 = arith.constant 0 : i32
          %dma_start3A_356 = tpu.memref_slice %arg2[%dma_start3A_354, %dma_start3A_355] : memref<10112x16xf32, #tpu.memory_space<hbm>> -> memref<10112x16xf32, #tpu.memory_space<hbm>>
          %dma_start3A_357 = tpu.memref_slice %arg11[%dma_start3A_346] : memref<4x!tpu.dma_semaphore, #tpu.memory_space<semaphore_mem>> -> memref<1x!tpu.dma_semaphore, #tpu.memory_space<semaphore_mem>>
          %dma_start3A_358 = tpu.memref_squeeze %dma_start3A_357 : memref<1x!tpu.dma_semaphore, #tpu.memory_space<semaphore_mem>> -> memref<!tpu.dma_semaphore, #tpu.memory_space<semaphore_mem>>
          tpu.enqueue_indirect_dma source(%dma_start3A_356 : memref<10112x16xf32, #tpu.memory_space<hbm>>) target(%dma_start3A_350 : memref<512x16xf32, #tpu.memory_space<vmem>>) offsets(%dma_start3A_353 : memref<512xi32, #tpu.memory_space<vmem>>) semaphore(%dma_start3A_358 : memref<!tpu.dma_semaphore, #tpu.memory_space<semaphore_mem>>)
        } else {
        }
        %dma_wait3A_287 = arith.constant 2 : i32
        %dma_wait3A_288 = arith.constant 2 : i32
        %dma_wait3A_289 = arith.constant 0 : i32
        %dma_wait3A_290 = arith.constant 0 : i32
        %dma_wait3A_291 = tpu.memref_slice %arg9[%dma_wait3A_287, %dma_wait3A_289, %dma_wait3A_290] : memref<4x512x16xf32, #tpu.memory_space<vmem>> -> memref<1x512x16xf32, #tpu.memory_space<vmem>>
        %dma_wait3A_292 = tpu.memref_squeeze %dma_wait3A_291 : memref<1x512x16xf32, #tpu.memory_space<vmem>> -> memref<512x16xf32, #tpu.memory_space<vmem>>
        %dma_wait3A_293 = arith.constant 0 : i32
        %dma_wait3A_294 = arith.constant 0 : i32
        %dma_wait3A_295 = tpu.memref_slice %arg5[%dma_wait3A_293, %dma_wait3A_294] : memref<10112x16xf32, #tpu.memory_space<hbm>> -> memref<512x16xf32, #tpu.memory_space<hbm>>
        %dma_wait3A_296 = tpu.memref_slice %arg12[%dma_wait3A_288] : memref<4x!tpu.dma_semaphore, #tpu.memory_space<semaphore_mem>> -> memref<1x!tpu.dma_semaphore, #tpu.memory_space<semaphore_mem>>
        %dma_wait3A_297 = tpu.memref_squeeze %dma_wait3A_296 : memref<1x!tpu.dma_semaphore, #tpu.memory_space<semaphore_mem>> -> memref<!tpu.dma_semaphore, #tpu.memory_space<semaphore_mem>>
        %dma_wait3A_298 = arith.constant 0 : i32
        %dma_wait3A_299 = arith.constant 0 : i32
        %dma_wait3A_300 = tpu.memref_slice %arg9[%dma_wait3A_287, %dma_wait3A_298, %dma_wait3A_299] : memref<4x512x16xf32, #tpu.memory_space<vmem>> -> memref<1x512x16xf32, #tpu.memory_space<vmem>>
        %dma_wait3A_301 = tpu.memref_squeeze %dma_wait3A_300 : memref<1x512x16xf32, #tpu.memory_space<vmem>> -> memref<512x16xf32, #tpu.memory_space<vmem>>
        %dma_wait3A_302 = arith.constant 0 : i32
        %dma_wait3A_303 = arith.constant 0 : i32
        %dma_wait3A_304 = tpu.memref_slice %arg5[%dma_wait3A_302, %dma_wait3A_303] : memref<10112x16xf32, #tpu.memory_space<hbm>> -> memref<512x16xf32, #tpu.memory_space<hbm>>
        tpu.wait_dma2 semaphore(%dma_wait3A_297 : memref<!tpu.dma_semaphore, #tpu.memory_space<semaphore_mem>>) src(%dma_wait3A_304 : memref<512x16xf32, #tpu.memory_space<hbm>>) dst(%dma_wait3A_301 : memref<512x16xf32, #tpu.memory_space<vmem>>)
        %add3A_305 = arith.constant 4 : i32
        %add3A_306 = arith.addi %add3A_98, %add3A_305 : i32
        %add3A_307 = arith.constant 2 : i32
        %add3A_308 = arith.addi %add3A_306, %add3A_307 : i32
        %lt3A_309 = arith.constant 20 : i32
        %lt3A_310 = arith.cmpi slt, %add3A_308, %lt3A_309 : i32
        %convert_element_type3A_311 = arith.extui %lt3A_310 : i1 to i32
        %cond3A_312 = arith.constant 0 : i32
        %cond3A_313 = arith.cmpi ne, %convert_element_type3A_311, %cond3A_312 : i32
        scf.if %cond3A_313 {
          %add3A_341 = arith.constant 4 : i32
          %add3A_342 = arith.addi %add3A_98, %add3A_341 : i32
          %add3A_343 = arith.constant 2 : i32
          %add3A_344 = arith.addi %add3A_342, %add3A_343 : i32
          %dma_start3A_345 = arith.constant 2 : i32
          %dma_start3A_346 = arith.constant 2 : i32
          %dma_start3A_347 = arith.constant 0 : i32
          %dma_start3A_348 = arith.constant 0 : i32
          %dma_start3A_349 = tpu.memref_slice %arg9[%dma_start3A_345, %dma_start3A_347, %dma_start3A_348] : memref<4x512x16xf32, #tpu.memory_space<vmem>> -> memref<1x512x16xf32, #tpu.memory_space<vmem>>
          %dma_start3A_350 = tpu.memref_squeeze %dma_start3A_349 : memref<1x512x16xf32, #tpu.memory_space<vmem>> -> memref<512x16xf32, #tpu.memory_space<vmem>>
          %dma_start3A_351 = arith.constant 0 : i32
          %dma_start3A_352 = tpu.memref_slice %arg7[%add3A_344, %dma_start3A_351] : memref<20x512xi32, #tpu.memory_space<vmem>> -> memref<1x512xi32, #tpu.memory_space<vmem>>
          %dma_start3A_353 = tpu.memref_squeeze %dma_start3A_352 : memref<1x512xi32, #tpu.memory_space<vmem>> -> memref<512xi32, #tpu.memory_space<vmem>>
          %dma_start3A_354 = arith.constant 0 : i32
          %dma_start3A_355 = arith.constant 0 : i32
          %dma_start3A_356 = tpu.memref_slice %arg2[%dma_start3A_354, %dma_start3A_355] : memref<10112x16xf32, #tpu.memory_space<hbm>> -> memref<10112x16xf32, #tpu.memory_space<hbm>>
          %dma_start3A_357 = tpu.memref_slice %arg11[%dma_start3A_346] : memref<4x!tpu.dma_semaphore, #tpu.memory_space<semaphore_mem>> -> memref<1x!tpu.dma_semaphore, #tpu.memory_space<semaphore_mem>>
          %dma_start3A_358 = tpu.memref_squeeze %dma_start3A_357 : memref<1x!tpu.dma_semaphore, #tpu.memory_space<semaphore_mem>> -> memref<!tpu.dma_semaphore, #tpu.memory_space<semaphore_mem>>
          tpu.enqueue_indirect_dma source(%dma_start3A_356 : memref<10112x16xf32, #tpu.memory_space<hbm>>) target(%dma_start3A_350 : memref<512x16xf32, #tpu.memory_space<vmem>>) offsets(%dma_start3A_353 : memref<512xi32, #tpu.memory_space<vmem>>) semaphore(%dma_start3A_358 : memref<!tpu.dma_semaphore, #tpu.memory_space<semaphore_mem>>)
        } else {
        }
        %dma_wait3A_314 = arith.constant 3 : i32
        %dma_wait3A_315 = arith.constant 3 : i32
        %dma_wait3A_316 = arith.constant 0 : i32
        %dma_wait3A_317 = arith.constant 0 : i32
        %dma_wait3A_318 = tpu.memref_slice %arg9[%dma_wait3A_314, %dma_wait3A_316, %dma_wait3A_317] : memref<4x512x16xf32, #tpu.memory_space<vmem>> -> memref<1x512x16xf32, #tpu.memory_space<vmem>>
        %dma_wait3A_319 = tpu.memref_squeeze %dma_wait3A_318 : memref<1x512x16xf32, #tpu.memory_space<vmem>> -> memref<512x16xf32, #tpu.memory_space<vmem>>
        %dma_wait3A_320 = arith.constant 0 : i32
        %dma_wait3A_321 = arith.constant 0 : i32
        %dma_wait3A_322 = tpu.memref_slice %arg5[%dma_wait3A_320, %dma_wait3A_321] : memref<10112x16xf32, #tpu.memory_space<hbm>> -> memref<512x16xf32, #tpu.memory_space<hbm>>
        %dma_wait3A_323 = tpu.memref_slice %arg12[%dma_wait3A_315] : memref<4x!tpu.dma_semaphore, #tpu.memory_space<semaphore_mem>> -> memref<1x!tpu.dma_semaphore, #tpu.memory_space<semaphore_mem>>
        %dma_wait3A_324 = tpu.memref_squeeze %dma_wait3A_323 : memref<1x!tpu.dma_semaphore, #tpu.memory_space<semaphore_mem>> -> memref<!tpu.dma_semaphore, #tpu.memory_space<semaphore_mem>>
        %dma_wait3A_325 = arith.constant 0 : i32
        %dma_wait3A_326 = arith.constant 0 : i32
        %dma_wait3A_327 = tpu.memref_slice %arg9[%dma_wait3A_314, %dma_wait3A_325, %dma_wait3A_326] : memref<4x512x16xf32, #tpu.memory_space<vmem>> -> memref<1x512x16xf32, #tpu.memory_space<vmem>>
        %dma_wait3A_328 = tpu.memref_squeeze %dma_wait3A_327 : memref<1x512x16xf32, #tpu.memory_space<vmem>> -> memref<512x16xf32, #tpu.memory_space<vmem>>
        %dma_wait3A_329 = arith.constant 0 : i32
        %dma_wait3A_330 = arith.constant 0 : i32
        %dma_wait3A_331 = tpu.memref_slice %arg5[%dma_wait3A_329, %dma_wait3A_330] : memref<10112x16xf32, #tpu.memory_space<hbm>> -> memref<512x16xf32, #tpu.memory_space<hbm>>
        tpu.wait_dma2 semaphore(%dma_wait3A_324 : memref<!tpu.dma_semaphore, #tpu.memory_space<semaphore_mem>>) src(%dma_wait3A_331 : memref<512x16xf32, #tpu.memory_space<hbm>>) dst(%dma_wait3A_328 : memref<512x16xf32, #tpu.memory_space<vmem>>)
        %add3A_332 = arith.constant 4 : i32
        %add3A_333 = arith.addi %add3A_98, %add3A_332 : i32
        %add3A_334 = arith.constant 3 : i32
        %add3A_335 = arith.addi %add3A_333, %add3A_334 : i32
        %lt3A_336 = arith.constant 20 : i32
        %lt3A_337 = arith.cmpi slt, %add3A_335, %lt3A_336 : i32
        %convert_element_type3A_338 = arith.extui %lt3A_337 : i1 to i32
        %cond3A_339 = arith.constant 0 : i32
        %cond3A_340 = arith.cmpi ne, %convert_element_type3A_338, %cond3A_339 : i32
        scf.if %cond3A_340 {
          %add3A_341 = arith.constant 4 : i32
          %add3A_342 = arith.addi %add3A_98, %add3A_341 : i32
          %add3A_343 = arith.constant 3 : i32
          %add3A_344 = arith.addi %add3A_342, %add3A_343 : i32
          %dma_start3A_345 = arith.constant 3 : i32
          %dma_start3A_346 = arith.constant 3 : i32
          %dma_start3A_347 = arith.constant 0 : i32
          %dma_start3A_348 = arith.constant 0 : i32
          %dma_start3A_349 = tpu.memref_slice %arg9[%dma_start3A_345, %dma_start3A_347, %dma_start3A_348] : memref<4x512x16xf32, #tpu.memory_space<vmem>> -> memref<1x512x16xf32, #tpu.memory_space<vmem>>
          %dma_start3A_350 = tpu.memref_squeeze %dma_start3A_349 : memref<1x512x16xf32, #tpu.memory_space<vmem>> -> memref<512x16xf32, #tpu.memory_space<vmem>>
          %dma_start3A_351 = arith.constant 0 : i32
          %dma_start3A_352 = tpu.memref_slice %arg7[%add3A_344, %dma_start3A_351] : memref<20x512xi32, #tpu.memory_space<vmem>> -> memref<1x512xi32, #tpu.memory_space<vmem>>
          %dma_start3A_353 = tpu.memref_squeeze %dma_start3A_352 : memref<1x512xi32, #tpu.memory_space<vmem>> -> memref<512xi32, #tpu.memory_space<vmem>>
          %dma_start3A_354 = arith.constant 0 : i32
          %dma_start3A_355 = arith.constant 0 : i32
          %dma_start3A_356 = tpu.memref_slice %arg2[%dma_start3A_354, %dma_start3A_355] : memref<10112x16xf32, #tpu.memory_space<hbm>> -> memref<10112x16xf32, #tpu.memory_space<hbm>>
          %dma_start3A_357 = tpu.memref_slice %arg11[%dma_start3A_346] : memref<4x!tpu.dma_semaphore, #tpu.memory_space<semaphore_mem>> -> memref<1x!tpu.dma_semaphore, #tpu.memory_space<semaphore_mem>>
          %dma_start3A_358 = tpu.memref_squeeze %dma_start3A_357 : memref<1x!tpu.dma_semaphore, #tpu.memory_space<semaphore_mem>> -> memref<!tpu.dma_semaphore, #tpu.memory_space<semaphore_mem>>
          tpu.enqueue_indirect_dma source(%dma_start3A_356 : memref<10112x16xf32, #tpu.memory_space<hbm>>) target(%dma_start3A_350 : memref<512x16xf32, #tpu.memory_space<vmem>>) offsets(%dma_start3A_353 : memref<512xi32, #tpu.memory_space<vmem>>) semaphore(%dma_start3A_358 : memref<!tpu.dma_semaphore, #tpu.memory_space<semaphore_mem>>)
        } else {
        }
      }
      %scan3A_94 = arith.constant 5 : i32
    } else {
    }
    %eq3A_5 = arith.constant 1 : i32
    %eq3A_6 = arith.cmpi eq, %arg0, %eq3A_5 : i32
    %convert_element_type3A_7 = arith.extui %eq3A_6 : i1 to i32
    %cond3A_8 = arith.constant 0 : i32
    %cond3A_9 = arith.cmpi ne, %convert_element_type3A_7, %cond3A_8 : i32
    scf.if %cond3A_9 {
      %mul3A_14 = arith.constant 80 : i32
      %mul3A_15 = arith.muli %arg1, %mul3A_14 : i32
      %add3A = arith.constant 1280 : i32
      %add3A_16 = arith.addi %add3A, %mul3A_15 : i32
      %jit3A = arith.constant 4 : i32
      %div3A = arith.divsi %add3A_16, %jit3A : i32
      %sign3A = arith.constant 0 : i32
      %sign3A_17 = arith.cmpi sgt, %add3A_16, %sign3A : i32
      %sign3A_18 = arith.extui %sign3A_17 : i1 to i32
      %sign3A_19 = arith.constant 0 : i32
      %sign3A_20 = arith.cmpi slt, %add3A_16, %sign3A_19 : i32
      %sign3A_21 = arith.extui %sign3A_20 : i1 to i32
      %sign3A_22 = arith.subi %sign3A_18, %sign3A_21 : i32
      %sign3A_23 = arith.constant 0 : i32
      %sign3A_24 = arith.cmpi sgt, %jit3A, %sign3A_23 : i32
      %sign3A_25 = arith.extui %sign3A_24 : i1 to i32
      %sign3A_26 = arith.constant 0 : i32
      %sign3A_27 = arith.cmpi slt, %jit3A, %sign3A_26 : i32
      %sign3A_28 = arith.extui %sign3A_27 : i1 to i32
      %sign3A_29 = arith.subi %sign3A_25, %sign3A_28 : i32
      %ne3A = arith.cmpi ne, %sign3A_22, %sign3A_29 : i32
      %rem3A = arith.remsi %add3A_16, %jit3A : i32
      %ne3A_30 = arith.constant 0 : i32
      %ne3A_31 = arith.cmpi ne, %rem3A, %ne3A_30 : i32
      %and3A = arith.andi %ne3A, %ne3A_31 : i1
      %sub3A = arith.constant 1 : i32
      %sub3A_32 = arith.subi %div3A, %sub3A : i32
      %select_n3A = arith.select %and3A, %sub3A_32, %div3A : i32
      "tpu.region"() ({
        %run_scoped3A = tpu.sem_alloc : memref<!tpu.dma_semaphore, #tpu.memory_space<semaphore_mem>>
        %dma_start3A_96 = arith.constant 0 : i32
        %dma_start3A_97 = arith.constant 0 : i32
        %dma_start3A_98 = tpu.memref_slice %arg7[%dma_start3A_96, %dma_start3A_97] : memref<20x512xi32, #tpu.memory_space<vmem>> -> memref<20x512xi32, #tpu.memory_space<vmem>>
        %dma_start3A_99 = arith.constant 0 : i32
        %dma_start3A_100 = tpu.memref_slice %arg3[%select_n3A, %dma_start3A_99] : memref<640x512xi32, #tpu.memory_space<hbm>> -> memref<20x512xi32, #tpu.memory_space<hbm>>
        %dma_start3A_101 = arith.constant 0 : i32
        %dma_start3A_102 = arith.constant 0 : i32
        %dma_start3A_103 = tpu.memref_slice %arg7[%dma_start3A_101, %dma_start3A_102] : memref<20x512xi32, #tpu.memory_space<vmem>> -> memref<20x512xi32, #tpu.memory_space<vmem>>
        %dma_start3A_104 = arith.constant 0 : i32
        %dma_start3A_105 = tpu.memref_slice %arg3[%select_n3A, %dma_start3A_104] : memref<640x512xi32, #tpu.memory_space<hbm>> -> memref<20x512xi32, #tpu.memory_space<hbm>>
        tpu.enqueue_dma source(%dma_start3A_105 : memref<20x512xi32, #tpu.memory_space<hbm>>) target(%dma_start3A_103 : memref<20x512xi32, #tpu.memory_space<vmem>>) target_semaphore(%run_scoped3A : memref<!tpu.dma_semaphore, #tpu.memory_space<semaphore_mem>>)
        %dma_wait3A = arith.constant 0 : i32
        %dma_wait3A_106 = arith.constant 0 : i32
        %dma_wait3A_107 = tpu.memref_slice %arg7[%dma_wait3A, %dma_wait3A_106] : memref<20x512xi32, #tpu.memory_space<vmem>> -> memref<20x512xi32, #tpu.memory_space<vmem>>
        %dma_wait3A_108 = arith.constant 0 : i32
        %dma_wait3A_109 = tpu.memref_slice %arg3[%select_n3A, %dma_wait3A_108] : memref<640x512xi32, #tpu.memory_space<hbm>> -> memref<20x512xi32, #tpu.memory_space<hbm>>
        %dma_wait3A_110 = arith.constant 0 : i32
        %dma_wait3A_111 = arith.constant 0 : i32
        %dma_wait3A_112 = tpu.memref_slice %arg7[%dma_wait3A_110, %dma_wait3A_111] : memref<20x512xi32, #tpu.memory_space<vmem>> -> memref<20x512xi32, #tpu.memory_space<vmem>>
        %dma_wait3A_113 = arith.constant 0 : i32
        %dma_wait3A_114 = tpu.memref_slice %arg3[%select_n3A, %dma_wait3A_113] : memref<640x512xi32, #tpu.memory_space<hbm>> -> memref<20x512xi32, #tpu.memory_space<hbm>>
        tpu.wait_dma2 semaphore(%run_scoped3A : memref<!tpu.dma_semaphore, #tpu.memory_space<semaphore_mem>>) src(%dma_wait3A_114 : memref<20x512xi32, #tpu.memory_space<hbm>>) dst(%dma_wait3A_112 : memref<20x512xi32, #tpu.memory_space<vmem>>)
        tpu.yield
      }) : () -> ()
      "tpu.region"() ({
        %run_scoped3A = tpu.sem_alloc : memref<!tpu.dma_semaphore, #tpu.memory_space<semaphore_mem>>
        %dma_start3A_96 = arith.constant 0 : i32
        %dma_start3A_97 = arith.constant 0 : i32
        %dma_start3A_98 = tpu.memref_slice %arg8[%dma_start3A_96, %dma_start3A_97] : memref<20x512xi32, #tpu.memory_space<vmem>> -> memref<20x512xi32, #tpu.memory_space<vmem>>
        %dma_start3A_99 = arith.constant 0 : i32
        %dma_start3A_100 = tpu.memref_slice %arg4[%select_n3A, %dma_start3A_99] : memref<640x512xi32, #tpu.memory_space<hbm>> -> memref<20x512xi32, #tpu.memory_space<hbm>>
        %dma_start3A_101 = arith.constant 0 : i32
        %dma_start3A_102 = arith.constant 0 : i32
        %dma_start3A_103 = tpu.memref_slice %arg8[%dma_start3A_101, %dma_start3A_102] : memref<20x512xi32, #tpu.memory_space<vmem>> -> memref<20x512xi32, #tpu.memory_space<vmem>>
        %dma_start3A_104 = arith.constant 0 : i32
        %dma_start3A_105 = tpu.memref_slice %arg4[%select_n3A, %dma_start3A_104] : memref<640x512xi32, #tpu.memory_space<hbm>> -> memref<20x512xi32, #tpu.memory_space<hbm>>
        tpu.enqueue_dma source(%dma_start3A_105 : memref<20x512xi32, #tpu.memory_space<hbm>>) target(%dma_start3A_103 : memref<20x512xi32, #tpu.memory_space<vmem>>) target_semaphore(%run_scoped3A : memref<!tpu.dma_semaphore, #tpu.memory_space<semaphore_mem>>)
        %dma_wait3A = arith.constant 0 : i32
        %dma_wait3A_106 = arith.constant 0 : i32
        %dma_wait3A_107 = tpu.memref_slice %arg8[%dma_wait3A, %dma_wait3A_106] : memref<20x512xi32, #tpu.memory_space<vmem>> -> memref<20x512xi32, #tpu.memory_space<vmem>>
        %dma_wait3A_108 = arith.constant 0 : i32
        %dma_wait3A_109 = tpu.memref_slice %arg4[%select_n3A, %dma_wait3A_108] : memref<640x512xi32, #tpu.memory_space<hbm>> -> memref<20x512xi32, #tpu.memory_space<hbm>>
        %dma_wait3A_110 = arith.constant 0 : i32
        %dma_wait3A_111 = arith.constant 0 : i32
        %dma_wait3A_112 = tpu.memref_slice %arg8[%dma_wait3A_110, %dma_wait3A_111] : memref<20x512xi32, #tpu.memory_space<vmem>> -> memref<20x512xi32, #tpu.memory_space<vmem>>
        %dma_wait3A_113 = arith.constant 0 : i32
        %dma_wait3A_114 = tpu.memref_slice %arg4[%select_n3A, %dma_wait3A_113] : memref<640x512xi32, #tpu.memory_space<hbm>> -> memref<20x512xi32, #tpu.memory_space<hbm>>
        tpu.wait_dma2 semaphore(%run_scoped3A : memref<!tpu.dma_semaphore, #tpu.memory_space<semaphore_mem>>) src(%dma_wait3A_114 : memref<20x512xi32, #tpu.memory_space<hbm>>) dst(%dma_wait3A_112 : memref<20x512xi32, #tpu.memory_space<vmem>>)
        tpu.yield
      }) : () -> ()
      %dma_start3A = arith.constant 0 : i32
      %dma_start3A_33 = arith.constant 0 : i32
      %dma_start3A_34 = arith.constant 0 : i32
      %dma_start3A_35 = arith.constant 0 : i32
      %dma_start3A_36 = arith.constant 0 : i32
      %dma_start3A_37 = tpu.memref_slice %arg9[%dma_start3A_33, %dma_start3A_35, %dma_start3A_36] : memref<4x512x16xf32, #tpu.memory_space<vmem>> -> memref<1x512x16xf32, #tpu.memory_space<vmem>>
      %dma_start3A_38 = tpu.memref_squeeze %dma_start3A_37 : memref<1x512x16xf32, #tpu.memory_space<vmem>> -> memref<512x16xf32, #tpu.memory_space<vmem>>
      %dma_start3A_39 = arith.constant 0 : i32
      %dma_start3A_40 = tpu.memref_slice %arg7[%dma_start3A, %dma_start3A_39] : memref<20x512xi32, #tpu.memory_space<vmem>> -> memref<1x512xi32, #tpu.memory_space<vmem>>
      %dma_start3A_41 = tpu.memref_squeeze %dma_start3A_40 : memref<1x512xi32, #tpu.memory_space<vmem>> -> memref<512xi32, #tpu.memory_space<vmem>>
      %dma_start3A_42 = arith.constant 0 : i32
      %dma_start3A_43 = arith.constant 0 : i32
      %dma_start3A_44 = tpu.memref_slice %arg2[%dma_start3A_42, %dma_start3A_43] : memref<10112x16xf32, #tpu.memory_space<hbm>> -> memref<10112x16xf32, #tpu.memory_space<hbm>>
      %dma_start3A_45 = tpu.memref_slice %arg11[%dma_start3A_34] : memref<4x!tpu.dma_semaphore, #tpu.memory_space<semaphore_mem>> -> memref<1x!tpu.dma_semaphore, #tpu.memory_space<semaphore_mem>>
      %dma_start3A_46 = tpu.memref_squeeze %dma_start3A_45 : memref<1x!tpu.dma_semaphore, #tpu.memory_space<semaphore_mem>> -> memref<!tpu.dma_semaphore, #tpu.memory_space<semaphore_mem>>
      tpu.enqueue_indirect_dma source(%dma_start3A_44 : memref<10112x16xf32, #tpu.memory_space<hbm>>) target(%dma_start3A_38 : memref<512x16xf32, #tpu.memory_space<vmem>>) offsets(%dma_start3A_41 : memref<512xi32, #tpu.memory_space<vmem>>) semaphore(%dma_start3A_46 : memref<!tpu.dma_semaphore, #tpu.memory_space<semaphore_mem>>)
      %dma_start3A_47 = arith.constant 1 : i32
      %dma_start3A_48 = arith.constant 1 : i32
      %dma_start3A_49 = arith.constant 1 : i32
      %dma_start3A_50 = arith.constant 0 : i32
      %dma_start3A_51 = arith.constant 0 : i32
      %dma_start3A_52 = tpu.memref_slice %arg9[%dma_start3A_48, %dma_start3A_50, %dma_start3A_51] : memref<4x512x16xf32, #tpu.memory_space<vmem>> -> memref<1x512x16xf32, #tpu.memory_space<vmem>>
      %dma_start3A_53 = tpu.memref_squeeze %dma_start3A_52 : memref<1x512x16xf32, #tpu.memory_space<vmem>> -> memref<512x16xf32, #tpu.memory_space<vmem>>
      %dma_start3A_54 = arith.constant 0 : i32
      %dma_start3A_55 = tpu.memref_slice %arg7[%dma_start3A_47, %dma_start3A_54] : memref<20x512xi32, #tpu.memory_space<vmem>> -> memref<1x512xi32, #tpu.memory_space<vmem>>
      %dma_start3A_56 = tpu.memref_squeeze %dma_start3A_55 : memref<1x512xi32, #tpu.memory_space<vmem>> -> memref<512xi32, #tpu.memory_space<vmem>>
      %dma_start3A_57 = arith.constant 0 : i32
      %dma_start3A_58 = arith.constant 0 : i32
      %dma_start3A_59 = tpu.memref_slice %arg2[%dma_start3A_57, %dma_start3A_58] : memref<10112x16xf32, #tpu.memory_space<hbm>> -> memref<10112x16xf32, #tpu.memory_space<hbm>>
      %dma_start3A_60 = tpu.memref_slice %arg11[%dma_start3A_49] : memref<4x!tpu.dma_semaphore, #tpu.memory_space<semaphore_mem>> -> memref<1x!tpu.dma_semaphore, #tpu.memory_space<semaphore_mem>>
      %dma_start3A_61 = tpu.memref_squeeze %dma_start3A_60 : memref<1x!tpu.dma_semaphore, #tpu.memory_space<semaphore_mem>> -> memref<!tpu.dma_semaphore, #tpu.memory_space<semaphore_mem>>
      tpu.enqueue_indirect_dma source(%dma_start3A_59 : memref<10112x16xf32, #tpu.memory_space<hbm>>) target(%dma_start3A_53 : memref<512x16xf32, #tpu.memory_space<vmem>>) offsets(%dma_start3A_56 : memref<512xi32, #tpu.memory_space<vmem>>) semaphore(%dma_start3A_61 : memref<!tpu.dma_semaphore, #tpu.memory_space<semaphore_mem>>)
      %dma_start3A_62 = arith.constant 2 : i32
      %dma_start3A_63 = arith.constant 2 : i32
      %dma_start3A_64 = arith.constant 2 : i32
      %dma_start3A_65 = arith.constant 0 : i32
      %dma_start3A_66 = arith.constant 0 : i32
      %dma_start3A_67 = tpu.memref_slice %arg9[%dma_start3A_63, %dma_start3A_65, %dma_start3A_66] : memref<4x512x16xf32, #tpu.memory_space<vmem>> -> memref<1x512x16xf32, #tpu.memory_space<vmem>>
      %dma_start3A_68 = tpu.memref_squeeze %dma_start3A_67 : memref<1x512x16xf32, #tpu.memory_space<vmem>> -> memref<512x16xf32, #tpu.memory_space<vmem>>
      %dma_start3A_69 = arith.constant 0 : i32
      %dma_start3A_70 = tpu.memref_slice %arg7[%dma_start3A_62, %dma_start3A_69] : memref<20x512xi32, #tpu.memory_space<vmem>> -> memref<1x512xi32, #tpu.memory_space<vmem>>
      %dma_start3A_71 = tpu.memref_squeeze %dma_start3A_70 : memref<1x512xi32, #tpu.memory_space<vmem>> -> memref<512xi32, #tpu.memory_space<vmem>>
      %dma_start3A_72 = arith.constant 0 : i32
      %dma_start3A_73 = arith.constant 0 : i32
      %dma_start3A_74 = tpu.memref_slice %arg2[%dma_start3A_72, %dma_start3A_73] : memref<10112x16xf32, #tpu.memory_space<hbm>> -> memref<10112x16xf32, #tpu.memory_space<hbm>>
      %dma_start3A_75 = tpu.memref_slice %arg11[%dma_start3A_64] : memref<4x!tpu.dma_semaphore, #tpu.memory_space<semaphore_mem>> -> memref<1x!tpu.dma_semaphore, #tpu.memory_space<semaphore_mem>>
      %dma_start3A_76 = tpu.memref_squeeze %dma_start3A_75 : memref<1x!tpu.dma_semaphore, #tpu.memory_space<semaphore_mem>> -> memref<!tpu.dma_semaphore, #tpu.memory_space<semaphore_mem>>
      tpu.enqueue_indirect_dma source(%dma_start3A_74 : memref<10112x16xf32, #tpu.memory_space<hbm>>) target(%dma_start3A_68 : memref<512x16xf32, #tpu.memory_space<vmem>>) offsets(%dma_start3A_71 : memref<512xi32, #tpu.memory_space<vmem>>) semaphore(%dma_start3A_76 : memref<!tpu.dma_semaphore, #tpu.memory_space<semaphore_mem>>)
      %dma_start3A_77 = arith.constant 3 : i32
      %dma_start3A_78 = arith.constant 3 : i32
      %dma_start3A_79 = arith.constant 3 : i32
      %dma_start3A_80 = arith.constant 0 : i32
      %dma_start3A_81 = arith.constant 0 : i32
      %dma_start3A_82 = tpu.memref_slice %arg9[%dma_start3A_78, %dma_start3A_80, %dma_start3A_81] : memref<4x512x16xf32, #tpu.memory_space<vmem>> -> memref<1x512x16xf32, #tpu.memory_space<vmem>>
      %dma_start3A_83 = tpu.memref_squeeze %dma_start3A_82 : memref<1x512x16xf32, #tpu.memory_space<vmem>> -> memref<512x16xf32, #tpu.memory_space<vmem>>
      %dma_start3A_84 = arith.constant 0 : i32
      %dma_start3A_85 = tpu.memref_slice %arg7[%dma_start3A_77, %dma_start3A_84] : memref<20x512xi32, #tpu.memory_space<vmem>> -> memref<1x512xi32, #tpu.memory_space<vmem>>
      %dma_start3A_86 = tpu.memref_squeeze %dma_start3A_85 : memref<1x512xi32, #tpu.memory_space<vmem>> -> memref<512xi32, #tpu.memory_space<vmem>>
      %dma_start3A_87 = arith.constant 0 : i32
      %dma_start3A_88 = arith.constant 0 : i32
      %dma_start3A_89 = tpu.memref_slice %arg2[%dma_start3A_87, %dma_start3A_88] : memref<10112x16xf32, #tpu.memory_space<hbm>> -> memref<10112x16xf32, #tpu.memory_space<hbm>>
      %dma_start3A_90 = tpu.memref_slice %arg11[%dma_start3A_79] : memref<4x!tpu.dma_semaphore, #tpu.memory_space<semaphore_mem>> -> memref<1x!tpu.dma_semaphore, #tpu.memory_space<semaphore_mem>>
      %dma_start3A_91 = tpu.memref_squeeze %dma_start3A_90 : memref<1x!tpu.dma_semaphore, #tpu.memory_space<semaphore_mem>> -> memref<!tpu.dma_semaphore, #tpu.memory_space<semaphore_mem>>
      tpu.enqueue_indirect_dma source(%dma_start3A_89 : memref<10112x16xf32, #tpu.memory_space<hbm>>) target(%dma_start3A_83 : memref<512x16xf32, #tpu.memory_space<vmem>>) offsets(%dma_start3A_86 : memref<512xi32, #tpu.memory_space<vmem>>) semaphore(%dma_start3A_91 : memref<!tpu.dma_semaphore, #tpu.memory_space<semaphore_mem>>)
      %scan3A = arith.constant 0 : i32
      %scan3A_92 = arith.constant 5 : i32
      %scan3A_93 = arith.addi %scan3A, %scan3A_92 : i32
      %scan3A_94 = arith.constant 1 : i32
      scf.for %scan3A_96 = %scan3A to %scan3A_93 step %scan3A_94  : i32 {
        %mul3A_97 = arith.constant 4 : i32
        %mul3A_98 = arith.muli %scan3A_96, %mul3A_97 : i32
        %add3A_99 = arith.constant 0 : i32
        %add3A_100 = arith.addi %add3A_99, %mul3A_98 : i32
        %dma_wait3A = arith.constant 0 : i32
        %dma_wait3A_101 = arith.constant 0 : i32
        %dma_wait3A_102 = arith.constant 0 : i32
        %dma_wait3A_103 = arith.constant 0 : i32
        %dma_wait3A_104 = tpu.memref_slice %arg9[%dma_wait3A, %dma_wait3A_102, %dma_wait3A_103] : memref<4x512x16xf32, #tpu.memory_space<vmem>> -> memref<1x512x16xf32, #tpu.memory_space<vmem>>
        %dma_wait3A_105 = tpu.memref_squeeze %dma_wait3A_104 : memref<1x512x16xf32, #tpu.memory_space<vmem>> -> memref<512x16xf32, #tpu.memory_space<vmem>>
        %dma_wait3A_106 = arith.constant 0 : i32
        %dma_wait3A_107 = arith.constant 0 : i32
        %dma_wait3A_108 = tpu.memref_slice %arg5[%dma_wait3A_106, %dma_wait3A_107] : memref<10112x16xf32, #tpu.memory_space<hbm>> -> memref<512x16xf32, #tpu.memory_space<hbm>>
        %dma_wait3A_109 = tpu.memref_slice %arg11[%dma_wait3A_101] : memref<4x!tpu.dma_semaphore, #tpu.memory_space<semaphore_mem>> -> memref<1x!tpu.dma_semaphore, #tpu.memory_space<semaphore_mem>>
        %dma_wait3A_110 = tpu.memref_squeeze %dma_wait3A_109 : memref<1x!tpu.dma_semaphore, #tpu.memory_space<semaphore_mem>> -> memref<!tpu.dma_semaphore, #tpu.memory_space<semaphore_mem>>
        %dma_wait3A_111 = arith.constant 0 : i32
        %dma_wait3A_112 = arith.constant 0 : i32
        %dma_wait3A_113 = tpu.memref_slice %arg9[%dma_wait3A, %dma_wait3A_111, %dma_wait3A_112] : memref<4x512x16xf32, #tpu.memory_space<vmem>> -> memref<1x512x16xf32, #tpu.memory_space<vmem>>
        %dma_wait3A_114 = tpu.memref_squeeze %dma_wait3A_113 : memref<1x512x16xf32, #tpu.memory_space<vmem>> -> memref<512x16xf32, #tpu.memory_space<vmem>>
        %dma_wait3A_115 = arith.constant 0 : i32
        %dma_wait3A_116 = arith.constant 0 : i32
        %dma_wait3A_117 = tpu.memref_slice %arg5[%dma_wait3A_115, %dma_wait3A_116] : memref<10112x16xf32, #tpu.memory_space<hbm>> -> memref<512x16xf32, #tpu.memory_space<hbm>>
        tpu.wait_dma2 semaphore(%dma_wait3A_110 : memref<!tpu.dma_semaphore, #tpu.memory_space<semaphore_mem>>) src(%dma_wait3A_117 : memref<512x16xf32, #tpu.memory_space<hbm>>) dst(%dma_wait3A_114 : memref<512x16xf32, #tpu.memory_space<vmem>>)
        %add3A_118 = arith.constant 0 : i32
        %add3A_119 = arith.addi %add3A_100, %add3A_118 : i32
        %dma_start3A_120 = arith.constant 0 : i32
        %dma_start3A_121 = arith.constant 0 : i32
        %dma_start3A_122 = arith.constant 0 : i32
        %dma_start3A_123 = arith.constant 0 : i32
        %dma_start3A_124 = tpu.memref_slice %arg9[%dma_start3A_120, %dma_start3A_122, %dma_start3A_123] : memref<4x512x16xf32, #tpu.memory_space<vmem>> -> memref<1x512x16xf32, #tpu.memory_space<vmem>>
        %dma_start3A_125 = tpu.memref_squeeze %dma_start3A_124 : memref<1x512x16xf32, #tpu.memory_space<vmem>> -> memref<512x16xf32, #tpu.memory_space<vmem>>
        %dma_start3A_126 = arith.constant 0 : i32
        %dma_start3A_127 = tpu.memref_slice %arg8[%add3A_119, %dma_start3A_126] : memref<20x512xi32, #tpu.memory_space<vmem>> -> memref<1x512xi32, #tpu.memory_space<vmem>>
        %dma_start3A_128 = tpu.memref_squeeze %dma_start3A_127 : memref<1x512xi32, #tpu.memory_space<vmem>> -> memref<512xi32, #tpu.memory_space<vmem>>
        %dma_start3A_129 = arith.constant 0 : i32
        %dma_start3A_130 = arith.constant 0 : i32
        %dma_start3A_131 = tpu.memref_slice %arg10[%dma_start3A_129, %dma_start3A_130] : memref<10112x16xf32, #tpu.memory_space<vmem_shared>> -> memref<10112x16xf32, #tpu.memory_space<vmem_shared>>
        %dma_start3A_132 = tpu.memref_slice %arg12[%dma_start3A_121] : memref<4x!tpu.dma_semaphore, #tpu.memory_space<semaphore_mem>> -> memref<1x!tpu.dma_semaphore, #tpu.memory_space<semaphore_mem>>
        %dma_start3A_133 = tpu.memref_squeeze %dma_start3A_132 : memref<1x!tpu.dma_semaphore, #tpu.memory_space<semaphore_mem>> -> memref<!tpu.dma_semaphore, #tpu.memory_space<semaphore_mem>>
        tpu.enqueue_indirect_dma source(%dma_start3A_125 : memref<512x16xf32, #tpu.memory_space<vmem>>) target(%dma_start3A_131 : memref<10112x16xf32, #tpu.memory_space<vmem_shared>>) offsets(%dma_start3A_128 : memref<512xi32, #tpu.memory_space<vmem>>) semaphore(%dma_start3A_133 : memref<!tpu.dma_semaphore, #tpu.memory_space<semaphore_mem>>) {add = true}
        %dma_wait3A_134 = arith.constant 1 : i32
        %dma_wait3A_135 = arith.constant 1 : i32
        %dma_wait3A_136 = arith.constant 0 : i32
        %dma_wait3A_137 = arith.constant 0 : i32
        %dma_wait3A_138 = tpu.memref_slice %arg9[%dma_wait3A_134, %dma_wait3A_136, %dma_wait3A_137] : memref<4x512x16xf32, #tpu.memory_space<vmem>> -> memref<1x512x16xf32, #tpu.memory_space<vmem>>
        %dma_wait3A_139 = tpu.memref_squeeze %dma_wait3A_138 : memref<1x512x16xf32, #tpu.memory_space<vmem>> -> memref<512x16xf32, #tpu.memory_space<vmem>>
        %dma_wait3A_140 = arith.constant 0 : i32
        %dma_wait3A_141 = arith.constant 0 : i32
        %dma_wait3A_142 = tpu.memref_slice %arg5[%dma_wait3A_140, %dma_wait3A_141] : memref<10112x16xf32, #tpu.memory_space<hbm>> -> memref<512x16xf32, #tpu.memory_space<hbm>>
        %dma_wait3A_143 = tpu.memref_slice %arg11[%dma_wait3A_135] : memref<4x!tpu.dma_semaphore, #tpu.memory_space<semaphore_mem>> -> memref<1x!tpu.dma_semaphore, #tpu.memory_space<semaphore_mem>>
        %dma_wait3A_144 = tpu.memref_squeeze %dma_wait3A_143 : memref<1x!tpu.dma_semaphore, #tpu.memory_space<semaphore_mem>> -> memref<!tpu.dma_semaphore, #tpu.memory_space<semaphore_mem>>
        %dma_wait3A_145 = arith.constant 0 : i32
        %dma_wait3A_146 = arith.constant 0 : i32
        %dma_wait3A_147 = tpu.memref_slice %arg9[%dma_wait3A_134, %dma_wait3A_145, %dma_wait3A_146] : memref<4x512x16xf32, #tpu.memory_space<vmem>> -> memref<1x512x16xf32, #tpu.memory_space<vmem>>
        %dma_wait3A_148 = tpu.memref_squeeze %dma_wait3A_147 : memref<1x512x16xf32, #tpu.memory_space<vmem>> -> memref<512x16xf32, #tpu.memory_space<vmem>>
        %dma_wait3A_149 = arith.constant 0 : i32
        %dma_wait3A_150 = arith.constant 0 : i32
        %dma_wait3A_151 = tpu.memref_slice %arg5[%dma_wait3A_149, %dma_wait3A_150] : memref<10112x16xf32, #tpu.memory_space<hbm>> -> memref<512x16xf32, #tpu.memory_space<hbm>>
        tpu.wait_dma2 semaphore(%dma_wait3A_144 : memref<!tpu.dma_semaphore, #tpu.memory_space<semaphore_mem>>) src(%dma_wait3A_151 : memref<512x16xf32, #tpu.memory_space<hbm>>) dst(%dma_wait3A_148 : memref<512x16xf32, #tpu.memory_space<vmem>>)
        %add3A_152 = arith.constant 1 : i32
        %add3A_153 = arith.addi %add3A_100, %add3A_152 : i32
        %dma_start3A_154 = arith.constant 1 : i32
        %dma_start3A_155 = arith.constant 1 : i32
        %dma_start3A_156 = arith.constant 0 : i32
        %dma_start3A_157 = arith.constant 0 : i32
        %dma_start3A_158 = tpu.memref_slice %arg9[%dma_start3A_154, %dma_start3A_156, %dma_start3A_157] : memref<4x512x16xf32, #tpu.memory_space<vmem>> -> memref<1x512x16xf32, #tpu.memory_space<vmem>>
        %dma_start3A_159 = tpu.memref_squeeze %dma_start3A_158 : memref<1x512x16xf32, #tpu.memory_space<vmem>> -> memref<512x16xf32, #tpu.memory_space<vmem>>
        %dma_start3A_160 = arith.constant 0 : i32
        %dma_start3A_161 = tpu.memref_slice %arg8[%add3A_153, %dma_start3A_160] : memref<20x512xi32, #tpu.memory_space<vmem>> -> memref<1x512xi32, #tpu.memory_space<vmem>>
        %dma_start3A_162 = tpu.memref_squeeze %dma_start3A_161 : memref<1x512xi32, #tpu.memory_space<vmem>> -> memref<512xi32, #tpu.memory_space<vmem>>
        %dma_start3A_163 = arith.constant 0 : i32
        %dma_start3A_164 = arith.constant 0 : i32
        %dma_start3A_165 = tpu.memref_slice %arg10[%dma_start3A_163, %dma_start3A_164] : memref<10112x16xf32, #tpu.memory_space<vmem_shared>> -> memref<10112x16xf32, #tpu.memory_space<vmem_shared>>
        %dma_start3A_166 = tpu.memref_slice %arg12[%dma_start3A_155] : memref<4x!tpu.dma_semaphore, #tpu.memory_space<semaphore_mem>> -> memref<1x!tpu.dma_semaphore, #tpu.memory_space<semaphore_mem>>
        %dma_start3A_167 = tpu.memref_squeeze %dma_start3A_166 : memref<1x!tpu.dma_semaphore, #tpu.memory_space<semaphore_mem>> -> memref<!tpu.dma_semaphore, #tpu.memory_space<semaphore_mem>>
        tpu.enqueue_indirect_dma source(%dma_start3A_159 : memref<512x16xf32, #tpu.memory_space<vmem>>) target(%dma_start3A_165 : memref<10112x16xf32, #tpu.memory_space<vmem_shared>>) offsets(%dma_start3A_162 : memref<512xi32, #tpu.memory_space<vmem>>) semaphore(%dma_start3A_167 : memref<!tpu.dma_semaphore, #tpu.memory_space<semaphore_mem>>) {add = true}
        %dma_wait3A_168 = arith.constant 2 : i32
        %dma_wait3A_169 = arith.constant 2 : i32
        %dma_wait3A_170 = arith.constant 0 : i32
        %dma_wait3A_171 = arith.constant 0 : i32
        %dma_wait3A_172 = tpu.memref_slice %arg9[%dma_wait3A_168, %dma_wait3A_170, %dma_wait3A_171] : memref<4x512x16xf32, #tpu.memory_space<vmem>> -> memref<1x512x16xf32, #tpu.memory_space<vmem>>
        %dma_wait3A_173 = tpu.memref_squeeze %dma_wait3A_172 : memref<1x512x16xf32, #tpu.memory_space<vmem>> -> memref<512x16xf32, #tpu.memory_space<vmem>>
        %dma_wait3A_174 = arith.constant 0 : i32
        %dma_wait3A_175 = arith.constant 0 : i32
        %dma_wait3A_176 = tpu.memref_slice %arg5[%dma_wait3A_174, %dma_wait3A_175] : memref<10112x16xf32, #tpu.memory_space<hbm>> -> memref<512x16xf32, #tpu.memory_space<hbm>>
        %dma_wait3A_177 = tpu.memref_slice %arg11[%dma_wait3A_169] : memref<4x!tpu.dma_semaphore, #tpu.memory_space<semaphore_mem>> -> memref<1x!tpu.dma_semaphore, #tpu.memory_space<semaphore_mem>>
        %dma_wait3A_178 = tpu.memref_squeeze %dma_wait3A_177 : memref<1x!tpu.dma_semaphore, #tpu.memory_space<semaphore_mem>> -> memref<!tpu.dma_semaphore, #tpu.memory_space<semaphore_mem>>
        %dma_wait3A_179 = arith.constant 0 : i32
        %dma_wait3A_180 = arith.constant 0 : i32
        %dma_wait3A_181 = tpu.memref_slice %arg9[%dma_wait3A_168, %dma_wait3A_179, %dma_wait3A_180] : memref<4x512x16xf32, #tpu.memory_space<vmem>> -> memref<1x512x16xf32, #tpu.memory_space<vmem>>
        %dma_wait3A_182 = tpu.memref_squeeze %dma_wait3A_181 : memref<1x512x16xf32, #tpu.memory_space<vmem>> -> memref<512x16xf32, #tpu.memory_space<vmem>>
        %dma_wait3A_183 = arith.constant 0 : i32
        %dma_wait3A_184 = arith.constant 0 : i32
        %dma_wait3A_185 = tpu.memref_slice %arg5[%dma_wait3A_183, %dma_wait3A_184] : memref<10112x16xf32, #tpu.memory_space<hbm>> -> memref<512x16xf32, #tpu.memory_space<hbm>>
        tpu.wait_dma2 semaphore(%dma_wait3A_178 : memref<!tpu.dma_semaphore, #tpu.memory_space<semaphore_mem>>) src(%dma_wait3A_185 : memref<512x16xf32, #tpu.memory_space<hbm>>) dst(%dma_wait3A_182 : memref<512x16xf32, #tpu.memory_space<vmem>>)
        %add3A_186 = arith.constant 2 : i32
        %add3A_187 = arith.addi %add3A_100, %add3A_186 : i32
        %dma_start3A_188 = arith.constant 2 : i32
        %dma_start3A_189 = arith.constant 2 : i32
        %dma_start3A_190 = arith.constant 0 : i32
        %dma_start3A_191 = arith.constant 0 : i32
        %dma_start3A_192 = tpu.memref_slice %arg9[%dma_start3A_188, %dma_start3A_190, %dma_start3A_191] : memref<4x512x16xf32, #tpu.memory_space<vmem>> -> memref<1x512x16xf32, #tpu.memory_space<vmem>>
        %dma_start3A_193 = tpu.memref_squeeze %dma_start3A_192 : memref<1x512x16xf32, #tpu.memory_space<vmem>> -> memref<512x16xf32, #tpu.memory_space<vmem>>
        %dma_start3A_194 = arith.constant 0 : i32
        %dma_start3A_195 = tpu.memref_slice %arg8[%add3A_187, %dma_start3A_194] : memref<20x512xi32, #tpu.memory_space<vmem>> -> memref<1x512xi32, #tpu.memory_space<vmem>>
        %dma_start3A_196 = tpu.memref_squeeze %dma_start3A_195 : memref<1x512xi32, #tpu.memory_space<vmem>> -> memref<512xi32, #tpu.memory_space<vmem>>
        %dma_start3A_197 = arith.constant 0 : i32
        %dma_start3A_198 = arith.constant 0 : i32
        %dma_start3A_199 = tpu.memref_slice %arg10[%dma_start3A_197, %dma_start3A_198] : memref<10112x16xf32, #tpu.memory_space<vmem_shared>> -> memref<10112x16xf32, #tpu.memory_space<vmem_shared>>
        %dma_start3A_200 = tpu.memref_slice %arg12[%dma_start3A_189] : memref<4x!tpu.dma_semaphore, #tpu.memory_space<semaphore_mem>> -> memref<1x!tpu.dma_semaphore, #tpu.memory_space<semaphore_mem>>
        %dma_start3A_201 = tpu.memref_squeeze %dma_start3A_200 : memref<1x!tpu.dma_semaphore, #tpu.memory_space<semaphore_mem>> -> memref<!tpu.dma_semaphore, #tpu.memory_space<semaphore_mem>>
        tpu.enqueue_indirect_dma source(%dma_start3A_193 : memref<512x16xf32, #tpu.memory_space<vmem>>) target(%dma_start3A_199 : memref<10112x16xf32, #tpu.memory_space<vmem_shared>>) offsets(%dma_start3A_196 : memref<512xi32, #tpu.memory_space<vmem>>) semaphore(%dma_start3A_201 : memref<!tpu.dma_semaphore, #tpu.memory_space<semaphore_mem>>) {add = true}
        %dma_wait3A_202 = arith.constant 3 : i32
        %dma_wait3A_203 = arith.constant 3 : i32
        %dma_wait3A_204 = arith.constant 0 : i32
        %dma_wait3A_205 = arith.constant 0 : i32
        %dma_wait3A_206 = tpu.memref_slice %arg9[%dma_wait3A_202, %dma_wait3A_204, %dma_wait3A_205] : memref<4x512x16xf32, #tpu.memory_space<vmem>> -> memref<1x512x16xf32, #tpu.memory_space<vmem>>
        %dma_wait3A_207 = tpu.memref_squeeze %dma_wait3A_206 : memref<1x512x16xf32, #tpu.memory_space<vmem>> -> memref<512x16xf32, #tpu.memory_space<vmem>>
        %dma_wait3A_208 = arith.constant 0 : i32
        %dma_wait3A_209 = arith.constant 0 : i32
        %dma_wait3A_210 = tpu.memref_slice %arg5[%dma_wait3A_208, %dma_wait3A_209] : memref<10112x16xf32, #tpu.memory_space<hbm>> -> memref<512x16xf32, #tpu.memory_space<hbm>>
        %dma_wait3A_211 = tpu.memref_slice %arg11[%dma_wait3A_203] : memref<4x!tpu.dma_semaphore, #tpu.memory_space<semaphore_mem>> -> memref<1x!tpu.dma_semaphore, #tpu.memory_space<semaphore_mem>>
        %dma_wait3A_212 = tpu.memref_squeeze %dma_wait3A_211 : memref<1x!tpu.dma_semaphore, #tpu.memory_space<semaphore_mem>> -> memref<!tpu.dma_semaphore, #tpu.memory_space<semaphore_mem>>
        %dma_wait3A_213 = arith.constant 0 : i32
        %dma_wait3A_214 = arith.constant 0 : i32
        %dma_wait3A_215 = tpu.memref_slice %arg9[%dma_wait3A_202, %dma_wait3A_213, %dma_wait3A_214] : memref<4x512x16xf32, #tpu.memory_space<vmem>> -> memref<1x512x16xf32, #tpu.memory_space<vmem>>
        %dma_wait3A_216 = tpu.memref_squeeze %dma_wait3A_215 : memref<1x512x16xf32, #tpu.memory_space<vmem>> -> memref<512x16xf32, #tpu.memory_space<vmem>>
        %dma_wait3A_217 = arith.constant 0 : i32
        %dma_wait3A_218 = arith.constant 0 : i32
        %dma_wait3A_219 = tpu.memref_slice %arg5[%dma_wait3A_217, %dma_wait3A_218] : memref<10112x16xf32, #tpu.memory_space<hbm>> -> memref<512x16xf32, #tpu.memory_space<hbm>>
        tpu.wait_dma2 semaphore(%dma_wait3A_212 : memref<!tpu.dma_semaphore, #tpu.memory_space<semaphore_mem>>) src(%dma_wait3A_219 : memref<512x16xf32, #tpu.memory_space<hbm>>) dst(%dma_wait3A_216 : memref<512x16xf32, #tpu.memory_space<vmem>>)
        %add3A_220 = arith.constant 3 : i32
        %add3A_221 = arith.addi %add3A_100, %add3A_220 : i32
        %dma_start3A_222 = arith.constant 3 : i32
        %dma_start3A_223 = arith.constant 3 : i32
        %dma_start3A_224 = arith.constant 0 : i32
        %dma_start3A_225 = arith.constant 0 : i32
        %dma_start3A_226 = tpu.memref_slice %arg9[%dma_start3A_222, %dma_start3A_224, %dma_start3A_225] : memref<4x512x16xf32, #tpu.memory_space<vmem>> -> memref<1x512x16xf32, #tpu.memory_space<vmem>>
        %dma_start3A_227 = tpu.memref_squeeze %dma_start3A_226 : memref<1x512x16xf32, #tpu.memory_space<vmem>> -> memref<512x16xf32, #tpu.memory_space<vmem>>
        %dma_start3A_228 = arith.constant 0 : i32
        %dma_start3A_229 = tpu.memref_slice %arg8[%add3A_221, %dma_start3A_228] : memref<20x512xi32, #tpu.memory_space<vmem>> -> memref<1x512xi32, #tpu.memory_space<vmem>>
        %dma_start3A_230 = tpu.memref_squeeze %dma_start3A_229 : memref<1x512xi32, #tpu.memory_space<vmem>> -> memref<512xi32, #tpu.memory_space<vmem>>
        %dma_start3A_231 = arith.constant 0 : i32
        %dma_start3A_232 = arith.constant 0 : i32
        %dma_start3A_233 = tpu.memref_slice %arg10[%dma_start3A_231, %dma_start3A_232] : memref<10112x16xf32, #tpu.memory_space<vmem_shared>> -> memref<10112x16xf32, #tpu.memory_space<vmem_shared>>
        %dma_start3A_234 = tpu.memref_slice %arg12[%dma_start3A_223] : memref<4x!tpu.dma_semaphore, #tpu.memory_space<semaphore_mem>> -> memref<1x!tpu.dma_semaphore, #tpu.memory_space<semaphore_mem>>
        %dma_start3A_235 = tpu.memref_squeeze %dma_start3A_234 : memref<1x!tpu.dma_semaphore, #tpu.memory_space<semaphore_mem>> -> memref<!tpu.dma_semaphore, #tpu.memory_space<semaphore_mem>>
        tpu.enqueue_indirect_dma source(%dma_start3A_227 : memref<512x16xf32, #tpu.memory_space<vmem>>) target(%dma_start3A_233 : memref<10112x16xf32, #tpu.memory_space<vmem_shared>>) offsets(%dma_start3A_230 : memref<512xi32, #tpu.memory_space<vmem>>) semaphore(%dma_start3A_235 : memref<!tpu.dma_semaphore, #tpu.memory_space<semaphore_mem>>) {add = true}
        %dma_wait3A_236 = arith.constant 0 : i32
        %dma_wait3A_237 = arith.constant 0 : i32
        %dma_wait3A_238 = arith.constant 0 : i32
        %dma_wait3A_239 = arith.constant 0 : i32
        %dma_wait3A_240 = tpu.memref_slice %arg9[%dma_wait3A_236, %dma_wait3A_238, %dma_wait3A_239] : memref<4x512x16xf32, #tpu.memory_space<vmem>> -> memref<1x512x16xf32, #tpu.memory_space<vmem>>
        %dma_wait3A_241 = tpu.memref_squeeze %dma_wait3A_240 : memref<1x512x16xf32, #tpu.memory_space<vmem>> -> memref<512x16xf32, #tpu.memory_space<vmem>>
        %dma_wait3A_242 = arith.constant 0 : i32
        %dma_wait3A_243 = arith.constant 0 : i32
        %dma_wait3A_244 = tpu.memref_slice %arg5[%dma_wait3A_242, %dma_wait3A_243] : memref<10112x16xf32, #tpu.memory_space<hbm>> -> memref<512x16xf32, #tpu.memory_space<hbm>>
        %dma_wait3A_245 = tpu.memref_slice %arg12[%dma_wait3A_237] : memref<4x!tpu.dma_semaphore, #tpu.memory_space<semaphore_mem>> -> memref<1x!tpu.dma_semaphore, #tpu.memory_space<semaphore_mem>>
        %dma_wait3A_246 = tpu.memref_squeeze %dma_wait3A_245 : memref<1x!tpu.dma_semaphore, #tpu.memory_space<semaphore_mem>> -> memref<!tpu.dma_semaphore, #tpu.memory_space<semaphore_mem>>
        %dma_wait3A_247 = arith.constant 0 : i32
        %dma_wait3A_248 = arith.constant 0 : i32
        %dma_wait3A_249 = tpu.memref_slice %arg9[%dma_wait3A_236, %dma_wait3A_247, %dma_wait3A_248] : memref<4x512x16xf32, #tpu.memory_space<vmem>> -> memref<1x512x16xf32, #tpu.memory_space<vmem>>
        %dma_wait3A_250 = tpu.memref_squeeze %dma_wait3A_249 : memref<1x512x16xf32, #tpu.memory_space<vmem>> -> memref<512x16xf32, #tpu.memory_space<vmem>>
        %dma_wait3A_251 = arith.constant 0 : i32
        %dma_wait3A_252 = arith.constant 0 : i32
        %dma_wait3A_253 = tpu.memref_slice %arg5[%dma_wait3A_251, %dma_wait3A_252] : memref<10112x16xf32, #tpu.memory_space<hbm>> -> memref<512x16xf32, #tpu.memory_space<hbm>>
        tpu.wait_dma2 semaphore(%dma_wait3A_246 : memref<!tpu.dma_semaphore, #tpu.memory_space<semaphore_mem>>) src(%dma_wait3A_253 : memref<512x16xf32, #tpu.memory_space<hbm>>) dst(%dma_wait3A_250 : memref<512x16xf32, #tpu.memory_space<vmem>>)
        %add3A_254 = arith.constant 4 : i32
        %add3A_255 = arith.addi %add3A_100, %add3A_254 : i32
        %add3A_256 = arith.constant 0 : i32
        %add3A_257 = arith.addi %add3A_255, %add3A_256 : i32
        %lt3A = arith.constant 20 : i32
        %lt3A_258 = arith.cmpi slt, %add3A_257, %lt3A : i32
        %convert_element_type3A_259 = arith.extui %lt3A_258 : i1 to i32
        %cond3A_260 = arith.constant 0 : i32
        %cond3A_261 = arith.cmpi ne, %convert_element_type3A_259, %cond3A_260 : i32
        scf.if %cond3A_261 {
          %add3A_343 = arith.constant 4 : i32
          %add3A_344 = arith.addi %add3A_100, %add3A_343 : i32
          %add3A_345 = arith.constant 0 : i32
          %add3A_346 = arith.addi %add3A_344, %add3A_345 : i32
          %dma_start3A_347 = arith.constant 0 : i32
          %dma_start3A_348 = arith.constant 0 : i32
          %dma_start3A_349 = arith.constant 0 : i32
          %dma_start3A_350 = arith.constant 0 : i32
          %dma_start3A_351 = tpu.memref_slice %arg9[%dma_start3A_347, %dma_start3A_349, %dma_start3A_350] : memref<4x512x16xf32, #tpu.memory_space<vmem>> -> memref<1x512x16xf32, #tpu.memory_space<vmem>>
          %dma_start3A_352 = tpu.memref_squeeze %dma_start3A_351 : memref<1x512x16xf32, #tpu.memory_space<vmem>> -> memref<512x16xf32, #tpu.memory_space<vmem>>
          %dma_start3A_353 = arith.constant 0 : i32
          %dma_start3A_354 = tpu.memref_slice %arg7[%add3A_346, %dma_start3A_353] : memref<20x512xi32, #tpu.memory_space<vmem>> -> memref<1x512xi32, #tpu.memory_space<vmem>>
          %dma_start3A_355 = tpu.memref_squeeze %dma_start3A_354 : memref<1x512xi32, #tpu.memory_space<vmem>> -> memref<512xi32, #tpu.memory_space<vmem>>
          %dma_start3A_356 = arith.constant 0 : i32
          %dma_start3A_357 = arith.constant 0 : i32
          %dma_start3A_358 = tpu.memref_slice %arg2[%dma_start3A_356, %dma_start3A_357] : memref<10112x16xf32, #tpu.memory_space<hbm>> -> memref<10112x16xf32, #tpu.memory_space<hbm>>
          %dma_start3A_359 = tpu.memref_slice %arg11[%dma_start3A_348] : memref<4x!tpu.dma_semaphore, #tpu.memory_space<semaphore_mem>> -> memref<1x!tpu.dma_semaphore, #tpu.memory_space<semaphore_mem>>
          %dma_start3A_360 = tpu.memref_squeeze %dma_start3A_359 : memref<1x!tpu.dma_semaphore, #tpu.memory_space<semaphore_mem>> -> memref<!tpu.dma_semaphore, #tpu.memory_space<semaphore_mem>>
          tpu.enqueue_indirect_dma source(%dma_start3A_358 : memref<10112x16xf32, #tpu.memory_space<hbm>>) target(%dma_start3A_352 : memref<512x16xf32, #tpu.memory_space<vmem>>) offsets(%dma_start3A_355 : memref<512xi32, #tpu.memory_space<vmem>>) semaphore(%dma_start3A_360 : memref<!tpu.dma_semaphore, #tpu.memory_space<semaphore_mem>>)
        } else {
        }
        %dma_wait3A_262 = arith.constant 1 : i32
        %dma_wait3A_263 = arith.constant 1 : i32
        %dma_wait3A_264 = arith.constant 0 : i32
        %dma_wait3A_265 = arith.constant 0 : i32
        %dma_wait3A_266 = tpu.memref_slice %arg9[%dma_wait3A_262, %dma_wait3A_264, %dma_wait3A_265] : memref<4x512x16xf32, #tpu.memory_space<vmem>> -> memref<1x512x16xf32, #tpu.memory_space<vmem>>
        %dma_wait3A_267 = tpu.memref_squeeze %dma_wait3A_266 : memref<1x512x16xf32, #tpu.memory_space<vmem>> -> memref<512x16xf32, #tpu.memory_space<vmem>>
        %dma_wait3A_268 = arith.constant 0 : i32
        %dma_wait3A_269 = arith.constant 0 : i32
        %dma_wait3A_270 = tpu.memref_slice %arg5[%dma_wait3A_268, %dma_wait3A_269] : memref<10112x16xf32, #tpu.memory_space<hbm>> -> memref<512x16xf32, #tpu.memory_space<hbm>>
        %dma_wait3A_271 = tpu.memref_slice %arg12[%dma_wait3A_263] : memref<4x!tpu.dma_semaphore, #tpu.memory_space<semaphore_mem>> -> memref<1x!tpu.dma_semaphore, #tpu.memory_space<semaphore_mem>>
        %dma_wait3A_272 = tpu.memref_squeeze %dma_wait3A_271 : memref<1x!tpu.dma_semaphore, #tpu.memory_space<semaphore_mem>> -> memref<!tpu.dma_semaphore, #tpu.memory_space<semaphore_mem>>
        %dma_wait3A_273 = arith.constant 0 : i32
        %dma_wait3A_274 = arith.constant 0 : i32
        %dma_wait3A_275 = tpu.memref_slice %arg9[%dma_wait3A_262, %dma_wait3A_273, %dma_wait3A_274] : memref<4x512x16xf32, #tpu.memory_space<vmem>> -> memref<1x512x16xf32, #tpu.memory_space<vmem>>
        %dma_wait3A_276 = tpu.memref_squeeze %dma_wait3A_275 : memref<1x512x16xf32, #tpu.memory_space<vmem>> -> memref<512x16xf32, #tpu.memory_space<vmem>>
        %dma_wait3A_277 = arith.constant 0 : i32
        %dma_wait3A_278 = arith.constant 0 : i32
        %dma_wait3A_279 = tpu.memref_slice %arg5[%dma_wait3A_277, %dma_wait3A_278] : memref<10112x16xf32, #tpu.memory_space<hbm>> -> memref<512x16xf32, #tpu.memory_space<hbm>>
        tpu.wait_dma2 semaphore(%dma_wait3A_272 : memref<!tpu.dma_semaphore, #tpu.memory_space<semaphore_mem>>) src(%dma_wait3A_279 : memref<512x16xf32, #tpu.memory_space<hbm>>) dst(%dma_wait3A_276 : memref<512x16xf32, #tpu.memory_space<vmem>>)
        %add3A_280 = arith.constant 4 : i32
        %add3A_281 = arith.addi %add3A_100, %add3A_280 : i32
        %add3A_282 = arith.constant 1 : i32
        %add3A_283 = arith.addi %add3A_281, %add3A_282 : i32
        %lt3A_284 = arith.constant 20 : i32
        %lt3A_285 = arith.cmpi slt, %add3A_283, %lt3A_284 : i32
        %convert_element_type3A_286 = arith.extui %lt3A_285 : i1 to i32
        %cond3A_287 = arith.constant 0 : i32
        %cond3A_288 = arith.cmpi ne, %convert_element_type3A_286, %cond3A_287 : i32
        scf.if %cond3A_288 {
          %add3A_343 = arith.constant 4 : i32
          %add3A_344 = arith.addi %add3A_100, %add3A_343 : i32
          %add3A_345 = arith.constant 1 : i32
          %add3A_346 = arith.addi %add3A_344, %add3A_345 : i32
          %dma_start3A_347 = arith.constant 1 : i32
          %dma_start3A_348 = arith.constant 1 : i32
          %dma_start3A_349 = arith.constant 0 : i32
          %dma_start3A_350 = arith.constant 0 : i32
          %dma_start3A_351 = tpu.memref_slice %arg9[%dma_start3A_347, %dma_start3A_349, %dma_start3A_350] : memref<4x512x16xf32, #tpu.memory_space<vmem>> -> memref<1x512x16xf32, #tpu.memory_space<vmem>>
          %dma_start3A_352 = tpu.memref_squeeze %dma_start3A_351 : memref<1x512x16xf32, #tpu.memory_space<vmem>> -> memref<512x16xf32, #tpu.memory_space<vmem>>
          %dma_start3A_353 = arith.constant 0 : i32
          %dma_start3A_354 = tpu.memref_slice %arg7[%add3A_346, %dma_start3A_353] : memref<20x512xi32, #tpu.memory_space<vmem>> -> memref<1x512xi32, #tpu.memory_space<vmem>>
          %dma_start3A_355 = tpu.memref_squeeze %dma_start3A_354 : memref<1x512xi32, #tpu.memory_space<vmem>> -> memref<512xi32, #tpu.memory_space<vmem>>
          %dma_start3A_356 = arith.constant 0 : i32
          %dma_start3A_357 = arith.constant 0 : i32
          %dma_start3A_358 = tpu.memref_slice %arg2[%dma_start3A_356, %dma_start3A_357] : memref<10112x16xf32, #tpu.memory_space<hbm>> -> memref<10112x16xf32, #tpu.memory_space<hbm>>
          %dma_start3A_359 = tpu.memref_slice %arg11[%dma_start3A_348] : memref<4x!tpu.dma_semaphore, #tpu.memory_space<semaphore_mem>> -> memref<1x!tpu.dma_semaphore, #tpu.memory_space<semaphore_mem>>
          %dma_start3A_360 = tpu.memref_squeeze %dma_start3A_359 : memref<1x!tpu.dma_semaphore, #tpu.memory_space<semaphore_mem>> -> memref<!tpu.dma_semaphore, #tpu.memory_space<semaphore_mem>>
          tpu.enqueue_indirect_dma source(%dma_start3A_358 : memref<10112x16xf32, #tpu.memory_space<hbm>>) target(%dma_start3A_352 : memref<512x16xf32, #tpu.memory_space<vmem>>) offsets(%dma_start3A_355 : memref<512xi32, #tpu.memory_space<vmem>>) semaphore(%dma_start3A_360 : memref<!tpu.dma_semaphore, #tpu.memory_space<semaphore_mem>>)
        } else {
        }
        %dma_wait3A_289 = arith.constant 2 : i32
        %dma_wait3A_290 = arith.constant 2 : i32
        %dma_wait3A_291 = arith.constant 0 : i32
        %dma_wait3A_292 = arith.constant 0 : i32
        %dma_wait3A_293 = tpu.memref_slice %arg9[%dma_wait3A_289, %dma_wait3A_291, %dma_wait3A_292] : memref<4x512x16xf32, #tpu.memory_space<vmem>> -> memref<1x512x16xf32, #tpu.memory_space<vmem>>
        %dma_wait3A_294 = tpu.memref_squeeze %dma_wait3A_293 : memref<1x512x16xf32, #tpu.memory_space<vmem>> -> memref<512x16xf32, #tpu.memory_space<vmem>>
        %dma_wait3A_295 = arith.constant 0 : i32
        %dma_wait3A_296 = arith.constant 0 : i32
        %dma_wait3A_297 = tpu.memref_slice %arg5[%dma_wait3A_295, %dma_wait3A_296] : memref<10112x16xf32, #tpu.memory_space<hbm>> -> memref<512x16xf32, #tpu.memory_space<hbm>>
        %dma_wait3A_298 = tpu.memref_slice %arg12[%dma_wait3A_290] : memref<4x!tpu.dma_semaphore, #tpu.memory_space<semaphore_mem>> -> memref<1x!tpu.dma_semaphore, #tpu.memory_space<semaphore_mem>>
        %dma_wait3A_299 = tpu.memref_squeeze %dma_wait3A_298 : memref<1x!tpu.dma_semaphore, #tpu.memory_space<semaphore_mem>> -> memref<!tpu.dma_semaphore, #tpu.memory_space<semaphore_mem>>
        %dma_wait3A_300 = arith.constant 0 : i32
        %dma_wait3A_301 = arith.constant 0 : i32
        %dma_wait3A_302 = tpu.memref_slice %arg9[%dma_wait3A_289, %dma_wait3A_300, %dma_wait3A_301] : memref<4x512x16xf32, #tpu.memory_space<vmem>> -> memref<1x512x16xf32, #tpu.memory_space<vmem>>
        %dma_wait3A_303 = tpu.memref_squeeze %dma_wait3A_302 : memref<1x512x16xf32, #tpu.memory_space<vmem>> -> memref<512x16xf32, #tpu.memory_space<vmem>>
        %dma_wait3A_304 = arith.constant 0 : i32
        %dma_wait3A_305 = arith.constant 0 : i32
        %dma_wait3A_306 = tpu.memref_slice %arg5[%dma_wait3A_304, %dma_wait3A_305] : memref<10112x16xf32, #tpu.memory_space<hbm>> -> memref<512x16xf32, #tpu.memory_space<hbm>>
        tpu.wait_dma2 semaphore(%dma_wait3A_299 : memref<!tpu.dma_semaphore, #tpu.memory_space<semaphore_mem>>) src(%dma_wait3A_306 : memref<512x16xf32, #tpu.memory_space<hbm>>) dst(%dma_wait3A_303 : memref<512x16xf32, #tpu.memory_space<vmem>>)
        %add3A_307 = arith.constant 4 : i32
        %add3A_308 = arith.addi %add3A_100, %add3A_307 : i32
        %add3A_309 = arith.constant 2 : i32
        %add3A_310 = arith.addi %add3A_308, %add3A_309 : i32
        %lt3A_311 = arith.constant 20 : i32
        %lt3A_312 = arith.cmpi slt, %add3A_310, %lt3A_311 : i32
        %convert_element_type3A_313 = arith.extui %lt3A_312 : i1 to i32
        %cond3A_314 = arith.constant 0 : i32
        %cond3A_315 = arith.cmpi ne, %convert_element_type3A_313, %cond3A_314 : i32
        scf.if %cond3A_315 {
          %add3A_343 = arith.constant 4 : i32
          %add3A_344 = arith.addi %add3A_100, %add3A_343 : i32
          %add3A_345 = arith.constant 2 : i32
          %add3A_346 = arith.addi %add3A_344, %add3A_345 : i32
          %dma_start3A_347 = arith.constant 2 : i32
          %dma_start3A_348 = arith.constant 2 : i32
          %dma_start3A_349 = arith.constant 0 : i32
          %dma_start3A_350 = arith.constant 0 : i32
          %dma_start3A_351 = tpu.memref_slice %arg9[%dma_start3A_347, %dma_start3A_349, %dma_start3A_350] : memref<4x512x16xf32, #tpu.memory_space<vmem>> -> memref<1x512x16xf32, #tpu.memory_space<vmem>>
          %dma_start3A_352 = tpu.memref_squeeze %dma_start3A_351 : memref<1x512x16xf32, #tpu.memory_space<vmem>> -> memref<512x16xf32, #tpu.memory_space<vmem>>
          %dma_start3A_353 = arith.constant 0 : i32
          %dma_start3A_354 = tpu.memref_slice %arg7[%add3A_346, %dma_start3A_353] : memref<20x512xi32, #tpu.memory_space<vmem>> -> memref<1x512xi32, #tpu.memory_space<vmem>>
          %dma_start3A_355 = tpu.memref_squeeze %dma_start3A_354 : memref<1x512xi32, #tpu.memory_space<vmem>> -> memref<512xi32, #tpu.memory_space<vmem>>
          %dma_start3A_356 = arith.constant 0 : i32
          %dma_start3A_357 = arith.constant 0 : i32
          %dma_start3A_358 = tpu.memref_slice %arg2[%dma_start3A_356, %dma_start3A_357] : memref<10112x16xf32, #tpu.memory_space<hbm>> -> memref<10112x16xf32, #tpu.memory_space<hbm>>
          %dma_start3A_359 = tpu.memref_slice %arg11[%dma_start3A_348] : memref<4x!tpu.dma_semaphore, #tpu.memory_space<semaphore_mem>> -> memref<1x!tpu.dma_semaphore, #tpu.memory_space<semaphore_mem>>
          %dma_start3A_360 = tpu.memref_squeeze %dma_start3A_359 : memref<1x!tpu.dma_semaphore, #tpu.memory_space<semaphore_mem>> -> memref<!tpu.dma_semaphore, #tpu.memory_space<semaphore_mem>>
          tpu.enqueue_indirect_dma source(%dma_start3A_358 : memref<10112x16xf32, #tpu.memory_space<hbm>>) target(%dma_start3A_352 : memref<512x16xf32, #tpu.memory_space<vmem>>) offsets(%dma_start3A_355 : memref<512xi32, #tpu.memory_space<vmem>>) semaphore(%dma_start3A_360 : memref<!tpu.dma_semaphore, #tpu.memory_space<semaphore_mem>>)
        } else {
        }
        %dma_wait3A_316 = arith.constant 3 : i32
        %dma_wait3A_317 = arith.constant 3 : i32
        %dma_wait3A_318 = arith.constant 0 : i32
        %dma_wait3A_319 = arith.constant 0 : i32
        %dma_wait3A_320 = tpu.memref_slice %arg9[%dma_wait3A_316, %dma_wait3A_318, %dma_wait3A_319] : memref<4x512x16xf32, #tpu.memory_space<vmem>> -> memref<1x512x16xf32, #tpu.memory_space<vmem>>
        %dma_wait3A_321 = tpu.memref_squeeze %dma_wait3A_320 : memref<1x512x16xf32, #tpu.memory_space<vmem>> -> memref<512x16xf32, #tpu.memory_space<vmem>>
        %dma_wait3A_322 = arith.constant 0 : i32
        %dma_wait3A_323 = arith.constant 0 : i32
        %dma_wait3A_324 = tpu.memref_slice %arg5[%dma_wait3A_322, %dma_wait3A_323] : memref<10112x16xf32, #tpu.memory_space<hbm>> -> memref<512x16xf32, #tpu.memory_space<hbm>>
        %dma_wait3A_325 = tpu.memref_slice %arg12[%dma_wait3A_317] : memref<4x!tpu.dma_semaphore, #tpu.memory_space<semaphore_mem>> -> memref<1x!tpu.dma_semaphore, #tpu.memory_space<semaphore_mem>>
        %dma_wait3A_326 = tpu.memref_squeeze %dma_wait3A_325 : memref<1x!tpu.dma_semaphore, #tpu.memory_space<semaphore_mem>> -> memref<!tpu.dma_semaphore, #tpu.memory_space<semaphore_mem>>
        %dma_wait3A_327 = arith.constant 0 : i32
        %dma_wait3A_328 = arith.constant 0 : i32
        %dma_wait3A_329 = tpu.memref_slice %arg9[%dma_wait3A_316, %dma_wait3A_327, %dma_wait3A_328] : memref<4x512x16xf32, #tpu.memory_space<vmem>> -> memref<1x512x16xf32, #tpu.memory_space<vmem>>
        %dma_wait3A_330 = tpu.memref_squeeze %dma_wait3A_329 : memref<1x512x16xf32, #tpu.memory_space<vmem>> -> memref<512x16xf32, #tpu.memory_space<vmem>>
        %dma_wait3A_331 = arith.constant 0 : i32
        %dma_wait3A_332 = arith.constant 0 : i32
        %dma_wait3A_333 = tpu.memref_slice %arg5[%dma_wait3A_331, %dma_wait3A_332] : memref<10112x16xf32, #tpu.memory_space<hbm>> -> memref<512x16xf32, #tpu.memory_space<hbm>>
        tpu.wait_dma2 semaphore(%dma_wait3A_326 : memref<!tpu.dma_semaphore, #tpu.memory_space<semaphore_mem>>) src(%dma_wait3A_333 : memref<512x16xf32, #tpu.memory_space<hbm>>) dst(%dma_wait3A_330 : memref<512x16xf32, #tpu.memory_space<vmem>>)
        %add3A_334 = arith.constant 4 : i32
        %add3A_335 = arith.addi %add3A_100, %add3A_334 : i32
        %add3A_336 = arith.constant 3 : i32
        %add3A_337 = arith.addi %add3A_335, %add3A_336 : i32
        %lt3A_338 = arith.constant 20 : i32
        %lt3A_339 = arith.cmpi slt, %add3A_337, %lt3A_338 : i32
        %convert_element_type3A_340 = arith.extui %lt3A_339 : i1 to i32
        %cond3A_341 = arith.constant 0 : i32
        %cond3A_342 = arith.cmpi ne, %convert_element_type3A_340, %cond3A_341 : i32
        scf.if %cond3A_342 {
          %add3A_343 = arith.constant 4 : i32
          %add3A_344 = arith.addi %add3A_100, %add3A_343 : i32
          %add3A_345 = arith.constant 3 : i32
          %add3A_346 = arith.addi %add3A_344, %add3A_345 : i32
          %dma_start3A_347 = arith.constant 3 : i32
          %dma_start3A_348 = arith.constant 3 : i32
          %dma_start3A_349 = arith.constant 0 : i32
          %dma_start3A_350 = arith.constant 0 : i32
          %dma_start3A_351 = tpu.memref_slice %arg9[%dma_start3A_347, %dma_start3A_349, %dma_start3A_350] : memref<4x512x16xf32, #tpu.memory_space<vmem>> -> memref<1x512x16xf32, #tpu.memory_space<vmem>>
          %dma_start3A_352 = tpu.memref_squeeze %dma_start3A_351 : memref<1x512x16xf32, #tpu.memory_space<vmem>> -> memref<512x16xf32, #tpu.memory_space<vmem>>
          %dma_start3A_353 = arith.constant 0 : i32
          %dma_start3A_354 = tpu.memref_slice %arg7[%add3A_346, %dma_start3A_353] : memref<20x512xi32, #tpu.memory_space<vmem>> -> memref<1x512xi32, #tpu.memory_space<vmem>>
          %dma_start3A_355 = tpu.memref_squeeze %dma_start3A_354 : memref<1x512xi32, #tpu.memory_space<vmem>> -> memref<512xi32, #tpu.memory_space<vmem>>
          %dma_start3A_356 = arith.constant 0 : i32
          %dma_start3A_357 = arith.constant 0 : i32
          %dma_start3A_358 = tpu.memref_slice %arg2[%dma_start3A_356, %dma_start3A_357] : memref<10112x16xf32, #tpu.memory_space<hbm>> -> memref<10112x16xf32, #tpu.memory_space<hbm>>
          %dma_start3A_359 = tpu.memref_slice %arg11[%dma_start3A_348] : memref<4x!tpu.dma_semaphore, #tpu.memory_space<semaphore_mem>> -> memref<1x!tpu.dma_semaphore, #tpu.memory_space<semaphore_mem>>
          %dma_start3A_360 = tpu.memref_squeeze %dma_start3A_359 : memref<1x!tpu.dma_semaphore, #tpu.memory_space<semaphore_mem>> -> memref<!tpu.dma_semaphore, #tpu.memory_space<semaphore_mem>>
          tpu.enqueue_indirect_dma source(%dma_start3A_358 : memref<10112x16xf32, #tpu.memory_space<hbm>>) target(%dma_start3A_352 : memref<512x16xf32, #tpu.memory_space<vmem>>) offsets(%dma_start3A_355 : memref<512xi32, #tpu.memory_space<vmem>>) semaphore(%dma_start3A_360 : memref<!tpu.dma_semaphore, #tpu.memory_space<semaphore_mem>>)
        } else {
        }
      }
      %scan3A_95 = arith.constant 5 : i32
    } else {
    }
    %barrier3A = arith.constant 0 : index
    tpu.barrier barrier_id(%barrier3A)
    %mul3A_10 = arith.constant 632 : i32
    %mul3A_11 = arith.muli %arg1, %mul3A_10 : i32
    %mul3A_12 = arith.constant 632 : i32
    %mul3A_13 = arith.muli %arg1, %mul3A_12 : i32
    "tpu.region"() ({
      %run_scoped3A = tpu.sem_alloc : memref<!tpu.dma_semaphore, #tpu.memory_space<semaphore_mem>>
      %dma_start3A = arith.constant 0 : i32
      %dma_start3A_14 = arith.constant 0 : i32
      %dma_start3A_15 = tpu.memref_slice %arg6[%arg0, %dma_start3A, %dma_start3A_14] : memref<2x10112x16xf32, #tpu.memory_space<hbm>> -> memref<1x10112x16xf32, #tpu.memory_space<hbm>>
      %dma_start3A_16 = tpu.memref_squeeze %dma_start3A_15 : memref<1x10112x16xf32, #tpu.memory_space<hbm>> -> memref<10112x16xf32, #tpu.memory_space<hbm>>
      %dma_start3A_17 = arith.constant 0 : i32
      %dma_start3A_18 = tpu.memref_slice %dma_start3A_16[%mul3A_13, %dma_start3A_17] : memref<10112x16xf32, #tpu.memory_space<hbm>> -> memref<632x16xf32, #tpu.memory_space<hbm>>
      %dma_start3A_19 = arith.constant 0 : i32
      %dma_start3A_20 = tpu.memref_slice %arg10[%mul3A_11, %dma_start3A_19] : memref<10112x16xf32, #tpu.memory_space<vmem_shared>> -> memref<632x16xf32, #tpu.memory_space<vmem_shared>>
      tpu.enqueue_dma source(%dma_start3A_20 : memref<632x16xf32, #tpu.memory_space<vmem_shared>>) target(%dma_start3A_18 : memref<632x16xf32, #tpu.memory_space<hbm>>) target_semaphore(%run_scoped3A : memref<!tpu.dma_semaphore, #tpu.memory_space<semaphore_mem>>)
      %dma_wait3A = arith.constant 0 : i32
      %dma_wait3A_21 = arith.constant 0 : i32
      %dma_wait3A_22 = tpu.memref_slice %arg6[%arg0, %dma_wait3A, %dma_wait3A_21] : memref<2x10112x16xf32, #tpu.memory_space<hbm>> -> memref<1x10112x16xf32, #tpu.memory_space<hbm>>
      %dma_wait3A_23 = tpu.memref_squeeze %dma_wait3A_22 : memref<1x10112x16xf32, #tpu.memory_space<hbm>> -> memref<10112x16xf32, #tpu.memory_space<hbm>>
      %dma_wait3A_24 = arith.constant 0 : i32
      %dma_wait3A_25 = tpu.memref_slice %dma_wait3A_23[%mul3A_13, %dma_wait3A_24] : memref<10112x16xf32, #tpu.memory_space<hbm>> -> memref<632x16xf32, #tpu.memory_space<hbm>>
      %dma_wait3A_26 = arith.constant 0 : i32
      %dma_wait3A_27 = tpu.memref_slice %arg10[%mul3A_11, %dma_wait3A_26] : memref<10112x16xf32, #tpu.memory_space<vmem_shared>> -> memref<632x16xf32, #tpu.memory_space<vmem_shared>>
      tpu.wait_dma2 semaphore(%run_scoped3A : memref<!tpu.dma_semaphore, #tpu.memory_space<semaphore_mem>>) src(%dma_wait3A_27 : memref<632x16xf32, #tpu.memory_space<vmem_shared>>) dst(%dma_wait3A_25 : memref<632x16xf32, #tpu.memory_space<hbm>>)
      tpu.yield
    }) : () -> ()
    return
  }
}

#map = affine_map<(d0, d1) -> (0, 0)>
#map1 = affine_map<(d0, d1) -> (0, 0, 0)>
module attributes {stable_mosaic.version = 14 : i64} {
  func.func @k(%arg0: i32, %arg1: i32, %arg2: memref<640x512xi32, #tpu.memory_space<hbm>>, %arg3: memref<512x16xf32, #tpu.memory_space<hbm>>, %arg4: memref<10112x16xf32, #tpu.memory_space<hbm>>, %arg5: memref<2x10112x16xf32, #tpu.memory_space<hbm>>, %arg6: memref<20x512xi32, #tpu.memory_space<vmem>>, %arg7: memref<512x16xf32, #tpu.memory_space<vmem>>, %arg8: memref<10112x16xf32, #tpu.memory_space<vmem_shared>>, %arg9: memref<!tpu.dma_semaphore, #tpu.memory_space<semaphore_mem>>) attributes {dimension_semantics = [#tpu.dimension_semantics<core_parallel>, #tpu.dimension_semantics<subcore_parallel>], iteration_bounds = array<i64: 2, 16>, scalar_prefetch = 0 : i64, scratch_operands = 4 : i64, tpu.core_type = #tpu.core_type<sc_vector_subcore>, window_params = [{transform_indices = #map}, {transform_indices = #map}, {transform_indices = #map}, {transform_indices = #map1}]} {
    %mul3A = arith.constant 2 : i32
    %mul3A_0 = arith.muli %arg1, %mul3A : i32
    %add3A = arith.addi %mul3A_0, %arg0 : i32
    %mul3A_1 = arith.constant 632 : i32
    %mul3A_2 = arith.muli %arg1, %mul3A_1 : i32
    %mul3A_3 = arith.constant 632 : i32
    %mul3A_4 = arith.muli %arg1, %mul3A_3 : i32
    "tpu.region"() ({
      %run_scoped3A = tpu.sem_alloc : memref<!tpu.dma_semaphore, #tpu.memory_space<semaphore_mem>>
      %dma_start3A = arith.constant 0 : i32
      %dma_start3A_21 = tpu.memref_slice %arg8[%mul3A_4, %dma_start3A] : memref<10112x16xf32, #tpu.memory_space<vmem_shared>> -> memref<632x16xf32, #tpu.memory_space<vmem_shared>>
      %dma_start3A_22 = arith.constant 0 : i32
      %dma_start3A_23 = tpu.memref_slice %arg4[%mul3A_2, %dma_start3A_22] : memref<10112x16xf32, #tpu.memory_space<hbm>> -> memref<632x16xf32, #tpu.memory_space<hbm>>
      tpu.enqueue_dma source(%dma_start3A_23 : memref<632x16xf32, #tpu.memory_space<hbm>>) target(%dma_start3A_21 : memref<632x16xf32, #tpu.memory_space<vmem_shared>>) target_semaphore(%run_scoped3A : memref<!tpu.dma_semaphore, #tpu.memory_space<semaphore_mem>>)
      %dma_wait3A = arith.constant 0 : i32
      %dma_wait3A_24 = tpu.memref_slice %arg8[%mul3A_4, %dma_wait3A] : memref<10112x16xf32, #tpu.memory_space<vmem_shared>> -> memref<632x16xf32, #tpu.memory_space<vmem_shared>>
      %dma_wait3A_25 = arith.constant 0 : i32
      %dma_wait3A_26 = tpu.memref_slice %arg4[%mul3A_2, %dma_wait3A_25] : memref<10112x16xf32, #tpu.memory_space<hbm>> -> memref<632x16xf32, #tpu.memory_space<hbm>>
      tpu.wait_dma2 semaphore(%run_scoped3A : memref<!tpu.dma_semaphore, #tpu.memory_space<semaphore_mem>>) src(%dma_wait3A_26 : memref<632x16xf32, #tpu.memory_space<hbm>>) dst(%dma_wait3A_24 : memref<632x16xf32, #tpu.memory_space<vmem_shared>>)
      tpu.yield
    }) : () -> ()
    %mul3A_5 = arith.constant 20 : i32
    %mul3A_6 = arith.muli %add3A, %mul3A_5 : i32
    "tpu.region"() ({
      %run_scoped3A = tpu.sem_alloc : memref<!tpu.dma_semaphore, #tpu.memory_space<semaphore_mem>>
      %dma_start3A = arith.constant 0 : i32
      %dma_start3A_21 = tpu.memref_slice %arg2[%mul3A_6, %dma_start3A] : memref<640x512xi32, #tpu.memory_space<hbm>> -> memref<20x512xi32, #tpu.memory_space<hbm>>
      %dma_start3A_22 = arith.constant 0 : i32
      %dma_start3A_23 = tpu.memref_slice %arg2[%mul3A_6, %dma_start3A_22] : memref<640x512xi32, #tpu.memory_space<hbm>> -> memref<20x512xi32, #tpu.memory_space<hbm>>
      tpu.enqueue_dma source(%dma_start3A_23 : memref<20x512xi32, #tpu.memory_space<hbm>>) target(%arg6 : memref<20x512xi32, #tpu.memory_space<vmem>>) target_semaphore(%run_scoped3A : memref<!tpu.dma_semaphore, #tpu.memory_space<semaphore_mem>>)
      %dma_wait3A = arith.constant 0 : i32
      %dma_wait3A_24 = tpu.memref_slice %arg2[%mul3A_6, %dma_wait3A] : memref<640x512xi32, #tpu.memory_space<hbm>> -> memref<20x512xi32, #tpu.memory_space<hbm>>
      %dma_wait3A_25 = arith.constant 0 : i32
      %dma_wait3A_26 = tpu.memref_slice %arg2[%mul3A_6, %dma_wait3A_25] : memref<640x512xi32, #tpu.memory_space<hbm>> -> memref<20x512xi32, #tpu.memory_space<hbm>>
      tpu.wait_dma2 semaphore(%run_scoped3A : memref<!tpu.dma_semaphore, #tpu.memory_space<semaphore_mem>>) src(%dma_wait3A_26 : memref<20x512xi32, #tpu.memory_space<hbm>>) dst(%arg6 : memref<20x512xi32, #tpu.memory_space<vmem>>)
      tpu.yield
    }) : () -> ()
    "tpu.region"() ({
      %run_scoped3A = tpu.sem_alloc : memref<!tpu.dma_semaphore, #tpu.memory_space<semaphore_mem>>
      tpu.enqueue_dma source(%arg3 : memref<512x16xf32, #tpu.memory_space<hbm>>) target(%arg7 : memref<512x16xf32, #tpu.memory_space<vmem>>) target_semaphore(%run_scoped3A : memref<!tpu.dma_semaphore, #tpu.memory_space<semaphore_mem>>)
      tpu.wait_dma2 semaphore(%run_scoped3A : memref<!tpu.dma_semaphore, #tpu.memory_space<semaphore_mem>>) src(%arg3 : memref<512x16xf32, #tpu.memory_space<hbm>>) dst(%arg7 : memref<512x16xf32, #tpu.memory_space<vmem>>)
      tpu.yield
    }) : () -> ()
    %barrier3A = arith.constant 0 : index
    tpu.barrier barrier_id(%barrier3A)
    %scan3A = arith.constant 0 : i32
    %scan3A_7 = arith.constant 20 : i32
    %scan3A_8 = arith.addi %scan3A, %scan3A_7 : i32
    %scan3A_9 = arith.constant 1 : i32
    scf.for %scan3A_21 = %scan3A to %scan3A_8 step %scan3A_9  : i32 {
      %mul3A_22 = arith.constant 1 : i32
      %mul3A_23 = arith.muli %scan3A_21, %mul3A_22 : i32
      %add3A_24 = arith.constant 0 : i32
      %add3A_25 = arith.addi %add3A_24, %mul3A_23 : i32
      %dma_start3A = arith.constant 0 : i32
      %dma_start3A_26 = tpu.memref_slice %arg6[%add3A_25, %dma_start3A] : memref<20x512xi32, #tpu.memory_space<vmem>> -> memref<1x512xi32, #tpu.memory_space<vmem>>
      %dma_start3A_27 = tpu.memref_squeeze %dma_start3A_26 : memref<1x512xi32, #tpu.memory_space<vmem>> -> memref<512xi32, #tpu.memory_space<vmem>>
      %dma_start3A_28 = arith.constant 0 : i32
      %dma_start3A_29 = arith.constant 0 : i32
      %dma_start3A_30 = tpu.memref_slice %arg8[%dma_start3A_28, %dma_start3A_29] : memref<10112x16xf32, #tpu.memory_space<vmem_shared>> -> memref<10112x16xf32, #tpu.memory_space<vmem_shared>>
      tpu.enqueue_indirect_dma source(%arg7 : memref<512x16xf32, #tpu.memory_space<vmem>>) target(%dma_start3A_30 : memref<10112x16xf32, #tpu.memory_space<vmem_shared>>) offsets(%dma_start3A_27 : memref<512xi32, #tpu.memory_space<vmem>>) semaphore(%arg9 : memref<!tpu.dma_semaphore, #tpu.memory_space<semaphore_mem>>) {add = true}
    }
    %scan3A_10 = arith.constant 20 : i32
    %scan3A_11 = arith.constant 0 : i32
    %scan3A_12 = arith.constant 20 : i32
    %scan3A_13 = arith.addi %scan3A_11, %scan3A_12 : i32
    %scan3A_14 = arith.constant 1 : i32
    scf.for %scan3A_21 = %scan3A_11 to %scan3A_13 step %scan3A_14  : i32 {
      %mul3A_22 = arith.constant 1 : i32
      %mul3A_23 = arith.muli %scan3A_21, %mul3A_22 : i32
      %add3A_24 = arith.constant 0 : i32
      %add3A_25 = arith.addi %add3A_24, %mul3A_23 : i32
      tpu.wait_dma2 semaphore(%arg9 : memref<!tpu.dma_semaphore, #tpu.memory_space<semaphore_mem>>) src(%arg3 : memref<512x16xf32, #tpu.memory_space<hbm>>) dst(%arg7 : memref<512x16xf32, #tpu.memory_space<vmem>>)
    }
    %scan3A_15 = arith.constant 20 : i32
    %barrier3A_16 = arith.constant 0 : index
    tpu.barrier barrier_id(%barrier3A_16)
    %mul3A_17 = arith.constant 632 : i32
    %mul3A_18 = arith.muli %arg1, %mul3A_17 : i32
    %mul3A_19 = arith.constant 632 : i32
    %mul3A_20 = arith.muli %arg1, %mul3A_19 : i32
    "tpu.region"() ({
      %run_scoped3A = tpu.sem_alloc : memref<!tpu.dma_semaphore, #tpu.memory_space<semaphore_mem>>
      %dma_start3A = arith.constant 0 : i32
      %dma_start3A_21 = arith.constant 0 : i32
      %dma_start3A_22 = tpu.memref_slice %arg5[%arg0, %dma_start3A, %dma_start3A_21] : memref<2x10112x16xf32, #tpu.memory_space<hbm>> -> memref<1x10112x16xf32, #tpu.memory_space<hbm>>
      %dma_start3A_23 = tpu.memref_squeeze %dma_start3A_22 : memref<1x10112x16xf32, #tpu.memory_space<hbm>> -> memref<10112x16xf32, #tpu.memory_space<hbm>>
      %dma_start3A_24 = arith.constant 0 : i32
      %dma_start3A_25 = tpu.memref_slice %dma_start3A_23[%mul3A_20, %dma_start3A_24] : memref<10112x16xf32, #tpu.memory_space<hbm>> -> memref<632x16xf32, #tpu.memory_space<hbm>>
      %dma_start3A_26 = arith.constant 0 : i32
      %dma_start3A_27 = tpu.memref_slice %arg8[%mul3A_18, %dma_start3A_26] : memref<10112x16xf32, #tpu.memory_space<vmem_shared>> -> memref<632x16xf32, #tpu.memory_space<vmem_shared>>
      tpu.enqueue_dma source(%dma_start3A_27 : memref<632x16xf32, #tpu.memory_space<vmem_shared>>) target(%dma_start3A_25 : memref<632x16xf32, #tpu.memory_space<hbm>>) target_semaphore(%run_scoped3A : memref<!tpu.dma_semaphore, #tpu.memory_space<semaphore_mem>>)
      %dma_wait3A = arith.constant 0 : i32
      %dma_wait3A_28 = arith.constant 0 : i32
      %dma_wait3A_29 = tpu.memref_slice %arg5[%arg0, %dma_wait3A, %dma_wait3A_28] : memref<2x10112x16xf32, #tpu.memory_space<hbm>> -> memref<1x10112x16xf32, #tpu.memory_space<hbm>>
      %dma_wait3A_30 = tpu.memref_squeeze %dma_wait3A_29 : memref<1x10112x16xf32, #tpu.memory_space<hbm>> -> memref<10112x16xf32, #tpu.memory_space<hbm>>
      %dma_wait3A_31 = arith.constant 0 : i32
      %dma_wait3A_32 = tpu.memref_slice %dma_wait3A_30[%mul3A_20, %dma_wait3A_31] : memref<10112x16xf32, #tpu.memory_space<hbm>> -> memref<632x16xf32, #tpu.memory_space<hbm>>
      %dma_wait3A_33 = arith.constant 0 : i32
      %dma_wait3A_34 = tpu.memref_slice %arg8[%mul3A_18, %dma_wait3A_33] : memref<10112x16xf32, #tpu.memory_space<vmem_shared>> -> memref<632x16xf32, #tpu.memory_space<vmem_shared>>
      tpu.wait_dma2 semaphore(%run_scoped3A : memref<!tpu.dma_semaphore, #tpu.memory_space<semaphore_mem>>) src(%dma_wait3A_34 : memref<632x16xf32, #tpu.memory_space<vmem_shared>>) dst(%dma_wait3A_32 : memref<632x16xf32, #tpu.memory_space<hbm>>)
      tpu.yield
    }) : () -> ()
    return
  }
}

#map = affine_map<(d0, d1) -> (0, 0)>
#map1 = affine_map<(d0, d1) -> (0, 0, 0)>
module attributes {stable_mosaic.version = 14 : i64} {
  func.func @k(%arg0: i32, %arg1: i32, %arg2: memref<10112x64xf32, #tpu.memory_space<hbm>>, %arg3: memref<640x512xi32, #tpu.memory_space<hbm>>, %arg4: memref<640x512xi32, #tpu.memory_space<hbm>>, %arg5: memref<10112x64xf32, #tpu.memory_space<hbm>>, %arg6: memref<2x10112x64xf32, #tpu.memory_space<hbm>>, %arg7: memref<20x512xi32, #tpu.memory_space<vmem>>, %arg8: memref<20x512xi32, #tpu.memory_space<vmem>>, %arg9: memref<2x512x64xf32, #tpu.memory_space<vmem>>, %arg10: memref<10112x64xf32, #tpu.memory_space<vmem_shared>>, %arg11: memref<2x!tpu.dma_semaphore, #tpu.memory_space<semaphore_mem>>, %arg12: memref<2x!tpu.dma_semaphore, #tpu.memory_space<semaphore_mem>>) attributes {dimension_semantics = [#tpu.dimension_semantics<core_parallel>, #tpu.dimension_semantics<subcore_parallel>], iteration_bounds = array<i64: 2, 16>, scalar_prefetch = 0 : i64, scratch_operands = 6 : i64, tpu.core_type = #tpu.core_type<sc_vector_subcore>, window_params = [{transform_indices = #map}, {transform_indices = #map}, {transform_indices = #map}, {transform_indices = #map}, {transform_indices = #map1}]} {
    %mul3A = arith.constant 632 : i32
    %mul3A_0 = arith.muli %arg1, %mul3A : i32
    %mul3A_1 = arith.constant 632 : i32
    %mul3A_2 = arith.muli %arg1, %mul3A_1 : i32
    "tpu.region"() ({
      %run_scoped3A = tpu.sem_alloc : memref<!tpu.dma_semaphore, #tpu.memory_space<semaphore_mem>>
      %dma_start3A = arith.constant 0 : i32
      %dma_start3A_14 = tpu.memref_slice %arg10[%mul3A_2, %dma_start3A] : memref<10112x64xf32, #tpu.memory_space<vmem_shared>> -> memref<632x64xf32, #tpu.memory_space<vmem_shared>>
      %dma_start3A_15 = arith.constant 0 : i32
      %dma_start3A_16 = tpu.memref_slice %arg5[%mul3A_0, %dma_start3A_15] : memref<10112x64xf32, #tpu.memory_space<hbm>> -> memref<632x64xf32, #tpu.memory_space<hbm>>
      tpu.enqueue_dma source(%dma_start3A_16 : memref<632x64xf32, #tpu.memory_space<hbm>>) target(%dma_start3A_14 : memref<632x64xf32, #tpu.memory_space<vmem_shared>>) target_semaphore(%run_scoped3A : memref<!tpu.dma_semaphore, #tpu.memory_space<semaphore_mem>>)
      %dma_wait3A = arith.constant 0 : i32
      %dma_wait3A_17 = tpu.memref_slice %arg10[%mul3A_2, %dma_wait3A] : memref<10112x64xf32, #tpu.memory_space<vmem_shared>> -> memref<632x64xf32, #tpu.memory_space<vmem_shared>>
      %dma_wait3A_18 = arith.constant 0 : i32
      %dma_wait3A_19 = tpu.memref_slice %arg5[%mul3A_0, %dma_wait3A_18] : memref<10112x64xf32, #tpu.memory_space<hbm>> -> memref<632x64xf32, #tpu.memory_space<hbm>>
      tpu.wait_dma2 semaphore(%run_scoped3A : memref<!tpu.dma_semaphore, #tpu.memory_space<semaphore_mem>>) src(%dma_wait3A_19 : memref<632x64xf32, #tpu.memory_space<hbm>>) dst(%dma_wait3A_17 : memref<632x64xf32, #tpu.memory_space<vmem_shared>>)
      tpu.yield
    }) : () -> ()
    %eq3A = arith.constant 0 : i32
    %eq3A_3 = arith.cmpi eq, %arg0, %eq3A : i32
    %convert_element_type3A = arith.extui %eq3A_3 : i1 to i32
    %cond3A = arith.constant 0 : i32
    %cond3A_4 = arith.cmpi ne, %convert_element_type3A, %cond3A : i32
    scf.if %cond3A_4 {
      %mul3A_14 = arith.constant 80 : i32
      %mul3A_15 = arith.muli %arg1, %mul3A_14 : i32
      %jit3A = arith.constant 4 : i32
      %div3A = arith.divsi %mul3A_15, %jit3A : i32
      %sign3A = arith.constant 0 : i32
      %sign3A_16 = arith.cmpi sgt, %mul3A_15, %sign3A : i32
      %sign3A_17 = arith.extui %sign3A_16 : i1 to i32
      %sign3A_18 = arith.constant 0 : i32
      %sign3A_19 = arith.cmpi slt, %mul3A_15, %sign3A_18 : i32
      %sign3A_20 = arith.extui %sign3A_19 : i1 to i32
      %sign3A_21 = arith.subi %sign3A_17, %sign3A_20 : i32
      %sign3A_22 = arith.constant 0 : i32
      %sign3A_23 = arith.cmpi sgt, %jit3A, %sign3A_22 : i32
      %sign3A_24 = arith.extui %sign3A_23 : i1 to i32
      %sign3A_25 = arith.constant 0 : i32
      %sign3A_26 = arith.cmpi slt, %jit3A, %sign3A_25 : i32
      %sign3A_27 = arith.extui %sign3A_26 : i1 to i32
      %sign3A_28 = arith.subi %sign3A_24, %sign3A_27 : i32
      %ne3A = arith.cmpi ne, %sign3A_21, %sign3A_28 : i32
      %rem3A = arith.remsi %mul3A_15, %jit3A : i32
      %ne3A_29 = arith.constant 0 : i32
      %ne3A_30 = arith.cmpi ne, %rem3A, %ne3A_29 : i32
      %and3A = arith.andi %ne3A, %ne3A_30 : i1
      %sub3A = arith.constant 1 : i32
      %sub3A_31 = arith.subi %div3A, %sub3A : i32
      %select_n3A = arith.select %and3A, %sub3A_31, %div3A : i32
      "tpu.region"() ({
        %run_scoped3A = tpu.sem_alloc : memref<!tpu.dma_semaphore, #tpu.memory_space<semaphore_mem>>
        %dma_start3A_65 = arith.constant 0 : i32
        %dma_start3A_66 = arith.constant 0 : i32
        %dma_start3A_67 = tpu.memref_slice %arg7[%dma_start3A_65, %dma_start3A_66] : memref<20x512xi32, #tpu.memory_space<vmem>> -> memref<20x512xi32, #tpu.memory_space<vmem>>
        %dma_start3A_68 = arith.constant 0 : i32
        %dma_start3A_69 = tpu.memref_slice %arg3[%select_n3A, %dma_start3A_68] : memref<640x512xi32, #tpu.memory_space<hbm>> -> memref<20x512xi32, #tpu.memory_space<hbm>>
        %dma_start3A_70 = arith.constant 0 : i32
        %dma_start3A_71 = arith.constant 0 : i32
        %dma_start3A_72 = tpu.memref_slice %arg7[%dma_start3A_70, %dma_start3A_71] : memref<20x512xi32, #tpu.memory_space<vmem>> -> memref<20x512xi32, #tpu.memory_space<vmem>>
        %dma_start3A_73 = arith.constant 0 : i32
        %dma_start3A_74 = tpu.memref_slice %arg3[%select_n3A, %dma_start3A_73] : memref<640x512xi32, #tpu.memory_space<hbm>> -> memref<20x512xi32, #tpu.memory_space<hbm>>
        tpu.enqueue_dma source(%dma_start3A_74 : memref<20x512xi32, #tpu.memory_space<hbm>>) target(%dma_start3A_72 : memref<20x512xi32, #tpu.memory_space<vmem>>) target_semaphore(%run_scoped3A : memref<!tpu.dma_semaphore, #tpu.memory_space<semaphore_mem>>)
        %dma_wait3A = arith.constant 0 : i32
        %dma_wait3A_75 = arith.constant 0 : i32
        %dma_wait3A_76 = tpu.memref_slice %arg7[%dma_wait3A, %dma_wait3A_75] : memref<20x512xi32, #tpu.memory_space<vmem>> -> memref<20x512xi32, #tpu.memory_space<vmem>>
        %dma_wait3A_77 = arith.constant 0 : i32
        %dma_wait3A_78 = tpu.memref_slice %arg3[%select_n3A, %dma_wait3A_77] : memref<640x512xi32, #tpu.memory_space<hbm>> -> memref<20x512xi32, #tpu.memory_space<hbm>>
        %dma_wait3A_79 = arith.constant 0 : i32
        %dma_wait3A_80 = arith.constant 0 : i32
        %dma_wait3A_81 = tpu.memref_slice %arg7[%dma_wait3A_79, %dma_wait3A_80] : memref<20x512xi32, #tpu.memory_space<vmem>> -> memref<20x512xi32, #tpu.memory_space<vmem>>
        %dma_wait3A_82 = arith.constant 0 : i32
        %dma_wait3A_83 = tpu.memref_slice %arg3[%select_n3A, %dma_wait3A_82] : memref<640x512xi32, #tpu.memory_space<hbm>> -> memref<20x512xi32, #tpu.memory_space<hbm>>
        tpu.wait_dma2 semaphore(%run_scoped3A : memref<!tpu.dma_semaphore, #tpu.memory_space<semaphore_mem>>) src(%dma_wait3A_83 : memref<20x512xi32, #tpu.memory_space<hbm>>) dst(%dma_wait3A_81 : memref<20x512xi32, #tpu.memory_space<vmem>>)
        tpu.yield
      }) : () -> ()
      "tpu.region"() ({
        %run_scoped3A = tpu.sem_alloc : memref<!tpu.dma_semaphore, #tpu.memory_space<semaphore_mem>>
        %dma_start3A_65 = arith.constant 0 : i32
        %dma_start3A_66 = arith.constant 0 : i32
        %dma_start3A_67 = tpu.memref_slice %arg8[%dma_start3A_65, %dma_start3A_66] : memref<20x512xi32, #tpu.memory_space<vmem>> -> memref<20x512xi32, #tpu.memory_space<vmem>>
        %dma_start3A_68 = arith.constant 0 : i32
        %dma_start3A_69 = tpu.memref_slice %arg4[%select_n3A, %dma_start3A_68] : memref<640x512xi32, #tpu.memory_space<hbm>> -> memref<20x512xi32, #tpu.memory_space<hbm>>
        %dma_start3A_70 = arith.constant 0 : i32
        %dma_start3A_71 = arith.constant 0 : i32
        %dma_start3A_72 = tpu.memref_slice %arg8[%dma_start3A_70, %dma_start3A_71] : memref<20x512xi32, #tpu.memory_space<vmem>> -> memref<20x512xi32, #tpu.memory_space<vmem>>
        %dma_start3A_73 = arith.constant 0 : i32
        %dma_start3A_74 = tpu.memref_slice %arg4[%select_n3A, %dma_start3A_73] : memref<640x512xi32, #tpu.memory_space<hbm>> -> memref<20x512xi32, #tpu.memory_space<hbm>>
        tpu.enqueue_dma source(%dma_start3A_74 : memref<20x512xi32, #tpu.memory_space<hbm>>) target(%dma_start3A_72 : memref<20x512xi32, #tpu.memory_space<vmem>>) target_semaphore(%run_scoped3A : memref<!tpu.dma_semaphore, #tpu.memory_space<semaphore_mem>>)
        %dma_wait3A = arith.constant 0 : i32
        %dma_wait3A_75 = arith.constant 0 : i32
        %dma_wait3A_76 = tpu.memref_slice %arg8[%dma_wait3A, %dma_wait3A_75] : memref<20x512xi32, #tpu.memory_space<vmem>> -> memref<20x512xi32, #tpu.memory_space<vmem>>
        %dma_wait3A_77 = arith.constant 0 : i32
        %dma_wait3A_78 = tpu.memref_slice %arg4[%select_n3A, %dma_wait3A_77] : memref<640x512xi32, #tpu.memory_space<hbm>> -> memref<20x512xi32, #tpu.memory_space<hbm>>
        %dma_wait3A_79 = arith.constant 0 : i32
        %dma_wait3A_80 = arith.constant 0 : i32
        %dma_wait3A_81 = tpu.memref_slice %arg8[%dma_wait3A_79, %dma_wait3A_80] : memref<20x512xi32, #tpu.memory_space<vmem>> -> memref<20x512xi32, #tpu.memory_space<vmem>>
        %dma_wait3A_82 = arith.constant 0 : i32
        %dma_wait3A_83 = tpu.memref_slice %arg4[%select_n3A, %dma_wait3A_82] : memref<640x512xi32, #tpu.memory_space<hbm>> -> memref<20x512xi32, #tpu.memory_space<hbm>>
        tpu.wait_dma2 semaphore(%run_scoped3A : memref<!tpu.dma_semaphore, #tpu.memory_space<semaphore_mem>>) src(%dma_wait3A_83 : memref<20x512xi32, #tpu.memory_space<hbm>>) dst(%dma_wait3A_81 : memref<20x512xi32, #tpu.memory_space<vmem>>)
        tpu.yield
      }) : () -> ()
      %dma_start3A = arith.constant 0 : i32
      %dma_start3A_32 = arith.constant 0 : i32
      %dma_start3A_33 = arith.constant 0 : i32
      %dma_start3A_34 = arith.constant 0 : i32
      %dma_start3A_35 = arith.constant 0 : i32
      %dma_start3A_36 = tpu.memref_slice %arg9[%dma_start3A_32, %dma_start3A_34, %dma_start3A_35] : memref<2x512x64xf32, #tpu.memory_space<vmem>> -> memref<1x512x64xf32, #tpu.memory_space<vmem>>
      %dma_start3A_37 = tpu.memref_squeeze %dma_start3A_36 : memref<1x512x64xf32, #tpu.memory_space<vmem>> -> memref<512x64xf32, #tpu.memory_space<vmem>>
      %dma_start3A_38 = arith.constant 0 : i32
      %dma_start3A_39 = tpu.memref_slice %arg7[%dma_start3A, %dma_start3A_38] : memref<20x512xi32, #tpu.memory_space<vmem>> -> memref<1x512xi32, #tpu.memory_space<vmem>>
      %dma_start3A_40 = tpu.memref_squeeze %dma_start3A_39 : memref<1x512xi32, #tpu.memory_space<vmem>> -> memref<512xi32, #tpu.memory_space<vmem>>
      %dma_start3A_41 = arith.constant 0 : i32
      %dma_start3A_42 = arith.constant 0 : i32
      %dma_start3A_43 = tpu.memref_slice %arg2[%dma_start3A_41, %dma_start3A_42] : memref<10112x64xf32, #tpu.memory_space<hbm>> -> memref<10112x64xf32, #tpu.memory_space<hbm>>
      %dma_start3A_44 = tpu.memref_slice %arg11[%dma_start3A_33] : memref<2x!tpu.dma_semaphore, #tpu.memory_space<semaphore_mem>> -> memref<1x!tpu.dma_semaphore, #tpu.memory_space<semaphore_mem>>
      %dma_start3A_45 = tpu.memref_squeeze %dma_start3A_44 : memref<1x!tpu.dma_semaphore, #tpu.memory_space<semaphore_mem>> -> memref<!tpu.dma_semaphore, #tpu.memory_space<semaphore_mem>>
      tpu.enqueue_indirect_dma source(%dma_start3A_43 : memref<10112x64xf32, #tpu.memory_space<hbm>>) target(%dma_start3A_37 : memref<512x64xf32, #tpu.memory_space<vmem>>) offsets(%dma_start3A_40 : memref<512xi32, #tpu.memory_space<vmem>>) semaphore(%dma_start3A_45 : memref<!tpu.dma_semaphore, #tpu.memory_space<semaphore_mem>>)
      %dma_start3A_46 = arith.constant 1 : i32
      %dma_start3A_47 = arith.constant 1 : i32
      %dma_start3A_48 = arith.constant 1 : i32
      %dma_start3A_49 = arith.constant 0 : i32
      %dma_start3A_50 = arith.constant 0 : i32
      %dma_start3A_51 = tpu.memref_slice %arg9[%dma_start3A_47, %dma_start3A_49, %dma_start3A_50] : memref<2x512x64xf32, #tpu.memory_space<vmem>> -> memref<1x512x64xf32, #tpu.memory_space<vmem>>
      %dma_start3A_52 = tpu.memref_squeeze %dma_start3A_51 : memref<1x512x64xf32, #tpu.memory_space<vmem>> -> memref<512x64xf32, #tpu.memory_space<vmem>>
      %dma_start3A_53 = arith.constant 0 : i32
      %dma_start3A_54 = tpu.memref_slice %arg7[%dma_start3A_46, %dma_start3A_53] : memref<20x512xi32, #tpu.memory_space<vmem>> -> memref<1x512xi32, #tpu.memory_space<vmem>>
      %dma_start3A_55 = tpu.memref_squeeze %dma_start3A_54 : memref<1x512xi32, #tpu.memory_space<vmem>> -> memref<512xi32, #tpu.memory_space<vmem>>
      %dma_start3A_56 = arith.constant 0 : i32
      %dma_start3A_57 = arith.constant 0 : i32
      %dma_start3A_58 = tpu.memref_slice %arg2[%dma_start3A_56, %dma_start3A_57] : memref<10112x64xf32, #tpu.memory_space<hbm>> -> memref<10112x64xf32, #tpu.memory_space<hbm>>
      %dma_start3A_59 = tpu.memref_slice %arg11[%dma_start3A_48] : memref<2x!tpu.dma_semaphore, #tpu.memory_space<semaphore_mem>> -> memref<1x!tpu.dma_semaphore, #tpu.memory_space<semaphore_mem>>
      %dma_start3A_60 = tpu.memref_squeeze %dma_start3A_59 : memref<1x!tpu.dma_semaphore, #tpu.memory_space<semaphore_mem>> -> memref<!tpu.dma_semaphore, #tpu.memory_space<semaphore_mem>>
      tpu.enqueue_indirect_dma source(%dma_start3A_58 : memref<10112x64xf32, #tpu.memory_space<hbm>>) target(%dma_start3A_52 : memref<512x64xf32, #tpu.memory_space<vmem>>) offsets(%dma_start3A_55 : memref<512xi32, #tpu.memory_space<vmem>>) semaphore(%dma_start3A_60 : memref<!tpu.dma_semaphore, #tpu.memory_space<semaphore_mem>>)
      %scan3A = arith.constant 0 : i32
      %scan3A_61 = arith.constant 10 : i32
      %scan3A_62 = arith.addi %scan3A, %scan3A_61 : i32
      %scan3A_63 = arith.constant 1 : i32
      scf.for %scan3A_65 = %scan3A to %scan3A_62 step %scan3A_63  : i32 {
        %mul3A_66 = arith.constant 2 : i32
        %mul3A_67 = arith.muli %scan3A_65, %mul3A_66 : i32
        %add3A = arith.constant 0 : i32
        %add3A_68 = arith.addi %add3A, %mul3A_67 : i32
        %dma_wait3A = arith.constant 0 : i32
        %dma_wait3A_69 = arith.constant 0 : i32
        %dma_wait3A_70 = arith.constant 0 : i32
        %dma_wait3A_71 = arith.constant 0 : i32
        %dma_wait3A_72 = tpu.memref_slice %arg9[%dma_wait3A, %dma_wait3A_70, %dma_wait3A_71] : memref<2x512x64xf32, #tpu.memory_space<vmem>> -> memref<1x512x64xf32, #tpu.memory_space<vmem>>
        %dma_wait3A_73 = tpu.memref_squeeze %dma_wait3A_72 : memref<1x512x64xf32, #tpu.memory_space<vmem>> -> memref<512x64xf32, #tpu.memory_space<vmem>>
        %dma_wait3A_74 = arith.constant 0 : i32
        %dma_wait3A_75 = arith.constant 0 : i32
        %dma_wait3A_76 = tpu.memref_slice %arg5[%dma_wait3A_74, %dma_wait3A_75] : memref<10112x64xf32, #tpu.memory_space<hbm>> -> memref<512x64xf32, #tpu.memory_space<hbm>>
        %dma_wait3A_77 = tpu.memref_slice %arg11[%dma_wait3A_69] : memref<2x!tpu.dma_semaphore, #tpu.memory_space<semaphore_mem>> -> memref<1x!tpu.dma_semaphore, #tpu.memory_space<semaphore_mem>>
        %dma_wait3A_78 = tpu.memref_squeeze %dma_wait3A_77 : memref<1x!tpu.dma_semaphore, #tpu.memory_space<semaphore_mem>> -> memref<!tpu.dma_semaphore, #tpu.memory_space<semaphore_mem>>
        %dma_wait3A_79 = arith.constant 0 : i32
        %dma_wait3A_80 = arith.constant 0 : i32
        %dma_wait3A_81 = tpu.memref_slice %arg9[%dma_wait3A, %dma_wait3A_79, %dma_wait3A_80] : memref<2x512x64xf32, #tpu.memory_space<vmem>> -> memref<1x512x64xf32, #tpu.memory_space<vmem>>
        %dma_wait3A_82 = tpu.memref_squeeze %dma_wait3A_81 : memref<1x512x64xf32, #tpu.memory_space<vmem>> -> memref<512x64xf32, #tpu.memory_space<vmem>>
        %dma_wait3A_83 = arith.constant 0 : i32
        %dma_wait3A_84 = arith.constant 0 : i32
        %dma_wait3A_85 = tpu.memref_slice %arg5[%dma_wait3A_83, %dma_wait3A_84] : memref<10112x64xf32, #tpu.memory_space<hbm>> -> memref<512x64xf32, #tpu.memory_space<hbm>>
        tpu.wait_dma2 semaphore(%dma_wait3A_78 : memref<!tpu.dma_semaphore, #tpu.memory_space<semaphore_mem>>) src(%dma_wait3A_85 : memref<512x64xf32, #tpu.memory_space<hbm>>) dst(%dma_wait3A_82 : memref<512x64xf32, #tpu.memory_space<vmem>>)
        %add3A_86 = arith.constant 0 : i32
        %add3A_87 = arith.addi %add3A_68, %add3A_86 : i32
        %dma_start3A_88 = arith.constant 0 : i32
        %dma_start3A_89 = arith.constant 0 : i32
        %dma_start3A_90 = arith.constant 0 : i32
        %dma_start3A_91 = arith.constant 0 : i32
        %dma_start3A_92 = tpu.memref_slice %arg9[%dma_start3A_88, %dma_start3A_90, %dma_start3A_91] : memref<2x512x64xf32, #tpu.memory_space<vmem>> -> memref<1x512x64xf32, #tpu.memory_space<vmem>>
        %dma_start3A_93 = tpu.memref_squeeze %dma_start3A_92 : memref<1x512x64xf32, #tpu.memory_space<vmem>> -> memref<512x64xf32, #tpu.memory_space<vmem>>
        %dma_start3A_94 = arith.constant 0 : i32
        %dma_start3A_95 = tpu.memref_slice %arg8[%add3A_87, %dma_start3A_94] : memref<20x512xi32, #tpu.memory_space<vmem>> -> memref<1x512xi32, #tpu.memory_space<vmem>>
        %dma_start3A_96 = tpu.memref_squeeze %dma_start3A_95 : memref<1x512xi32, #tpu.memory_space<vmem>> -> memref<512xi32, #tpu.memory_space<vmem>>
        %dma_start3A_97 = arith.constant 0 : i32
        %dma_start3A_98 = arith.constant 0 : i32
        %dma_start3A_99 = tpu.memref_slice %arg10[%dma_start3A_97, %dma_start3A_98] : memref<10112x64xf32, #tpu.memory_space<vmem_shared>> -> memref<10112x64xf32, #tpu.memory_space<vmem_shared>>
        %dma_start3A_100 = tpu.memref_slice %arg12[%dma_start3A_89] : memref<2x!tpu.dma_semaphore, #tpu.memory_space<semaphore_mem>> -> memref<1x!tpu.dma_semaphore, #tpu.memory_space<semaphore_mem>>
        %dma_start3A_101 = tpu.memref_squeeze %dma_start3A_100 : memref<1x!tpu.dma_semaphore, #tpu.memory_space<semaphore_mem>> -> memref<!tpu.dma_semaphore, #tpu.memory_space<semaphore_mem>>
        tpu.enqueue_indirect_dma source(%dma_start3A_93 : memref<512x64xf32, #tpu.memory_space<vmem>>) target(%dma_start3A_99 : memref<10112x64xf32, #tpu.memory_space<vmem_shared>>) offsets(%dma_start3A_96 : memref<512xi32, #tpu.memory_space<vmem>>) semaphore(%dma_start3A_101 : memref<!tpu.dma_semaphore, #tpu.memory_space<semaphore_mem>>) {add = true}
        %dma_wait3A_102 = arith.constant 1 : i32
        %dma_wait3A_103 = arith.constant 1 : i32
        %dma_wait3A_104 = arith.constant 0 : i32
        %dma_wait3A_105 = arith.constant 0 : i32
        %dma_wait3A_106 = tpu.memref_slice %arg9[%dma_wait3A_102, %dma_wait3A_104, %dma_wait3A_105] : memref<2x512x64xf32, #tpu.memory_space<vmem>> -> memref<1x512x64xf32, #tpu.memory_space<vmem>>
        %dma_wait3A_107 = tpu.memref_squeeze %dma_wait3A_106 : memref<1x512x64xf32, #tpu.memory_space<vmem>> -> memref<512x64xf32, #tpu.memory_space<vmem>>
        %dma_wait3A_108 = arith.constant 0 : i32
        %dma_wait3A_109 = arith.constant 0 : i32
        %dma_wait3A_110 = tpu.memref_slice %arg5[%dma_wait3A_108, %dma_wait3A_109] : memref<10112x64xf32, #tpu.memory_space<hbm>> -> memref<512x64xf32, #tpu.memory_space<hbm>>
        %dma_wait3A_111 = tpu.memref_slice %arg11[%dma_wait3A_103] : memref<2x!tpu.dma_semaphore, #tpu.memory_space<semaphore_mem>> -> memref<1x!tpu.dma_semaphore, #tpu.memory_space<semaphore_mem>>
        %dma_wait3A_112 = tpu.memref_squeeze %dma_wait3A_111 : memref<1x!tpu.dma_semaphore, #tpu.memory_space<semaphore_mem>> -> memref<!tpu.dma_semaphore, #tpu.memory_space<semaphore_mem>>
        %dma_wait3A_113 = arith.constant 0 : i32
        %dma_wait3A_114 = arith.constant 0 : i32
        %dma_wait3A_115 = tpu.memref_slice %arg9[%dma_wait3A_102, %dma_wait3A_113, %dma_wait3A_114] : memref<2x512x64xf32, #tpu.memory_space<vmem>> -> memref<1x512x64xf32, #tpu.memory_space<vmem>>
        %dma_wait3A_116 = tpu.memref_squeeze %dma_wait3A_115 : memref<1x512x64xf32, #tpu.memory_space<vmem>> -> memref<512x64xf32, #tpu.memory_space<vmem>>
        %dma_wait3A_117 = arith.constant 0 : i32
        %dma_wait3A_118 = arith.constant 0 : i32
        %dma_wait3A_119 = tpu.memref_slice %arg5[%dma_wait3A_117, %dma_wait3A_118] : memref<10112x64xf32, #tpu.memory_space<hbm>> -> memref<512x64xf32, #tpu.memory_space<hbm>>
        tpu.wait_dma2 semaphore(%dma_wait3A_112 : memref<!tpu.dma_semaphore, #tpu.memory_space<semaphore_mem>>) src(%dma_wait3A_119 : memref<512x64xf32, #tpu.memory_space<hbm>>) dst(%dma_wait3A_116 : memref<512x64xf32, #tpu.memory_space<vmem>>)
        %add3A_120 = arith.constant 1 : i32
        %add3A_121 = arith.addi %add3A_68, %add3A_120 : i32
        %dma_start3A_122 = arith.constant 1 : i32
        %dma_start3A_123 = arith.constant 1 : i32
        %dma_start3A_124 = arith.constant 0 : i32
        %dma_start3A_125 = arith.constant 0 : i32
        %dma_start3A_126 = tpu.memref_slice %arg9[%dma_start3A_122, %dma_start3A_124, %dma_start3A_125] : memref<2x512x64xf32, #tpu.memory_space<vmem>> -> memref<1x512x64xf32, #tpu.memory_space<vmem>>
        %dma_start3A_127 = tpu.memref_squeeze %dma_start3A_126 : memref<1x512x64xf32, #tpu.memory_space<vmem>> -> memref<512x64xf32, #tpu.memory_space<vmem>>
        %dma_start3A_128 = arith.constant 0 : i32
        %dma_start3A_129 = tpu.memref_slice %arg8[%add3A_121, %dma_start3A_128] : memref<20x512xi32, #tpu.memory_space<vmem>> -> memref<1x512xi32, #tpu.memory_space<vmem>>
        %dma_start3A_130 = tpu.memref_squeeze %dma_start3A_129 : memref<1x512xi32, #tpu.memory_space<vmem>> -> memref<512xi32, #tpu.memory_space<vmem>>
        %dma_start3A_131 = arith.constant 0 : i32
        %dma_start3A_132 = arith.constant 0 : i32
        %dma_start3A_133 = tpu.memref_slice %arg10[%dma_start3A_131, %dma_start3A_132] : memref<10112x64xf32, #tpu.memory_space<vmem_shared>> -> memref<10112x64xf32, #tpu.memory_space<vmem_shared>>
        %dma_start3A_134 = tpu.memref_slice %arg12[%dma_start3A_123] : memref<2x!tpu.dma_semaphore, #tpu.memory_space<semaphore_mem>> -> memref<1x!tpu.dma_semaphore, #tpu.memory_space<semaphore_mem>>
        %dma_start3A_135 = tpu.memref_squeeze %dma_start3A_134 : memref<1x!tpu.dma_semaphore, #tpu.memory_space<semaphore_mem>> -> memref<!tpu.dma_semaphore, #tpu.memory_space<semaphore_mem>>
        tpu.enqueue_indirect_dma source(%dma_start3A_127 : memref<512x64xf32, #tpu.memory_space<vmem>>) target(%dma_start3A_133 : memref<10112x64xf32, #tpu.memory_space<vmem_shared>>) offsets(%dma_start3A_130 : memref<512xi32, #tpu.memory_space<vmem>>) semaphore(%dma_start3A_135 : memref<!tpu.dma_semaphore, #tpu.memory_space<semaphore_mem>>) {add = true}
        %dma_wait3A_136 = arith.constant 0 : i32
        %dma_wait3A_137 = arith.constant 0 : i32
        %dma_wait3A_138 = arith.constant 0 : i32
        %dma_wait3A_139 = arith.constant 0 : i32
        %dma_wait3A_140 = tpu.memref_slice %arg9[%dma_wait3A_136, %dma_wait3A_138, %dma_wait3A_139] : memref<2x512x64xf32, #tpu.memory_space<vmem>> -> memref<1x512x64xf32, #tpu.memory_space<vmem>>
        %dma_wait3A_141 = tpu.memref_squeeze %dma_wait3A_140 : memref<1x512x64xf32, #tpu.memory_space<vmem>> -> memref<512x64xf32, #tpu.memory_space<vmem>>
        %dma_wait3A_142 = arith.constant 0 : i32
        %dma_wait3A_143 = arith.constant 0 : i32
        %dma_wait3A_144 = tpu.memref_slice %arg5[%dma_wait3A_142, %dma_wait3A_143] : memref<10112x64xf32, #tpu.memory_space<hbm>> -> memref<512x64xf32, #tpu.memory_space<hbm>>
        %dma_wait3A_145 = tpu.memref_slice %arg12[%dma_wait3A_137] : memref<2x!tpu.dma_semaphore, #tpu.memory_space<semaphore_mem>> -> memref<1x!tpu.dma_semaphore, #tpu.memory_space<semaphore_mem>>
        %dma_wait3A_146 = tpu.memref_squeeze %dma_wait3A_145 : memref<1x!tpu.dma_semaphore, #tpu.memory_space<semaphore_mem>> -> memref<!tpu.dma_semaphore, #tpu.memory_space<semaphore_mem>>
        %dma_wait3A_147 = arith.constant 0 : i32
        %dma_wait3A_148 = arith.constant 0 : i32
        %dma_wait3A_149 = tpu.memref_slice %arg9[%dma_wait3A_136, %dma_wait3A_147, %dma_wait3A_148] : memref<2x512x64xf32, #tpu.memory_space<vmem>> -> memref<1x512x64xf32, #tpu.memory_space<vmem>>
        %dma_wait3A_150 = tpu.memref_squeeze %dma_wait3A_149 : memref<1x512x64xf32, #tpu.memory_space<vmem>> -> memref<512x64xf32, #tpu.memory_space<vmem>>
        %dma_wait3A_151 = arith.constant 0 : i32
        %dma_wait3A_152 = arith.constant 0 : i32
        %dma_wait3A_153 = tpu.memref_slice %arg5[%dma_wait3A_151, %dma_wait3A_152] : memref<10112x64xf32, #tpu.memory_space<hbm>> -> memref<512x64xf32, #tpu.memory_space<hbm>>
        tpu.wait_dma2 semaphore(%dma_wait3A_146 : memref<!tpu.dma_semaphore, #tpu.memory_space<semaphore_mem>>) src(%dma_wait3A_153 : memref<512x64xf32, #tpu.memory_space<hbm>>) dst(%dma_wait3A_150 : memref<512x64xf32, #tpu.memory_space<vmem>>)
        %add3A_154 = arith.constant 2 : i32
        %add3A_155 = arith.addi %add3A_68, %add3A_154 : i32
        %add3A_156 = arith.constant 0 : i32
        %add3A_157 = arith.addi %add3A_155, %add3A_156 : i32
        %lt3A = arith.constant 20 : i32
        %lt3A_158 = arith.cmpi slt, %add3A_157, %lt3A : i32
        %convert_element_type3A_159 = arith.extui %lt3A_158 : i1 to i32
        %cond3A_160 = arith.constant 0 : i32
        %cond3A_161 = arith.cmpi ne, %convert_element_type3A_159, %cond3A_160 : i32
        scf.if %cond3A_161 {
          %add3A_189 = arith.constant 2 : i32
          %add3A_190 = arith.addi %add3A_68, %add3A_189 : i32
          %add3A_191 = arith.constant 0 : i32
          %add3A_192 = arith.addi %add3A_190, %add3A_191 : i32
          %dma_start3A_193 = arith.constant 0 : i32
          %dma_start3A_194 = arith.constant 0 : i32
          %dma_start3A_195 = arith.constant 0 : i32
          %dma_start3A_196 = arith.constant 0 : i32
          %dma_start3A_197 = tpu.memref_slice %arg9[%dma_start3A_193, %dma_start3A_195, %dma_start3A_196] : memref<2x512x64xf32, #tpu.memory_space<vmem>> -> memref<1x512x64xf32, #tpu.memory_space<vmem>>
          %dma_start3A_198 = tpu.memref_squeeze %dma_start3A_197 : memref<1x512x64xf32, #tpu.memory_space<vmem>> -> memref<512x64xf32, #tpu.memory_space<vmem>>
          %dma_start3A_199 = arith.constant 0 : i32
          %dma_start3A_200 = tpu.memref_slice %arg7[%add3A_192, %dma_start3A_199] : memref<20x512xi32, #tpu.memory_space<vmem>> -> memref<1x512xi32, #tpu.memory_space<vmem>>
          %dma_start3A_201 = tpu.memref_squeeze %dma_start3A_200 : memref<1x512xi32, #tpu.memory_space<vmem>> -> memref<512xi32, #tpu.memory_space<vmem>>
          %dma_start3A_202 = arith.constant 0 : i32
          %dma_start3A_203 = arith.constant 0 : i32
          %dma_start3A_204 = tpu.memref_slice %arg2[%dma_start3A_202, %dma_start3A_203] : memref<10112x64xf32, #tpu.memory_space<hbm>> -> memref<10112x64xf32, #tpu.memory_space<hbm>>
          %dma_start3A_205 = tpu.memref_slice %arg11[%dma_start3A_194] : memref<2x!tpu.dma_semaphore, #tpu.memory_space<semaphore_mem>> -> memref<1x!tpu.dma_semaphore, #tpu.memory_space<semaphore_mem>>
          %dma_start3A_206 = tpu.memref_squeeze %dma_start3A_205 : memref<1x!tpu.dma_semaphore, #tpu.memory_space<semaphore_mem>> -> memref<!tpu.dma_semaphore, #tpu.memory_space<semaphore_mem>>
          tpu.enqueue_indirect_dma source(%dma_start3A_204 : memref<10112x64xf32, #tpu.memory_space<hbm>>) target(%dma_start3A_198 : memref<512x64xf32, #tpu.memory_space<vmem>>) offsets(%dma_start3A_201 : memref<512xi32, #tpu.memory_space<vmem>>) semaphore(%dma_start3A_206 : memref<!tpu.dma_semaphore, #tpu.memory_space<semaphore_mem>>)
        } else {
        }
        %dma_wait3A_162 = arith.constant 1 : i32
        %dma_wait3A_163 = arith.constant 1 : i32
        %dma_wait3A_164 = arith.constant 0 : i32
        %dma_wait3A_165 = arith.constant 0 : i32
        %dma_wait3A_166 = tpu.memref_slice %arg9[%dma_wait3A_162, %dma_wait3A_164, %dma_wait3A_165] : memref<2x512x64xf32, #tpu.memory_space<vmem>> -> memref<1x512x64xf32, #tpu.memory_space<vmem>>
        %dma_wait3A_167 = tpu.memref_squeeze %dma_wait3A_166 : memref<1x512x64xf32, #tpu.memory_space<vmem>> -> memref<512x64xf32, #tpu.memory_space<vmem>>
        %dma_wait3A_168 = arith.constant 0 : i32
        %dma_wait3A_169 = arith.constant 0 : i32
        %dma_wait3A_170 = tpu.memref_slice %arg5[%dma_wait3A_168, %dma_wait3A_169] : memref<10112x64xf32, #tpu.memory_space<hbm>> -> memref<512x64xf32, #tpu.memory_space<hbm>>
        %dma_wait3A_171 = tpu.memref_slice %arg12[%dma_wait3A_163] : memref<2x!tpu.dma_semaphore, #tpu.memory_space<semaphore_mem>> -> memref<1x!tpu.dma_semaphore, #tpu.memory_space<semaphore_mem>>
        %dma_wait3A_172 = tpu.memref_squeeze %dma_wait3A_171 : memref<1x!tpu.dma_semaphore, #tpu.memory_space<semaphore_mem>> -> memref<!tpu.dma_semaphore, #tpu.memory_space<semaphore_mem>>
        %dma_wait3A_173 = arith.constant 0 : i32
        %dma_wait3A_174 = arith.constant 0 : i32
        %dma_wait3A_175 = tpu.memref_slice %arg9[%dma_wait3A_162, %dma_wait3A_173, %dma_wait3A_174] : memref<2x512x64xf32, #tpu.memory_space<vmem>> -> memref<1x512x64xf32, #tpu.memory_space<vmem>>
        %dma_wait3A_176 = tpu.memref_squeeze %dma_wait3A_175 : memref<1x512x64xf32, #tpu.memory_space<vmem>> -> memref<512x64xf32, #tpu.memory_space<vmem>>
        %dma_wait3A_177 = arith.constant 0 : i32
        %dma_wait3A_178 = arith.constant 0 : i32
        %dma_wait3A_179 = tpu.memref_slice %arg5[%dma_wait3A_177, %dma_wait3A_178] : memref<10112x64xf32, #tpu.memory_space<hbm>> -> memref<512x64xf32, #tpu.memory_space<hbm>>
        tpu.wait_dma2 semaphore(%dma_wait3A_172 : memref<!tpu.dma_semaphore, #tpu.memory_space<semaphore_mem>>) src(%dma_wait3A_179 : memref<512x64xf32, #tpu.memory_space<hbm>>) dst(%dma_wait3A_176 : memref<512x64xf32, #tpu.memory_space<vmem>>)
        %add3A_180 = arith.constant 2 : i32
        %add3A_181 = arith.addi %add3A_68, %add3A_180 : i32
        %add3A_182 = arith.constant 1 : i32
        %add3A_183 = arith.addi %add3A_181, %add3A_182 : i32
        %lt3A_184 = arith.constant 20 : i32
        %lt3A_185 = arith.cmpi slt, %add3A_183, %lt3A_184 : i32
        %convert_element_type3A_186 = arith.extui %lt3A_185 : i1 to i32
        %cond3A_187 = arith.constant 0 : i32
        %cond3A_188 = arith.cmpi ne, %convert_element_type3A_186, %cond3A_187 : i32
        scf.if %cond3A_188 {
          %add3A_189 = arith.constant 2 : i32
          %add3A_190 = arith.addi %add3A_68, %add3A_189 : i32
          %add3A_191 = arith.constant 1 : i32
          %add3A_192 = arith.addi %add3A_190, %add3A_191 : i32
          %dma_start3A_193 = arith.constant 1 : i32
          %dma_start3A_194 = arith.constant 1 : i32
          %dma_start3A_195 = arith.constant 0 : i32
          %dma_start3A_196 = arith.constant 0 : i32
          %dma_start3A_197 = tpu.memref_slice %arg9[%dma_start3A_193, %dma_start3A_195, %dma_start3A_196] : memref<2x512x64xf32, #tpu.memory_space<vmem>> -> memref<1x512x64xf32, #tpu.memory_space<vmem>>
          %dma_start3A_198 = tpu.memref_squeeze %dma_start3A_197 : memref<1x512x64xf32, #tpu.memory_space<vmem>> -> memref<512x64xf32, #tpu.memory_space<vmem>>
          %dma_start3A_199 = arith.constant 0 : i32
          %dma_start3A_200 = tpu.memref_slice %arg7[%add3A_192, %dma_start3A_199] : memref<20x512xi32, #tpu.memory_space<vmem>> -> memref<1x512xi32, #tpu.memory_space<vmem>>
          %dma_start3A_201 = tpu.memref_squeeze %dma_start3A_200 : memref<1x512xi32, #tpu.memory_space<vmem>> -> memref<512xi32, #tpu.memory_space<vmem>>
          %dma_start3A_202 = arith.constant 0 : i32
          %dma_start3A_203 = arith.constant 0 : i32
          %dma_start3A_204 = tpu.memref_slice %arg2[%dma_start3A_202, %dma_start3A_203] : memref<10112x64xf32, #tpu.memory_space<hbm>> -> memref<10112x64xf32, #tpu.memory_space<hbm>>
          %dma_start3A_205 = tpu.memref_slice %arg11[%dma_start3A_194] : memref<2x!tpu.dma_semaphore, #tpu.memory_space<semaphore_mem>> -> memref<1x!tpu.dma_semaphore, #tpu.memory_space<semaphore_mem>>
          %dma_start3A_206 = tpu.memref_squeeze %dma_start3A_205 : memref<1x!tpu.dma_semaphore, #tpu.memory_space<semaphore_mem>> -> memref<!tpu.dma_semaphore, #tpu.memory_space<semaphore_mem>>
          tpu.enqueue_indirect_dma source(%dma_start3A_204 : memref<10112x64xf32, #tpu.memory_space<hbm>>) target(%dma_start3A_198 : memref<512x64xf32, #tpu.memory_space<vmem>>) offsets(%dma_start3A_201 : memref<512xi32, #tpu.memory_space<vmem>>) semaphore(%dma_start3A_206 : memref<!tpu.dma_semaphore, #tpu.memory_space<semaphore_mem>>)
        } else {
        }
      }
      %scan3A_64 = arith.constant 10 : i32
    } else {
    }
    %eq3A_5 = arith.constant 1 : i32
    %eq3A_6 = arith.cmpi eq, %arg0, %eq3A_5 : i32
    %convert_element_type3A_7 = arith.extui %eq3A_6 : i1 to i32
    %cond3A_8 = arith.constant 0 : i32
    %cond3A_9 = arith.cmpi ne, %convert_element_type3A_7, %cond3A_8 : i32
    scf.if %cond3A_9 {
      %mul3A_14 = arith.constant 80 : i32
      %mul3A_15 = arith.muli %arg1, %mul3A_14 : i32
      %add3A = arith.constant 1280 : i32
      %add3A_16 = arith.addi %add3A, %mul3A_15 : i32
      %jit3A = arith.constant 4 : i32
      %div3A = arith.divsi %add3A_16, %jit3A : i32
      %sign3A = arith.constant 0 : i32
      %sign3A_17 = arith.cmpi sgt, %add3A_16, %sign3A : i32
      %sign3A_18 = arith.extui %sign3A_17 : i1 to i32
      %sign3A_19 = arith.constant 0 : i32
      %sign3A_20 = arith.cmpi slt, %add3A_16, %sign3A_19 : i32
      %sign3A_21 = arith.extui %sign3A_20 : i1 to i32
      %sign3A_22 = arith.subi %sign3A_18, %sign3A_21 : i32
      %sign3A_23 = arith.constant 0 : i32
      %sign3A_24 = arith.cmpi sgt, %jit3A, %sign3A_23 : i32
      %sign3A_25 = arith.extui %sign3A_24 : i1 to i32
      %sign3A_26 = arith.constant 0 : i32
      %sign3A_27 = arith.cmpi slt, %jit3A, %sign3A_26 : i32
      %sign3A_28 = arith.extui %sign3A_27 : i1 to i32
      %sign3A_29 = arith.subi %sign3A_25, %sign3A_28 : i32
      %ne3A = arith.cmpi ne, %sign3A_22, %sign3A_29 : i32
      %rem3A = arith.remsi %add3A_16, %jit3A : i32
      %ne3A_30 = arith.constant 0 : i32
      %ne3A_31 = arith.cmpi ne, %rem3A, %ne3A_30 : i32
      %and3A = arith.andi %ne3A, %ne3A_31 : i1
      %sub3A = arith.constant 1 : i32
      %sub3A_32 = arith.subi %div3A, %sub3A : i32
      %select_n3A = arith.select %and3A, %sub3A_32, %div3A : i32
      "tpu.region"() ({
        %run_scoped3A = tpu.sem_alloc : memref<!tpu.dma_semaphore, #tpu.memory_space<semaphore_mem>>
        %dma_start3A_66 = arith.constant 0 : i32
        %dma_start3A_67 = arith.constant 0 : i32
        %dma_start3A_68 = tpu.memref_slice %arg7[%dma_start3A_66, %dma_start3A_67] : memref<20x512xi32, #tpu.memory_space<vmem>> -> memref<20x512xi32, #tpu.memory_space<vmem>>
        %dma_start3A_69 = arith.constant 0 : i32
        %dma_start3A_70 = tpu.memref_slice %arg3[%select_n3A, %dma_start3A_69] : memref<640x512xi32, #tpu.memory_space<hbm>> -> memref<20x512xi32, #tpu.memory_space<hbm>>
        %dma_start3A_71 = arith.constant 0 : i32
        %dma_start3A_72 = arith.constant 0 : i32
        %dma_start3A_73 = tpu.memref_slice %arg7[%dma_start3A_71, %dma_start3A_72] : memref<20x512xi32, #tpu.memory_space<vmem>> -> memref<20x512xi32, #tpu.memory_space<vmem>>
        %dma_start3A_74 = arith.constant 0 : i32
        %dma_start3A_75 = tpu.memref_slice %arg3[%select_n3A, %dma_start3A_74] : memref<640x512xi32, #tpu.memory_space<hbm>> -> memref<20x512xi32, #tpu.memory_space<hbm>>
        tpu.enqueue_dma source(%dma_start3A_75 : memref<20x512xi32, #tpu.memory_space<hbm>>) target(%dma_start3A_73 : memref<20x512xi32, #tpu.memory_space<vmem>>) target_semaphore(%run_scoped3A : memref<!tpu.dma_semaphore, #tpu.memory_space<semaphore_mem>>)
        %dma_wait3A = arith.constant 0 : i32
        %dma_wait3A_76 = arith.constant 0 : i32
        %dma_wait3A_77 = tpu.memref_slice %arg7[%dma_wait3A, %dma_wait3A_76] : memref<20x512xi32, #tpu.memory_space<vmem>> -> memref<20x512xi32, #tpu.memory_space<vmem>>
        %dma_wait3A_78 = arith.constant 0 : i32
        %dma_wait3A_79 = tpu.memref_slice %arg3[%select_n3A, %dma_wait3A_78] : memref<640x512xi32, #tpu.memory_space<hbm>> -> memref<20x512xi32, #tpu.memory_space<hbm>>
        %dma_wait3A_80 = arith.constant 0 : i32
        %dma_wait3A_81 = arith.constant 0 : i32
        %dma_wait3A_82 = tpu.memref_slice %arg7[%dma_wait3A_80, %dma_wait3A_81] : memref<20x512xi32, #tpu.memory_space<vmem>> -> memref<20x512xi32, #tpu.memory_space<vmem>>
        %dma_wait3A_83 = arith.constant 0 : i32
        %dma_wait3A_84 = tpu.memref_slice %arg3[%select_n3A, %dma_wait3A_83] : memref<640x512xi32, #tpu.memory_space<hbm>> -> memref<20x512xi32, #tpu.memory_space<hbm>>
        tpu.wait_dma2 semaphore(%run_scoped3A : memref<!tpu.dma_semaphore, #tpu.memory_space<semaphore_mem>>) src(%dma_wait3A_84 : memref<20x512xi32, #tpu.memory_space<hbm>>) dst(%dma_wait3A_82 : memref<20x512xi32, #tpu.memory_space<vmem>>)
        tpu.yield
      }) : () -> ()
      "tpu.region"() ({
        %run_scoped3A = tpu.sem_alloc : memref<!tpu.dma_semaphore, #tpu.memory_space<semaphore_mem>>
        %dma_start3A_66 = arith.constant 0 : i32
        %dma_start3A_67 = arith.constant 0 : i32
        %dma_start3A_68 = tpu.memref_slice %arg8[%dma_start3A_66, %dma_start3A_67] : memref<20x512xi32, #tpu.memory_space<vmem>> -> memref<20x512xi32, #tpu.memory_space<vmem>>
        %dma_start3A_69 = arith.constant 0 : i32
        %dma_start3A_70 = tpu.memref_slice %arg4[%select_n3A, %dma_start3A_69] : memref<640x512xi32, #tpu.memory_space<hbm>> -> memref<20x512xi32, #tpu.memory_space<hbm>>
        %dma_start3A_71 = arith.constant 0 : i32
        %dma_start3A_72 = arith.constant 0 : i32
        %dma_start3A_73 = tpu.memref_slice %arg8[%dma_start3A_71, %dma_start3A_72] : memref<20x512xi32, #tpu.memory_space<vmem>> -> memref<20x512xi32, #tpu.memory_space<vmem>>
        %dma_start3A_74 = arith.constant 0 : i32
        %dma_start3A_75 = tpu.memref_slice %arg4[%select_n3A, %dma_start3A_74] : memref<640x512xi32, #tpu.memory_space<hbm>> -> memref<20x512xi32, #tpu.memory_space<hbm>>
        tpu.enqueue_dma source(%dma_start3A_75 : memref<20x512xi32, #tpu.memory_space<hbm>>) target(%dma_start3A_73 : memref<20x512xi32, #tpu.memory_space<vmem>>) target_semaphore(%run_scoped3A : memref<!tpu.dma_semaphore, #tpu.memory_space<semaphore_mem>>)
        %dma_wait3A = arith.constant 0 : i32
        %dma_wait3A_76 = arith.constant 0 : i32
        %dma_wait3A_77 = tpu.memref_slice %arg8[%dma_wait3A, %dma_wait3A_76] : memref<20x512xi32, #tpu.memory_space<vmem>> -> memref<20x512xi32, #tpu.memory_space<vmem>>
        %dma_wait3A_78 = arith.constant 0 : i32
        %dma_wait3A_79 = tpu.memref_slice %arg4[%select_n3A, %dma_wait3A_78] : memref<640x512xi32, #tpu.memory_space<hbm>> -> memref<20x512xi32, #tpu.memory_space<hbm>>
        %dma_wait3A_80 = arith.constant 0 : i32
        %dma_wait3A_81 = arith.constant 0 : i32
        %dma_wait3A_82 = tpu.memref_slice %arg8[%dma_wait3A_80, %dma_wait3A_81] : memref<20x512xi32, #tpu.memory_space<vmem>> -> memref<20x512xi32, #tpu.memory_space<vmem>>
        %dma_wait3A_83 = arith.constant 0 : i32
        %dma_wait3A_84 = tpu.memref_slice %arg4[%select_n3A, %dma_wait3A_83] : memref<640x512xi32, #tpu.memory_space<hbm>> -> memref<20x512xi32, #tpu.memory_space<hbm>>
        tpu.wait_dma2 semaphore(%run_scoped3A : memref<!tpu.dma_semaphore, #tpu.memory_space<semaphore_mem>>) src(%dma_wait3A_84 : memref<20x512xi32, #tpu.memory_space<hbm>>) dst(%dma_wait3A_82 : memref<20x512xi32, #tpu.memory_space<vmem>>)
        tpu.yield
      }) : () -> ()
      %dma_start3A = arith.constant 0 : i32
      %dma_start3A_33 = arith.constant 0 : i32
      %dma_start3A_34 = arith.constant 0 : i32
      %dma_start3A_35 = arith.constant 0 : i32
      %dma_start3A_36 = arith.constant 0 : i32
      %dma_start3A_37 = tpu.memref_slice %arg9[%dma_start3A_33, %dma_start3A_35, %dma_start3A_36] : memref<2x512x64xf32, #tpu.memory_space<vmem>> -> memref<1x512x64xf32, #tpu.memory_space<vmem>>
      %dma_start3A_38 = tpu.memref_squeeze %dma_start3A_37 : memref<1x512x64xf32, #tpu.memory_space<vmem>> -> memref<512x64xf32, #tpu.memory_space<vmem>>
      %dma_start3A_39 = arith.constant 0 : i32
      %dma_start3A_40 = tpu.memref_slice %arg7[%dma_start3A, %dma_start3A_39] : memref<20x512xi32, #tpu.memory_space<vmem>> -> memref<1x512xi32, #tpu.memory_space<vmem>>
      %dma_start3A_41 = tpu.memref_squeeze %dma_start3A_40 : memref<1x512xi32, #tpu.memory_space<vmem>> -> memref<512xi32, #tpu.memory_space<vmem>>
      %dma_start3A_42 = arith.constant 0 : i32
      %dma_start3A_43 = arith.constant 0 : i32
      %dma_start3A_44 = tpu.memref_slice %arg2[%dma_start3A_42, %dma_start3A_43] : memref<10112x64xf32, #tpu.memory_space<hbm>> -> memref<10112x64xf32, #tpu.memory_space<hbm>>
      %dma_start3A_45 = tpu.memref_slice %arg11[%dma_start3A_34] : memref<2x!tpu.dma_semaphore, #tpu.memory_space<semaphore_mem>> -> memref<1x!tpu.dma_semaphore, #tpu.memory_space<semaphore_mem>>
      %dma_start3A_46 = tpu.memref_squeeze %dma_start3A_45 : memref<1x!tpu.dma_semaphore, #tpu.memory_space<semaphore_mem>> -> memref<!tpu.dma_semaphore, #tpu.memory_space<semaphore_mem>>
      tpu.enqueue_indirect_dma source(%dma_start3A_44 : memref<10112x64xf32, #tpu.memory_space<hbm>>) target(%dma_start3A_38 : memref<512x64xf32, #tpu.memory_space<vmem>>) offsets(%dma_start3A_41 : memref<512xi32, #tpu.memory_space<vmem>>) semaphore(%dma_start3A_46 : memref<!tpu.dma_semaphore, #tpu.memory_space<semaphore_mem>>)
      %dma_start3A_47 = arith.constant 1 : i32
      %dma_start3A_48 = arith.constant 1 : i32
      %dma_start3A_49 = arith.constant 1 : i32
      %dma_start3A_50 = arith.constant 0 : i32
      %dma_start3A_51 = arith.constant 0 : i32
      %dma_start3A_52 = tpu.memref_slice %arg9[%dma_start3A_48, %dma_start3A_50, %dma_start3A_51] : memref<2x512x64xf32, #tpu.memory_space<vmem>> -> memref<1x512x64xf32, #tpu.memory_space<vmem>>
      %dma_start3A_53 = tpu.memref_squeeze %dma_start3A_52 : memref<1x512x64xf32, #tpu.memory_space<vmem>> -> memref<512x64xf32, #tpu.memory_space<vmem>>
      %dma_start3A_54 = arith.constant 0 : i32
      %dma_start3A_55 = tpu.memref_slice %arg7[%dma_start3A_47, %dma_start3A_54] : memref<20x512xi32, #tpu.memory_space<vmem>> -> memref<1x512xi32, #tpu.memory_space<vmem>>
      %dma_start3A_56 = tpu.memref_squeeze %dma_start3A_55 : memref<1x512xi32, #tpu.memory_space<vmem>> -> memref<512xi32, #tpu.memory_space<vmem>>
      %dma_start3A_57 = arith.constant 0 : i32
      %dma_start3A_58 = arith.constant 0 : i32
      %dma_start3A_59 = tpu.memref_slice %arg2[%dma_start3A_57, %dma_start3A_58] : memref<10112x64xf32, #tpu.memory_space<hbm>> -> memref<10112x64xf32, #tpu.memory_space<hbm>>
      %dma_start3A_60 = tpu.memref_slice %arg11[%dma_start3A_49] : memref<2x!tpu.dma_semaphore, #tpu.memory_space<semaphore_mem>> -> memref<1x!tpu.dma_semaphore, #tpu.memory_space<semaphore_mem>>
      %dma_start3A_61 = tpu.memref_squeeze %dma_start3A_60 : memref<1x!tpu.dma_semaphore, #tpu.memory_space<semaphore_mem>> -> memref<!tpu.dma_semaphore, #tpu.memory_space<semaphore_mem>>
      tpu.enqueue_indirect_dma source(%dma_start3A_59 : memref<10112x64xf32, #tpu.memory_space<hbm>>) target(%dma_start3A_53 : memref<512x64xf32, #tpu.memory_space<vmem>>) offsets(%dma_start3A_56 : memref<512xi32, #tpu.memory_space<vmem>>) semaphore(%dma_start3A_61 : memref<!tpu.dma_semaphore, #tpu.memory_space<semaphore_mem>>)
      %scan3A = arith.constant 0 : i32
      %scan3A_62 = arith.constant 10 : i32
      %scan3A_63 = arith.addi %scan3A, %scan3A_62 : i32
      %scan3A_64 = arith.constant 1 : i32
      scf.for %scan3A_66 = %scan3A to %scan3A_63 step %scan3A_64  : i32 {
        %mul3A_67 = arith.constant 2 : i32
        %mul3A_68 = arith.muli %scan3A_66, %mul3A_67 : i32
        %add3A_69 = arith.constant 0 : i32
        %add3A_70 = arith.addi %add3A_69, %mul3A_68 : i32
        %dma_wait3A = arith.constant 0 : i32
        %dma_wait3A_71 = arith.constant 0 : i32
        %dma_wait3A_72 = arith.constant 0 : i32
        %dma_wait3A_73 = arith.constant 0 : i32
        %dma_wait3A_74 = tpu.memref_slice %arg9[%dma_wait3A, %dma_wait3A_72, %dma_wait3A_73] : memref<2x512x64xf32, #tpu.memory_space<vmem>> -> memref<1x512x64xf32, #tpu.memory_space<vmem>>
        %dma_wait3A_75 = tpu.memref_squeeze %dma_wait3A_74 : memref<1x512x64xf32, #tpu.memory_space<vmem>> -> memref<512x64xf32, #tpu.memory_space<vmem>>
        %dma_wait3A_76 = arith.constant 0 : i32
        %dma_wait3A_77 = arith.constant 0 : i32
        %dma_wait3A_78 = tpu.memref_slice %arg5[%dma_wait3A_76, %dma_wait3A_77] : memref<10112x64xf32, #tpu.memory_space<hbm>> -> memref<512x64xf32, #tpu.memory_space<hbm>>
        %dma_wait3A_79 = tpu.memref_slice %arg11[%dma_wait3A_71] : memref<2x!tpu.dma_semaphore, #tpu.memory_space<semaphore_mem>> -> memref<1x!tpu.dma_semaphore, #tpu.memory_space<semaphore_mem>>
        %dma_wait3A_80 = tpu.memref_squeeze %dma_wait3A_79 : memref<1x!tpu.dma_semaphore, #tpu.memory_space<semaphore_mem>> -> memref<!tpu.dma_semaphore, #tpu.memory_space<semaphore_mem>>
        %dma_wait3A_81 = arith.constant 0 : i32
        %dma_wait3A_82 = arith.constant 0 : i32
        %dma_wait3A_83 = tpu.memref_slice %arg9[%dma_wait3A, %dma_wait3A_81, %dma_wait3A_82] : memref<2x512x64xf32, #tpu.memory_space<vmem>> -> memref<1x512x64xf32, #tpu.memory_space<vmem>>
        %dma_wait3A_84 = tpu.memref_squeeze %dma_wait3A_83 : memref<1x512x64xf32, #tpu.memory_space<vmem>> -> memref<512x64xf32, #tpu.memory_space<vmem>>
        %dma_wait3A_85 = arith.constant 0 : i32
        %dma_wait3A_86 = arith.constant 0 : i32
        %dma_wait3A_87 = tpu.memref_slice %arg5[%dma_wait3A_85, %dma_wait3A_86] : memref<10112x64xf32, #tpu.memory_space<hbm>> -> memref<512x64xf32, #tpu.memory_space<hbm>>
        tpu.wait_dma2 semaphore(%dma_wait3A_80 : memref<!tpu.dma_semaphore, #tpu.memory_space<semaphore_mem>>) src(%dma_wait3A_87 : memref<512x64xf32, #tpu.memory_space<hbm>>) dst(%dma_wait3A_84 : memref<512x64xf32, #tpu.memory_space<vmem>>)
        %add3A_88 = arith.constant 0 : i32
        %add3A_89 = arith.addi %add3A_70, %add3A_88 : i32
        %dma_start3A_90 = arith.constant 0 : i32
        %dma_start3A_91 = arith.constant 0 : i32
        %dma_start3A_92 = arith.constant 0 : i32
        %dma_start3A_93 = arith.constant 0 : i32
        %dma_start3A_94 = tpu.memref_slice %arg9[%dma_start3A_90, %dma_start3A_92, %dma_start3A_93] : memref<2x512x64xf32, #tpu.memory_space<vmem>> -> memref<1x512x64xf32, #tpu.memory_space<vmem>>
        %dma_start3A_95 = tpu.memref_squeeze %dma_start3A_94 : memref<1x512x64xf32, #tpu.memory_space<vmem>> -> memref<512x64xf32, #tpu.memory_space<vmem>>
        %dma_start3A_96 = arith.constant 0 : i32
        %dma_start3A_97 = tpu.memref_slice %arg8[%add3A_89, %dma_start3A_96] : memref<20x512xi32, #tpu.memory_space<vmem>> -> memref<1x512xi32, #tpu.memory_space<vmem>>
        %dma_start3A_98 = tpu.memref_squeeze %dma_start3A_97 : memref<1x512xi32, #tpu.memory_space<vmem>> -> memref<512xi32, #tpu.memory_space<vmem>>
        %dma_start3A_99 = arith.constant 0 : i32
        %dma_start3A_100 = arith.constant 0 : i32
        %dma_start3A_101 = tpu.memref_slice %arg10[%dma_start3A_99, %dma_start3A_100] : memref<10112x64xf32, #tpu.memory_space<vmem_shared>> -> memref<10112x64xf32, #tpu.memory_space<vmem_shared>>
        %dma_start3A_102 = tpu.memref_slice %arg12[%dma_start3A_91] : memref<2x!tpu.dma_semaphore, #tpu.memory_space<semaphore_mem>> -> memref<1x!tpu.dma_semaphore, #tpu.memory_space<semaphore_mem>>
        %dma_start3A_103 = tpu.memref_squeeze %dma_start3A_102 : memref<1x!tpu.dma_semaphore, #tpu.memory_space<semaphore_mem>> -> memref<!tpu.dma_semaphore, #tpu.memory_space<semaphore_mem>>
        tpu.enqueue_indirect_dma source(%dma_start3A_95 : memref<512x64xf32, #tpu.memory_space<vmem>>) target(%dma_start3A_101 : memref<10112x64xf32, #tpu.memory_space<vmem_shared>>) offsets(%dma_start3A_98 : memref<512xi32, #tpu.memory_space<vmem>>) semaphore(%dma_start3A_103 : memref<!tpu.dma_semaphore, #tpu.memory_space<semaphore_mem>>) {add = true}
        %dma_wait3A_104 = arith.constant 1 : i32
        %dma_wait3A_105 = arith.constant 1 : i32
        %dma_wait3A_106 = arith.constant 0 : i32
        %dma_wait3A_107 = arith.constant 0 : i32
        %dma_wait3A_108 = tpu.memref_slice %arg9[%dma_wait3A_104, %dma_wait3A_106, %dma_wait3A_107] : memref<2x512x64xf32, #tpu.memory_space<vmem>> -> memref<1x512x64xf32, #tpu.memory_space<vmem>>
        %dma_wait3A_109 = tpu.memref_squeeze %dma_wait3A_108 : memref<1x512x64xf32, #tpu.memory_space<vmem>> -> memref<512x64xf32, #tpu.memory_space<vmem>>
        %dma_wait3A_110 = arith.constant 0 : i32
        %dma_wait3A_111 = arith.constant 0 : i32
        %dma_wait3A_112 = tpu.memref_slice %arg5[%dma_wait3A_110, %dma_wait3A_111] : memref<10112x64xf32, #tpu.memory_space<hbm>> -> memref<512x64xf32, #tpu.memory_space<hbm>>
        %dma_wait3A_113 = tpu.memref_slice %arg11[%dma_wait3A_105] : memref<2x!tpu.dma_semaphore, #tpu.memory_space<semaphore_mem>> -> memref<1x!tpu.dma_semaphore, #tpu.memory_space<semaphore_mem>>
        %dma_wait3A_114 = tpu.memref_squeeze %dma_wait3A_113 : memref<1x!tpu.dma_semaphore, #tpu.memory_space<semaphore_mem>> -> memref<!tpu.dma_semaphore, #tpu.memory_space<semaphore_mem>>
        %dma_wait3A_115 = arith.constant 0 : i32
        %dma_wait3A_116 = arith.constant 0 : i32
        %dma_wait3A_117 = tpu.memref_slice %arg9[%dma_wait3A_104, %dma_wait3A_115, %dma_wait3A_116] : memref<2x512x64xf32, #tpu.memory_space<vmem>> -> memref<1x512x64xf32, #tpu.memory_space<vmem>>
        %dma_wait3A_118 = tpu.memref_squeeze %dma_wait3A_117 : memref<1x512x64xf32, #tpu.memory_space<vmem>> -> memref<512x64xf32, #tpu.memory_space<vmem>>
        %dma_wait3A_119 = arith.constant 0 : i32
        %dma_wait3A_120 = arith.constant 0 : i32
        %dma_wait3A_121 = tpu.memref_slice %arg5[%dma_wait3A_119, %dma_wait3A_120] : memref<10112x64xf32, #tpu.memory_space<hbm>> -> memref<512x64xf32, #tpu.memory_space<hbm>>
        tpu.wait_dma2 semaphore(%dma_wait3A_114 : memref<!tpu.dma_semaphore, #tpu.memory_space<semaphore_mem>>) src(%dma_wait3A_121 : memref<512x64xf32, #tpu.memory_space<hbm>>) dst(%dma_wait3A_118 : memref<512x64xf32, #tpu.memory_space<vmem>>)
        %add3A_122 = arith.constant 1 : i32
        %add3A_123 = arith.addi %add3A_70, %add3A_122 : i32
        %dma_start3A_124 = arith.constant 1 : i32
        %dma_start3A_125 = arith.constant 1 : i32
        %dma_start3A_126 = arith.constant 0 : i32
        %dma_start3A_127 = arith.constant 0 : i32
        %dma_start3A_128 = tpu.memref_slice %arg9[%dma_start3A_124, %dma_start3A_126, %dma_start3A_127] : memref<2x512x64xf32, #tpu.memory_space<vmem>> -> memref<1x512x64xf32, #tpu.memory_space<vmem>>
        %dma_start3A_129 = tpu.memref_squeeze %dma_start3A_128 : memref<1x512x64xf32, #tpu.memory_space<vmem>> -> memref<512x64xf32, #tpu.memory_space<vmem>>
        %dma_start3A_130 = arith.constant 0 : i32
        %dma_start3A_131 = tpu.memref_slice %arg8[%add3A_123, %dma_start3A_130] : memref<20x512xi32, #tpu.memory_space<vmem>> -> memref<1x512xi32, #tpu.memory_space<vmem>>
        %dma_start3A_132 = tpu.memref_squeeze %dma_start3A_131 : memref<1x512xi32, #tpu.memory_space<vmem>> -> memref<512xi32, #tpu.memory_space<vmem>>
        %dma_start3A_133 = arith.constant 0 : i32
        %dma_start3A_134 = arith.constant 0 : i32
        %dma_start3A_135 = tpu.memref_slice %arg10[%dma_start3A_133, %dma_start3A_134] : memref<10112x64xf32, #tpu.memory_space<vmem_shared>> -> memref<10112x64xf32, #tpu.memory_space<vmem_shared>>
        %dma_start3A_136 = tpu.memref_slice %arg12[%dma_start3A_125] : memref<2x!tpu.dma_semaphore, #tpu.memory_space<semaphore_mem>> -> memref<1x!tpu.dma_semaphore, #tpu.memory_space<semaphore_mem>>
        %dma_start3A_137 = tpu.memref_squeeze %dma_start3A_136 : memref<1x!tpu.dma_semaphore, #tpu.memory_space<semaphore_mem>> -> memref<!tpu.dma_semaphore, #tpu.memory_space<semaphore_mem>>
        tpu.enqueue_indirect_dma source(%dma_start3A_129 : memref<512x64xf32, #tpu.memory_space<vmem>>) target(%dma_start3A_135 : memref<10112x64xf32, #tpu.memory_space<vmem_shared>>) offsets(%dma_start3A_132 : memref<512xi32, #tpu.memory_space<vmem>>) semaphore(%dma_start3A_137 : memref<!tpu.dma_semaphore, #tpu.memory_space<semaphore_mem>>) {add = true}
        %dma_wait3A_138 = arith.constant 0 : i32
        %dma_wait3A_139 = arith.constant 0 : i32
        %dma_wait3A_140 = arith.constant 0 : i32
        %dma_wait3A_141 = arith.constant 0 : i32
        %dma_wait3A_142 = tpu.memref_slice %arg9[%dma_wait3A_138, %dma_wait3A_140, %dma_wait3A_141] : memref<2x512x64xf32, #tpu.memory_space<vmem>> -> memref<1x512x64xf32, #tpu.memory_space<vmem>>
        %dma_wait3A_143 = tpu.memref_squeeze %dma_wait3A_142 : memref<1x512x64xf32, #tpu.memory_space<vmem>> -> memref<512x64xf32, #tpu.memory_space<vmem>>
        %dma_wait3A_144 = arith.constant 0 : i32
        %dma_wait3A_145 = arith.constant 0 : i32
        %dma_wait3A_146 = tpu.memref_slice %arg5[%dma_wait3A_144, %dma_wait3A_145] : memref<10112x64xf32, #tpu.memory_space<hbm>> -> memref<512x64xf32, #tpu.memory_space<hbm>>
        %dma_wait3A_147 = tpu.memref_slice %arg12[%dma_wait3A_139] : memref<2x!tpu.dma_semaphore, #tpu.memory_space<semaphore_mem>> -> memref<1x!tpu.dma_semaphore, #tpu.memory_space<semaphore_mem>>
        %dma_wait3A_148 = tpu.memref_squeeze %dma_wait3A_147 : memref<1x!tpu.dma_semaphore, #tpu.memory_space<semaphore_mem>> -> memref<!tpu.dma_semaphore, #tpu.memory_space<semaphore_mem>>
        %dma_wait3A_149 = arith.constant 0 : i32
        %dma_wait3A_150 = arith.constant 0 : i32
        %dma_wait3A_151 = tpu.memref_slice %arg9[%dma_wait3A_138, %dma_wait3A_149, %dma_wait3A_150] : memref<2x512x64xf32, #tpu.memory_space<vmem>> -> memref<1x512x64xf32, #tpu.memory_space<vmem>>
        %dma_wait3A_152 = tpu.memref_squeeze %dma_wait3A_151 : memref<1x512x64xf32, #tpu.memory_space<vmem>> -> memref<512x64xf32, #tpu.memory_space<vmem>>
        %dma_wait3A_153 = arith.constant 0 : i32
        %dma_wait3A_154 = arith.constant 0 : i32
        %dma_wait3A_155 = tpu.memref_slice %arg5[%dma_wait3A_153, %dma_wait3A_154] : memref<10112x64xf32, #tpu.memory_space<hbm>> -> memref<512x64xf32, #tpu.memory_space<hbm>>
        tpu.wait_dma2 semaphore(%dma_wait3A_148 : memref<!tpu.dma_semaphore, #tpu.memory_space<semaphore_mem>>) src(%dma_wait3A_155 : memref<512x64xf32, #tpu.memory_space<hbm>>) dst(%dma_wait3A_152 : memref<512x64xf32, #tpu.memory_space<vmem>>)
        %add3A_156 = arith.constant 2 : i32
        %add3A_157 = arith.addi %add3A_70, %add3A_156 : i32
        %add3A_158 = arith.constant 0 : i32
        %add3A_159 = arith.addi %add3A_157, %add3A_158 : i32
        %lt3A = arith.constant 20 : i32
        %lt3A_160 = arith.cmpi slt, %add3A_159, %lt3A : i32
        %convert_element_type3A_161 = arith.extui %lt3A_160 : i1 to i32
        %cond3A_162 = arith.constant 0 : i32
        %cond3A_163 = arith.cmpi ne, %convert_element_type3A_161, %cond3A_162 : i32
        scf.if %cond3A_163 {
          %add3A_191 = arith.constant 2 : i32
          %add3A_192 = arith.addi %add3A_70, %add3A_191 : i32
          %add3A_193 = arith.constant 0 : i32
          %add3A_194 = arith.addi %add3A_192, %add3A_193 : i32
          %dma_start3A_195 = arith.constant 0 : i32
          %dma_start3A_196 = arith.constant 0 : i32
          %dma_start3A_197 = arith.constant 0 : i32
          %dma_start3A_198 = arith.constant 0 : i32
          %dma_start3A_199 = tpu.memref_slice %arg9[%dma_start3A_195, %dma_start3A_197, %dma_start3A_198] : memref<2x512x64xf32, #tpu.memory_space<vmem>> -> memref<1x512x64xf32, #tpu.memory_space<vmem>>
          %dma_start3A_200 = tpu.memref_squeeze %dma_start3A_199 : memref<1x512x64xf32, #tpu.memory_space<vmem>> -> memref<512x64xf32, #tpu.memory_space<vmem>>
          %dma_start3A_201 = arith.constant 0 : i32
          %dma_start3A_202 = tpu.memref_slice %arg7[%add3A_194, %dma_start3A_201] : memref<20x512xi32, #tpu.memory_space<vmem>> -> memref<1x512xi32, #tpu.memory_space<vmem>>
          %dma_start3A_203 = tpu.memref_squeeze %dma_start3A_202 : memref<1x512xi32, #tpu.memory_space<vmem>> -> memref<512xi32, #tpu.memory_space<vmem>>
          %dma_start3A_204 = arith.constant 0 : i32
          %dma_start3A_205 = arith.constant 0 : i32
          %dma_start3A_206 = tpu.memref_slice %arg2[%dma_start3A_204, %dma_start3A_205] : memref<10112x64xf32, #tpu.memory_space<hbm>> -> memref<10112x64xf32, #tpu.memory_space<hbm>>
          %dma_start3A_207 = tpu.memref_slice %arg11[%dma_start3A_196] : memref<2x!tpu.dma_semaphore, #tpu.memory_space<semaphore_mem>> -> memref<1x!tpu.dma_semaphore, #tpu.memory_space<semaphore_mem>>
          %dma_start3A_208 = tpu.memref_squeeze %dma_start3A_207 : memref<1x!tpu.dma_semaphore, #tpu.memory_space<semaphore_mem>> -> memref<!tpu.dma_semaphore, #tpu.memory_space<semaphore_mem>>
          tpu.enqueue_indirect_dma source(%dma_start3A_206 : memref<10112x64xf32, #tpu.memory_space<hbm>>) target(%dma_start3A_200 : memref<512x64xf32, #tpu.memory_space<vmem>>) offsets(%dma_start3A_203 : memref<512xi32, #tpu.memory_space<vmem>>) semaphore(%dma_start3A_208 : memref<!tpu.dma_semaphore, #tpu.memory_space<semaphore_mem>>)
        } else {
        }
        %dma_wait3A_164 = arith.constant 1 : i32
        %dma_wait3A_165 = arith.constant 1 : i32
        %dma_wait3A_166 = arith.constant 0 : i32
        %dma_wait3A_167 = arith.constant 0 : i32
        %dma_wait3A_168 = tpu.memref_slice %arg9[%dma_wait3A_164, %dma_wait3A_166, %dma_wait3A_167] : memref<2x512x64xf32, #tpu.memory_space<vmem>> -> memref<1x512x64xf32, #tpu.memory_space<vmem>>
        %dma_wait3A_169 = tpu.memref_squeeze %dma_wait3A_168 : memref<1x512x64xf32, #tpu.memory_space<vmem>> -> memref<512x64xf32, #tpu.memory_space<vmem>>
        %dma_wait3A_170 = arith.constant 0 : i32
        %dma_wait3A_171 = arith.constant 0 : i32
        %dma_wait3A_172 = tpu.memref_slice %arg5[%dma_wait3A_170, %dma_wait3A_171] : memref<10112x64xf32, #tpu.memory_space<hbm>> -> memref<512x64xf32, #tpu.memory_space<hbm>>
        %dma_wait3A_173 = tpu.memref_slice %arg12[%dma_wait3A_165] : memref<2x!tpu.dma_semaphore, #tpu.memory_space<semaphore_mem>> -> memref<1x!tpu.dma_semaphore, #tpu.memory_space<semaphore_mem>>
        %dma_wait3A_174 = tpu.memref_squeeze %dma_wait3A_173 : memref<1x!tpu.dma_semaphore, #tpu.memory_space<semaphore_mem>> -> memref<!tpu.dma_semaphore, #tpu.memory_space<semaphore_mem>>
        %dma_wait3A_175 = arith.constant 0 : i32
        %dma_wait3A_176 = arith.constant 0 : i32
        %dma_wait3A_177 = tpu.memref_slice %arg9[%dma_wait3A_164, %dma_wait3A_175, %dma_wait3A_176] : memref<2x512x64xf32, #tpu.memory_space<vmem>> -> memref<1x512x64xf32, #tpu.memory_space<vmem>>
        %dma_wait3A_178 = tpu.memref_squeeze %dma_wait3A_177 : memref<1x512x64xf32, #tpu.memory_space<vmem>> -> memref<512x64xf32, #tpu.memory_space<vmem>>
        %dma_wait3A_179 = arith.constant 0 : i32
        %dma_wait3A_180 = arith.constant 0 : i32
        %dma_wait3A_181 = tpu.memref_slice %arg5[%dma_wait3A_179, %dma_wait3A_180] : memref<10112x64xf32, #tpu.memory_space<hbm>> -> memref<512x64xf32, #tpu.memory_space<hbm>>
        tpu.wait_dma2 semaphore(%dma_wait3A_174 : memref<!tpu.dma_semaphore, #tpu.memory_space<semaphore_mem>>) src(%dma_wait3A_181 : memref<512x64xf32, #tpu.memory_space<hbm>>) dst(%dma_wait3A_178 : memref<512x64xf32, #tpu.memory_space<vmem>>)
        %add3A_182 = arith.constant 2 : i32
        %add3A_183 = arith.addi %add3A_70, %add3A_182 : i32
        %add3A_184 = arith.constant 1 : i32
        %add3A_185 = arith.addi %add3A_183, %add3A_184 : i32
        %lt3A_186 = arith.constant 20 : i32
        %lt3A_187 = arith.cmpi slt, %add3A_185, %lt3A_186 : i32
        %convert_element_type3A_188 = arith.extui %lt3A_187 : i1 to i32
        %cond3A_189 = arith.constant 0 : i32
        %cond3A_190 = arith.cmpi ne, %convert_element_type3A_188, %cond3A_189 : i32
        scf.if %cond3A_190 {
          %add3A_191 = arith.constant 2 : i32
          %add3A_192 = arith.addi %add3A_70, %add3A_191 : i32
          %add3A_193 = arith.constant 1 : i32
          %add3A_194 = arith.addi %add3A_192, %add3A_193 : i32
          %dma_start3A_195 = arith.constant 1 : i32
          %dma_start3A_196 = arith.constant 1 : i32
          %dma_start3A_197 = arith.constant 0 : i32
          %dma_start3A_198 = arith.constant 0 : i32
          %dma_start3A_199 = tpu.memref_slice %arg9[%dma_start3A_195, %dma_start3A_197, %dma_start3A_198] : memref<2x512x64xf32, #tpu.memory_space<vmem>> -> memref<1x512x64xf32, #tpu.memory_space<vmem>>
          %dma_start3A_200 = tpu.memref_squeeze %dma_start3A_199 : memref<1x512x64xf32, #tpu.memory_space<vmem>> -> memref<512x64xf32, #tpu.memory_space<vmem>>
          %dma_start3A_201 = arith.constant 0 : i32
          %dma_start3A_202 = tpu.memref_slice %arg7[%add3A_194, %dma_start3A_201] : memref<20x512xi32, #tpu.memory_space<vmem>> -> memref<1x512xi32, #tpu.memory_space<vmem>>
          %dma_start3A_203 = tpu.memref_squeeze %dma_start3A_202 : memref<1x512xi32, #tpu.memory_space<vmem>> -> memref<512xi32, #tpu.memory_space<vmem>>
          %dma_start3A_204 = arith.constant 0 : i32
          %dma_start3A_205 = arith.constant 0 : i32
          %dma_start3A_206 = tpu.memref_slice %arg2[%dma_start3A_204, %dma_start3A_205] : memref<10112x64xf32, #tpu.memory_space<hbm>> -> memref<10112x64xf32, #tpu.memory_space<hbm>>
          %dma_start3A_207 = tpu.memref_slice %arg11[%dma_start3A_196] : memref<2x!tpu.dma_semaphore, #tpu.memory_space<semaphore_mem>> -> memref<1x!tpu.dma_semaphore, #tpu.memory_space<semaphore_mem>>
          %dma_start3A_208 = tpu.memref_squeeze %dma_start3A_207 : memref<1x!tpu.dma_semaphore, #tpu.memory_space<semaphore_mem>> -> memref<!tpu.dma_semaphore, #tpu.memory_space<semaphore_mem>>
          tpu.enqueue_indirect_dma source(%dma_start3A_206 : memref<10112x64xf32, #tpu.memory_space<hbm>>) target(%dma_start3A_200 : memref<512x64xf32, #tpu.memory_space<vmem>>) offsets(%dma_start3A_203 : memref<512xi32, #tpu.memory_space<vmem>>) semaphore(%dma_start3A_208 : memref<!tpu.dma_semaphore, #tpu.memory_space<semaphore_mem>>)
        } else {
        }
      }
      %scan3A_65 = arith.constant 10 : i32
    } else {
    }
    %barrier3A = arith.constant 0 : index
    tpu.barrier barrier_id(%barrier3A)
    %mul3A_10 = arith.constant 632 : i32
    %mul3A_11 = arith.muli %arg1, %mul3A_10 : i32
    %mul3A_12 = arith.constant 632 : i32
    %mul3A_13 = arith.muli %arg1, %mul3A_12 : i32
    "tpu.region"() ({
      %run_scoped3A = tpu.sem_alloc : memref<!tpu.dma_semaphore, #tpu.memory_space<semaphore_mem>>
      %dma_start3A = arith.constant 0 : i32
      %dma_start3A_14 = arith.constant 0 : i32
      %dma_start3A_15 = tpu.memref_slice %arg6[%arg0, %dma_start3A, %dma_start3A_14] : memref<2x10112x64xf32, #tpu.memory_space<hbm>> -> memref<1x10112x64xf32, #tpu.memory_space<hbm>>
      %dma_start3A_16 = tpu.memref_squeeze %dma_start3A_15 : memref<1x10112x64xf32, #tpu.memory_space<hbm>> -> memref<10112x64xf32, #tpu.memory_space<hbm>>
      %dma_start3A_17 = arith.constant 0 : i32
      %dma_start3A_18 = tpu.memref_slice %dma_start3A_16[%mul3A_13, %dma_start3A_17] : memref<10112x64xf32, #tpu.memory_space<hbm>> -> memref<632x64xf32, #tpu.memory_space<hbm>>
      %dma_start3A_19 = arith.constant 0 : i32
      %dma_start3A_20 = tpu.memref_slice %arg10[%mul3A_11, %dma_start3A_19] : memref<10112x64xf32, #tpu.memory_space<vmem_shared>> -> memref<632x64xf32, #tpu.memory_space<vmem_shared>>
      tpu.enqueue_dma source(%dma_start3A_20 : memref<632x64xf32, #tpu.memory_space<vmem_shared>>) target(%dma_start3A_18 : memref<632x64xf32, #tpu.memory_space<hbm>>) target_semaphore(%run_scoped3A : memref<!tpu.dma_semaphore, #tpu.memory_space<semaphore_mem>>)
      %dma_wait3A = arith.constant 0 : i32
      %dma_wait3A_21 = arith.constant 0 : i32
      %dma_wait3A_22 = tpu.memref_slice %arg6[%arg0, %dma_wait3A, %dma_wait3A_21] : memref<2x10112x64xf32, #tpu.memory_space<hbm>> -> memref<1x10112x64xf32, #tpu.memory_space<hbm>>
      %dma_wait3A_23 = tpu.memref_squeeze %dma_wait3A_22 : memref<1x10112x64xf32, #tpu.memory_space<hbm>> -> memref<10112x64xf32, #tpu.memory_space<hbm>>
      %dma_wait3A_24 = arith.constant 0 : i32
      %dma_wait3A_25 = tpu.memref_slice %dma_wait3A_23[%mul3A_13, %dma_wait3A_24] : memref<10112x64xf32, #tpu.memory_space<hbm>> -> memref<632x64xf32, #tpu.memory_space<hbm>>
      %dma_wait3A_26 = arith.constant 0 : i32
      %dma_wait3A_27 = tpu.memref_slice %arg10[%mul3A_11, %dma_wait3A_26] : memref<10112x64xf32, #tpu.memory_space<vmem_shared>> -> memref<632x64xf32, #tpu.memory_space<vmem_shared>>
      tpu.wait_dma2 semaphore(%run_scoped3A : memref<!tpu.dma_semaphore, #tpu.memory_space<semaphore_mem>>) src(%dma_wait3A_27 : memref<632x64xf32, #tpu.memory_space<vmem_shared>>) dst(%dma_wait3A_25 : memref<632x64xf32, #tpu.memory_space<hbm>>)
      tpu.yield
    }) : () -> ()
    return
  }
}

module attributes {stable_mosaic.version = 14 : i64} {
  func.func @body(%arg0: memref<10112x128xf32, #tpu.memory_space<vmem>>, %arg1: memref<128x64xf32, #tpu.memory_space<vmem>>, %arg2: memref<10112x64xf32, #tpu.memory_space<vmem>>) attributes {dimension_semantics = [], scalar_prefetch = 0 : i64, scratch_operands = 0 : i64, tpu.core_type = #tpu.core_type<tc>} {
    %get3A = arith.constant 0 : index
    %get3A_0 = arith.constant 0 : index
    %get3A_1 = vector.load %arg0[%get3A, %get3A_0] : memref<10112x128xf32, #tpu.memory_space<vmem>>, vector<10112x128xf32>
    %get3A_2 = arith.constant 0 : index
    %get3A_3 = arith.constant 0 : index
    %get3A_4 = vector.load %arg1[%get3A_2, %get3A_3] : memref<128x64xf32, #tpu.memory_space<vmem>>, vector<128x64xf32>
    %dot_general3A = arith.constant dense<0.000000e+00> : vector<10112x64xf32>
    %dot_general3A_5 = tpu.matmul %get3A_1, %get3A_4, %dot_general3A {dimension_numbers = #tpu.dot_dimension_numbers<[1], [0], [0], [1], [0, 0, 1, 1], [], []>, transpose_lhs_hint = false} : vector<10112x128xf32>, vector<128x64xf32>, vector<10112x64xf32> -> vector<10112x64xf32>
    %swap3A = arith.constant 0 : index
    %swap3A_6 = arith.constant 0 : index
    %swap3A_7 = vector.load %arg2[%swap3A, %swap3A_6] : memref<10112x64xf32, #tpu.memory_space<vmem>>, vector<10112x64xf32>
    tpu.vector_store %arg2[%swap3A, %swap3A_6], %dot_general3A_5 {strides = array<i32>} : memref<10112x64xf32, #tpu.memory_space<vmem>>, vector<10112x64xf32>,
    return
  }
}

module attributes {stable_mosaic.version = 14 : i64} {
  func.func @body(%arg0: memref<10112x64xf32, #tpu.memory_space<vmem>>, %arg1: memref<2x10112x16xf32, #tpu.memory_space<vmem>>, %arg2: memref<10112x64xf32, #tpu.memory_space<vmem>>, %arg3: memref<10112x1xf32, #tpu.memory_space<vmem>>) attributes {dimension_semantics = [], scalar_prefetch = 0 : i64, scratch_operands = 0 : i64, tpu.core_type = #tpu.core_type<tc>} {
    %get3A = arith.constant 0 : index
    %get3A_0 = arith.constant 0 : index
    %get3A_1 = arith.constant 0 : index
    %get3A_2 = vector.load %arg1[%get3A, %get3A_0, %get3A_1] : memref<2x10112x16xf32, #tpu.memory_space<vmem>>, vector<2x10112x16xf32>
    %slice3A = vector.extract_strided_slice %get3A_2 {offsets = [0, 0, 0], sizes = [1, 10112, 1], strides = [1, 1, 1]} : vector<2x10112x16xf32> to vector<1x10112x1xf32>
    %squeeze3A = vector.shape_cast %slice3A : vector<1x10112x1xf32> to vector<10112x1xf32>
    %slice3A_3 = vector.extract_strided_slice %get3A_2 {offsets = [1, 0, 0], sizes = [1, 10112, 1], strides = [1, 1, 1]} : vector<2x10112x16xf32> to vector<1x10112x1xf32>
    %squeeze3A_4 = vector.shape_cast %slice3A_3 : vector<1x10112x1xf32> to vector<10112x1xf32>
    %add3A = arith.addf %squeeze3A, %squeeze3A_4 : vector<10112x1xf32>
    %add3A_5 = arith.constant 1.000000e+00 : f32
    %add3A_6 = vector.broadcast %add3A_5 : f32 to vector<10112x1xf32>
    %add3A_7 = arith.addf %add3A, %add3A_6 : vector<10112x1xf32>
    %rsqrt3A = math.rsqrt %add3A_7 : vector<10112x1xf32>
    %iota3A = tpu.iota {dimensions = array<i32: 0>} : vector<10112x1xi32>
    %lt3A = arith.constant 10000 : i32
    %lt3A_8 = vector.broadcast %lt3A : i32 to vector<10112x1xi32>
    %lt3A_9 = arith.cmpi slt, %iota3A, %lt3A_8 : vector<10112x1xi32>
    %jit3A = arith.constant 0.000000e+00 : f32
    %broadcast_in_dim3A = vector.broadcast %jit3A : f32 to vector<10112x1xf32>
    %select_n3A = arith.select %lt3A_9, %rsqrt3A, %broadcast_in_dim3A : vector<10112x1xi1>, vector<10112x1xf32>
    %swap3A = arith.constant 0 : index
    %swap3A_10 = arith.constant 0 : index
    %swap3A_11 = vector.load %arg3[%swap3A, %swap3A_10] : memref<10112x1xf32, #tpu.memory_space<vmem>>, vector<10112x1xf32>
    tpu.vector_store %arg3[%swap3A, %swap3A_10], %select_n3A {strides = array<i32>} : memref<10112x1xf32, #tpu.memory_space<vmem>>, vector<10112x1xf32>,
    %get3A_12 = arith.constant 0 : index
    %get3A_13 = arith.constant 0 : index
    %get3A_14 = vector.load %arg0[%get3A_12, %get3A_13] : memref<10112x64xf32, #tpu.memory_space<vmem>>, vector<10112x64xf32>
    %mul3A = vector.broadcast %select_n3A : vector<10112x1xf32> to vector<10112x64xf32>
    %mul3A_15 = arith.mulf %get3A_14, %mul3A : vector<10112x64xf32>
    %swap3A_16 = arith.constant 0 : index
    %swap3A_17 = arith.constant 0 : index
    %swap3A_18 = vector.load %arg2[%swap3A_16, %swap3A_17] : memref<10112x64xf32, #tpu.memory_space<vmem>>, vector<10112x64xf32>
    tpu.vector_store %arg2[%swap3A_16, %swap3A_17], %mul3A_15 {strides = array<i32>} : memref<10112x64xf32, #tpu.memory_space<vmem>>, vector<10112x64xf32>,
    return
  }
}

module attributes {stable_mosaic.version = 14 : i64} {
  func.func @body(%arg0: memref<2x10112x64xf32, #tpu.memory_space<vmem>>, %arg1: memref<10112x64xf32, #tpu.memory_space<vmem>>, %arg2: memref<10112x1xf32, #tpu.memory_space<vmem>>, %arg3: memref<1x64xf32, #tpu.memory_space<vmem>>, %arg4: memref<1x64xf32, #tpu.memory_space<vmem>>, %arg5: memref<1x64xf32, #tpu.memory_space<vmem>>, %arg6: memref<64x16xf32, #tpu.memory_space<vmem>>, %arg7: memref<10112x16xf32, #tpu.memory_space<vmem>>) attributes {dimension_semantics = [], scalar_prefetch = 0 : i64, scratch_operands = 0 : i64, tpu.core_type = #tpu.core_type<tc>} {
    %get3A = arith.constant 0 : index
    %get3A_0 = arith.constant 0 : index
    %get3A_1 = vector.load %arg2[%get3A, %get3A_0] : memref<10112x1xf32, #tpu.memory_space<vmem>>, vector<10112x1xf32>
    %get3A_2 = arith.constant 0 : index
    %get3A_3 = arith.constant 0 : index
    %get3A_4 = arith.constant 0 : index
    %get3A_5 = vector.load %arg0[%get3A_2, %get3A_3, %get3A_4] : memref<2x10112x64xf32, #tpu.memory_space<vmem>>, vector<1x10112x64xf32>
    %get3A_6 = vector.shape_cast %get3A_5 : vector<1x10112x64xf32> to vector<10112x64xf32>
    %get3A_7 = arith.constant 1 : index
    %get3A_8 = arith.constant 0 : index
    %get3A_9 = arith.constant 0 : index
    %get3A_10 = vector.load %arg0[%get3A_7, %get3A_8, %get3A_9] : memref<2x10112x64xf32, #tpu.memory_space<vmem>>, vector<1x10112x64xf32>
    %get3A_11 = vector.shape_cast %get3A_10 : vector<1x10112x64xf32> to vector<10112x64xf32>
    %add3A = arith.addf %get3A_6, %get3A_11 : vector<10112x64xf32>
    %get3A_12 = arith.constant 0 : index
    %get3A_13 = arith.constant 0 : index
    %get3A_14 = vector.load %arg1[%get3A_12, %get3A_13] : memref<10112x64xf32, #tpu.memory_space<vmem>>, vector<10112x64xf32>
    %add3A_15 = arith.addf %add3A, %get3A_14 : vector<10112x64xf32>
    %mul3A = vector.broadcast %get3A_1 : vector<10112x1xf32> to vector<10112x64xf32>
    %mul3A_16 = arith.mulf %add3A_15, %mul3A : vector<10112x64xf32>
    %get3A_17 = arith.constant 0 : index
    %get3A_18 = arith.constant 0 : index
    %get3A_19 = vector.load %arg3[%get3A_17, %get3A_18] : memref<1x64xf32, #tpu.memory_space<vmem>>, vector<1x64xf32>
    %add3A_20 = vector.broadcast %get3A_19 : vector<1x64xf32> to vector<10112x64xf32>
    %add3A_21 = arith.addf %mul3A_16, %add3A_20 : vector<10112x64xf32>
    %slice3A = vector.extract_strided_slice %add3A_21 {offsets = [0, 0], sizes = [10000, 64], strides = [1, 1]} : vector<10112x64xf32> to vector<10000x64xf32>
    %reduce_sum3A = arith.constant dense<0.000000e+00> : vector<64xf32>
    %reduce_sum3A_22 = vector.multi_reduction <add>, %slice3A, %reduce_sum3A [0] : vector<10000x64xf32> to vector<64xf32>
    %broadcast_in_dim3A = vector.shape_cast %reduce_sum3A_22 : vector<64xf32> to vector<1x64xf32>
    %div3A = arith.constant 1.000000e+04 : f32
    %div3A_23 = vector.broadcast %div3A : f32 to vector<1x64xf32>
    %div3A_24 = arith.divf %broadcast_in_dim3A, %div3A_23 : vector<1x64xf32>
    %sub3A = vector.broadcast %div3A_24 : vector<1x64xf32> to vector<10000x64xf32>
    %sub3A_25 = arith.subf %slice3A, %sub3A : vector<10000x64xf32>
    %integer_pow3A = arith.mulf %sub3A_25, %sub3A_25 : vector<10000x64xf32>
    %reduce_sum3A_26 = arith.constant dense<0.000000e+00> : vector<64xf32>
    %reduce_sum3A_27 = vector.multi_reduction <add>, %integer_pow3A, %reduce_sum3A_26 [0] : vector<10000x64xf32> to vector<64xf32>
    %broadcast_in_dim3A_28 = vector.shape_cast %reduce_sum3A_27 : vector<64xf32> to vector<1x64xf32>
    %div3A_29 = arith.constant 1.000000e+04 : f32
    %div3A_30 = vector.broadcast %div3A_29 : f32 to vector<1x64xf32>
    %div3A_31 = arith.divf %broadcast_in_dim3A_28, %div3A_30 : vector<1x64xf32>
    %sub3A_32 = vector.broadcast %div3A_24 : vector<1x64xf32> to vector<10112x64xf32>
    %sub3A_33 = arith.subf %add3A_21, %sub3A_32 : vector<10112x64xf32>
    %add3A_34 = arith.constant 9.99999974E-6 : f32
    %add3A_35 = vector.broadcast %add3A_34 : f32 to vector<1x64xf32>
    %add3A_36 = arith.addf %div3A_31, %add3A_35 : vector<1x64xf32>
    %rsqrt3A = math.rsqrt %add3A_36 : vector<1x64xf32>
    %mul3A_37 = vector.broadcast %rsqrt3A : vector<1x64xf32> to vector<10112x64xf32>
    %mul3A_38 = arith.mulf %sub3A_33, %mul3A_37 : vector<10112x64xf32>
    %get3A_39 = arith.constant 0 : index
    %get3A_40 = arith.constant 0 : index
    %get3A_41 = vector.load %arg4[%get3A_39, %get3A_40] : memref<1x64xf32, #tpu.memory_space<vmem>>, vector<1x64xf32>
    %mul3A_42 = vector.broadcast %get3A_41 : vector<1x64xf32> to vector<10112x64xf32>
    %mul3A_43 = arith.mulf %mul3A_38, %mul3A_42 : vector<10112x64xf32>
    %get3A_44 = arith.constant 0 : index
    %get3A_45 = arith.constant 0 : index
    %get3A_46 = vector.load %arg5[%get3A_44, %get3A_45] : memref<1x64xf32, #tpu.memory_space<vmem>>, vector<1x64xf32>
    %add3A_47 = vector.broadcast %get3A_46 : vector<1x64xf32> to vector<10112x64xf32>
    %add3A_48 = arith.addf %mul3A_43, %add3A_47 : vector<10112x64xf32>
    %max3A = arith.constant 0.000000e+00 : f32
    %max3A_49 = vector.broadcast %max3A : f32 to vector<10112x64xf32>
    %max3A_50 = arith.maximumf %add3A_48, %max3A_49 : vector<10112x64xf32>
    %get3A_51 = arith.constant 0 : index
    %get3A_52 = arith.constant 0 : index
    %get3A_53 = vector.load %arg6[%get3A_51, %get3A_52] : memref<64x16xf32, #tpu.memory_space<vmem>>, vector<64x16xf32>
    %dot_general3A = arith.constant dense<0.000000e+00> : vector<10112x16xf32>
    %dot_general3A_54 = tpu.matmul %max3A_50, %get3A_53, %dot_general3A {dimension_numbers = #tpu.dot_dimension_numbers<[1], [0], [0], [1], [0, 0, 1, 1], [], []>, transpose_lhs_hint = false} : vector<10112x64xf32>, vector<64x16xf32>, vector<10112x16xf32> -> vector<10112x16xf32>
    %mul3A_55 = vector.broadcast %get3A_1 : vector<10112x1xf32> to vector<10112x16xf32>
    %mul3A_56 = arith.mulf %dot_general3A_54, %mul3A_55 : vector<10112x16xf32>
    %swap3A = arith.constant 0 : index
    %swap3A_57 = arith.constant 0 : index
    %swap3A_58 = vector.load %arg7[%swap3A, %swap3A_57] : memref<10112x16xf32, #tpu.memory_space<vmem>>, vector<10112x16xf32>
    tpu.vector_store %arg7[%swap3A, %swap3A_57], %mul3A_56 {strides = array<i32>} : memref<10112x16xf32, #tpu.memory_space<vmem>>, vector<10112x16xf32>,
    return
  }
}

module attributes {stable_mosaic.version = 14 : i64} {
  func.func @body(%arg0: memref<2x10112x16xf32, #tpu.memory_space<vmem>>, %arg1: memref<10112x16xf32, #tpu.memory_space<vmem>>, %arg2: memref<10112x1xf32, #tpu.memory_space<vmem>>, %arg3: memref<1x2xf32, #tpu.memory_space<vmem>>, %arg4: memref<10000x2xf32, #tpu.memory_space<vmem>>) attributes {dimension_semantics = [], scalar_prefetch = 0 : i64, scratch_operands = 0 : i64, tpu.core_type = #tpu.core_type<tc>} {
    %get3A = arith.constant 0 : index
    %get3A_0 = arith.constant 0 : index
    %get3A_1 = arith.constant 0 : index
    %get3A_2 = vector.load %arg0[%get3A, %get3A_0, %get3A_1] : memref<2x10112x16xf32, #tpu.memory_space<vmem>>, vector<1x10000x2xf32>
    %get3A_3 = vector.shape_cast %get3A_2 : vector<1x10000x2xf32> to vector<10000x2xf32>
    %get3A_4 = arith.constant 1 : index
    %get3A_5 = arith.constant 0 : index
    %get3A_6 = arith.constant 0 : index
    %get3A_7 = vector.load %arg0[%get3A_4, %get3A_5, %get3A_6] : memref<2x10112x16xf32, #tpu.memory_space<vmem>>, vector<1x10000x2xf32>
    %get3A_8 = vector.shape_cast %get3A_7 : vector<1x10000x2xf32> to vector<10000x2xf32>
    %add3A = arith.addf %get3A_3, %get3A_8 : vector<10000x2xf32>
    %get3A_9 = arith.constant 0 : index
    %get3A_10 = arith.constant 0 : index
    %get3A_11 = vector.load %arg1[%get3A_9, %get3A_10] : memref<10112x16xf32, #tpu.memory_space<vmem>>, vector<10000x2xf32>
    %add3A_12 = arith.addf %add3A, %get3A_11 : vector<10000x2xf32>
    %get3A_13 = arith.constant 0 : index
    %get3A_14 = arith.constant 0 : index
    %get3A_15 = vector.load %arg2[%get3A_13, %get3A_14] : memref<10112x1xf32, #tpu.memory_space<vmem>>, vector<10000x1xf32>
    %mul3A = vector.broadcast %get3A_15 : vector<10000x1xf32> to vector<10000x2xf32>
    %mul3A_16 = arith.mulf %add3A_12, %mul3A : vector<10000x2xf32>
    %get3A_17 = arith.constant 0 : index
    %get3A_18 = arith.constant 0 : index
    %get3A_19 = vector.load %arg3[%get3A_17, %get3A_18] : memref<1x2xf32, #tpu.memory_space<vmem>>, vector<1x2xf32>
    %add3A_20 = vector.broadcast %get3A_19 : vector<1x2xf32> to vector<10000x2xf32>
    %add3A_21 = arith.addf %mul3A_16, %add3A_20 : vector<10000x2xf32>
    %swap3A = arith.constant 0 : index
    %swap3A_22 = arith.constant 0 : index
    %swap3A_23 = vector.load %arg4[%swap3A, %swap3A_22] : memref<10000x2xf32, #tpu.memory_space<vmem>>, vector<10000x2xf32>
    tpu.vector_store %arg4[%swap3A, %swap3A_22], %add3A_21 {strides = array<i32>} : memref<10000x2xf32, #tpu.memory_space<vmem>>, vector<10000x2xf32>,
    return
  }
}

</mosaic_0001>

<sc_bundles>
// kernel: kernel.12.cloned.1.call-start
scs
__scs_entry_jumppad:
0x0: {  	(pc) =	sbr.rel $0x88, $3  }
0x1: {  	(tag) =	ssettag $0x0;
	lr =	simm.s32 $0x1  }
0x2: {  	[smem:$0x3F99] =	sst lr;
	_ =	strace $0xD0000000  }
0x3: {  	_ = 	snop  }
0x4: {  	_ = 	snop  }
0x5: {  	_ = 	snop  }
0x6: {  	_ = 	snop  }
0x7: {  	_ = 	snop  }
__scs_overlays_trampoline_lowered:
0x8: {  	[smem:$0x3FA8] =	sst s0  }
0x9: {  	[smem:$0x3FA9] =	sst s1  }
0xa: {  	[smem:$0x3FAA] =	sst s2  }
0xb: {  	[smem:$0x3FAB] =	sst s3  }
0xc: {  	[smem:$0x3FAC] =	sst s4  }
0xd: {  	[smem:$0x3FAD] =	sst s5  }
0xe: {  	[smem:$0x3FAE] =	sst s6  }
0xf: {  	[smem:$0x3FAF] =	sst s7  }
0x10: {  	[smem:$0x3FB0] =	sst s8  }
0x11: {  	[smem:$0x3FB1] =	sst s9;
	s0 =	simm.s32 @!p0 $0x0  }
0x12: {  	s1 =	sld [smem:$0x3F97];
	s0 =	simm.s32 @p0 $0x1  }
0x13: {  	[smem:$0x3FB2] =	sst s0;
	s0 =	simm.s32 @!p1 $0x0  }
0x14: {  	s2 =	sld [smem:$0x3F96];
	s0 =	simm.s32 @p1 $0x1  }
0x15: {  	[smem:$0x3FB3] =	sst s0;
	s0 =	simm.s32 @!p2 $0x0  }
0x16: {  	s3 =	sld [smem:$0x3FDB];
	s0 =	simm.s32 @p2 $0x1  }
0x17: {  	s4 =	simm.s32 $0x1BF5;
	[smem:$0x3FB5] =	sst s0  }
0x18: {  	s0 =	sld [smem:$0x3F98];
	_ =	swait.ge [sflag:s4], $0x0  }
0x19: {  	s7 =	sld [smem:$0x3F99]  }
0x1a: {  	s8 =	sadd.s32 $0xFFFFE003, lr  }
0x1b: {  	s9 =	sadd.s32 $0xFFFFFEF7, lr;
	s5 =	simm.s32 $0xFFFFFFFF;
	p2 =	slt.u32 s8, $0xFFFFF086  }
0x1c: {  	p1 =	slt.u32 s9, $0xF7A;
	s5 =	simm.s32 @!p2 $0x0  }
0x1d: {  	s5 =	simm.s32 @p1 $0x1;
	p0 =	seq.s32 s7, s2  }
0x1e: {  	s7 =	smul.u32 @!p0 $0xF7A, s2;
	p2 =	seq.s32 @!p0 s5, $0x0  }
0x1f: {  	s9 =	smul.u32 $0xF7A, s1;
	s8 =	simm.s32 @!p0 $0x1BF5;
	p2 =	por !p2, p0  }
0x20: {  	[sflag:s8] =	ssyncset.s32 @!p0 $0xFFFFF086;
	s6 =	sadd.s32 @!p0 s3, s7;
	s7 =	simm.s32 @!p0 $0x108  }
0x21: {  	s3 =	sadd.s32 s3, s9;
	s6 =	sadd.s32 @!p0 $0x88, s6;
	s7 =	simm.s32 @p2 $0x1082  }
0x22: {  	[simem:s7], [sflag:s8] =	dma.local @!p0 [hbm:s6], $0xF7A  }
0x23: {  	s9 =	sor.u32 $0xD0000000, s2;
	s6 =	simm.s32 $0x108;
	_ =	swait.ge @!p0 [sflag:s8], $0x0  }
0x24: {  	s3 =	sadd.s32 $0x88, s3;
	s6 =	simm.s32 @!p1 $0x1082;
	[sflag:s4] =	ssyncset.s32 $0xFFFFF086  }
0x25: {  	[simem:s6], [sflag:s4] =	dma.local [hbm:s3], $0xF7A  }
0x26: {  	[smem:$0x3F99] =	sst s1;
	(tag) =	ssettag s2;
	_ =	strace s9  }
0x27: {  	s1 =	sld [smem:$0x3FA9]  }
0x28: {  	s2 =	sld [smem:$0x3FAA]  }
0x29: {  	s4 =	sld [smem:$0x3FAC]  }
0x2a: {  	p0 =	seq.s32 s5, $0x0;
	s5 =	sld [smem:$0x3FAD]  }
0x2b: {  	s6 =	sld [smem:$0x3FAE]  }
0x2c: {  	s7 =	sld [smem:$0x3FAF]  }
0x2d: {  	s3 =	simm.s32 $0x108;
	s8 =	sld [smem:$0x3FB0]  }
0x2e: {  	s3 =	simm.s32 @!p0 $0x1082;
	s9 =	sld [smem:$0x3FB1]  }
0x2f: {  	lr =	sadd.s32 s0, s3;
	s0 =	sld [smem:$0x3FA8]  }
0x30: {  	s3 =	sld [smem:$0x3FAB]  }
0x31: {  	[smem:$0x3FB4] =	sst s10  }
0x32: {  	s10 =	sld [smem:$0x3FB2];
	_ =	sdelay $0x3  }
0x33: {  	p0 =	seq.s32 s10, $0x1;
	s10 =	sld [smem:$0x3FB4];
	_ =	sdelay $0x3  }
0x34: {  	[smem:$0x3FB4] =	sst s10  }
0x35: {  	s10 =	sld [smem:$0x3FB3];
	_ =	sdelay $0x3  }
0x36: {  	p1 =	seq.s32 s10, $0x1;
	s10 =	sld [smem:$0x3FB4];
	_ =	sdelay $0x3  }
0x37: {  	[smem:$0x3FB4] =	sst s10  }
0x38: {  	s10 =	sld [smem:$0x3FB5]  }
0x39: {  	_ = 	snop;
	(pc) =	sbr.ind lr, $3  }
0x3a: {  	_ = 	snop  }
0x3b: {  	_ = 	snop  }
0x3c: {  	p2 =	seq.s32 s10, $0x1;
	s10 =	sld [smem:$0x3FB4]  }
0x3d: {  	_ =	shalt  }
0x3e: {  	_ =	shalt  }
0x3f: {  	_ =	shalt  }
0x40: {  	_ =	shalt  }
0x41: {  	_ =	shalt  }
0x42: {  	_ =	shalt  }
0x43: {  	_ =	shalt  }
0x44: {  	_ =	shalt  }
0x45: {  	_ =	shalt  }
0x46: {  	_ =	shalt  }
0x47: {  	_ =	shalt  }
0x48: {  	_ =	shalt  }
0x49: {  	_ =	shalt  }
0x4a: {  	_ =	shalt  }
0x4b: {  	_ =	shalt  }
0x4c: {  	_ =	shalt  }
0x4d: {  	_ =	shalt  }
0x4e: {  	_ =	shalt  }
0x4f: {  	_ =	shalt  }
0x50: {  	_ =	shalt  }
0x51: {  	_ =	shalt  }
0x52: {  	_ =	shalt  }
0x53: {  	_ =	shalt  }
0x54: {  	_ =	shalt  }
0x55: {  	_ =	shalt  }
0x56: {  	_ =	shalt  }
0x57: {  	_ =	shalt  }
0x58: {  	_ =	shalt  }
0x59: {  	_ =	shalt  }
0x5a: {  	_ =	shalt  }
0x5b: {  	_ =	shalt  }
0x5c: {  	_ =	shalt  }
0x5d: {  	_ =	shalt  }
0x5e: {  	_ =	shalt  }
0x5f: {  	_ =	shalt  }
0x60: {  	_ =	shalt  }
0x61: {  	_ =	shalt  }
0x62: {  	_ =	shalt  }
0x63: {  	_ =	shalt  }
0x64: {  	_ =	shalt  }
0x65: {  	_ =	shalt  }
0x66: {  	_ =	shalt  }
0x67: {  	_ =	shalt  }
0x68: {  	_ =	shalt  }
0x69: {  	_ =	shalt  }
0x6a: {  	_ =	shalt  }
0x6b: {  	_ =	shalt  }
0x6c: {  	_ =	shalt  }
0x6d: {  	_ =	shalt  }
0x6e: {  	_ =	shalt  }
0x6f: {  	_ =	shalt  }
0x70: {  	_ =	shalt  }
0x71: {  	_ =	shalt  }
0x72: {  	_ =	shalt  }
0x73: {  	_ =	shalt  }
0x74: {  	_ =	shalt  }
0x75: {  	_ =	shalt  }
0x76: {  	_ =	shalt  }
0x77: {  	_ =	shalt  }
0x78: {  	_ =	shalt  }
0x79: {  	_ =	shalt  }
0x7a: {  	_ =	shalt  }
0x7b: {  	_ =	shalt  }
0x7c: {  	_ =	shalt  }
0x7d: {  	_ =	shalt  }
0x7e: {  	_ =	shalt  }
0x7f: {  	_ =	shalt  }
0x80: {  	_ =	shalt  }
0x81: {  	_ =	shalt  }
0x82: {  	_ =	shalt  }
0x83: {  	_ =	shalt  }
0x84: {  	_ =	shalt  }
0x85: {  	_ =	shalt  }
0x86: {  	_ =	shalt  }
0x87: {  	_ =	shalt  }
.Lfunc_end0:
.L_simem_size_0:
called_computation.1_lowered:
.L_overlay_start_0:
0x88: {  	s2 =	sld [smem:$0x3FD9]  }
0x89: {  	s3 =	sld [smem:$0x3FFE];
	_ =	sdelay $0x1  }
0x8a: {  	s1 =	srdreg.scid  }
0x8b: {  	s0 =	sand.u32 $0x1, s1  }
0x8c: {  	s16 =	sshll.u32 s0, $0xA;
	s2 =	sadd.s32 s3, s2  }
0x8d: {  	s2 =	sadd.s32 s2, s16  }
0x8e: {  	[smem:$0x3FC0] =	sst s2  }
0x8f: {  	_ = 	snop  }
0x90: {  	(tm) =	ssettm $0x1  }
0x91: {  	s17 =	sld [smem:$0x3FFB];
	_ =	sdelay $0x3  }
0x92: {  	_ =	strace s17  }
0x93: {  	s2 =	sld [smem:$0x3FFC];
	_ =	sdelay $0x3  }
0x94: {  	_ =	strace s2  }
0x95: {  	s2 =	sld [smem:$0x3FFD];
	_ =	sdelay $0x3  }
0x96: {  	_ =	strace s2  }
0x97: {  	_ =	strace $0x8FFFFFFF  }
0x98: {  	s18 =	sld [smem:$0x3FDB];
	_ =	sdelay $0x1  }
0x99: {  	s19 =	simm.s32 $_scs_section_size  }
0x9a: {  	s4 =	simm.s32 $_size__tile_overlayer_lowered;
	s5 =	simm.s32 $_tile_overlayer_lowered  }
0x9b: {  	s22 =	simm.s32 $0x1BFF;
	s21 =	sshll.u32 s5, $0x1;
	s2 =	sadd.s32 s19, s18  }
0x9c: {  	s6 =	simm.s32 $0x0;
	s20 =	sshll.u32 s4, $0x1;
	s4 =	sadd.s32 s21, s2  }
0x9d: {  	[timem:s6], [sflag:s22] =	dma.local [hbm:s4], s20  }
0x9e: {  	_ =	swait.ge [sflag:s22], s20  }
0x9f: {  	s3 =	ssub.s32 $0x0, s20;
	[sflag:s22] =	ssyncset.done $0x0  }
0xa0: {  	[sflag:s22] =	ssyncadd.s32 s3;
	_ =	sdelay $0x1  }
0xa1: {  	s23 =	simm.s32 $0x1B8B  }
0xa2: {  	_ =	swait.ge [sflag:s23], $0x1  }
0xa3: {  	[sflag:s23] =	ssyncset.done $0x0  }
0xa4: {  	s25 =	simm.s32 $0x1B8E;
	s24 =	sld [smem:$0x3FFE];
	[sflag:s23] =	ssyncadd.s32 $0xFFFFFFFF  }
0xa5: {  	s26 =	simm.s32 $execute0_lowered;
	[smem:$0x3FD2] =	sst s25  }
0xa6: {  	s4 =	sshll.u32 s26, $0x1;
	_ =	strace $0x80000049;
	[dreg:$0x1] =	wrdreg $0xFFFFFFFF  }
0xa7: {  	s28 =	simm.s32 $_size_execute0_lowered;
	s2 =	sadd.s32 s2, s4;
	[dreg:$0x0] =	wrdreg $0x0  }
0xa8: {  	s4 =	sshll.u32 s28, $0x1;
	[dreg:$0x2] =	wrdreg s2  }
0xa9: {  	[dreg:$0x3] =	wrdreg s4  }
0xaa: {  	[dreg:$0x4] =	wrdreg $0xC0  }
0xab: {  	_ =	task [dreg:s6], $0x5FFFF  }
0xac: {  	[dreg:$0x1] =	wrdreg $0xFFFFFFFF  }
0xad: {  	[dreg:$0x0] =	wrdreg $0x60  }
0xae: {  	[dreg:$0x2] =	wrdreg s24  }
0xaf: {  	[dreg:$0x3] =	wrdreg $0x150000  }
0xb0: {  	[dreg:$0x4] =	wrdreg $0x9  }
0xb1: {  	_ =	task.clear_ibuf [dreg:s6], $0x5FFFF;
	_ =	strace $0x90000049  }
0xb2: {  	s29 =	simm.s32 $0x9;
	_ =	strace $0x8000004B  }
0xb3: {  	_ =	swait.ge [sflag:s29], $0x1  }
0xb4: {  	[sflag:s29] =	ssyncadd.s32 $0xFFFFFFFF  }
0xb5: {  	_ =	strace $0x9000004B  }
0xb6: {  	_ =	sfence  }
0xb7: {  	s30 =	sld [smem:$0x0];
	_ =	sdelay $0x2  }
0xb8: {  	s31 =	sshll.u32 s1, $0xD;
	s1 =	sshrl.u32 s1, $0x2  }
0xb9: {  	s3 =	sand.u32 $0x4000, s31;
	s1 =	sadd.s32 s1, s30  }
0xba: {  	s0 =	sor.u32 s3, s0;
	s1 =	sshll.u32 s1, $0x11  }
0xbb: {  	s0 =	sor.u32 s1, s0  }
0xbc: {  	s0 =	sadd.s32 $0x8F2B, s0  }
0xbd: {  	[sflag:s0] =	ssyncadd.remote.s32 $0x1  }
0xbe: {  	_ =	sfence.sel $0xFFFF  }
0xbf: {  	[dreg:$0x0] =	wrdreg $0xFFFFFFFF;
	(pc) =	sbr.abs _section_cstart, $3  }
0xc0: {  	[dreg:$0x1] =	wrdreg $0xFFFFFFFF  }
0xc1: {  	_ =	task.clear_ibuf [dreg:s6], $0x2FFFF;
	_ =	strace $0x9FFFFFFF  }
0xc2: {  	(tm) =	ssettm $0x7FFFFFFF  }
0xc3: {  	_ =	shalt  }
tec
execute0_lowered:
.L_overlay_start_1:
0x0: {  	(tag) =	ssettag $0x1  }
0x1: {  	s1 =	rddreg [dreg:$0x0]  }
0x2: {  	s2 =	rddreg [dreg:$0x1];
	s30 =	simm.s32 $0x0  }
0x3: {  	s8 =	stileid.u32;
	s22 =	simm.s32 $0x2A00;
	[smem:$0x7FF] =	sst s30  }
0x4: {  	s23 =	simm.s32 $0x400;
	_ =	strace $0x8000004A;
	[dreg:$0x6] =	wrdreg s22  }
0x5: {  	s3 =	srdreg.scid;
	s24 =	simm.s32 $0x600;
	[dreg:$0x7] =	wrdreg s23  }
0x6: {  	s7 =	simm.s32 $0x2C00;
	s26 =	simm.s32 $0x2E00;
	[dreg:$0x8] =	wrdreg s24  }
0x7: {  	s9 =	simm.s32 $0x800;
	s10 =	simm.s32 $0xA00;
	[dreg:$0x9] =	wrdreg s7  }
0x8: {  	s12 =	simm.s32 $0x3000;
	s13 =	simm.s32 $0x3200;
	[dreg:$0xa] =	wrdreg s26  }
0x9: {  	s15 =	simm.s32 $0xC00;
	s17 =	simm.s32 $0xE00;
	[dreg:$0xb] =	wrdreg s9  }
0xa: {  	s18 =	simm.s32 $0x3400;
	s19 =	simm.s32 $0x3600;
	[dreg:$0xc] =	wrdreg s10  }
0xb: {  	s31 =	simm.s32 $0x2800;
	s29 =	simm.s32 $0x4000;
	[dreg:$0xd] =	wrdreg s12  }
0xc: {  	s28 =	simm.s32 $0x4200;
	s0 =	smul.u32 $0x2800, s8;
	[dreg:$0xe] =	wrdreg s13  }
0xd: {  	s4 =	smul.u32 $0x9E00, s8;
	s5 =	sand.u32 $0x1, s3;
	[dreg:$0xf] =	wrdreg s15  }
0xe: {  	s3 =	smul.u32 $0x500, s8;
	s16 =	sshll.u32 s8, $0x6;
	[dreg:$0x10] =	wrdreg s17  }
0xf: {  	s8 =	simm.s32 $0xD000;
	p0 =	seq.s32 s5, $0x1;
	[dreg:$0x11] =	wrdreg s18  }
0x10: {  	s25 =	smul.u32 $0x13C00, s5;
	s5 =	ssub.s32 $0x2, s5;
	[dreg:$0x12] =	wrdreg s19  }
0x11: {  	s22 =	simm.s32 $0x3800;
	s23 =	simm.s32 $0x3A00;
	s7 =	simm.s32 $0x200  }
0x12: {  	s24 =	simm.s32 $0x1400;
	s9 =	simm.s32 $0x5000;
	s10 =	simm.s32 $0x1600  }
0x13: {  	s13 =	simm.s32 $0x1;
	s26 =	simm.s32 $0x3E00;
	[dreg:$0x15] =	wrdreg s22  }
0x14: {  	s12 =	simm.s32 $0x2;
	s19 =	simm.s32 $0x4A00;
	[dreg:$0x16] =	wrdreg s23  }
0x15: {  	s18 =	simm.s32 $0x2400;
	s17 =	simm.s32 $0x2600;
	[dreg:$0x17] =	wrdreg s24  }
0x16: {  	s0 =	sshrl.u32 s0, $0x3;
	s11 =	sshrl.u32 s5, $0x1;
	[dreg:$0x18] =	wrdreg s10  }
0x17: {  	s14 =	sadd.s32 s4, s2;
	[dreg:$0x1a] =	wrdreg s26;
	s10 =	simm.s32 $0x3  }
0x18: {  	s26 =	simm.s32 $0x1C00;
	s24 =	simm.s32 $0x4400;
	s23 =	simm.s32 $0x4600  }
0x19: {  	s22 =	simm.s32 $0x2000;
	s6 =	sadd.s32 $0x5000, s0;
	s0 =	sshrl.u32 s4, $0x3  }
0x1a: {  	s5 =	ssub.s32 s5, s11;
	s4 =	sor.u32 $0x1C05, s16;
	s11 =	simm.s32 $0x1800  }
0x1b: {  	s16 =	simm.s32 $0x4C00;
	s20 =	sadd.s32 s0, s1;
	s15 =	smax.u32 s5, $0x1  }
0x1c: {  	s5 =	sshrl.u32 s14, $0x3;
	[dreg:$0x1b] =	wrdreg s11;
	s14 =	simm.s32 $0x1A00  }
0x1d: {  	s3 =	smov.u32 @p0 s6;
	s6 =	sadd.s32 $0x38400, s20;
	[dreg:$0x1c] =	wrdreg s14  }
0x1e: {  	s3 =	sadd.s32 s3, s1;
	s20 =	simm.s32 $0x1000;
	[dreg:$0x3] =	wrdreg s6  }
0x1f: {  	s11 =	simm.s32 $0x4;
	s21 =	sadd.s32 $0x1A800, s3;
	[dreg:$0x13] =	wrdreg s20  }
0x20: {  	p0 =	por $0x0, $0x0;
	s3 =	sadd.s32 $0x1A00, s3;
	[dreg:$0x4] =	wrdreg s21  }
0x21: {  	p1 =	sne.s32 s15, $0x1;
	s6 =	simm.s32 $0x5;
	[dreg:$0x5] =	wrdreg s3  }
.Ltmp0:
0x22: {  	s3 =	sadd.s32 $0x24800, s1;
	s21 =	simm.s32 $0x1200;
	(pc) =	sbr.rel @!p1 .LBB2_3-.Ltmp0, $4  }
0x23: {  	s1 =	sadd.s32 s25, s1;
	s25 =	simm.s32 $0x3C00;
	[dreg:$0x14] =	wrdreg s21  }
0x24: {  	s20 =	simm.s32 $0x2200;
	s1 =	sadd.s32 $0x4C000, s1;
	[dreg:$0x19] =	wrdreg s25  }
0x25: {  	s25 =	simm.s32 $0x1E00;
	s21 =	simm.s32 $0x4800;
	s14 =	sadd.s32 s0, s1  }
0x26: {  	s0 =	sadd.s32 $0xFFFFFFFF, s15;
	s15 =	simm.s32 $0x4E00;
	s1 =	rddreg [dreg:$0x3]  }
0x27: {  	[spmem:s5], [sflag:s4] =	dma.local [hbm:s1], $0x13C0  }
0x28: {  	_ =	swait.ge [sflag:s6], $0x13C0  }
0x29: {  	[sflag:s6] =	ssyncset.done $0x0  }
0x2a: {  	s1 =	rddreg [dreg:$0x4];
	[sflag:s6] =	ssyncadd.s32 $0xFFFFEC40  }
0x2b: {  	[tilespmem:s30], [sflag:$0x5] =	stream.linear.gather [hbm4b:s1+s30], $0x2800, $0x38;
	[tilespmem:$0x1EE00] =	vst v63  }
0x2c: {  	_ =	swait.ge [sflag:s6], $0x2800  }
0x2d: {  	[sflag:s6] =	ssyncset.done $0x0  }
0x2e: {  	s1 =	rddreg [dreg:$0x5];
	[sflag:s6] =	ssyncadd.s32 $0xFFFFD800  }
0x2f: {  	[tilespmem:s31], [sflag:$0x5] =	stream.linear.gather [hbm4b:s1+s30], $0x2800, $0x38;
	[tilespmem:$0x1EE00] =	vst v63  }
0x30: {  	_ =	swait.ge [sflag:s6], $0x2800  }
0x31: {  	[sflag:s6] =	ssyncset.done $0x0  }
0x32: {  	[sflag:s6] =	ssyncadd.s32 $0xFFFFD800  }
0x33: {  	[tilespmem:s9], [sflag:$0x1] =	stream.indirect.gather [hbm4b:s3+s7], $0x40, s30, s7, $0xb8;
	[tilespmem:$0x1EE00] =	vst v63  }
0x34: {  	_ = 	snop  }
0x35: {  	[tilespmem:s8], [sflag:$0x2] =	stream.indirect.gather [hbm4b:s3+s7], $0x40, s7, s7, $0xb8;
	[tilespmem:$0x1EE00] =	vst v63  }
0x36: {  	_ =	swait.ge [sflag:s13], $0x8000  }
0x37: {  	[sflag:s13] =	ssyncset.done $0x0  }
0x38: {  	[sflag:s13] =	ssyncadd.s32 $0xFFFF8000  }
0x39: {  	[spmem:s2] =	stream.indirect.scatter.add.f32 [tilespmem:s9], [sflag:$0x3], $0x40, s31, s7, $0xb8;
	[tilespmem:$0x1EE00] =	vst v63  }
0x3a: {  	_ =	swait.ge [sflag:s12], $0x8000  }
0x3b: {  	[sflag:s12] =	ssyncset.done $0x0  }
0x3c: {  	s1 =	rddreg [dreg:$0x6];
	[sflag:s12] =	ssyncadd.s32 $0xFFFF8000  }
0x3d: {  	[spmem:s2] =	stream.indirect.scatter.add.f32 [tilespmem:s8], [sflag:$0x4], $0x40, s1, s7, $0xb8;
	[tilespmem:$0x1EE00] =	vst v63  }
0x3e: {  	_ =	swait.ge [sflag:s10], $0x8000  }
0x3f: {  	[sflag:s10] =	ssyncset.done $0x0  }
0x40: {  	s1 =	rddreg [dreg:$0x7];
	[sflag:s10] =	ssyncadd.s32 $0xFFFF8000  }
0x41: {  	[tilespmem:s9], [sflag:$0x1] =	stream.indirect.gather [hbm4b:s3+s7], $0x40, s1, s7, $0xb8;
	[tilespmem:$0x1EE00] =	vst v63  }
0x42: {  	_ =	swait.ge [sflag:s11], $0x8000  }
0x43: {  	[sflag:s11] =	ssyncset.done $0x0  }
0x44: {  	s1 =	rddreg [dreg:$0x8];
	[sflag:s11] =	ssyncadd.s32 $0xFFFF8000  }
0x45: {  	[tilespmem:s8], [sflag:$0x2] =	stream.indirect.gather [hbm4b:s3+s7], $0x40, s1, s7, $0xb8;
	[tilespmem:$0x1EE00] =	vst v63  }
0x46: {  	_ =	swait.ge [sflag:s13], $0x8000  }
0x47: {  	[sflag:s13] =	ssyncset.done $0x0  }
0x48: {  	s1 =	rddreg [dreg:$0x9];
	[sflag:s13] =	ssyncadd.s32 $0xFFFF8000  }
0x49: {  	[spmem:s2] =	stream.indirect.scatter.add.f32 [tilespmem:s9], [sflag:$0x3], $0x40, s1, s7, $0xb8;
	[tilespmem:$0x1EE00] =	vst v63  }
0x4a: {  	_ =	swait.ge [sflag:s12], $0x8000  }
0x4b: {  	[sflag:s12] =	ssyncset.done $0x0  }
0x4c: {  	s1 =	rddreg [dreg:$0xa];
	[sflag:s12] =	ssyncadd.s32 $0xFFFF8000  }
0x4d: {  	[spmem:s2] =	stream.indirect.scatter.add.f32 [tilespmem:s8], [sflag:$0x4], $0x40, s1, s7, $0xb8;
	[tilespmem:$0x1EE00] =	vst v63  }
0x4e: {  	_ =	swait.ge [sflag:s10], $0x8000  }
0x4f: {  	[sflag:s10] =	ssyncset.done $0x0  }
0x50: {  	s1 =	rddreg [dreg:$0xb];
	[sflag:s10] =	ssyncadd.s32 $0xFFFF8000  }
0x51: {  	[tilespmem:s9], [sflag:$0x1] =	stream.indirect.gather [hbm4b:s3+s7], $0x40, s1, s7, $0xb8;
	[tilespmem:$0x1EE00] =	vst v63  }
0x52: {  	_ =	swait.ge [sflag:s11], $0x8000  }
0x53: {  	[sflag:s11] =	ssyncset.done $0x0  }
0x54: {  	s1 =	rddreg [dreg:$0xc];
	[sflag:s11] =	ssyncadd.s32 $0xFFFF8000  }
0x55: {  	[tilespmem:s8], [sflag:$0x2] =	stream.indirect.gather [hbm4b:s3+s7], $0x40, s1, s7, $0xb8;
	[tilespmem:$0x1EE00] =	vst v63  }
0x56: {  	_ =	swait.ge [sflag:s13], $0x8000  }
0x57: {  	[sflag:s13] =	ssyncset.done $0x0  }
0x58: {  	s1 =	rddreg [dreg:$0xd];
	[sflag:s13] =	ssyncadd.s32 $0xFFFF8000  }
0x59: {  	[spmem:s2] =	stream.indirect.scatter.add.f32 [tilespmem:s9], [sflag:$0x3], $0x40, s1, s7, $0xb8;
	[tilespmem:$0x1EE00] =	vst v63  }
0x5a: {  	_ =	swait.ge [sflag:s12], $0x8000  }
0x5b: {  	[sflag:s12] =	ssyncset.done $0x0  }
0x5c: {  	s1 =	rddreg [dreg:$0xe];
	[sflag:s12] =	ssyncadd.s32 $0xFFFF8000  }
0x5d: {  	[spmem:s2] =	stream.indirect.scatter.add.f32 [tilespmem:s8], [sflag:$0x4], $0x40, s1, s7, $0xb8;
	[tilespmem:$0x1EE00] =	vst v63  }
0x5e: {  	_ =	swait.ge [sflag:s10], $0x8000  }
0x5f: {  	[sflag:s10] =	ssyncset.done $0x0  }
0x60: {  	s1 =	rddreg [dreg:$0xf];
	[sflag:s10] =	ssyncadd.s32 $0xFFFF8000  }
0x61: {  	[tilespmem:s9], [sflag:$0x1] =	stream.indirect.gather [hbm4b:s3+s7], $0x40, s1, s7, $0xb8;
	[tilespmem:$0x1EE00] =	vst v63  }
0x62: {  	_ =	swait.ge [sflag:s11], $0x8000  }
0x63: {  	[sflag:s11] =	ssyncset.done $0x0  }
0x64: {  	s1 =	rddreg [dreg:$0x10];
	[sflag:s11] =	ssyncadd.s32 $0xFFFF8000  }
0x65: {  	[tilespmem:s8], [sflag:$0x2] =	stream.indirect.gather [hbm4b:s3+s7], $0x40, s1, s7, $0xb8;
	[tilespmem:$0x1EE00] =	vst v63  }
0x66: {  	_ =	swait.ge [sflag:s13], $0x8000  }
0x67: {  	[sflag:s13] =	ssyncset.done $0x0  }
0x68: {  	s1 =	rddreg [dreg:$0x11];
	[sflag:s13] =	ssyncadd.s32 $0xFFFF8000  }
0x69: {  	[spmem:s2] =	stream.indirect.scatter.add.f32 [tilespmem:s9], [sflag:$0x3], $0x40, s1, s7, $0xb8;
	[tilespmem:$0x1EE00] =	vst v63  }
0x6a: {  	_ =	swait.ge [sflag:s12], $0x8000  }
0x6b: {  	[sflag:s12] =	ssyncset.done $0x0  }
0x6c: {  	s1 =	rddreg [dreg:$0x12];
	[sflag:s12] =	ssyncadd.s32 $0xFFFF8000  }
0x6d: {  	[spmem:s2] =	stream.indirect.scatter.add.f32 [tilespmem:s8], [sflag:$0x4], $0x40, s1, s7, $0xb8;
	[tilespmem:$0x1EE00] =	vst v63  }
0x6e: {  	_ =	swait.ge [sflag:s10], $0x8000  }
0x6f: {  	[sflag:s10] =	ssyncset.done $0x0  }
0x70: {  	s1 =	rddreg [dreg:$0x13];
	[sflag:s10] =	ssyncadd.s32 $0xFFFF8000  }
0x71: {  	[tilespmem:s9], [sflag:$0x1] =	stream.indirect.gather [hbm4b:s3+s7], $0x40, s1, s7, $0xb8;
	[tilespmem:$0x1EE00] =	vst v63  }
0x72: {  	_ =	swait.ge [sflag:s11], $0x8000  }
0x73: {  	[sflag:s11] =	ssyncset.done $0x0  }
0x74: {  	s1 =	rddreg [dreg:$0x14];
	[sflag:s11] =	ssyncadd.s32 $0xFFFF8000  }
0x75: {  	[tilespmem:s8], [sflag:$0x2] =	stream.indirect.gather [hbm4b:s3+s7], $0x40, s1, s7, $0xb8;
	[tilespmem:$0x1EE00] =	vst v63  }
0x76: {  	_ =	swait.ge [sflag:s13], $0x8000  }
0x77: {  	[sflag:s13] =	ssyncset.done $0x0  }
0x78: {  	s1 =	rddreg [dreg:$0x15];
	[sflag:s13] =	ssyncadd.s32 $0xFFFF8000  }
0x79: {  	[spmem:s2] =	stream.indirect.scatter.add.f32 [tilespmem:s9], [sflag:$0x3], $0x40, s1, s7, $0xb8;
	[tilespmem:$0x1EE00] =	vst v63  }
0x7a: {  	_ =	swait.ge [sflag:s12], $0x8000  }
0x7b: {  	[sflag:s12] =	ssyncset.done $0x0  }
0x7c: {  	s1 =	rddreg [dreg:$0x16];
	[sflag:s12] =	ssyncadd.s32 $0xFFFF8000  }
0x7d: {  	[spmem:s2] =	stream.indirect.scatter.add.f32 [tilespmem:s8], [sflag:$0x4], $0x40, s1, s7, $0xb8;
	[tilespmem:$0x1EE00] =	vst v63  }
0x7e: {  	_ =	swait.ge [sflag:s10], $0x8000  }
0x7f: {  	[sflag:s10] =	ssyncset.done $0x0  }
0x80: {  	s1 =	rddreg [dreg:$0x17];
	[sflag:s10] =	ssyncadd.s32 $0xFFFF8000  }
0x81: {  	[tilespmem:s9], [sflag:$0x1] =	stream.indirect.gather [hbm4b:s3+s7], $0x40, s1, s7, $0xb8;
	[tilespmem:$0x1EE00] =	vst v63  }
0x82: {  	_ =	swait.ge [sflag:s11], $0x8000  }
0x83: {  	[sflag:s11] =	ssyncset.done $0x0  }
0x84: {  	s1 =	rddreg [dreg:$0x18];
	[sflag:s11] =	ssyncadd.s32 $0xFFFF8000  }
0x85: {  	[tilespmem:s8], [sflag:$0x2] =	stream.indirect.gather [hbm4b:s3+s7], $0x40, s1, s7, $0xb8;
	[tilespmem:$0x1EE00] =	vst v63  }
0x86: {  	_ =	swait.ge [sflag:s13], $0x8000  }
0x87: {  	[sflag:s13] =	ssyncset.done $0x0  }
0x88: {  	s1 =	rddreg [dreg:$0x19];
	[sflag:s13] =	ssyncadd.s32 $0xFFFF8000  }
0x89: {  	[spmem:s2] =	stream.indirect.scatter.add.f32 [tilespmem:s9], [sflag:$0x3], $0x40, s1, s7, $0xb8;
	[tilespmem:$0x1EE00] =	vst v63  }
0x8a: {  	_ =	swait.ge [sflag:s12], $0x8000  }
0x8b: {  	[sflag:s12] =	ssyncset.done $0x0  }
0x8c: {  	s1 =	rddreg [dreg:$0x1a];
	[sflag:s12] =	ssyncadd.s32 $0xFFFF8000  }
0x8d: {  	[spmem:s2] =	stream.indirect.scatter.add.f32 [tilespmem:s8], [sflag:$0x4], $0x40, s1, s7, $0xb8;
	[tilespmem:$0x1EE00] =	vst v63  }
0x8e: {  	_ =	swait.ge [sflag:s10], $0x8000  }
0x8f: {  	[sflag:s10] =	ssyncset.done $0x0  }
0x90: {  	s1 =	rddreg [dreg:$0x1b];
	[sflag:s10] =	ssyncadd.s32 $0xFFFF8000  }
0x91: {  	[tilespmem:s9], [sflag:$0x1] =	stream.indirect.gather [hbm4b:s3+s7], $0x40, s1, s7, $0xb8;
	[tilespmem:$0x1EE00] =	vst v63  }
0x92: {  	_ =	swait.ge [sflag:s11], $0x8000  }
0x93: {  	[sflag:s11] =	ssyncset.done $0x0  }
0x94: {  	s1 =	rddreg [dreg:$0x1c];
	[sflag:s11] =	ssyncadd.s32 $0xFFFF8000  }
0x95: {  	[tilespmem:s8], [sflag:$0x2] =	stream.indirect.gather [hbm4b:s3+s7], $0x40, s1, s7, $0xb8;
	[tilespmem:$0x1EE00] =	vst v63  }
0x96: {  	_ =	swait.ge [sflag:s13], $0x8000  }
0x97: {  	[sflag:s13] =	ssyncset.done $0x0  }
0x98: {  	[sflag:s13] =	ssyncadd.s32 $0xFFFF8000  }
0x99: {  	[spmem:s2] =	stream.indirect.scatter.add.f32 [tilespmem:s9], [sflag:$0x3], $0x40, s29, s7, $0xb8;
	[tilespmem:$0x1EE00] =	vst v63  }
0x9a: {  	_ =	swait.ge [sflag:s12], $0x8000  }
0x9b: {  	[sflag:s12] =	ssyncset.done $0x0  }
0x9c: {  	[sflag:s12] =	ssyncadd.s32 $0xFFFF8000  }
0x9d: {  	[spmem:s2] =	stream.indirect.scatter.add.f32 [tilespmem:s8], [sflag:$0x4], $0x40, s28, s7, $0xb8;
	[tilespmem:$0x1EE00] =	vst v63  }
0x9e: {  	_ =	swait.ge [sflag:s10], $0x8000  }
0x9f: {  	[sflag:s10] =	ssyncset.done $0x0  }
0xa0: {  	[sflag:s10] =	ssyncadd.s32 $0xFFFF8000  }
0xa1: {  	[tilespmem:s9], [sflag:$0x1] =	stream.indirect.gather [hbm4b:s3+s7], $0x40, s26, s7, $0xb8;
	[tilespmem:$0x1EE00] =	vst v63  }
0xa2: {  	_ =	swait.ge [sflag:s11], $0x8000  }
0xa3: {  	[sflag:s11] =	ssyncset.done $0x0  }
0xa4: {  	[sflag:s11] =	ssyncadd.s32 $0xFFFF8000  }
0xa5: {  	[tilespmem:s8], [sflag:$0x2] =	stream.indirect.gather [hbm4b:s3+s7], $0x40, s25, s7, $0xb8;
	[tilespmem:$0x1EE00] =	vst v63  }
0xa6: {  	_ =	swait.ge [sflag:s13], $0x8000  }
0xa7: {  	[sflag:s13] =	ssyncset.done $0x0  }
0xa8: {  	[sflag:s13] =	ssyncadd.s32 $0xFFFF8000  }
0xa9: {  	[spmem:s2] =	stream.indirect.scatter.add.f32 [tilespmem:s9], [sflag:$0x3], $0x40, s24, s7, $0xb8;
	[tilespmem:$0x1EE00] =	vst v63  }
0xaa: {  	_ =	swait.ge [sflag:s12], $0x8000  }
0xab: {  	[sflag:s12] =	ssyncset.done $0x0  }
0xac: {  	[sflag:s12] =	ssyncadd.s32 $0xFFFF8000  }
0xad: {  	[spmem:s2] =	stream.indirect.scatter.add.f32 [tilespmem:s8], [sflag:$0x4], $0x40, s23, s7, $0xb8;
	[tilespmem:$0x1EE00] =	vst v63  }
0xae: {  	_ =	swait.ge [sflag:s10], $0x8000  }
0xaf: {  	[sflag:s10] =	ssyncset.done $0x0  }
0xb0: {  	[sflag:s10] =	ssyncadd.s32 $0xFFFF8000  }
0xb1: {  	[tilespmem:s9], [sflag:$0x1] =	stream.indirect.gather [hbm4b:s3+s7], $0x40, s22, s7, $0xb8;
	[tilespmem:$0x1EE00] =	vst v63  }
0xb2: {  	_ =	swait.ge [sflag:s11], $0x8000  }
0xb3: {  	[sflag:s11] =	ssyncset.done $0x0  }
0xb4: {  	[sflag:s11] =	ssyncadd.s32 $0xFFFF8000  }
0xb5: {  	[tilespmem:s8], [sflag:$0x2] =	stream.indirect.gather [hbm4b:s3+s7], $0x40, s20, s7, $0xb8;
	[tilespmem:$0x1EE00] =	vst v63  }
0xb6: {  	_ =	swait.ge [sflag:s13], $0x8000  }
0xb7: {  	[sflag:s13] =	ssyncset.done $0x0  }
0xb8: {  	[sflag:s13] =	ssyncadd.s32 $0xFFFF8000  }
0xb9: {  	[spmem:s2] =	stream.indirect.scatter.add.f32 [tilespmem:s9], [sflag:$0x3], $0x40, s21, s7, $0xb8;
	[tilespmem:$0x1EE00] =	vst v63  }
0xba: {  	_ =	swait.ge [sflag:s12], $0x8000  }
0xbb: {  	[sflag:s12] =	ssyncset.done $0x0  }
0xbc: {  	[sflag:s12] =	ssyncadd.s32 $0xFFFF8000  }
0xbd: {  	[spmem:s2] =	stream.indirect.scatter.add.f32 [tilespmem:s8], [sflag:$0x4], $0x40, s19, s7, $0xb8;
	[tilespmem:$0x1EE00] =	vst v63  }
0xbe: {  	_ =	swait.ge [sflag:s10], $0x8000  }
0xbf: {  	[sflag:s10] =	ssyncset.done $0x0  }
0xc0: {  	[sflag:s10] =	ssyncadd.s32 $0xFFFF8000  }
0xc1: {  	[tilespmem:s9], [sflag:$0x1] =	stream.indirect.gather [hbm4b:s3+s7], $0x40, s18, s7, $0xb8;
	[tilespmem:$0x1EE00] =	vst v63  }
0xc2: {  	_ =	swait.ge [sflag:s11], $0x8000  }
0xc3: {  	[sflag:s11] =	ssyncset.done $0x0  }
0xc4: {  	[sflag:s11] =	ssyncadd.s32 $0xFFFF8000  }
0xc5: {  	[tilespmem:s8], [sflag:$0x2] =	stream.indirect.gather [hbm4b:s3+s7], $0x40, s17, s7, $0xb8;
	[tilespmem:$0x1EE00] =	vst v63  }
0xc6: {  	_ =	swait.ge [sflag:s13], $0x8000  }
0xc7: {  	[sflag:s13] =	ssyncset.done $0x0  }
0xc8: {  	[sflag:s13] =	ssyncadd.s32 $0xFFFF8000  }
0xc9: {  	[spmem:s2] =	stream.indirect.scatter.add.f32 [tilespmem:s9], [sflag:$0x3], $0x40, s16, s7, $0xb8;
	[tilespmem:$0x1EE00] =	vst v63  }
0xca: {  	_ =	swait.ge [sflag:s12], $0x8000  }
0xcb: {  	[sflag:s12] =	ssyncset.done $0x0  }
0xcc: {  	[sflag:s12] =	ssyncadd.s32 $0xFFFF8000  }
0xcd: {  	[spmem:s2] =	stream.indirect.scatter.add.f32 [tilespmem:s8], [sflag:$0x4], $0x40, s15, s7, $0xb8;
	[tilespmem:$0x1EE00] =	vst v63  }
0xce: {  	_ =	swait.ge [sflag:s10], $0x8000  }
0xcf: {  	[sflag:s10] =	ssyncset.done $0x0  }
0xd0: {  	[sflag:s10] =	ssyncadd.s32 $0xFFFF8000  }
0xd1: {  	_ =	swait.ge [sflag:s11], $0x8000  }
0xd2: {  	p1 =	sne.s32 s0, $0x1;
	[sflag:s11] =	ssyncset.done $0x0  }
.Ltmp1:
0xd3: {  	[sflag:s11] =	ssyncadd.s32 $0xFFFF8000;
	(pc) =	sbr.rel @!p1 .LBB2_3-.Ltmp1, $4  }
0xd4: {  	[bflag:$0x0] =	sbarrier.arrive $0xFFFF  }
0xd5: {  	[hbm:s14], [sflag:s4] =	dma.local [spmem:s5], $0x13C0  }
0xd6: {  	s0 =	sadd.s32 $0xFFFFFFFF, s0;
	_ =	swait.ge [sflag:s6], $0x13C0  }
0xd7: {  	p0 =	por $0x1, $0x1;
	s1 =	rddreg [dreg:$0x3];
	[sflag:s6] =	ssyncset.done $0x0  }
.LBB2_2:
0xd8: {  	[sflag:s6] =	ssyncadd.s32 $0xFFFFEC40  }
0xd9: {  	[spmem:s5], [sflag:s4] =	dma.local [hbm:s1], $0x13C0  }
0xda: {  	_ =	swait.ge [sflag:s6], $0x13C0  }
0xdb: {  	[sflag:s6] =	ssyncset.done $0x0  }
0xdc: {  	s1 =	rddreg [dreg:$0x4];
	[sflag:s6] =	ssyncadd.s32 $0xFFFFEC40  }
0xdd: {  	[tilespmem:s30], [sflag:$0x5] =	stream.linear.gather [hbm4b:s1+s30], $0x2800, $0x38;
	[tilespmem:$0x1EE00] =	vst v63  }
0xde: {  	_ =	swait.ge [sflag:s6], $0x2800  }
0xdf: {  	[sflag:s6] =	ssyncset.done $0x0  }
0xe0: {  	s1 =	rddreg [dreg:$0x5];
	[sflag:s6] =	ssyncadd.s32 $0xFFFFD800  }
0xe1: {  	[tilespmem:s31], [sflag:$0x5] =	stream.linear.gather [hbm4b:s1+s30], $0x2800, $0x38;
	[tilespmem:$0x1EE00] =	vst v63  }
0xe2: {  	_ =	swait.ge [sflag:s6], $0x2800  }
0xe3: {  	[sflag:s6] =	ssyncset.done $0x0  }
0xe4: {  	[sflag:s6] =	ssyncadd.s32 $0xFFFFD800  }
0xe5: {  	[tilespmem:s9], [sflag:$0x1] =	stream.indirect.gather [hbm4b:s3+s7], $0x40, s30, s7, $0xb8;
	[tilespmem:$0x1EE00] =	vst v63  }
0xe6: {  	_ = 	snop  }
0xe7: {  	[tilespmem:s8], [sflag:$0x2] =	stream.indirect.gather [hbm4b:s3+s7], $0x40, s7, s7, $0xb8;
	[tilespmem:$0x1EE00] =	vst v63  }
0xe8: {  	_ =	swait.ge [sflag:s13], $0x8000  }
0xe9: {  	[sflag:s13] =	ssyncset.done $0x0  }
0xea: {  	[sflag:s13] =	ssyncadd.s32 $0xFFFF8000  }
0xeb: {  	[spmem:s2] =	stream.indirect.scatter.add.f32 [tilespmem:s9], [sflag:$0x3], $0x40, s31, s7, $0xb8;
	[tilespmem:$0x1EE00] =	vst v63  }
0xec: {  	_ =	swait.ge [sflag:s12], $0x8000  }
0xed: {  	[sflag:s12] =	ssyncset.done $0x0  }
0xee: {  	s1 =	rddreg [dreg:$0x6];
	[sflag:s12] =	ssyncadd.s32 $0xFFFF8000  }
0xef: {  	[spmem:s2] =	stream.indirect.scatter.add.f32 [tilespmem:s8], [sflag:$0x4], $0x40, s1, s7, $0xb8;
	[tilespmem:$0x1EE00] =	vst v63  }
0xf0: {  	_ =	swait.ge [sflag:s10], $0x8000  }
0xf1: {  	[sflag:s10] =	ssyncset.done $0x0  }
0xf2: {  	s1 =	rddreg [dreg:$0x7];
	[sflag:s10] =	ssyncadd.s32 $0xFFFF8000  }
0xf3: {  	[tilespmem:s9], [sflag:$0x1] =	stream.indirect.gather [hbm4b:s3+s7], $0x40, s1, s7, $0xb8;
	[tilespmem:$0x1EE00] =	vst v63  }
0xf4: {  	_ =	swait.ge [sflag:s11], $0x8000  }
0xf5: {  	[sflag:s11] =	ssyncset.done $0x0  }
0xf6: {  	s1 =	rddreg [dreg:$0x8];
	[sflag:s11] =	ssyncadd.s32 $0xFFFF8000  }
0xf7: {  	[tilespmem:s8], [sflag:$0x2] =	stream.indirect.gather [hbm4b:s3+s7], $0x40, s1, s7, $0xb8;
	[tilespmem:$0x1EE00] =	vst v63  }
0xf8: {  	_ =	swait.ge [sflag:s13], $0x8000  }
0xf9: {  	[sflag:s13] =	ssyncset.done $0x0  }
0xfa: {  	s1 =	rddreg [dreg:$0x9];
	[sflag:s13] =	ssyncadd.s32 $0xFFFF8000  }
0xfb: {  	[spmem:s2] =	stream.indirect.scatter.add.f32 [tilespmem:s9], [sflag:$0x3], $0x40, s1, s7, $0xb8;
	[tilespmem:$0x1EE00] =	vst v63  }
0xfc: {  	_ =	swait.ge [sflag:s12], $0x8000  }
0xfd: {  	[sflag:s12] =	ssyncset.done $0x0  }
0xfe: {  	s1 =	rddreg [dreg:$0xa];
	[sflag:s12] =	ssyncadd.s32 $0xFFFF8000  }
0xff: {  	[spmem:s2] =	stream.indirect.scatter.add.f32 [tilespmem:s8], [sflag:$0x4], $0x40, s1, s7, $0xb8;
	[tilespmem:$0x1EE00] =	vst v63  }
0x100: {  	_ =	swait.ge [sflag:s10], $0x8000  }
0x101: {  	[sflag:s10] =	ssyncset.done $0x0  }
0x102: {  	s1 =	rddreg [dreg:$0xb];
	[sflag:s10] =	ssyncadd.s32 $0xFFFF8000  }
0x103: {  	[tilespmem:s9], [sflag:$0x1] =	stream.indirect.gather [hbm4b:s3+s7], $0x40, s1, s7, $0xb8;
	[tilespmem:$0x1EE00] =	vst v63  }
0x104: {  	_ =	swait.ge [sflag:s11], $0x8000  }
0x105: {  	[sflag:s11] =	ssyncset.done $0x0  }
0x106: {  	s1 =	rddreg [dreg:$0xc];
	[sflag:s11] =	ssyncadd.s32 $0xFFFF8000  }
0x107: {  	[tilespmem:s8], [sflag:$0x2] =	stream.indirect.gather [hbm4b:s3+s7], $0x40, s1, s7, $0xb8;
	[tilespmem:$0x1EE00] =	vst v63  }
0x108: {  	_ =	swait.ge [sflag:s13], $0x8000  }
0x109: {  	[sflag:s13] =	ssyncset.done $0x0  }
0x10a: {  	s1 =	rddreg [dreg:$0xd];
	[sflag:s13] =	ssyncadd.s32 $0xFFFF8000  }
0x10b: {  	[spmem:s2] =	stream.indirect.scatter.add.f32 [tilespmem:s9], [sflag:$0x3], $0x40, s1, s7, $0xb8;
	[tilespmem:$0x1EE00] =	vst v63  }
0x10c: {  	_ =	swait.ge [sflag:s12], $0x8000  }
0x10d: {  	[sflag:s12] =	ssyncset.done $0x0  }
0x10e: {  	s1 =	rddreg [dreg:$0xe];
	[sflag:s12] =	ssyncadd.s32 $0xFFFF8000  }
0x10f: {  	[spmem:s2] =	stream.indirect.scatter.add.f32 [tilespmem:s8], [sflag:$0x4], $0x40, s1, s7, $0xb8;
	[tilespmem:$0x1EE00] =	vst v63  }
0x110: {  	_ =	swait.ge [sflag:s10], $0x8000  }
0x111: {  	[sflag:s10] =	ssyncset.done $0x0  }
0x112: {  	s1 =	rddreg [dreg:$0xf];
	[sflag:s10] =	ssyncadd.s32 $0xFFFF8000  }
0x113: {  	[tilespmem:s9], [sflag:$0x1] =	stream.indirect.gather [hbm4b:s3+s7], $0x40, s1, s7, $0xb8;
	[tilespmem:$0x1EE00] =	vst v63  }
0x114: {  	_ =	swait.ge [sflag:s11], $0x8000  }
0x115: {  	[sflag:s11] =	ssyncset.done $0x0  }
0x116: {  	s1 =	rddreg [dreg:$0x10];
	[sflag:s11] =	ssyncadd.s32 $0xFFFF8000  }
0x117: {  	[tilespmem:s8], [sflag:$0x2] =	stream.indirect.gather [hbm4b:s3+s7], $0x40, s1, s7, $0xb8;
	[tilespmem:$0x1EE00] =	vst v63  }
0x118: {  	_ =	swait.ge [sflag:s13], $0x8000  }
0x119: {  	[sflag:s13] =	ssyncset.done $0x0  }
0x11a: {  	s1 =	rddreg [dreg:$0x11];
	[sflag:s13] =	ssyncadd.s32 $0xFFFF8000  }
0x11b: {  	[spmem:s2] =	stream.indirect.scatter.add.f32 [tilespmem:s9], [sflag:$0x3], $0x40, s1, s7, $0xb8;
	[tilespmem:$0x1EE00] =	vst v63  }
0x11c: {  	_ =	swait.ge [sflag:s12], $0x8000  }
0x11d: {  	[sflag:s12] =	ssyncset.done $0x0  }
0x11e: {  	s1 =	rddreg [dreg:$0x12];
	[sflag:s12] =	ssyncadd.s32 $0xFFFF8000  }
0x11f: {  	[spmem:s2] =	stream.indirect.scatter.add.f32 [tilespmem:s8], [sflag:$0x4], $0x40, s1, s7, $0xb8;
	[tilespmem:$0x1EE00] =	vst v63  }
0x120: {  	_ =	swait.ge [sflag:s10], $0x8000  }
0x121: {  	[sflag:s10] =	ssyncset.done $0x0  }
0x122: {  	s1 =	rddreg [dreg:$0x13];
	[sflag:s10] =	ssyncadd.s32 $0xFFFF8000  }
0x123: {  	[tilespmem:s9], [sflag:$0x1] =	stream.indirect.gather [hbm4b:s3+s7], $0x40, s1, s7, $0xb8;
	[tilespmem:$0x1EE00] =	vst v63  }
0x124: {  	_ =	swait.ge [sflag:s11], $0x8000  }
0x125: {  	[sflag:s11] =	ssyncset.done $0x0  }
0x126: {  	s1 =	rddreg [dreg:$0x14];
	[sflag:s11] =	ssyncadd.s32 $0xFFFF8000  }
0x127: {  	[tilespmem:s8], [sflag:$0x2] =	stream.indirect.gather [hbm4b:s3+s7], $0x40, s1, s7, $0xb8;
	[tilespmem:$0x1EE00] =	vst v63  }
0x128: {  	_ =	swait.ge [sflag:s13], $0x8000  }
0x129: {  	[sflag:s13] =	ssyncset.done $0x0  }
0x12a: {  	s1 =	rddreg [dreg:$0x15];
	[sflag:s13] =	ssyncadd.s32 $0xFFFF8000  }
0x12b: {  	[spmem:s2] =	stream.indirect.scatter.add.f32 [tilespmem:s9], [sflag:$0x3], $0x40, s1, s7, $0xb8;
	[tilespmem:$0x1EE00] =	vst v63  }
0x12c: {  	_ =	swait.ge [sflag:s12], $0x8000  }
0x12d: {  	[sflag:s12] =	ssyncset.done $0x0  }
0x12e: {  	s1 =	rddreg [dreg:$0x16];
	[sflag:s12] =	ssyncadd.s32 $0xFFFF8000  }
0x12f: {  	[spmem:s2] =	stream.indirect.scatter.add.f32 [tilespmem:s8], [sflag:$0x4], $0x40, s1, s7, $0xb8;
	[tilespmem:$0x1EE00] =	vst v63  }
0x130: {  	_ =	swait.ge [sflag:s10], $0x8000  }
0x131: {  	[sflag:s10] =	ssyncset.done $0x0  }
0x132: {  	s1 =	rddreg [dreg:$0x17];
	[sflag:s10] =	ssyncadd.s32 $0xFFFF8000  }
0x133: {  	[tilespmem:s9], [sflag:$0x1] =	stream.indirect.gather [hbm4b:s3+s7], $0x40, s1, s7, $0xb8;
	[tilespmem:$0x1EE00] =	vst v63  }
0x134: {  	_ =	swait.ge [sflag:s11], $0x8000  }
0x135: {  	[sflag:s11] =	ssyncset.done $0x0  }
0x136: {  	s1 =	rddreg [dreg:$0x18];
	[sflag:s11] =	ssyncadd.s32 $0xFFFF8000  }
0x137: {  	[tilespmem:s8], [sflag:$0x2] =	stream.indirect.gather [hbm4b:s3+s7], $0x40, s1, s7, $0xb8;
	[tilespmem:$0x1EE00] =	vst v63  }
0x138: {  	_ =	swait.ge [sflag:s13], $0x8000  }
0x139: {  	[sflag:s13] =	ssyncset.done $0x0  }
0x13a: {  	s1 =	rddreg [dreg:$0x19];
	[sflag:s13] =	ssyncadd.s32 $0xFFFF8000  }
0x13b: {  	[spmem:s2] =	stream.indirect.scatter.add.f32 [tilespmem:s9], [sflag:$0x3], $0x40, s1, s7, $0xb8;
	[tilespmem:$0x1EE00] =	vst v63  }
0x13c: {  	_ =	swait.ge [sflag:s12], $0x8000  }
0x13d: {  	[sflag:s12] =	ssyncset.done $0x0  }
0x13e: {  	s1 =	rddreg [dreg:$0x1a];
	[sflag:s12] =	ssyncadd.s32 $0xFFFF8000  }
0x13f: {  	[spmem:s2] =	stream.indirect.scatter.add.f32 [tilespmem:s8], [sflag:$0x4], $0x40, s1, s7, $0xb8;
	[tilespmem:$0x1EE00] =	vst v63  }
0x140: {  	_ =	swait.ge [sflag:s10], $0x8000  }
0x141: {  	[sflag:s10] =	ssyncset.done $0x0  }
0x142: {  	s1 =	rddreg [dreg:$0x1b];
	[sflag:s10] =	ssyncadd.s32 $0xFFFF8000  }
0x143: {  	[tilespmem:s9], [sflag:$0x1] =	stream.indirect.gather [hbm4b:s3+s7], $0x40, s1, s7, $0xb8;
	[tilespmem:$0x1EE00] =	vst v63  }
0x144: {  	_ =	swait.ge [sflag:s11], $0x8000  }
0x145: {  	[sflag:s11] =	ssyncset.done $0x0  }
0x146: {  	s1 =	rddreg [dreg:$0x1c];
	[sflag:s11] =	ssyncadd.s32 $0xFFFF8000  }
0x147: {  	[tilespmem:s8], [sflag:$0x2] =	stream.indirect.gather [hbm4b:s3+s7], $0x40, s1, s7, $0xb8;
	[tilespmem:$0x1EE00] =	vst v63  }
0x148: {  	_ =	swait.ge [sflag:s13], $0x8000  }
0x149: {  	[sflag:s13] =	ssyncset.done $0x0  }
0x14a: {  	[sflag:s13] =	ssyncadd.s32 $0xFFFF8000  }
0x14b: {  	[spmem:s2] =	stream.indirect.scatter.add.f32 [tilespmem:s9], [sflag:$0x3], $0x40, s29, s7, $0xb8;
	[tilespmem:$0x1EE00] =	vst v63  }
0x14c: {  	_ =	swait.ge [sflag:s12], $0x8000  }
0x14d: {  	[sflag:s12] =	ssyncset.done $0x0  }
0x14e: {  	[sflag:s12] =	ssyncadd.s32 $0xFFFF8000  }
0x14f: {  	[spmem:s2] =	stream.indirect.scatter.add.f32 [tilespmem:s8], [sflag:$0x4], $0x40, s28, s7, $0xb8;
	[tilespmem:$0x1EE00] =	vst v63  }
0x150: {  	_ =	swait.ge [sflag:s10], $0x8000  }
0x151: {  	[sflag:s10] =	ssyncset.done $0x0  }
0x152: {  	[sflag:s10] =	ssyncadd.s32 $0xFFFF8000  }
0x153: {  	[tilespmem:s9], [sflag:$0x1] =	stream.indirect.gather [hbm4b:s3+s7], $0x40, s26, s7, $0xb8;
	[tilespmem:$0x1EE00] =	vst v63  }
0x154: {  	_ =	swait.ge [sflag:s11], $0x8000  }
0x155: {  	[sflag:s11] =	ssyncset.done $0x0  }
0x156: {  	[sflag:s11] =	ssyncadd.s32 $0xFFFF8000  }
0x157: {  	[tilespmem:s8], [sflag:$0x2] =	stream.indirect.gather [hbm4b:s3+s7], $0x40, s25, s7, $0xb8;
	[tilespmem:$0x1EE00] =	vst v63  }
0x158: {  	_ =	swait.ge [sflag:s13], $0x8000  }
0x159: {  	[sflag:s13] =	ssyncset.done $0x0  }
0x15a: {  	[sflag:s13] =	ssyncadd.s32 $0xFFFF8000  }
0x15b: {  	[spmem:s2] =	stream.indirect.scatter.add.f32 [tilespmem:s9], [sflag:$0x3], $0x40, s24, s7, $0xb8;
	[tilespmem:$0x1EE00] =	vst v63  }
0x15c: {  	_ =	swait.ge [sflag:s12], $0x8000  }
0x15d: {  	[sflag:s12] =	ssyncset.done $0x0  }
0x15e: {  	[sflag:s12] =	ssyncadd.s32 $0xFFFF8000  }
0x15f: {  	[spmem:s2] =	stream.indirect.scatter.add.f32 [tilespmem:s8], [sflag:$0x4], $0x40, s23, s7, $0xb8;
	[tilespmem:$0x1EE00] =	vst v63  }
0x160: {  	_ =	swait.ge [sflag:s10], $0x8000  }
0x161: {  	[sflag:s10] =	ssyncset.done $0x0  }
0x162: {  	[sflag:s10] =	ssyncadd.s32 $0xFFFF8000  }
0x163: {  	[tilespmem:s9], [sflag:$0x1] =	stream.indirect.gather [hbm4b:s3+s7], $0x40, s22, s7, $0xb8;
	[tilespmem:$0x1EE00] =	vst v63  }
0x164: {  	_ =	swait.ge [sflag:s11], $0x8000  }
0x165: {  	[sflag:s11] =	ssyncset.done $0x0  }
0x166: {  	[sflag:s11] =	ssyncadd.s32 $0xFFFF8000  }
0x167: {  	[tilespmem:s8], [sflag:$0x2] =	stream.indirect.gather [hbm4b:s3+s7], $0x40, s20, s7, $0xb8;
	[tilespmem:$0x1EE00] =	vst v63  }
0x168: {  	_ =	swait.ge [sflag:s13], $0x8000  }
0x169: {  	[sflag:s13] =	ssyncset.done $0x0  }
0x16a: {  	[sflag:s13] =	ssyncadd.s32 $0xFFFF8000  }
0x16b: {  	[spmem:s2] =	stream.indirect.scatter.add.f32 [tilespmem:s9], [sflag:$0x3], $0x40, s21, s7, $0xb8;
	[tilespmem:$0x1EE00] =	vst v63  }
0x16c: {  	_ =	swait.ge [sflag:s12], $0x8000  }
0x16d: {  	[sflag:s12] =	ssyncset.done $0x0  }
0x16e: {  	[sflag:s12] =	ssyncadd.s32 $0xFFFF8000  }
0x16f: {  	[spmem:s2] =	stream.indirect.scatter.add.f32 [tilespmem:s8], [sflag:$0x4], $0x40, s19, s7, $0xb8;
	[tilespmem:$0x1EE00] =	vst v63  }
0x170: {  	_ =	swait.ge [sflag:s10], $0x8000  }
0x171: {  	[sflag:s10] =	ssyncset.done $0x0  }
0x172: {  	[sflag:s10] =	ssyncadd.s32 $0xFFFF8000  }
0x173: {  	[tilespmem:s9], [sflag:$0x1] =	stream.indirect.gather [hbm4b:s3+s7], $0x40, s18, s7, $0xb8;
	[tilespmem:$0x1EE00] =	vst v63  }
0x174: {  	_ =	swait.ge [sflag:s11], $0x8000  }
0x175: {  	[sflag:s11] =	ssyncset.done $0x0  }
0x176: {  	[sflag:s11] =	ssyncadd.s32 $0xFFFF8000  }
0x177: {  	[tilespmem:s8], [sflag:$0x2] =	stream.indirect.gather [hbm4b:s3+s7], $0x40, s17, s7, $0xb8;
	[tilespmem:$0x1EE00] =	vst v63  }
0x178: {  	_ =	swait.ge [sflag:s13], $0x8000  }
0x179: {  	[sflag:s13] =	ssyncset.done $0x0  }
0x17a: {  	[sflag:s13] =	ssyncadd.s32 $0xFFFF8000  }
0x17b: {  	[spmem:s2] =	stream.indirect.scatter.add.f32 [tilespmem:s9], [sflag:$0x3], $0x40, s16, s7, $0xb8;
	[tilespmem:$0x1EE00] =	vst v63  }
0x17c: {  	_ =	swait.ge [sflag:s12], $0x8000  }
0x17d: {  	[sflag:s12] =	ssyncset.done $0x0  }
0x17e: {  	[sflag:s12] =	ssyncadd.s32 $0xFFFF8000  }
0x17f: {  	[spmem:s2] =	stream.indirect.scatter.add.f32 [tilespmem:s8], [sflag:$0x4], $0x40, s15, s7, $0xb8;
	[tilespmem:$0x1EE00] =	vst v63  }
0x180: {  	_ =	swait.ge [sflag:s10], $0x8000  }
0x181: {  	[sflag:s10] =	ssyncset.done $0x0  }
0x182: {  	[sflag:s10] =	ssyncadd.s32 $0xFFFF8000  }
0x183: {  	_ =	swait.ge [sflag:s11], $0x8000  }
0x184: {  	p1 =	sne.s32 s0, $0x1;
	[sflag:s11] =	ssyncset.done $0x0  }
.Ltmp2:
0x185: {  	[sflag:s11] =	ssyncadd.s32 $0xFFFF8000;
	(pc) =	sbr.rel @p1 .LBB2_2-.Ltmp2, $4  }
0x186: {  	[bflag:$0x0] =	sbarrier.arrive $0xFFFF  }
0x187: {  	[hbm:s14], [sflag:s4] =	dma.local [spmem:s5], $0x13C0  }
0x188: {  	_ =	swait.ge [sflag:s6], $0x13C0  }
0x189: {  	s0 =	sadd.s32 $0xFFFFFFFF, s0;
	s1 =	rddreg [dreg:$0x3];
	[sflag:s6] =	ssyncset.done $0x0  }
.LBB2_3:
0x18a: {  	[sflag:s6] =	ssyncadd.s32 @p0 $0xFFFFEC40  }
0x18b: {  	[spmem:s5], [sflag:s4] =	dma.local [hbm:s1], $0x13C0  }
0x18c: {  	_ =	swait.ge [sflag:s6], $0x13C0  }
0x18d: {  	[sflag:s6] =	ssyncset.done $0x0  }
0x18e: {  	s0 =	rddreg [dreg:$0x4];
	[sflag:s6] =	ssyncadd.s32 $0xFFFFEC40  }
0x18f: {  	[tilespmem:s30], [sflag:$0x5] =	stream.linear.gather [hbm4b:s0+s30], $0x2800, $0x38;
	[tilespmem:$0x1EE00] =	vst v63  }
0x190: {  	_ =	swait.ge [sflag:s6], $0x2800  }
0x191: {  	[sflag:s6] =	ssyncset.done $0x0  }
0x192: {  	s1 =	rddreg [dreg:$0x5];
	[sflag:s6] =	ssyncadd.s32 $0xFFFFD800  }
0x193: {  	[tilespmem:s31], [sflag:$0x5] =	stream.linear.gather [hbm4b:s1+s30], $0x2800, $0x38;
	[tilespmem:$0x1EE00] =	vst v63  }
0x194: {  	_ =	swait.ge [sflag:s6], $0x2800  }
0x195: {  	[sflag:s6] =	ssyncset.done $0x0  }
0x196: {  	[sflag:s6] =	ssyncadd.s32 $0xFFFFD800  }
0x197: {  	[tilespmem:s9], [sflag:$0x1] =	stream.indirect.gather [hbm4b:s3+s7], $0x40, s30, s7, $0xb8;
	[tilespmem:$0x1EE00] =	vst v63  }
0x198: {  	_ = 	snop  }
0x199: {  	[tilespmem:s8], [sflag:$0x2] =	stream.indirect.gather [hbm4b:s3+s7], $0x40, s7, s7, $0xb8;
	[tilespmem:$0x1EE00] =	vst v63  }
0x19a: {  	_ =	swait.ge [sflag:s13], $0x8000  }
0x19b: {  	[sflag:s13] =	ssyncset.done $0x0  }
0x19c: {  	[sflag:s13] =	ssyncadd.s32 $0xFFFF8000  }
0x19d: {  	[spmem:s2] =	stream.indirect.scatter.add.f32 [tilespmem:s9], [sflag:$0x3], $0x40, s31, s7, $0xb8;
	[tilespmem:$0x1EE00] =	vst v63  }
0x19e: {  	_ =	swait.ge [sflag:s12], $0x8000  }
0x19f: {  	[sflag:s12] =	ssyncset.done $0x0  }
0x1a0: {  	s1 =	rddreg [dreg:$0x6];
	[sflag:s12] =	ssyncadd.s32 $0xFFFF8000  }
0x1a1: {  	[spmem:s2] =	stream.indirect.scatter.add.f32 [tilespmem:s8], [sflag:$0x4], $0x40, s1, s7, $0xb8;
	[tilespmem:$0x1EE00] =	vst v63  }
0x1a2: {  	_ =	swait.ge [sflag:s10], $0x8000  }
0x1a3: {  	[sflag:s10] =	ssyncset.done $0x0  }
0x1a4: {  	s30 =	rddreg [dreg:$0x7];
	[sflag:s10] =	ssyncadd.s32 $0xFFFF8000  }
0x1a5: {  	[tilespmem:s9], [sflag:$0x1] =	stream.indirect.gather [hbm4b:s3+s7], $0x40, s30, s7, $0xb8;
	[tilespmem:$0x1EE00] =	vst v63  }
0x1a6: {  	_ =	swait.ge [sflag:s11], $0x8000  }
0x1a7: {  	[sflag:s11] =	ssyncset.done $0x0  }
0x1a8: {  	s31 =	rddreg [dreg:$0x8];
	[sflag:s11] =	ssyncadd.s32 $0xFFFF8000  }
0x1a9: {  	[tilespmem:s8], [sflag:$0x2] =	stream.indirect.gather [hbm4b:s3+s7], $0x40, s31, s7, $0xb8;
	[tilespmem:$0x1EE00] =	vst v63  }
0x1aa: {  	_ =	swait.ge [sflag:s13], $0x8000  }
0x1ab: {  	[sflag:s13] =	ssyncset.done $0x0  }
0x1ac: {  	s1 =	rddreg [dreg:$0x9];
	[sflag:s13] =	ssyncadd.s32 $0xFFFF8000  }
0x1ad: {  	[spmem:s2] =	stream.indirect.scatter.add.f32 [tilespmem:s9], [sflag:$0x3], $0x40, s1, s7, $0xb8;
	[tilespmem:$0x1EE00] =	vst v63  }
0x1ae: {  	_ =	swait.ge [sflag:s12], $0x8000  }
0x1af: {  	[sflag:s12] =	ssyncset.done $0x0  }
0x1b0: {  	s30 =	rddreg [dreg:$0xa];
	[sflag:s12] =	ssyncadd.s32 $0xFFFF8000  }
0x1b1: {  	[spmem:s2] =	stream.indirect.scatter.add.f32 [tilespmem:s8], [sflag:$0x4], $0x40, s30, s7, $0xb8;
	[tilespmem:$0x1EE00] =	vst v63  }
0x1b2: {  	_ =	swait.ge [sflag:s10], $0x8000  }
0x1b3: {  	[sflag:s10] =	ssyncset.done $0x0  }
0x1b4: {  	s31 =	rddreg [dreg:$0xb];
	[sflag:s10] =	ssyncadd.s32 $0xFFFF8000  }
0x1b5: {  	[tilespmem:s9], [sflag:$0x1] =	stream.indirect.gather [hbm4b:s3+s7], $0x40, s31, s7, $0xb8;
	[tilespmem:$0x1EE00] =	vst v63  }
0x1b6: {  	_ =	swait.ge [sflag:s11], $0x8000  }
0x1b7: {  	[sflag:s11] =	ssyncset.done $0x0  }
0x1b8: {  	s1 =	rddreg [dreg:$0xc];
	[sflag:s11] =	ssyncadd.s32 $0xFFFF8000  }
0x1b9: {  	[tilespmem:s8], [sflag:$0x2] =	stream.indirect.gather [hbm4b:s3+s7], $0x40, s1, s7, $0xb8;
	[tilespmem:$0x1EE00] =	vst v63  }
0x1ba: {  	_ =	swait.ge [sflag:s13], $0x8000  }
0x1bb: {  	[sflag:s13] =	ssyncset.done $0x0  }
0x1bc: {  	s30 =	rddreg [dreg:$0xd];
	[sflag:s13] =	ssyncadd.s32 $0xFFFF8000  }
0x1bd: {  	[spmem:s2] =	stream.indirect.scatter.add.f32 [tilespmem:s9], [sflag:$0x3], $0x40, s30, s7, $0xb8;
	[tilespmem:$0x1EE00] =	vst v63  }
0x1be: {  	_ =	swait.ge [sflag:s12], $0x8000  }
0x1bf: {  	[sflag:s12] =	ssyncset.done $0x0  }
0x1c0: {  	s31 =	rddreg [dreg:$0xe];
	[sflag:s12] =	ssyncadd.s32 $0xFFFF8000  }
0x1c1: {  	[spmem:s2] =	stream.indirect.scatter.add.f32 [tilespmem:s8], [sflag:$0x4], $0x40, s31, s7, $0xb8;
	[tilespmem:$0x1EE00] =	vst v63  }
0x1c2: {  	_ =	swait.ge [sflag:s10], $0x8000  }
0x1c3: {  	[sflag:s10] =	ssyncset.done $0x0  }
0x1c4: {  	s1 =	rddreg [dreg:$0xf];
	[sflag:s10] =	ssyncadd.s32 $0xFFFF8000  }
0x1c5: {  	[tilespmem:s9], [sflag:$0x1] =	stream.indirect.gather [hbm4b:s3+s7], $0x40, s1, s7, $0xb8;
	[tilespmem:$0x1EE00] =	vst v63  }
0x1c6: {  	_ =	swait.ge [sflag:s11], $0x8000  }
0x1c7: {  	[sflag:s11] =	ssyncset.done $0x0  }
0x1c8: {  	s30 =	rddreg [dreg:$0x10];
	[sflag:s11] =	ssyncadd.s32 $0xFFFF8000  }
0x1c9: {  	[tilespmem:s8], [sflag:$0x2] =	stream.indirect.gather [hbm4b:s3+s7], $0x40, s30, s7, $0xb8;
	[tilespmem:$0x1EE00] =	vst v63  }
0x1ca: {  	_ =	swait.ge [sflag:s13], $0x8000  }
0x1cb: {  	[sflag:s13] =	ssyncset.done $0x0  }
0x1cc: {  	s31 =	rddreg [dreg:$0x11];
	[sflag:s13] =	ssyncadd.s32 $0xFFFF8000  }
0x1cd: {  	[spmem:s2] =	stream.indirect.scatter.add.f32 [tilespmem:s9], [sflag:$0x3], $0x40, s31, s7, $0xb8;
	[tilespmem:$0x1EE00] =	vst v63  }
0x1ce: {  	_ =	swait.ge [sflag:s12], $0x8000  }
0x1cf: {  	[sflag:s12] =	ssyncset.done $0x0  }
0x1d0: {  	s1 =	rddreg [dreg:$0x12];
	[sflag:s12] =	ssyncadd.s32 $0xFFFF8000  }
0x1d1: {  	[spmem:s2] =	stream.indirect.scatter.add.f32 [tilespmem:s8], [sflag:$0x4], $0x40, s1, s7, $0xb8;
	[tilespmem:$0x1EE00] =	vst v63  }
0x1d2: {  	_ =	swait.ge [sflag:s10], $0x8000  }
0x1d3: {  	[sflag:s10] =	ssyncset.done $0x0  }
0x1d4: {  	s30 =	rddreg [dreg:$0x13];
	[sflag:s10] =	ssyncadd.s32 $0xFFFF8000  }
0x1d5: {  	[tilespmem:s9], [sflag:$0x1] =	stream.indirect.gather [hbm4b:s3+s7], $0x40, s30, s7, $0xb8;
	[tilespmem:$0x1EE00] =	vst v63  }
0x1d6: {  	_ =	swait.ge [sflag:s11], $0x8000  }
0x1d7: {  	[sflag:s11] =	ssyncset.done $0x0  }
0x1d8: {  	s31 =	rddreg [dreg:$0x14];
	[sflag:s11] =	ssyncadd.s32 $0xFFFF8000  }
0x1d9: {  	[tilespmem:s8], [sflag:$0x2] =	stream.indirect.gather [hbm4b:s3+s7], $0x40, s31, s7, $0xb8;
	[tilespmem:$0x1EE00] =	vst v63  }
0x1da: {  	_ =	swait.ge [sflag:s13], $0x8000  }
0x1db: {  	[sflag:s13] =	ssyncset.done $0x0  }
0x1dc: {  	s1 =	rddreg [dreg:$0x15];
	[sflag:s13] =	ssyncadd.s32 $0xFFFF8000  }
0x1dd: {  	[spmem:s2] =	stream.indirect.scatter.add.f32 [tilespmem:s9], [sflag:$0x3], $0x40, s1, s7, $0xb8;
	[tilespmem:$0x1EE00] =	vst v63  }
0x1de: {  	_ =	swait.ge [sflag:s12], $0x8000  }
0x1df: {  	[sflag:s12] =	ssyncset.done $0x0  }
0x1e0: {  	s30 =	rddreg [dreg:$0x16];
	[sflag:s12] =	ssyncadd.s32 $0xFFFF8000  }
0x1e1: {  	[spmem:s2] =	stream.indirect.scatter.add.f32 [tilespmem:s8], [sflag:$0x4], $0x40, s30, s7, $0xb8;
	[tilespmem:$0x1EE00] =	vst v63  }
0x1e2: {  	_ =	swait.ge [sflag:s10], $0x8000  }
0x1e3: {  	[sflag:s10] =	ssyncset.done $0x0  }
0x1e4: {  	s31 =	rddreg [dreg:$0x17];
	[sflag:s10] =	ssyncadd.s32 $0xFFFF8000  }
0x1e5: {  	[tilespmem:s9], [sflag:$0x1] =	stream.indirect.gather [hbm4b:s3+s7], $0x40, s31, s7, $0xb8;
	[tilespmem:$0x1EE00] =	vst v63  }
0x1e6: {  	_ =	swait.ge [sflag:s11], $0x8000  }
0x1e7: {  	[sflag:s11] =	ssyncset.done $0x0  }
0x1e8: {  	s1 =	rddreg [dreg:$0x18];
	[sflag:s11] =	ssyncadd.s32 $0xFFFF8000  }
0x1e9: {  	[tilespmem:s8], [sflag:$0x2] =	stream.indirect.gather [hbm4b:s3+s7], $0x40, s1, s7, $0xb8;
	[tilespmem:$0x1EE00] =	vst v63  }
0x1ea: {  	_ =	swait.ge [sflag:s13], $0x8000  }
0x1eb: {  	[sflag:s13] =	ssyncset.done $0x0  }
0x1ec: {  	s30 =	rddreg [dreg:$0x19];
	[sflag:s13] =	ssyncadd.s32 $0xFFFF8000  }
0x1ed: {  	[spmem:s2] =	stream.indirect.scatter.add.f32 [tilespmem:s9], [sflag:$0x3], $0x40, s30, s7, $0xb8;
	[tilespmem:$0x1EE00] =	vst v63  }
0x1ee: {  	_ =	swait.ge [sflag:s12], $0x8000  }
0x1ef: {  	[sflag:s12] =	ssyncset.done $0x0  }
0x1f0: {  	s31 =	rddreg [dreg:$0x1a];
	[sflag:s12] =	ssyncadd.s32 $0xFFFF8000  }
0x1f1: {  	[spmem:s2] =	stream.indirect.scatter.add.f32 [tilespmem:s8], [sflag:$0x4], $0x40, s31, s7, $0xb8;
	[tilespmem:$0x1EE00] =	vst v63  }
0x1f2: {  	_ =	swait.ge [sflag:s10], $0x8000  }
0x1f3: {  	[sflag:s10] =	ssyncset.done $0x0  }
0x1f4: {  	s1 =	rddreg [dreg:$0x1b];
	[sflag:s10] =	ssyncadd.s32 $0xFFFF8000  }
0x1f5: {  	[tilespmem:s9], [sflag:$0x1] =	stream.indirect.gather [hbm4b:s3+s7], $0x40, s1, s7, $0xb8;
	[tilespmem:$0x1EE00] =	vst v63  }
0x1f6: {  	_ =	swait.ge [sflag:s11], $0x8000  }
0x1f7: {  	[sflag:s11] =	ssyncset.done $0x0  }
0x1f8: {  	s30 =	rddreg [dreg:$0x1c];
	[sflag:s11] =	ssyncadd.s32 $0xFFFF8000  }
0x1f9: {  	[tilespmem:s8], [sflag:$0x2] =	stream.indirect.gather [hbm4b:s3+s7], $0x40, s30, s7, $0xb8;
	[tilespmem:$0x1EE00] =	vst v63  }
0x1fa: {  	_ =	swait.ge [sflag:s13], $0x8000  }
0x1fb: {  	[sflag:s13] =	ssyncset.done $0x0  }
0x1fc: {  	[sflag:s13] =	ssyncadd.s32 $0xFFFF8000  }
0x1fd: {  	[spmem:s2] =	stream.indirect.scatter.add.f32 [tilespmem:s9], [sflag:$0x3], $0x40, s29, s7, $0xb8;
	[tilespmem:$0x1EE00] =	vst v63  }
0x1fe: {  	_ =	swait.ge [sflag:s12], $0x8000  }
0x1ff: {  	[sflag:s12] =	ssyncset.done $0x0  }
0x200: {  	[sflag:s12] =	ssyncadd.s32 $0xFFFF8000  }
0x201: {  	[spmem:s2] =	stream.indirect.scatter.add.f32 [tilespmem:s8], [sflag:$0x4], $0x40, s28, s7, $0xb8;
	[tilespmem:$0x1EE00] =	vst v63  }
0x202: {  	_ =	swait.ge [sflag:s10], $0x8000  }
0x203: {  	[sflag:s10] =	ssyncset.done $0x0  }
0x204: {  	[sflag:s10] =	ssyncadd.s32 $0xFFFF8000  }
0x205: {  	[tilespmem:s9], [sflag:$0x1] =	stream.indirect.gather [hbm4b:s3+s7], $0x40, s26, s7, $0xb8;
	[tilespmem:$0x1EE00] =	vst v63  }
0x206: {  	_ =	swait.ge [sflag:s11], $0x8000  }
0x207: {  	[sflag:s11] =	ssyncset.done $0x0  }
0x208: {  	[sflag:s11] =	ssyncadd.s32 $0xFFFF8000  }
0x209: {  	[tilespmem:s8], [sflag:$0x2] =	stream.indirect.gather [hbm4b:s3+s7], $0x40, s25, s7, $0xb8;
	[tilespmem:$0x1EE00] =	vst v63  }
0x20a: {  	_ =	swait.ge [sflag:s13], $0x8000  }
0x20b: {  	[sflag:s13] =	ssyncset.done $0x0  }
0x20c: {  	[sflag:s13] =	ssyncadd.s32 $0xFFFF8000  }
0x20d: {  	[spmem:s2] =	stream.indirect.scatter.add.f32 [tilespmem:s9], [sflag:$0x3], $0x40, s24, s7, $0xb8;
	[tilespmem:$0x1EE00] =	vst v63  }
0x20e: {  	_ =	swait.ge [sflag:s12], $0x8000  }
0x20f: {  	[sflag:s12] =	ssyncset.done $0x0  }
0x210: {  	[sflag:s12] =	ssyncadd.s32 $0xFFFF8000  }
0x211: {  	[spmem:s2] =	stream.indirect.scatter.add.f32 [tilespmem:s8], [sflag:$0x4], $0x40, s23, s7, $0xb8;
	[tilespmem:$0x1EE00] =	vst v63  }
0x212: {  	_ =	swait.ge [sflag:s10], $0x8000  }
0x213: {  	[sflag:s10] =	ssyncset.done $0x0  }
0x214: {  	[sflag:s10] =	ssyncadd.s32 $0xFFFF8000  }
0x215: {  	[tilespmem:s9], [sflag:$0x1] =	stream.indirect.gather [hbm4b:s3+s7], $0x40, s22, s7, $0xb8;
	[tilespmem:$0x1EE00] =	vst v63  }
0x216: {  	_ =	swait.ge [sflag:s11], $0x8000  }
0x217: {  	[sflag:s11] =	ssyncset.done $0x0  }
0x218: {  	[sflag:s11] =	ssyncadd.s32 $0xFFFF8000  }
0x219: {  	[tilespmem:s8], [sflag:$0x2] =	stream.indirect.gather [hbm4b:s3+s7], $0x40, s20, s7, $0xb8;
	[tilespmem:$0x1EE00] =	vst v63  }
0x21a: {  	_ =	swait.ge [sflag:s13], $0x8000  }
0x21b: {  	[sflag:s13] =	ssyncset.done $0x0  }
0x21c: {  	[sflag:s13] =	ssyncadd.s32 $0xFFFF8000  }
0x21d: {  	[spmem:s2] =	stream.indirect.scatter.add.f32 [tilespmem:s9], [sflag:$0x3], $0x40, s21, s7, $0xb8;
	[tilespmem:$0x1EE00] =	vst v63  }
0x21e: {  	_ =	swait.ge [sflag:s12], $0x8000  }
0x21f: {  	[sflag:s12] =	ssyncset.done $0x0  }
0x220: {  	[sflag:s12] =	ssyncadd.s32 $0xFFFF8000  }
0x221: {  	[spmem:s2] =	stream.indirect.scatter.add.f32 [tilespmem:s8], [sflag:$0x4], $0x40, s19, s7, $0xb8;
	[tilespmem:$0x1EE00] =	vst v63  }
0x222: {  	_ =	swait.ge [sflag:s10], $0x8000  }
0x223: {  	[sflag:s10] =	ssyncset.done $0x0  }
0x224: {  	[sflag:s10] =	ssyncadd.s32 $0xFFFF8000  }
0x225: {  	[tilespmem:s9], [sflag:$0x1] =	stream.indirect.gather [hbm4b:s3+s7], $0x40, s18, s7, $0xb8;
	[tilespmem:$0x1EE00] =	vst v63  }
0x226: {  	_ =	swait.ge [sflag:s11], $0x8000  }
0x227: {  	[sflag:s11] =	ssyncset.done $0x0  }
0x228: {  	[sflag:s11] =	ssyncadd.s32 $0xFFFF8000  }
0x229: {  	[tilespmem:s8], [sflag:$0x2] =	stream.indirect.gather [hbm4b:s3+s7], $0x40, s17, s7, $0xb8;
	[tilespmem:$0x1EE00] =	vst v63  }
0x22a: {  	_ =	swait.ge [sflag:s13], $0x8000  }
0x22b: {  	[sflag:s13] =	ssyncset.done $0x0  }
0x22c: {  	[sflag:s13] =	ssyncadd.s32 $0xFFFF8000  }
0x22d: {  	[spmem:s2] =	stream.indirect.scatter.add.f32 [tilespmem:s9], [sflag:$0x3], $0x40, s16, s7, $0xb8;
	[tilespmem:$0x1EE00] =	vst v63  }
0x22e: {  	_ =	swait.ge [sflag:s12], $0x8000  }
0x22f: {  	[sflag:s12] =	ssyncset.done $0x0  }
0x230: {  	[sflag:s12] =	ssyncadd.s32 $0xFFFF8000  }
0x231: {  	[spmem:s2] =	stream.indirect.scatter.add.f32 [tilespmem:s8], [sflag:$0x4], $0x40, s15, s7, $0xb8;
	[tilespmem:$0x1EE00] =	vst v63  }
0x232: {  	_ =	swait.ge [sflag:s10], $0x8000  }
0x233: {  	[sflag:s10] =	ssyncset.done $0x0  }
0x234: {  	[sflag:s10] =	ssyncadd.s32 $0xFFFF8000  }
0x235: {  	_ =	swait.ge [sflag:s11], $0x8000  }
0x236: {  	[sflag:s11] =	ssyncset.done $0x0  }
0x237: {  	[sflag:s11] =	ssyncadd.s32 $0xFFFF8000  }
0x238: {  	[bflag:$0x0] =	sbarrier.arrive $0xFFFF  }
0x239: {  	[hbm:s14], [sflag:s4] =	dma.local [spmem:s5], $0x13C0  }
0x23a: {  	_ =	swait.ge [sflag:s6], $0x13C0  }
0x23b: {  	[sflag:s6] =	ssyncset.done $0x0  }
0x23c: {  	[sflag:s6] =	ssyncadd.s32 $0xFFFFEC40  }
0x23d: {  	_ =	sfence.sel $0x180000  }
0x23e: {  	[bflag:$0x0] =	sbarrier.arrive $0xFFFF  }
0x23f: {  	_ =	strace $0x9000004A  }
0x240: {  	s31 =	stileid.u32;
	[bflag:$0x2] =	sbarrier.arrive $0xFFFF  }
0x241: {  	p0 =	sne.s32 s31, $0x0;
	s0 =	rddreg [dreg:$0x2]  }
0x242: {  	s0 =	sadd.s32 @!p0 $0x100000, s0  }
0x243: {  	[sflag:s0] =	ssyncadd.tile.s32 @!p0 $0x1;
	_ =	shalt  }
.Lfunc_end2:
_tile_overlayer_lowered:
.L_overlay_start_2:
0x244: {  	(tag) =	ssettag $0x2  }
0x245: {  	s0 =	rddreg [dreg:$0x0];
	s2 =	stileid.u32  }
0x246: {  	s1 =	rddreg [dreg:$0x1];
	p0 =	sne.s32 s2, $0x0  }
0x247: {  	s3 =	rddreg [dreg:$0x2];
	[bflag:$0x3] =	sbarrier.arrive $0xFFFF;
	s2 =	simm.s32 @!p0 $0x1C05  }
0x248: {  	[timem:s3], [sflag:s2] =	dma.local @!p0 [hbm:s0], s1  }
0x249: {  	s0 =	simm.s32 @!p0 $0x5  }
0x24a: {  	_ =	swait.ge @!p0 [sflag:s0], s1  }
0x24b: {  	s1 =	ssub.s32 @!p0 $0x0, s1;
	[sflag:s0] =	ssyncset.done @!p0 $0x0  }
0x24c: {  	[sflag:s0] =	ssyncadd.s32 @!p0 s1  }
0x24d: {  	[bflag:$0x3] =	sbarrier.arrive $0xFFFF  }
0x24e: {  	_ =	shalt  }

// kernel: kernel.15.cloned.1.call-start
scs
__scs_entry_jumppad:
0x0: {  	(pc) =	sbr.rel $0x88, $3  }
0x1: {  	(tag) =	ssettag $0x0;
	lr =	simm.s32 $0x1  }
0x2: {  	[smem:$0x3F99] =	sst lr;
	_ =	strace $0xD0000000  }
0x3: {  	_ = 	snop  }
0x4: {  	_ = 	snop  }
0x5: {  	_ = 	snop  }
0x6: {  	_ = 	snop  }
0x7: {  	_ = 	snop  }
__scs_overlays_trampoline_lowered:
0x8: {  	[smem:$0x3FA8] =	sst s0  }
0x9: {  	[smem:$0x3FA9] =	sst s1  }
0xa: {  	[smem:$0x3FAA] =	sst s2  }
0xb: {  	[smem:$0x3FAB] =	sst s3  }
0xc: {  	[smem:$0x3FAC] =	sst s4  }
0xd: {  	[smem:$0x3FAD] =	sst s5  }
0xe: {  	[smem:$0x3FAE] =	sst s6  }
0xf: {  	[smem:$0x3FAF] =	sst s7  }
0x10: {  	[smem:$0x3FB0] =	sst s8  }
0x11: {  	[smem:$0x3FB1] =	sst s9;
	s0 =	simm.s32 @!p0 $0x0  }
0x12: {  	s1 =	sld [smem:$0x3F97];
	s0 =	simm.s32 @p0 $0x1  }
0x13: {  	[smem:$0x3FB2] =	sst s0;
	s0 =	simm.s32 @!p1 $0x0  }
0x14: {  	s2 =	sld [smem:$0x3F96];
	s0 =	simm.s32 @p1 $0x1  }
0x15: {  	[smem:$0x3FB3] =	sst s0;
	s0 =	simm.s32 @!p2 $0x0  }
0x16: {  	s3 =	sld [smem:$0x3FDB];
	s0 =	simm.s32 @p2 $0x1  }
0x17: {  	s4 =	simm.s32 $0x1BF5;
	[smem:$0x3FB5] =	sst s0  }
0x18: {  	s0 =	sld [smem:$0x3F98];
	_ =	swait.ge [sflag:s4], $0x0  }
0x19: {  	s7 =	sld [smem:$0x3F99]  }
0x1a: {  	s8 =	sadd.s32 $0xFFFFE003, lr  }
0x1b: {  	s9 =	sadd.s32 $0xFFFFFEF7, lr;
	s5 =	simm.s32 $0xFFFFFFFF;
	p2 =	slt.u32 s8, $0xFFFFF086  }
0x1c: {  	p1 =	slt.u32 s9, $0xF7A;
	s5 =	simm.s32 @!p2 $0x0  }
0x1d: {  	s5 =	simm.s32 @p1 $0x1;
	p0 =	seq.s32 s7, s2  }
0x1e: {  	s7 =	smul.u32 @!p0 $0xF7A, s2;
	p2 =	seq.s32 @!p0 s5, $0x0  }
0x1f: {  	s9 =	smul.u32 $0xF7A, s1;
	s8 =	simm.s32 @!p0 $0x1BF5;
	p2 =	por !p2, p0  }
0x20: {  	[sflag:s8] =	ssyncset.s32 @!p0 $0xFFFFF086;
	s6 =	sadd.s32 @!p0 s3, s7;
	s7 =	simm.s32 @!p0 $0x108  }
0x21: {  	s3 =	sadd.s32 s3, s9;
	s6 =	sadd.s32 @!p0 $0x88, s6;
	s7 =	simm.s32 @p2 $0x1082  }
0x22: {  	[simem:s7], [sflag:s8] =	dma.local @!p0 [hbm:s6], $0xF7A  }
0x23: {  	s9 =	sor.u32 $0xD0000000, s2;
	s6 =	simm.s32 $0x108;
	_ =	swait.ge @!p0 [sflag:s8], $0x0  }
0x24: {  	s3 =	sadd.s32 $0x88, s3;
	s6 =	simm.s32 @!p1 $0x1082;
	[sflag:s4] =	ssyncset.s32 $0xFFFFF086  }
0x25: {  	[simem:s6], [sflag:s4] =	dma.local [hbm:s3], $0xF7A  }
0x26: {  	[smem:$0x3F99] =	sst s1;
	(tag) =	ssettag s2;
	_ =	strace s9  }
0x27: {  	s1 =	sld [smem:$0x3FA9]  }
0x28: {  	s2 =	sld [smem:$0x3FAA]  }
0x29: {  	s4 =	sld [smem:$0x3FAC]  }
0x2a: {  	p0 =	seq.s32 s5, $0x0;
	s5 =	sld [smem:$0x3FAD]  }
0x2b: {  	s6 =	sld [smem:$0x3FAE]  }
0x2c: {  	s7 =	sld [smem:$0x3FAF]  }
0x2d: {  	s3 =	simm.s32 $0x108;
	s8 =	sld [smem:$0x3FB0]  }
0x2e: {  	s3 =	simm.s32 @!p0 $0x1082;
	s9 =	sld [smem:$0x3FB1]  }
0x2f: {  	lr =	sadd.s32 s0, s3;
	s0 =	sld [smem:$0x3FA8]  }
0x30: {  	s3 =	sld [smem:$0x3FAB]  }
0x31: {  	[smem:$0x3FB4] =	sst s10  }
0x32: {  	s10 =	sld [smem:$0x3FB2];
	_ =	sdelay $0x3  }
0x33: {  	p0 =	seq.s32 s10, $0x1;
	s10 =	sld [smem:$0x3FB4];
	_ =	sdelay $0x3  }
0x34: {  	[smem:$0x3FB4] =	sst s10  }
0x35: {  	s10 =	sld [smem:$0x3FB3];
	_ =	sdelay $0x3  }
0x36: {  	p1 =	seq.s32 s10, $0x1;
	s10 =	sld [smem:$0x3FB4];
	_ =	sdelay $0x3  }
0x37: {  	[smem:$0x3FB4] =	sst s10  }
0x38: {  	s10 =	sld [smem:$0x3FB5]  }
0x39: {  	_ = 	snop;
	(pc) =	sbr.ind lr, $3  }
0x3a: {  	_ = 	snop  }
0x3b: {  	_ = 	snop  }
0x3c: {  	p2 =	seq.s32 s10, $0x1;
	s10 =	sld [smem:$0x3FB4]  }
0x3d: {  	_ =	shalt  }
0x3e: {  	_ =	shalt  }
0x3f: {  	_ =	shalt  }
0x40: {  	_ =	shalt  }
0x41: {  	_ =	shalt  }
0x42: {  	_ =	shalt  }
0x43: {  	_ =	shalt  }
0x44: {  	_ =	shalt  }
0x45: {  	_ =	shalt  }
0x46: {  	_ =	shalt  }
0x47: {  	_ =	shalt  }
0x48: {  	_ =	shalt  }
0x49: {  	_ =	shalt  }
0x4a: {  	_ =	shalt  }
0x4b: {  	_ =	shalt  }
0x4c: {  	_ =	shalt  }
0x4d: {  	_ =	shalt  }
0x4e: {  	_ =	shalt  }
0x4f: {  	_ =	shalt  }
0x50: {  	_ =	shalt  }
0x51: {  	_ =	shalt  }
0x52: {  	_ =	shalt  }
0x53: {  	_ =	shalt  }
0x54: {  	_ =	shalt  }
0x55: {  	_ =	shalt  }
0x56: {  	_ =	shalt  }
0x57: {  	_ =	shalt  }
0x58: {  	_ =	shalt  }
0x59: {  	_ =	shalt  }
0x5a: {  	_ =	shalt  }
0x5b: {  	_ =	shalt  }
0x5c: {  	_ =	shalt  }
0x5d: {  	_ =	shalt  }
0x5e: {  	_ =	shalt  }
0x5f: {  	_ =	shalt  }
0x60: {  	_ =	shalt  }
0x61: {  	_ =	shalt  }
0x62: {  	_ =	shalt  }
0x63: {  	_ =	shalt  }
0x64: {  	_ =	shalt  }
0x65: {  	_ =	shalt  }
0x66: {  	_ =	shalt  }
0x67: {  	_ =	shalt  }
0x68: {  	_ =	shalt  }
0x69: {  	_ =	shalt  }
0x6a: {  	_ =	shalt  }
0x6b: {  	_ =	shalt  }
0x6c: {  	_ =	shalt  }
0x6d: {  	_ =	shalt  }
0x6e: {  	_ =	shalt  }
0x6f: {  	_ =	shalt  }
0x70: {  	_ =	shalt  }
0x71: {  	_ =	shalt  }
0x72: {  	_ =	shalt  }
0x73: {  	_ =	shalt  }
0x74: {  	_ =	shalt  }
0x75: {  	_ =	shalt  }
0x76: {  	_ =	shalt  }
0x77: {  	_ =	shalt  }
0x78: {  	_ =	shalt  }
0x79: {  	_ =	shalt  }
0x7a: {  	_ =	shalt  }
0x7b: {  	_ =	shalt  }
0x7c: {  	_ =	shalt  }
0x7d: {  	_ =	shalt  }
0x7e: {  	_ =	shalt  }
0x7f: {  	_ =	shalt  }
0x80: {  	_ =	shalt  }
0x81: {  	_ =	shalt  }
0x82: {  	_ =	shalt  }
0x83: {  	_ =	shalt  }
0x84: {  	_ =	shalt  }
0x85: {  	_ =	shalt  }
0x86: {  	_ =	shalt  }
0x87: {  	_ =	shalt  }
.Lfunc_end0:
.L_simem_size_0:
called_computation.2_lowered:
.L_overlay_start_0:
0x88: {  	s2 =	sld [smem:$0x3FD9]  }
0x89: {  	s3 =	sld [smem:$0x3FFE];
	_ =	sdelay $0x1  }
0x8a: {  	s1 =	srdreg.scid  }
0x8b: {  	s0 =	sand.u32 $0x1, s1  }
0x8c: {  	s16 =	sshll.u32 s0, $0xA;
	s2 =	sadd.s32 s3, s2  }
0x8d: {  	s2 =	sadd.s32 s2, s16  }
0x8e: {  	[smem:$0x3FC0] =	sst s2  }
0x8f: {  	_ = 	snop  }
0x90: {  	(tm) =	ssettm $0x1  }
0x91: {  	s17 =	sld [smem:$0x3FFB];
	_ =	sdelay $0x3  }
0x92: {  	_ =	strace s17  }
0x93: {  	s2 =	sld [smem:$0x3FFC];
	_ =	sdelay $0x3  }
0x94: {  	_ =	strace s2  }
0x95: {  	s2 =	sld [smem:$0x3FFD];
	_ =	sdelay $0x3  }
0x96: {  	_ =	strace s2  }
0x97: {  	_ =	strace $0x8FFFFFFF  }
0x98: {  	s18 =	sld [smem:$0x3FDB];
	_ =	sdelay $0x1  }
0x99: {  	s19 =	simm.s32 $_scs_section_size  }
0x9a: {  	s4 =	simm.s32 $_size__tile_overlayer_lowered;
	s5 =	simm.s32 $_tile_overlayer_lowered  }
0x9b: {  	s22 =	simm.s32 $0x1BFF;
	s21 =	sshll.u32 s5, $0x1;
	s2 =	sadd.s32 s19, s18  }
0x9c: {  	s6 =	simm.s32 $0x0;
	s20 =	sshll.u32 s4, $0x1;
	s4 =	sadd.s32 s21, s2  }
0x9d: {  	[timem:s6], [sflag:s22] =	dma.local [hbm:s4], s20  }
0x9e: {  	_ =	swait.ge [sflag:s22], s20  }
0x9f: {  	s3 =	ssub.s32 $0x0, s20;
	[sflag:s22] =	ssyncset.done $0x0  }
0xa0: {  	[sflag:s22] =	ssyncadd.s32 s3;
	_ =	sdelay $0x1  }
0xa1: {  	s23 =	simm.s32 $0x1B8B  }
0xa2: {  	_ =	swait.ge [sflag:s23], $0x1  }
0xa3: {  	[sflag:s23] =	ssyncset.done $0x0  }
0xa4: {  	s25 =	simm.s32 $0x1B8E;
	s24 =	sld [smem:$0x3FFE];
	[sflag:s23] =	ssyncadd.s32 $0xFFFFFFFF  }
0xa5: {  	s26 =	simm.s32 $execute0_lowered;
	[smem:$0x3FD2] =	sst s25  }
0xa6: {  	s4 =	sshll.u32 s26, $0x1;
	_ =	strace $0x8000004C;
	[dreg:$0x1] =	wrdreg $0xFFFFFFFF  }
0xa7: {  	s28 =	simm.s32 $_size_execute0_lowered;
	s2 =	sadd.s32 s2, s4;
	[dreg:$0x0] =	wrdreg $0x0  }
0xa8: {  	s4 =	sshll.u32 s28, $0x1;
	[dreg:$0x2] =	wrdreg s2  }
0xa9: {  	[dreg:$0x3] =	wrdreg s4  }
0xaa: {  	[dreg:$0x4] =	wrdreg $0xC0  }
0xab: {  	_ =	task [dreg:s6], $0x5FFFF  }
0xac: {  	[dreg:$0x1] =	wrdreg $0xFFFFFFFF  }
0xad: {  	[dreg:$0x0] =	wrdreg $0x60  }
0xae: {  	[dreg:$0x2] =	wrdreg s24  }
0xaf: {  	[dreg:$0x3] =	wrdreg $0xD0000  }
0xb0: {  	[dreg:$0x4] =	wrdreg $0x9  }
0xb1: {  	_ =	task.clear_ibuf [dreg:s6], $0x5FFFF;
	_ =	strace $0x9000004C  }
0xb2: {  	s29 =	simm.s32 $0x9;
	_ =	strace $0x8000004E  }
0xb3: {  	_ =	swait.ge [sflag:s29], $0x1  }
0xb4: {  	[sflag:s29] =	ssyncadd.s32 $0xFFFFFFFF  }
0xb5: {  	_ =	strace $0x9000004E  }
0xb6: {  	_ =	sfence  }
0xb7: {  	s30 =	sld [smem:$0x0];
	_ =	sdelay $0x2  }
0xb8: {  	s31 =	sshll.u32 s1, $0xD;
	s1 =	sshrl.u32 s1, $0x2  }
0xb9: {  	s3 =	sand.u32 $0x4000, s31;
	s1 =	sadd.s32 s1, s30  }
0xba: {  	s0 =	sor.u32 s3, s0;
	s1 =	sshll.u32 s1, $0x11  }
0xbb: {  	s0 =	sor.u32 s1, s0  }
0xbc: {  	s0 =	sadd.s32 $0x8F2B, s0  }
0xbd: {  	[sflag:s0] =	ssyncadd.remote.s32 $0x1  }
0xbe: {  	_ =	sfence.sel $0xFFFF  }
0xbf: {  	[dreg:$0x0] =	wrdreg $0xFFFFFFFF;
	(pc) =	sbr.abs _section_cstart, $3  }
0xc0: {  	[dreg:$0x1] =	wrdreg $0xFFFFFFFF  }
0xc1: {  	_ =	task.clear_ibuf [dreg:s6], $0x2FFFF;
	_ =	strace $0x9FFFFFFF  }
0xc2: {  	(tm) =	ssettm $0x7FFFFFFF  }
0xc3: {  	_ =	shalt  }
tec
execute0_lowered:
.L_overlay_start_1:
0x0: {  	(tag) =	ssettag $0x1  }
0x1: {  	s1 =	rddreg [dreg:$0x0]  }
0x2: {  	s2 =	rddreg [dreg:$0x1];
	s30 =	simm.s32 $0x0  }
0x3: {  	s8 =	stileid.u32;
	s18 =	simm.s32 $0x400;
	[smem:$0x7FF] =	sst s30  }
0x4: {  	s19 =	simm.s32 $0x600;
	_ =	strace $0x8000004D;
	[dreg:$0x6] =	wrdreg s18  }
0x5: {  	s3 =	srdreg.scid;
	s20 =	simm.s32 $0x2A00;
	[dreg:$0x7] =	wrdreg s19  }
0x6: {  	s7 =	simm.s32 $0x2C00;
	s22 =	simm.s32 $0x2E00;
	[dreg:$0x8] =	wrdreg s20  }
0x7: {  	s23 =	simm.s32 $0x800;
	s24 =	simm.s32 $0xA00;
	[dreg:$0x9] =	wrdreg s7  }
0x8: {  	s26 =	simm.s32 $0xC00;
	s9 =	simm.s32 $0xE00;
	[dreg:$0xa] =	wrdreg s22  }
0x9: {  	s10 =	simm.s32 $0x3000;
	s12 =	simm.s32 $0x3200;
	[dreg:$0xb] =	wrdreg s23  }
0xa: {  	s13 =	simm.s32 $0x3400;
	s14 =	simm.s32 $0x3600;
	[dreg:$0xc] =	wrdreg s24  }
0xb: {  	s15 =	simm.s32 $0x1000;
	s31 =	simm.s32 $0x2800;
	[dreg:$0xd] =	wrdreg s26  }
0xc: {  	s29 =	simm.s32 $0x2000;
	s0 =	smul.u32 $0x2800, s8;
	[dreg:$0xe] =	wrdreg s9  }
0xd: {  	s28 =	simm.s32 $0x2400;
	s5 =	smul.u32 $0x2780, s8;
	[dreg:$0xf] =	wrdreg s10  }
0xe: {  	s3 =	sand.u32 $0x1, s3;
	s4 =	smul.u32 $0x500, s8;
	[dreg:$0x10] =	wrdreg s12  }
0xf: {  	s11 =	sshll.u32 s8, $0x6;
	s8 =	simm.s32 $0xB000;
	[dreg:$0x11] =	wrdreg s13  }
0x10: {  	p0 =	seq.s32 s3, $0x1;
	s21 =	smul.u32 $0x4F00, s3;
	[dreg:$0x12] =	wrdreg s14  }
0x11: {  	s3 =	ssub.s32 $0x2, s3;
	[dreg:$0x13] =	wrdreg s15;
	s18 =	simm.s32 $0x1600  }
0x12: {  	s19 =	simm.s32 $0x3800;
	s20 =	simm.s32 $0x3A00;
	[dreg:$0x16] =	wrdreg s18  }
0x13: {  	s10 =	simm.s32 $0x7000;
	s22 =	simm.s32 $0x3C00;
	[dreg:$0x17] =	wrdreg s19  }
0x14: {  	s9 =	simm.s32 $0x9000;
	s12 =	simm.s32 $0x3E00;
	[dreg:$0x18] =	wrdreg s20  }
0x15: {  	s23 =	simm.s32 $0x1800;
	s24 =	simm.s32 $0x1A00;
	[dreg:$0x19] =	wrdreg s22  }
0x16: {  	s26 =	simm.s32 $0x1E00;
	s13 =	simm.s32 $0x4000;
	[dreg:$0x1a] =	wrdreg s12  }
0x17: {  	s14 =	simm.s32 $0x4200;
	s15 =	simm.s32 $0x4400;
	[dreg:$0x1b] =	wrdreg s23  }
0x18: {  	s0 =	sshrl.u32 s0, $0x3;
	s25 =	sshrl.u32 s3, $0x1;
	[dreg:$0x1c] =	wrdreg s24  }
0x19: {  	s20 =	simm.s32 $0x1;
	s19 =	simm.s32 $0x2;
	[dreg:$0x1e] =	wrdreg s26  }
0x1a: {  	s18 =	simm.s32 $0x3;
	s12 =	simm.s32 $0x5;
	[dreg:$0x1f] =	wrdreg s13  }
0x1b: {  	s13 =	simm.s32 $0x6;
	[smem:$0x7FB] =	sst s14;
	s14 =	simm.s32 $0x7  }
0x1c: {  	[smem:$0x7FC] =	sst s15;
	s15 =	simm.s32 $0x8;
	s26 =	simm.s32 $0x2200  }
0x1d: {  	s24 =	simm.s32 $0x4800;
	s23 =	simm.s32 $0x4A00;
	s22 =	simm.s32 $0x4C00  }
0x1e: {  	s6 =	sadd.s32 $0x5000, s0;
	s0 =	sshrl.u32 s5, $0x3;
	s7 =	ssub.s32 s3, s25  }
0x1f: {  	s5 =	sadd.s32 s5, s2;
	s3 =	sor.u32 $0x1C09, s11;
	s11 =	simm.s32 $0x5000  }
0x20: {  	s25 =	simm.s32 $0x1C00;
	s4 =	smov.u32 @p0 s6;
	s16 =	sadd.s32 s0, s1  }
0x21: {  	s5 =	sshrl.u32 s5, $0x3;
	[dreg:$0x1d] =	wrdreg s25;
	s4 =	sadd.s32 s4, s1  }
0x22: {  	p0 =	por $0x0, $0x0;
	s17 =	sadd.s32 $0x1A800, s4;
	s4 =	sadd.s32 $0x1A00, s4  }
0x23: {  	s25 =	simm.s32 $0x2600;
	s6 =	sadd.s32 $0xBA00, s16;
	[dreg:$0x5] =	wrdreg s4  }
0x24: {  	s4 =	sadd.s32 $0x10A00, s1;
	s1 =	sadd.s32 s21, s1;
	s21 =	smax.u32 s7, $0x1  }
0x25: {  	s16 =	simm.s32 $0x1200;
	[dreg:$0x3] =	wrdreg s6;
	p1 =	sne.s32 s21, $0x1  }
.Ltmp0:
0x26: {  	s6 =	simm.s32 $0x9;
	[dreg:$0x14] =	wrdreg s16;
	(pc) =	sbr.rel @!p1 .LBB2_3-.Ltmp0, $4  }
0x27: {  	s16 =	simm.s32 $0x4;
	[dreg:$0x4] =	wrdreg s17;
	s17 =	simm.s32 $0x1400  }
0x28: {  	s1 =	sadd.s32 $0x24800, s1;
	[dreg:$0x15] =	wrdreg s17;
	s17 =	simm.s32 $0x4600  }
0x29: {  	s7 =	simm.s32 $0x200;
	[smem:$0x7FD] =	sst s17;
	s17 =	sadd.s32 s0, s1  }
0x2a: {  	s0 =	sadd.s32 $0xFFFFFFFF, s21;
	s21 =	simm.s32 $0x4E00;
	s1 =	rddreg [dreg:$0x3]  }
0x2b: {  	[spmem:s5], [sflag:s3] =	dma.local [hbm:s1], $0x4F0  }
0x2c: {  	_ =	swait.ge [sflag:s6], $0x4F0  }
0x2d: {  	[sflag:s6] =	ssyncset.done $0x0  }
0x2e: {  	s1 =	rddreg [dreg:$0x4];
	[sflag:s6] =	ssyncadd.s32 $0xFFFFFB10  }
0x2f: {  	[tilespmem:s30], [sflag:$0x9] =	stream.linear.gather [hbm4b:s1+s30], $0x2800, $0x38;
	[tilespmem:$0xF780] =	vst v63  }
0x30: {  	_ =	swait.ge [sflag:s6], $0x2800  }
0x31: {  	[sflag:s6] =	ssyncset.done $0x0  }
0x32: {  	s1 =	rddreg [dreg:$0x5];
	[sflag:s6] =	ssyncadd.s32 $0xFFFFD800  }
0x33: {  	[tilespmem:s31], [sflag:$0x9] =	stream.linear.gather [hbm4b:s1+s30], $0x2800, $0x38;
	[tilespmem:$0xF780] =	vst v63  }
0x34: {  	_ =	swait.ge [sflag:s6], $0x2800  }
0x35: {  	[sflag:s6] =	ssyncset.done $0x0  }
0x36: {  	[sflag:s6] =	ssyncadd.s32 $0xFFFFD800  }
0x37: {  	[tilespmem:s11], [sflag:$0x1] =	stream.indirect.gather [hbm4b:s4+s7], $0x10, s30, s7, $0xb8;
	[tilespmem:$0xF780] =	vst v63  }
0x38: {  	s1 =	rddreg [dreg:$0x6]  }
0x39: {  	[tilespmem:s10], [sflag:$0x2] =	stream.indirect.gather [hbm4b:s4+s7], $0x10, s7, s7, $0xb8;
	[tilespmem:$0xF780] =	vst v63  }
0x3a: {  	[smem:$0x7FA] =	sst s0  }
0x3b: {  	[tilespmem:s9], [sflag:$0x3] =	stream.indirect.gather [hbm4b:s4+s7], $0x10, s1, s7, $0xb8;
	[tilespmem:$0xF780] =	vst v63  }
0x3c: {  	s0 =	rddreg [dreg:$0x7]  }
0x3d: {  	[tilespmem:s8], [sflag:$0x4] =	stream.indirect.gather [hbm4b:s4+s7], $0x10, s0, s7, $0xb8;
	[tilespmem:$0xF780] =	vst v63  }
0x3e: {  	_ =	swait.ge [sflag:s20], $0x2000  }
0x3f: {  	[sflag:s20] =	ssyncset.done $0x0  }
0x40: {  	[sflag:s20] =	ssyncadd.s32 $0xFFFFE000  }
0x41: {  	[spmem:s2] =	stream.indirect.scatter.add.f32 [tilespmem:s11], [sflag:$0x5], $0x10, s31, s7, $0xb8;
	[tilespmem:$0xF780] =	vst v63  }
0x42: {  	_ =	swait.ge [sflag:s19], $0x2000  }
0x43: {  	[sflag:s19] =	ssyncset.done $0x0  }
0x44: {  	s1 =	rddreg [dreg:$0x8];
	[sflag:s19] =	ssyncadd.s32 $0xFFFFE000  }
0x45: {  	[spmem:s2] =	stream.indirect.scatter.add.f32 [tilespmem:s10], [sflag:$0x6], $0x10, s1, s7, $0xb8;
	[tilespmem:$0xF780] =	vst v63  }
0x46: {  	_ =	swait.ge [sflag:s18], $0x2000  }
0x47: {  	[sflag:s18] =	ssyncset.done $0x0  }
0x48: {  	s1 =	rddreg [dreg:$0x9];
	[sflag:s18] =	ssyncadd.s32 $0xFFFFE000  }
0x49: {  	[spmem:s2] =	stream.indirect.scatter.add.f32 [tilespmem:s9], [sflag:$0x7], $0x10, s1, s7, $0xb8;
	[tilespmem:$0xF780] =	vst v63  }
0x4a: {  	_ =	swait.ge [sflag:s16], $0x2000  }
0x4b: {  	[sflag:s16] =	ssyncset.done $0x0  }
0x4c: {  	s1 =	rddreg [dreg:$0xa];
	[sflag:s16] =	ssyncadd.s32 $0xFFFFE000  }
0x4d: {  	[spmem:s2] =	stream.indirect.scatter.add.f32 [tilespmem:s8], [sflag:$0x8], $0x10, s1, s7, $0xb8;
	[tilespmem:$0xF780] =	vst v63  }
0x4e: {  	_ =	swait.ge [sflag:s12], $0x2000  }
0x4f: {  	[sflag:s12] =	ssyncset.done $0x0  }
0x50: {  	s1 =	rddreg [dreg:$0xb];
	[sflag:s12] =	ssyncadd.s32 $0xFFFFE000  }
0x51: {  	[tilespmem:s11], [sflag:$0x1] =	stream.indirect.gather [hbm4b:s4+s7], $0x10, s1, s7, $0xb8;
	[tilespmem:$0xF780] =	vst v63  }
0x52: {  	_ =	swait.ge [sflag:s13], $0x2000  }
0x53: {  	[sflag:s13] =	ssyncset.done $0x0  }
0x54: {  	s1 =	rddreg [dreg:$0xc];
	[sflag:s13] =	ssyncadd.s32 $0xFFFFE000  }
0x55: {  	[tilespmem:s10], [sflag:$0x2] =	stream.indirect.gather [hbm4b:s4+s7], $0x10, s1, s7, $0xb8;
	[tilespmem:$0xF780] =	vst v63  }
0x56: {  	_ =	swait.ge [sflag:s14], $0x2000  }
0x57: {  	[sflag:s14] =	ssyncset.done $0x0  }
0x58: {  	s1 =	rddreg [dreg:$0xd];
	[sflag:s14] =	ssyncadd.s32 $0xFFFFE000  }
0x59: {  	[tilespmem:s9], [sflag:$0x3] =	stream.indirect.gather [hbm4b:s4+s7], $0x10, s1, s7, $0xb8;
	[tilespmem:$0xF780] =	vst v63  }
0x5a: {  	_ =	swait.ge [sflag:s15], $0x2000  }
0x5b: {  	[sflag:s15] =	ssyncset.done $0x0  }
0x5c: {  	s1 =	rddreg [dreg:$0xe];
	[sflag:s15] =	ssyncadd.s32 $0xFFFFE000  }
0x5d: {  	[tilespmem:s8], [sflag:$0x4] =	stream.indirect.gather [hbm4b:s4+s7], $0x10, s1, s7, $0xb8;
	[tilespmem:$0xF780] =	vst v63  }
0x5e: {  	_ =	swait.ge [sflag:s20], $0x2000  }
0x5f: {  	[sflag:s20] =	ssyncset.done $0x0  }
0x60: {  	s1 =	rddreg [dreg:$0xf];
	[sflag:s20] =	ssyncadd.s32 $0xFFFFE000  }
0x61: {  	[spmem:s2] =	stream.indirect.scatter.add.f32 [tilespmem:s11], [sflag:$0x5], $0x10, s1, s7, $0xb8;
	[tilespmem:$0xF780] =	vst v63  }
0x62: {  	_ =	swait.ge [sflag:s19], $0x2000  }
0x63: {  	[sflag:s19] =	ssyncset.done $0x0  }
0x64: {  	s1 =	rddreg [dreg:$0x10];
	[sflag:s19] =	ssyncadd.s32 $0xFFFFE000  }
0x65: {  	[spmem:s2] =	stream.indirect.scatter.add.f32 [tilespmem:s10], [sflag:$0x6], $0x10, s1, s7, $0xb8;
	[tilespmem:$0xF780] =	vst v63  }
0x66: {  	_ =	swait.ge [sflag:s18], $0x2000  }
0x67: {  	[sflag:s18] =	ssyncset.done $0x0  }
0x68: {  	s1 =	rddreg [dreg:$0x11];
	[sflag:s18] =	ssyncadd.s32 $0xFFFFE000  }
0x69: {  	[spmem:s2] =	stream.indirect.scatter.add.f32 [tilespmem:s9], [sflag:$0x7], $0x10, s1, s7, $0xb8;
	[tilespmem:$0xF780] =	vst v63  }
0x6a: {  	_ =	swait.ge [sflag:s16], $0x2000  }
0x6b: {  	[sflag:s16] =	ssyncset.done $0x0  }
0x6c: {  	s1 =	rddreg [dreg:$0x12];
	[sflag:s16] =	ssyncadd.s32 $0xFFFFE000  }
0x6d: {  	[spmem:s2] =	stream.indirect.scatter.add.f32 [tilespmem:s8], [sflag:$0x8], $0x10, s1, s7, $0xb8;
	[tilespmem:$0xF780] =	vst v63  }
0x6e: {  	_ =	swait.ge [sflag:s12], $0x2000  }
0x6f: {  	[sflag:s12] =	ssyncset.done $0x0  }
0x70: {  	s1 =	rddreg [dreg:$0x13];
	[sflag:s12] =	ssyncadd.s32 $0xFFFFE000  }
0x71: {  	[tilespmem:s11], [sflag:$0x1] =	stream.indirect.gather [hbm4b:s4+s7], $0x10, s1, s7, $0xb8;
	[tilespmem:$0xF780] =	vst v63  }
0x72: {  	_ =	swait.ge [sflag:s13], $0x2000  }
0x73: {  	[sflag:s13] =	ssyncset.done $0x0  }
0x74: {  	s1 =	rddreg [dreg:$0x14];
	[sflag:s13] =	ssyncadd.s32 $0xFFFFE000  }
0x75: {  	[tilespmem:s10], [sflag:$0x2] =	stream.indirect.gather [hbm4b:s4+s7], $0x10, s1, s7, $0xb8;
	[tilespmem:$0xF780] =	vst v63  }
0x76: {  	_ =	swait.ge [sflag:s14], $0x2000  }
0x77: {  	[sflag:s14] =	ssyncset.done $0x0  }
0x78: {  	s1 =	rddreg [dreg:$0x15];
	[sflag:s14] =	ssyncadd.s32 $0xFFFFE000  }
0x79: {  	[tilespmem:s9], [sflag:$0x3] =	stream.indirect.gather [hbm4b:s4+s7], $0x10, s1, s7, $0xb8;
	[tilespmem:$0xF780] =	vst v63  }
0x7a: {  	_ =	swait.ge [sflag:s15], $0x2000  }
0x7b: {  	[sflag:s15] =	ssyncset.done $0x0  }
0x7c: {  	s1 =	rddreg [dreg:$0x16];
	[sflag:s15] =	ssyncadd.s32 $0xFFFFE000  }
0x7d: {  	[tilespmem:s8], [sflag:$0x4] =	stream.indirect.gather [hbm4b:s4+s7], $0x10, s1, s7, $0xb8;
	[tilespmem:$0xF780] =	vst v63  }
0x7e: {  	_ =	swait.ge [sflag:s20], $0x2000  }
0x7f: {  	[sflag:s20] =	ssyncset.done $0x0  }
0x80: {  	s1 =	rddreg [dreg:$0x17];
	[sflag:s20] =	ssyncadd.s32 $0xFFFFE000  }
0x81: {  	[spmem:s2] =	stream.indirect.scatter.add.f32 [tilespmem:s11], [sflag:$0x5], $0x10, s1, s7, $0xb8;
	[tilespmem:$0xF780] =	vst v63  }
0x82: {  	_ =	swait.ge [sflag:s19], $0x2000  }
0x83: {  	[sflag:s19] =	ssyncset.done $0x0  }
0x84: {  	s1 =	rddreg [dreg:$0x18];
	[sflag:s19] =	ssyncadd.s32 $0xFFFFE000  }
0x85: {  	[spmem:s2] =	stream.indirect.scatter.add.f32 [tilespmem:s10], [sflag:$0x6], $0x10, s1, s7, $0xb8;
	[tilespmem:$0xF780] =	vst v63  }
0x86: {  	_ =	swait.ge [sflag:s18], $0x2000  }
0x87: {  	[sflag:s18] =	ssyncset.done $0x0  }
0x88: {  	s1 =	rddreg [dreg:$0x19];
	[sflag:s18] =	ssyncadd.s32 $0xFFFFE000  }
0x89: {  	[spmem:s2] =	stream.indirect.scatter.add.f32 [tilespmem:s9], [sflag:$0x7], $0x10, s1, s7, $0xb8;
	[tilespmem:$0xF780] =	vst v63  }
0x8a: {  	_ =	swait.ge [sflag:s16], $0x2000  }
0x8b: {  	[sflag:s16] =	ssyncset.done $0x0  }
0x8c: {  	s1 =	rddreg [dreg:$0x1a];
	[sflag:s16] =	ssyncadd.s32 $0xFFFFE000  }
0x8d: {  	[spmem:s2] =	stream.indirect.scatter.add.f32 [tilespmem:s8], [sflag:$0x8], $0x10, s1, s7, $0xb8;
	[tilespmem:$0xF780] =	vst v63  }
0x8e: {  	_ =	swait.ge [sflag:s12], $0x2000  }
0x8f: {  	[sflag:s12] =	ssyncset.done $0x0  }
0x90: {  	s1 =	rddreg [dreg:$0x1b];
	[sflag:s12] =	ssyncadd.s32 $0xFFFFE000  }
0x91: {  	[tilespmem:s11], [sflag:$0x1] =	stream.indirect.gather [hbm4b:s4+s7], $0x10, s1, s7, $0xb8;
	[tilespmem:$0xF780] =	vst v63  }
0x92: {  	_ =	swait.ge [sflag:s13], $0x2000  }
0x93: {  	[sflag:s13] =	ssyncset.done $0x0  }
0x94: {  	s1 =	rddreg [dreg:$0x1c];
	[sflag:s13] =	ssyncadd.s32 $0xFFFFE000  }
0x95: {  	[tilespmem:s10], [sflag:$0x2] =	stream.indirect.gather [hbm4b:s4+s7], $0x10, s1, s7, $0xb8;
	[tilespmem:$0xF780] =	vst v63  }
0x96: {  	_ =	swait.ge [sflag:s14], $0x2000  }
0x97: {  	[sflag:s14] =	ssyncset.done $0x0  }
0x98: {  	s1 =	rddreg [dreg:$0x1d];
	[sflag:s14] =	ssyncadd.s32 $0xFFFFE000  }
0x99: {  	[tilespmem:s9], [sflag:$0x3] =	stream.indirect.gather [hbm4b:s4+s7], $0x10, s1, s7, $0xb8;
	[tilespmem:$0xF780] =	vst v63  }
0x9a: {  	_ =	swait.ge [sflag:s15], $0x2000  }
0x9b: {  	[sflag:s15] =	ssyncset.done $0x0  }
0x9c: {  	s1 =	rddreg [dreg:$0x1e];
	[sflag:s15] =	ssyncadd.s32 $0xFFFFE000  }
0x9d: {  	[tilespmem:s8], [sflag:$0x4] =	stream.indirect.gather [hbm4b:s4+s7], $0x10, s1, s7, $0xb8;
	[tilespmem:$0xF780] =	vst v63  }
0x9e: {  	_ =	swait.ge [sflag:s20], $0x2000  }
0x9f: {  	[sflag:s20] =	ssyncset.done $0x0  }
0xa0: {  	s1 =	rddreg [dreg:$0x1f];
	[sflag:s20] =	ssyncadd.s32 $0xFFFFE000  }
0xa1: {  	[spmem:s2] =	stream.indirect.scatter.add.f32 [tilespmem:s11], [sflag:$0x5], $0x10, s1, s7, $0xb8;
	[tilespmem:$0xF780] =	vst v63  }
0xa2: {  	_ =	swait.ge [sflag:s19], $0x2000  }
0xa3: {  	s1 =	sld [smem:$0x7FB]  }
0xa4: {  	[sflag:s19] =	ssyncset.done $0x0  }
0xa5: {  	[sflag:s19] =	ssyncadd.s32 $0xFFFFE000  }
0xa6: {  	[spmem:s2] =	stream.indirect.scatter.add.f32 [tilespmem:s10], [sflag:$0x6], $0x10, s1, s7, $0xb8;
	[tilespmem:$0xF780] =	vst v63  }
0xa7: {  	_ =	swait.ge [sflag:s18], $0x2000  }
0xa8: {  	s1 =	sld [smem:$0x7FC]  }
0xa9: {  	[sflag:s18] =	ssyncset.done $0x0  }
0xaa: {  	[sflag:s18] =	ssyncadd.s32 $0xFFFFE000  }
0xab: {  	[spmem:s2] =	stream.indirect.scatter.add.f32 [tilespmem:s9], [sflag:$0x7], $0x10, s1, s7, $0xb8;
	[tilespmem:$0xF780] =	vst v63  }
0xac: {  	_ =	swait.ge [sflag:s16], $0x2000  }
0xad: {  	s1 =	sld [smem:$0x7FD]  }
0xae: {  	[sflag:s16] =	ssyncset.done $0x0  }
0xaf: {  	[sflag:s16] =	ssyncadd.s32 $0xFFFFE000  }
0xb0: {  	[spmem:s2] =	stream.indirect.scatter.add.f32 [tilespmem:s8], [sflag:$0x8], $0x10, s1, s7, $0xb8;
	[tilespmem:$0xF780] =	vst v63  }
0xb1: {  	_ =	swait.ge [sflag:s12], $0x2000  }
0xb2: {  	[sflag:s12] =	ssyncset.done $0x0  }
0xb3: {  	[sflag:s12] =	ssyncadd.s32 $0xFFFFE000  }
0xb4: {  	[tilespmem:s11], [sflag:$0x1] =	stream.indirect.gather [hbm4b:s4+s7], $0x10, s29, s7, $0xb8;
	[tilespmem:$0xF780] =	vst v63  }
0xb5: {  	_ =	swait.ge [sflag:s13], $0x2000  }
0xb6: {  	[sflag:s13] =	ssyncset.done $0x0  }
0xb7: {  	[sflag:s13] =	ssyncadd.s32 $0xFFFFE000  }
0xb8: {  	[tilespmem:s10], [sflag:$0x2] =	stream.indirect.gather [hbm4b:s4+s7], $0x10, s26, s7, $0xb8;
	[tilespmem:$0xF780] =	vst v63  }
0xb9: {  	_ =	swait.ge [sflag:s14], $0x2000  }
0xba: {  	[sflag:s14] =	ssyncset.done $0x0  }
0xbb: {  	[sflag:s14] =	ssyncadd.s32 $0xFFFFE000  }
0xbc: {  	[tilespmem:s9], [sflag:$0x3] =	stream.indirect.gather [hbm4b:s4+s7], $0x10, s28, s7, $0xb8;
	[tilespmem:$0xF780] =	vst v63  }
0xbd: {  	_ =	swait.ge [sflag:s15], $0x2000  }
0xbe: {  	[sflag:s15] =	ssyncset.done $0x0  }
0xbf: {  	[sflag:s15] =	ssyncadd.s32 $0xFFFFE000  }
0xc0: {  	[tilespmem:s8], [sflag:$0x4] =	stream.indirect.gather [hbm4b:s4+s7], $0x10, s25, s7, $0xb8;
	[tilespmem:$0xF780] =	vst v63  }
0xc1: {  	_ =	swait.ge [sflag:s20], $0x2000  }
0xc2: {  	[sflag:s20] =	ssyncset.done $0x0  }
0xc3: {  	[sflag:s20] =	ssyncadd.s32 $0xFFFFE000  }
0xc4: {  	[spmem:s2] =	stream.indirect.scatter.add.f32 [tilespmem:s11], [sflag:$0x5], $0x10, s24, s7, $0xb8;
	[tilespmem:$0xF780] =	vst v63  }
0xc5: {  	_ =	swait.ge [sflag:s19], $0x2000  }
0xc6: {  	[sflag:s19] =	ssyncset.done $0x0  }
0xc7: {  	[sflag:s19] =	ssyncadd.s32 $0xFFFFE000  }
0xc8: {  	[spmem:s2] =	stream.indirect.scatter.add.f32 [tilespmem:s10], [sflag:$0x6], $0x10, s23, s7, $0xb8;
	[tilespmem:$0xF780] =	vst v63  }
0xc9: {  	_ =	swait.ge [sflag:s18], $0x2000  }
0xca: {  	[sflag:s18] =	ssyncset.done $0x0  }
0xcb: {  	[sflag:s18] =	ssyncadd.s32 $0xFFFFE000  }
0xcc: {  	[spmem:s2] =	stream.indirect.scatter.add.f32 [tilespmem:s9], [sflag:$0x7], $0x10, s22, s7, $0xb8;
	[tilespmem:$0xF780] =	vst v63  }
0xcd: {  	_ =	swait.ge [sflag:s16], $0x2000  }
0xce: {  	[sflag:s16] =	ssyncset.done $0x0  }
0xcf: {  	[sflag:s16] =	ssyncadd.s32 $0xFFFFE000  }
0xd0: {  	[spmem:s2] =	stream.indirect.scatter.add.f32 [tilespmem:s8], [sflag:$0x8], $0x10, s21, s7, $0xb8;
	[tilespmem:$0xF780] =	vst v63  }
0xd1: {  	_ =	swait.ge [sflag:s12], $0x2000  }
0xd2: {  	[sflag:s12] =	ssyncset.done $0x0  }
0xd3: {  	[sflag:s12] =	ssyncadd.s32 $0xFFFFE000  }
0xd4: {  	_ =	swait.ge [sflag:s13], $0x2000  }
0xd5: {  	[sflag:s13] =	ssyncset.done $0x0  }
0xd6: {  	[sflag:s13] =	ssyncadd.s32 $0xFFFFE000  }
0xd7: {  	_ =	swait.ge [sflag:s14], $0x2000  }
0xd8: {  	[sflag:s14] =	ssyncset.done $0x0  }
0xd9: {  	[sflag:s14] =	ssyncadd.s32 $0xFFFFE000  }
0xda: {  	_ =	swait.ge [sflag:s15], $0x2000  }
0xdb: {  	[sflag:s15] =	ssyncset.done $0x0  }
0xdc: {  	[sflag:s15] =	ssyncadd.s32 $0xFFFFE000  }
0xdd: {  	[bflag:$0x0] =	sbarrier.arrive $0xFFFF  }
0xde: {  	[hbm:s17], [sflag:s3] =	dma.local [spmem:s5], $0x4F0  }
0xdf: {  	s1 =	sld [smem:$0x7FA];
	_ =	sdelay $0x2  }
0xe0: {  	p1 =	sne.s32 s1, $0x1  }
.Ltmp1:
0xe1: {  	_ = 	snop;
	(pc) =	sbr.rel @!p1 .LBB2_3-.Ltmp1, $3  }
0xe2: {  	_ =	sdelay $0x1  }
0xe3: {  	p0 =	por $0x1, $0x1;
	_ =	swait.ge [sflag:s6], $0x4F0  }
0xe4: {  	[sflag:s6] =	ssyncset.done $0x0;
	s0 =	sadd.s32 $0xFFFFFFFF, s1;
	s1 =	rddreg [dreg:$0x3]  }
.LBB2_2:
0xe5: {  	[sflag:s6] =	ssyncadd.s32 $0xFFFFFB10  }
0xe6: {  	[spmem:s5], [sflag:s3] =	dma.local [hbm:s1], $0x4F0  }
0xe7: {  	_ =	swait.ge [sflag:s6], $0x4F0  }
0xe8: {  	[sflag:s6] =	ssyncset.done $0x0  }
0xe9: {  	s21 =	rddreg [dreg:$0x4];
	[sflag:s6] =	ssyncadd.s32 $0xFFFFFB10  }
0xea: {  	[tilespmem:s30], [sflag:$0x9] =	stream.linear.gather [hbm4b:s21+s30], $0x2800, $0x38;
	[tilespmem:$0xF780] =	vst v63  }
0xeb: {  	_ =	swait.ge [sflag:s6], $0x2800  }
0xec: {  	[sflag:s6] =	ssyncset.done $0x0  }
0xed: {  	s21 =	rddreg [dreg:$0x5];
	[sflag:s6] =	ssyncadd.s32 $0xFFFFD800  }
0xee: {  	[tilespmem:s31], [sflag:$0x9] =	stream.linear.gather [hbm4b:s21+s30], $0x2800, $0x38;
	[tilespmem:$0xF780] =	vst v63  }
0xef: {  	_ =	swait.ge [sflag:s6], $0x2800  }
0xf0: {  	[sflag:s6] =	ssyncset.done $0x0  }
0xf1: {  	[sflag:s6] =	ssyncadd.s32 $0xFFFFD800  }
0xf2: {  	[tilespmem:s11], [sflag:$0x1] =	stream.indirect.gather [hbm4b:s4+s7], $0x10, s30, s7, $0xb8;
	[tilespmem:$0xF780] =	vst v63  }
0xf3: {  	_ = 	snop  }
0xf4: {  	[tilespmem:s10], [sflag:$0x2] =	stream.indirect.gather [hbm4b:s4+s7], $0x10, s7, s7, $0xb8;
	[tilespmem:$0xF780] =	vst v63  }
0xf5: {  	s1 =	rddreg [dreg:$0x6]  }
0xf6: {  	[tilespmem:s9], [sflag:$0x3] =	stream.indirect.gather [hbm4b:s4+s7], $0x10, s1, s7, $0xb8;
	[tilespmem:$0xF780] =	vst v63  }
0xf7: {  	s21 =	rddreg [dreg:$0x7]  }
0xf8: {  	[tilespmem:s8], [sflag:$0x4] =	stream.indirect.gather [hbm4b:s4+s7], $0x10, s21, s7, $0xb8;
	[tilespmem:$0xF780] =	vst v63  }
0xf9: {  	_ =	swait.ge [sflag:s20], $0x2000  }
0xfa: {  	[sflag:s20] =	ssyncset.done $0x0  }
0xfb: {  	[sflag:s20] =	ssyncadd.s32 $0xFFFFE000  }
0xfc: {  	[spmem:s2] =	stream.indirect.scatter.add.f32 [tilespmem:s11], [sflag:$0x5], $0x10, s31, s7, $0xb8;
	[tilespmem:$0xF780] =	vst v63  }
0xfd: {  	_ =	swait.ge [sflag:s19], $0x2000  }
0xfe: {  	[sflag:s19] =	ssyncset.done $0x0  }
0xff: {  	s1 =	rddreg [dreg:$0x8];
	[sflag:s19] =	ssyncadd.s32 $0xFFFFE000  }
0x100: {  	[spmem:s2] =	stream.indirect.scatter.add.f32 [tilespmem:s10], [sflag:$0x6], $0x10, s1, s7, $0xb8;
	[tilespmem:$0xF780] =	vst v63  }
0x101: {  	_ =	swait.ge [sflag:s18], $0x2000  }
0x102: {  	[sflag:s18] =	ssyncset.done $0x0  }
0x103: {  	s1 =	rddreg [dreg:$0x9];
	[sflag:s18] =	ssyncadd.s32 $0xFFFFE000  }
0x104: {  	[spmem:s2] =	stream.indirect.scatter.add.f32 [tilespmem:s9], [sflag:$0x7], $0x10, s1, s7, $0xb8;
	[tilespmem:$0xF780] =	vst v63  }
0x105: {  	_ =	swait.ge [sflag:s16], $0x2000  }
0x106: {  	[sflag:s16] =	ssyncset.done $0x0  }
0x107: {  	s1 =	rddreg [dreg:$0xa];
	[sflag:s16] =	ssyncadd.s32 $0xFFFFE000  }
0x108: {  	[spmem:s2] =	stream.indirect.scatter.add.f32 [tilespmem:s8], [sflag:$0x8], $0x10, s1, s7, $0xb8;
	[tilespmem:$0xF780] =	vst v63  }
0x109: {  	_ =	swait.ge [sflag:s12], $0x2000  }
0x10a: {  	[sflag:s12] =	ssyncset.done $0x0  }
0x10b: {  	s1 =	rddreg [dreg:$0xb];
	[sflag:s12] =	ssyncadd.s32 $0xFFFFE000  }
0x10c: {  	[tilespmem:s11], [sflag:$0x1] =	stream.indirect.gather [hbm4b:s4+s7], $0x10, s1, s7, $0xb8;
	[tilespmem:$0xF780] =	vst v63  }
0x10d: {  	_ =	swait.ge [sflag:s13], $0x2000  }
0x10e: {  	[sflag:s13] =	ssyncset.done $0x0  }
0x10f: {  	s1 =	rddreg [dreg:$0xc];
	[sflag:s13] =	ssyncadd.s32 $0xFFFFE000  }
0x110: {  	[tilespmem:s10], [sflag:$0x2] =	stream.indirect.gather [hbm4b:s4+s7], $0x10, s1, s7, $0xb8;
	[tilespmem:$0xF780] =	vst v63  }
0x111: {  	_ =	swait.ge [sflag:s14], $0x2000  }
0x112: {  	[sflag:s14] =	ssyncset.done $0x0  }
0x113: {  	s1 =	rddreg [dreg:$0xd];
	[sflag:s14] =	ssyncadd.s32 $0xFFFFE000  }
0x114: {  	[tilespmem:s9], [sflag:$0x3] =	stream.indirect.gather [hbm4b:s4+s7], $0x10, s1, s7, $0xb8;
	[tilespmem:$0xF780] =	vst v63  }
0x115: {  	_ =	swait.ge [sflag:s15], $0x2000  }
0x116: {  	[sflag:s15] =	ssyncset.done $0x0  }
0x117: {  	s1 =	rddreg [dreg:$0xe];
	[sflag:s15] =	ssyncadd.s32 $0xFFFFE000  }
0x118: {  	[tilespmem:s8], [sflag:$0x4] =	stream.indirect.gather [hbm4b:s4+s7], $0x10, s1, s7, $0xb8;
	[tilespmem:$0xF780] =	vst v63  }
0x119: {  	_ =	swait.ge [sflag:s20], $0x2000  }
0x11a: {  	[sflag:s20] =	ssyncset.done $0x0  }
0x11b: {  	s1 =	rddreg [dreg:$0xf];
	[sflag:s20] =	ssyncadd.s32 $0xFFFFE000  }
0x11c: {  	[spmem:s2] =	stream.indirect.scatter.add.f32 [tilespmem:s11], [sflag:$0x5], $0x10, s1, s7, $0xb8;
	[tilespmem:$0xF780] =	vst v63  }
0x11d: {  	_ =	swait.ge [sflag:s19], $0x2000  }
0x11e: {  	[sflag:s19] =	ssyncset.done $0x0  }
0x11f: {  	s1 =	rddreg [dreg:$0x10];
	[sflag:s19] =	ssyncadd.s32 $0xFFFFE000  }
0x120: {  	[spmem:s2] =	stream.indirect.scatter.add.f32 [tilespmem:s10], [sflag:$0x6], $0x10, s1, s7, $0xb8;
	[tilespmem:$0xF780] =	vst v63  }
0x121: {  	_ =	swait.ge [sflag:s18], $0x2000  }
0x122: {  	[sflag:s18] =	ssyncset.done $0x0  }
0x123: {  	s1 =	rddreg [dreg:$0x11];
	[sflag:s18] =	ssyncadd.s32 $0xFFFFE000  }
0x124: {  	[spmem:s2] =	stream.indirect.scatter.add.f32 [tilespmem:s9], [sflag:$0x7], $0x10, s1, s7, $0xb8;
	[tilespmem:$0xF780] =	vst v63  }
0x125: {  	_ =	swait.ge [sflag:s16], $0x2000  }
0x126: {  	[sflag:s16] =	ssyncset.done $0x0  }
0x127: {  	s1 =	rddreg [dreg:$0x12];
	[sflag:s16] =	ssyncadd.s32 $0xFFFFE000  }
0x128: {  	[spmem:s2] =	stream.indirect.scatter.add.f32 [tilespmem:s8], [sflag:$0x8], $0x10, s1, s7, $0xb8;
	[tilespmem:$0xF780] =	vst v63  }
0x129: {  	_ =	swait.ge [sflag:s12], $0x2000  }
0x12a: {  	[sflag:s12] =	ssyncset.done $0x0  }
0x12b: {  	s1 =	rddreg [dreg:$0x13];
	[sflag:s12] =	ssyncadd.s32 $0xFFFFE000  }
0x12c: {  	[tilespmem:s11], [sflag:$0x1] =	stream.indirect.gather [hbm4b:s4+s7], $0x10, s1, s7, $0xb8;
	[tilespmem:$0xF780] =	vst v63  }
0x12d: {  	_ =	swait.ge [sflag:s13], $0x2000  }
0x12e: {  	[sflag:s13] =	ssyncset.done $0x0  }
0x12f: {  	s1 =	rddreg [dreg:$0x14];
	[sflag:s13] =	ssyncadd.s32 $0xFFFFE000  }
0x130: {  	[tilespmem:s10], [sflag:$0x2] =	stream.indirect.gather [hbm4b:s4+s7], $0x10, s1, s7, $0xb8;
	[tilespmem:$0xF780] =	vst v63  }
0x131: {  	_ =	swait.ge [sflag:s14], $0x2000  }
0x132: {  	[sflag:s14] =	ssyncset.done $0x0  }
0x133: {  	s1 =	rddreg [dreg:$0x15];
	[sflag:s14] =	ssyncadd.s32 $0xFFFFE000  }
0x134: {  	[tilespmem:s9], [sflag:$0x3] =	stream.indirect.gather [hbm4b:s4+s7], $0x10, s1, s7, $0xb8;
	[tilespmem:$0xF780] =	vst v63  }
0x135: {  	_ =	swait.ge [sflag:s15], $0x2000  }
0x136: {  	[sflag:s15] =	ssyncset.done $0x0  }
0x137: {  	s1 =	rddreg [dreg:$0x16];
	[sflag:s15] =	ssyncadd.s32 $0xFFFFE000  }
0x138: {  	[tilespmem:s8], [sflag:$0x4] =	stream.indirect.gather [hbm4b:s4+s7], $0x10, s1, s7, $0xb8;
	[tilespmem:$0xF780] =	vst v63  }
0x139: {  	_ =	swait.ge [sflag:s20], $0x2000  }
0x13a: {  	[sflag:s20] =	ssyncset.done $0x0  }
0x13b: {  	s1 =	rddreg [dreg:$0x17];
	[sflag:s20] =	ssyncadd.s32 $0xFFFFE000  }
0x13c: {  	[spmem:s2] =	stream.indirect.scatter.add.f32 [tilespmem:s11], [sflag:$0x5], $0x10, s1, s7, $0xb8;
	[tilespmem:$0xF780] =	vst v63  }
0x13d: {  	_ =	swait.ge [sflag:s19], $0x2000  }
0x13e: {  	[sflag:s19] =	ssyncset.done $0x0  }
0x13f: {  	s1 =	rddreg [dreg:$0x18];
	[sflag:s19] =	ssyncadd.s32 $0xFFFFE000  }
0x140: {  	[spmem:s2] =	stream.indirect.scatter.add.f32 [tilespmem:s10], [sflag:$0x6], $0x10, s1, s7, $0xb8;
	[tilespmem:$0xF780] =	vst v63  }
0x141: {  	_ =	swait.ge [sflag:s18], $0x2000  }
0x142: {  	[sflag:s18] =	ssyncset.done $0x0  }
0x143: {  	s1 =	rddreg [dreg:$0x19];
	[sflag:s18] =	ssyncadd.s32 $0xFFFFE000  }
0x144: {  	[spmem:s2] =	stream.indirect.scatter.add.f32 [tilespmem:s9], [sflag:$0x7], $0x10, s1, s7, $0xb8;
	[tilespmem:$0xF780] =	vst v63  }
0x145: {  	_ =	swait.ge [sflag:s16], $0x2000  }
0x146: {  	[sflag:s16] =	ssyncset.done $0x0  }
0x147: {  	s1 =	rddreg [dreg:$0x1a];
	[sflag:s16] =	ssyncadd.s32 $0xFFFFE000  }
0x148: {  	[spmem:s2] =	stream.indirect.scatter.add.f32 [tilespmem:s8], [sflag:$0x8], $0x10, s1, s7, $0xb8;
	[tilespmem:$0xF780] =	vst v63  }
0x149: {  	_ =	swait.ge [sflag:s12], $0x2000  }
0x14a: {  	[sflag:s12] =	ssyncset.done $0x0  }
0x14b: {  	s1 =	rddreg [dreg:$0x1b];
	[sflag:s12] =	ssyncadd.s32 $0xFFFFE000  }
0x14c: {  	[tilespmem:s11], [sflag:$0x1] =	stream.indirect.gather [hbm4b:s4+s7], $0x10, s1, s7, $0xb8;
	[tilespmem:$0xF780] =	vst v63  }
0x14d: {  	_ =	swait.ge [sflag:s13], $0x2000  }
0x14e: {  	[sflag:s13] =	ssyncset.done $0x0  }
0x14f: {  	s1 =	rddreg [dreg:$0x1c];
	[sflag:s13] =	ssyncadd.s32 $0xFFFFE000  }
0x150: {  	[tilespmem:s10], [sflag:$0x2] =	stream.indirect.gather [hbm4b:s4+s7], $0x10, s1, s7, $0xb8;
	[tilespmem:$0xF780] =	vst v63  }
0x151: {  	_ =	swait.ge [sflag:s14], $0x2000  }
0x152: {  	[sflag:s14] =	ssyncset.done $0x0  }
0x153: {  	s1 =	rddreg [dreg:$0x1d];
	[sflag:s14] =	ssyncadd.s32 $0xFFFFE000  }
0x154: {  	[tilespmem:s9], [sflag:$0x3] =	stream.indirect.gather [hbm4b:s4+s7], $0x10, s1, s7, $0xb8;
	[tilespmem:$0xF780] =	vst v63  }
0x155: {  	_ =	swait.ge [sflag:s15], $0x2000  }
0x156: {  	[sflag:s15] =	ssyncset.done $0x0  }
0x157: {  	s1 =	rddreg [dreg:$0x1e];
	[sflag:s15] =	ssyncadd.s32 $0xFFFFE000  }
0x158: {  	[tilespmem:s8], [sflag:$0x4] =	stream.indirect.gather [hbm4b:s4+s7], $0x10, s1, s7, $0xb8;
	[tilespmem:$0xF780] =	vst v63  }
0x159: {  	_ =	swait.ge [sflag:s20], $0x2000  }
0x15a: {  	[sflag:s20] =	ssyncset.done $0x0  }
0x15b: {  	s1 =	rddreg [dreg:$0x1f];
	[sflag:s20] =	ssyncadd.s32 $0xFFFFE000  }
0x15c: {  	[spmem:s2] =	stream.indirect.scatter.add.f32 [tilespmem:s11], [sflag:$0x5], $0x10, s1, s7, $0xb8;
	[tilespmem:$0xF780] =	vst v63  }
0x15d: {  	_ =	swait.ge [sflag:s19], $0x2000  }
0x15e: {  	s1 =	sld [smem:$0x7FB]  }
0x15f: {  	[sflag:s19] =	ssyncset.done $0x0  }
0x160: {  	[sflag:s19] =	ssyncadd.s32 $0xFFFFE000  }
0x161: {  	[spmem:s2] =	stream.indirect.scatter.add.f32 [tilespmem:s10], [sflag:$0x6], $0x10, s1, s7, $0xb8;
	[tilespmem:$0xF780] =	vst v63  }
0x162: {  	_ =	swait.ge [sflag:s18], $0x2000  }
0x163: {  	s1 =	sld [smem:$0x7FC]  }
0x164: {  	[sflag:s18] =	ssyncset.done $0x0  }
0x165: {  	[sflag:s18] =	ssyncadd.s32 $0xFFFFE000  }
0x166: {  	[spmem:s2] =	stream.indirect.scatter.add.f32 [tilespmem:s9], [sflag:$0x7], $0x10, s1, s7, $0xb8;
	[tilespmem:$0xF780] =	vst v63  }
0x167: {  	_ =	swait.ge [sflag:s16], $0x2000  }
0x168: {  	s1 =	sld [smem:$0x7FD]  }
0x169: {  	[sflag:s16] =	ssyncset.done $0x0  }
0x16a: {  	[sflag:s16] =	ssyncadd.s32 $0xFFFFE000  }
0x16b: {  	[spmem:s2] =	stream.indirect.scatter.add.f32 [tilespmem:s8], [sflag:$0x8], $0x10, s1, s7, $0xb8;
	[tilespmem:$0xF780] =	vst v63  }
0x16c: {  	_ =	swait.ge [sflag:s12], $0x2000  }
0x16d: {  	[sflag:s12] =	ssyncset.done $0x0  }
0x16e: {  	[sflag:s12] =	ssyncadd.s32 $0xFFFFE000  }
0x16f: {  	[tilespmem:s11], [sflag:$0x1] =	stream.indirect.gather [hbm4b:s4+s7], $0x10, s29, s7, $0xb8;
	[tilespmem:$0xF780] =	vst v63  }
0x170: {  	_ =	swait.ge [sflag:s13], $0x2000  }
0x171: {  	[sflag:s13] =	ssyncset.done $0x0  }
0x172: {  	[sflag:s13] =	ssyncadd.s32 $0xFFFFE000  }
0x173: {  	[tilespmem:s10], [sflag:$0x2] =	stream.indirect.gather [hbm4b:s4+s7], $0x10, s26, s7, $0xb8;
	[tilespmem:$0xF780] =	vst v63  }
0x174: {  	_ =	swait.ge [sflag:s14], $0x2000  }
0x175: {  	[sflag:s14] =	ssyncset.done $0x0  }
0x176: {  	[sflag:s14] =	ssyncadd.s32 $0xFFFFE000  }
0x177: {  	[tilespmem:s9], [sflag:$0x3] =	stream.indirect.gather [hbm4b:s4+s7], $0x10, s28, s7, $0xb8;
	[tilespmem:$0xF780] =	vst v63  }
0x178: {  	_ =	swait.ge [sflag:s15], $0x2000  }
0x179: {  	[sflag:s15] =	ssyncset.done $0x0  }
0x17a: {  	[sflag:s15] =	ssyncadd.s32 $0xFFFFE000  }
0x17b: {  	[tilespmem:s8], [sflag:$0x4] =	stream.indirect.gather [hbm4b:s4+s7], $0x10, s25, s7, $0xb8;
	[tilespmem:$0xF780] =	vst v63  }
0x17c: {  	_ =	swait.ge [sflag:s20], $0x2000  }
0x17d: {  	[sflag:s20] =	ssyncset.done $0x0  }
0x17e: {  	[sflag:s20] =	ssyncadd.s32 $0xFFFFE000  }
0x17f: {  	[spmem:s2] =	stream.indirect.scatter.add.f32 [tilespmem:s11], [sflag:$0x5], $0x10, s24, s7, $0xb8;
	[tilespmem:$0xF780] =	vst v63  }
0x180: {  	_ =	swait.ge [sflag:s19], $0x2000  }
0x181: {  	[sflag:s19] =	ssyncset.done $0x0  }
0x182: {  	[sflag:s19] =	ssyncadd.s32 $0xFFFFE000  }
0x183: {  	[spmem:s2] =	stream.indirect.scatter.add.f32 [tilespmem:s10], [sflag:$0x6], $0x10, s23, s7, $0xb8;
	[tilespmem:$0xF780] =	vst v63  }
0x184: {  	_ =	swait.ge [sflag:s18], $0x2000  }
0x185: {  	[sflag:s18] =	ssyncset.done $0x0  }
0x186: {  	[sflag:s18] =	ssyncadd.s32 $0xFFFFE000  }
0x187: {  	[spmem:s2] =	stream.indirect.scatter.add.f32 [tilespmem:s9], [sflag:$0x7], $0x10, s22, s7, $0xb8;
	[tilespmem:$0xF780] =	vst v63  }
0x188: {  	_ =	swait.ge [sflag:s16], $0x2000  }
0x189: {  	[sflag:s16] =	ssyncset.done $0x0  }
0x18a: {  	s21 =	simm.s32 $0x4E00;
	[sflag:s16] =	ssyncadd.s32 $0xFFFFE000  }
0x18b: {  	[spmem:s2] =	stream.indirect.scatter.add.f32 [tilespmem:s8], [sflag:$0x8], $0x10, s21, s7, $0xb8;
	[tilespmem:$0xF780] =	vst v63  }
0x18c: {  	_ =	swait.ge [sflag:s12], $0x2000  }
0x18d: {  	[sflag:s12] =	ssyncset.done $0x0  }
0x18e: {  	[sflag:s12] =	ssyncadd.s32 $0xFFFFE000  }
0x18f: {  	_ =	swait.ge [sflag:s13], $0x2000  }
0x190: {  	[sflag:s13] =	ssyncset.done $0x0  }
0x191: {  	[sflag:s13] =	ssyncadd.s32 $0xFFFFE000  }
0x192: {  	_ =	swait.ge [sflag:s14], $0x2000  }
0x193: {  	[sflag:s14] =	ssyncset.done $0x0  }
0x194: {  	[sflag:s14] =	ssyncadd.s32 $0xFFFFE000  }
0x195: {  	_ =	swait.ge [sflag:s15], $0x2000  }
0x196: {  	p1 =	sne.s32 s0, $0x1;
	[sflag:s15] =	ssyncset.done $0x0  }
.Ltmp2:
0x197: {  	[sflag:s15] =	ssyncadd.s32 $0xFFFFE000;
	(pc) =	sbr.rel @p1 .LBB2_2-.Ltmp2, $4  }
0x198: {  	[bflag:$0x0] =	sbarrier.arrive $0xFFFF  }
0x199: {  	[hbm:s17], [sflag:s3] =	dma.local [spmem:s5], $0x4F0  }
0x19a: {  	_ =	swait.ge [sflag:s6], $0x4F0  }
0x19b: {  	s0 =	sadd.s32 $0xFFFFFFFF, s0;
	s1 =	rddreg [dreg:$0x3];
	[sflag:s6] =	ssyncset.done $0x0  }
.LBB2_3:
0x19c: {  	[sflag:s6] =	ssyncadd.s32 @p0 $0xFFFFFB10  }
0x19d: {  	[spmem:s5], [sflag:s3] =	dma.local [hbm:s1], $0x4F0  }
0x19e: {  	_ =	swait.ge [sflag:s6], $0x4F0  }
0x19f: {  	[sflag:s6] =	ssyncset.done $0x0  }
0x1a0: {  	s0 =	rddreg [dreg:$0x4];
	[sflag:s6] =	ssyncadd.s32 $0xFFFFFB10  }
0x1a1: {  	[tilespmem:s30], [sflag:$0x9] =	stream.linear.gather [hbm4b:s0+s30], $0x2800, $0x38;
	[tilespmem:$0xF780] =	vst v63  }
0x1a2: {  	_ =	swait.ge [sflag:s6], $0x2800  }
0x1a3: {  	[sflag:s6] =	ssyncset.done $0x0  }
0x1a4: {  	s1 =	rddreg [dreg:$0x5];
	[sflag:s6] =	ssyncadd.s32 $0xFFFFD800  }
0x1a5: {  	[tilespmem:s31], [sflag:$0x9] =	stream.linear.gather [hbm4b:s1+s30], $0x2800, $0x38;
	[tilespmem:$0xF780] =	vst v63  }
0x1a6: {  	_ =	swait.ge [sflag:s6], $0x2800  }
0x1a7: {  	[sflag:s6] =	ssyncset.done $0x0  }
0x1a8: {  	[sflag:s6] =	ssyncadd.s32 $0xFFFFD800  }
0x1a9: {  	[tilespmem:s11], [sflag:$0x1] =	stream.indirect.gather [hbm4b:s4+s7], $0x10, s30, s7, $0xb8;
	[tilespmem:$0xF780] =	vst v63  }
0x1aa: {  	_ = 	snop  }
0x1ab: {  	[tilespmem:s10], [sflag:$0x2] =	stream.indirect.gather [hbm4b:s4+s7], $0x10, s7, s7, $0xb8;
	[tilespmem:$0xF780] =	vst v63  }
0x1ac: {  	s1 =	rddreg [dreg:$0x6]  }
0x1ad: {  	[tilespmem:s9], [sflag:$0x3] =	stream.indirect.gather [hbm4b:s4+s7], $0x10, s1, s7, $0xb8;
	[tilespmem:$0xF780] =	vst v63  }
0x1ae: {  	s30 =	rddreg [dreg:$0x7]  }
0x1af: {  	[tilespmem:s8], [sflag:$0x4] =	stream.indirect.gather [hbm4b:s4+s7], $0x10, s30, s7, $0xb8;
	[tilespmem:$0xF780] =	vst v63  }
0x1b0: {  	_ =	swait.ge [sflag:s20], $0x2000  }
0x1b1: {  	[sflag:s20] =	ssyncset.done $0x0  }
0x1b2: {  	[sflag:s20] =	ssyncadd.s32 $0xFFFFE000  }
0x1b3: {  	[spmem:s2] =	stream.indirect.scatter.add.f32 [tilespmem:s11], [sflag:$0x5], $0x10, s31, s7, $0xb8;
	[tilespmem:$0xF780] =	vst v63  }
0x1b4: {  	_ =	swait.ge [sflag:s19], $0x2000  }
0x1b5: {  	[sflag:s19] =	ssyncset.done $0x0  }
0x1b6: {  	s31 =	rddreg [dreg:$0x8];
	[sflag:s19] =	ssyncadd.s32 $0xFFFFE000  }
0x1b7: {  	[spmem:s2] =	stream.indirect.scatter.add.f32 [tilespmem:s10], [sflag:$0x6], $0x10, s31, s7, $0xb8;
	[tilespmem:$0xF780] =	vst v63  }
0x1b8: {  	_ =	swait.ge [sflag:s18], $0x2000  }
0x1b9: {  	[sflag:s18] =	ssyncset.done $0x0  }
0x1ba: {  	s1 =	rddreg [dreg:$0x9];
	[sflag:s18] =	ssyncadd.s32 $0xFFFFE000  }
0x1bb: {  	[spmem:s2] =	stream.indirect.scatter.add.f32 [tilespmem:s9], [sflag:$0x7], $0x10, s1, s7, $0xb8;
	[tilespmem:$0xF780] =	vst v63  }
0x1bc: {  	_ =	swait.ge [sflag:s16], $0x2000  }
0x1bd: {  	[sflag:s16] =	ssyncset.done $0x0  }
0x1be: {  	s30 =	rddreg [dreg:$0xa];
	[sflag:s16] =	ssyncadd.s32 $0xFFFFE000  }
0x1bf: {  	[spmem:s2] =	stream.indirect.scatter.add.f32 [tilespmem:s8], [sflag:$0x8], $0x10, s30, s7, $0xb8;
	[tilespmem:$0xF780] =	vst v63  }
0x1c0: {  	_ =	swait.ge [sflag:s12], $0x2000  }
0x1c1: {  	[sflag:s12] =	ssyncset.done $0x0  }
0x1c2: {  	s31 =	rddreg [dreg:$0xb];
	[sflag:s12] =	ssyncadd.s32 $0xFFFFE000  }
0x1c3: {  	[tilespmem:s11], [sflag:$0x1] =	stream.indirect.gather [hbm4b:s4+s7], $0x10, s31, s7, $0xb8;
	[tilespmem:$0xF780] =	vst v63  }
0x1c4: {  	_ =	swait.ge [sflag:s13], $0x2000  }
0x1c5: {  	[sflag:s13] =	ssyncset.done $0x0  }
0x1c6: {  	s1 =	rddreg [dreg:$0xc];
	[sflag:s13] =	ssyncadd.s32 $0xFFFFE000  }
0x1c7: {  	[tilespmem:s10], [sflag:$0x2] =	stream.indirect.gather [hbm4b:s4+s7], $0x10, s1, s7, $0xb8;
	[tilespmem:$0xF780] =	vst v63  }
0x1c8: {  	_ =	swait.ge [sflag:s14], $0x2000  }
0x1c9: {  	[sflag:s14] =	ssyncset.done $0x0  }
0x1ca: {  	s30 =	rddreg [dreg:$0xd];
	[sflag:s14] =	ssyncadd.s32 $0xFFFFE000  }
0x1cb: {  	[tilespmem:s9], [sflag:$0x3] =	stream.indirect.gather [hbm4b:s4+s7], $0x10, s30, s7, $0xb8;
	[tilespmem:$0xF780] =	vst v63  }
0x1cc: {  	_ =	swait.ge [sflag:s15], $0x2000  }
0x1cd: {  	[sflag:s15] =	ssyncset.done $0x0  }
0x1ce: {  	s31 =	rddreg [dreg:$0xe];
	[sflag:s15] =	ssyncadd.s32 $0xFFFFE000  }
0x1cf: {  	[tilespmem:s8], [sflag:$0x4] =	stream.indirect.gather [hbm4b:s4+s7], $0x10, s31, s7, $0xb8;
	[tilespmem:$0xF780] =	vst v63  }
0x1d0: {  	_ =	swait.ge [sflag:s20], $0x2000  }
0x1d1: {  	[sflag:s20] =	ssyncset.done $0x0  }
0x1d2: {  	s1 =	rddreg [dreg:$0xf];
	[sflag:s20] =	ssyncadd.s32 $0xFFFFE000  }
0x1d3: {  	[spmem:s2] =	stream.indirect.scatter.add.f32 [tilespmem:s11], [sflag:$0x5], $0x10, s1, s7, $0xb8;
	[tilespmem:$0xF780] =	vst v63  }
0x1d4: {  	_ =	swait.ge [sflag:s19], $0x2000  }
0x1d5: {  	[sflag:s19] =	ssyncset.done $0x0  }
0x1d6: {  	s30 =	rddreg [dreg:$0x10];
	[sflag:s19] =	ssyncadd.s32 $0xFFFFE000  }
0x1d7: {  	[spmem:s2] =	stream.indirect.scatter.add.f32 [tilespmem:s10], [sflag:$0x6], $0x10, s30, s7, $0xb8;
	[tilespmem:$0xF780] =	vst v63  }
0x1d8: {  	_ =	swait.ge [sflag:s18], $0x2000  }
0x1d9: {  	[sflag:s18] =	ssyncset.done $0x0  }
0x1da: {  	s31 =	rddreg [dreg:$0x11];
	[sflag:s18] =	ssyncadd.s32 $0xFFFFE000  }
0x1db: {  	[spmem:s2] =	stream.indirect.scatter.add.f32 [tilespmem:s9], [sflag:$0x7], $0x10, s31, s7, $0xb8;
	[tilespmem:$0xF780] =	vst v63  }
0x1dc: {  	_ =	swait.ge [sflag:s16], $0x2000  }
0x1dd: {  	[sflag:s16] =	ssyncset.done $0x0  }
0x1de: {  	s1 =	rddreg [dreg:$0x12];
	[sflag:s16] =	ssyncadd.s32 $0xFFFFE000  }
0x1df: {  	[spmem:s2] =	stream.indirect.scatter.add.f32 [tilespmem:s8], [sflag:$0x8], $0x10, s1, s7, $0xb8;
	[tilespmem:$0xF780] =	vst v63  }
0x1e0: {  	_ =	swait.ge [sflag:s12], $0x2000  }
0x1e1: {  	[sflag:s12] =	ssyncset.done $0x0  }
0x1e2: {  	s30 =	rddreg [dreg:$0x13];
	[sflag:s12] =	ssyncadd.s32 $0xFFFFE000  }
0x1e3: {  	[tilespmem:s11], [sflag:$0x1] =	stream.indirect.gather [hbm4b:s4+s7], $0x10, s30, s7, $0xb8;
	[tilespmem:$0xF780] =	vst v63  }
0x1e4: {  	_ =	swait.ge [sflag:s13], $0x2000  }
0x1e5: {  	[sflag:s13] =	ssyncset.done $0x0  }
0x1e6: {  	s31 =	rddreg [dreg:$0x14];
	[sflag:s13] =	ssyncadd.s32 $0xFFFFE000  }
0x1e7: {  	[tilespmem:s10], [sflag:$0x2] =	stream.indirect.gather [hbm4b:s4+s7], $0x10, s31, s7, $0xb8;
	[tilespmem:$0xF780] =	vst v63  }
0x1e8: {  	_ =	swait.ge [sflag:s14], $0x2000  }
0x1e9: {  	[sflag:s14] =	ssyncset.done $0x0  }
0x1ea: {  	s1 =	rddreg [dreg:$0x15];
	[sflag:s14] =	ssyncadd.s32 $0xFFFFE000  }
0x1eb: {  	[tilespmem:s9], [sflag:$0x3] =	stream.indirect.gather [hbm4b:s4+s7], $0x10, s1, s7, $0xb8;
	[tilespmem:$0xF780] =	vst v63  }
0x1ec: {  	_ =	swait.ge [sflag:s15], $0x2000  }
0x1ed: {  	[sflag:s15] =	ssyncset.done $0x0  }
0x1ee: {  	s30 =	rddreg [dreg:$0x16];
	[sflag:s15] =	ssyncadd.s32 $0xFFFFE000  }
0x1ef: {  	[tilespmem:s8], [sflag:$0x4] =	stream.indirect.gather [hbm4b:s4+s7], $0x10, s30, s7, $0xb8;
	[tilespmem:$0xF780] =	vst v63  }
0x1f0: {  	_ =	swait.ge [sflag:s20], $0x2000  }
0x1f1: {  	[sflag:s20] =	ssyncset.done $0x0  }
0x1f2: {  	s31 =	rddreg [dreg:$0x17];
	[sflag:s20] =	ssyncadd.s32 $0xFFFFE000  }
0x1f3: {  	[spmem:s2] =	stream.indirect.scatter.add.f32 [tilespmem:s11], [sflag:$0x5], $0x10, s31, s7, $0xb8;
	[tilespmem:$0xF780] =	vst v63  }
0x1f4: {  	_ =	swait.ge [sflag:s19], $0x2000  }
0x1f5: {  	[sflag:s19] =	ssyncset.done $0x0  }
0x1f6: {  	s1 =	rddreg [dreg:$0x18];
	[sflag:s19] =	ssyncadd.s32 $0xFFFFE000  }
0x1f7: {  	[spmem:s2] =	stream.indirect.scatter.add.f32 [tilespmem:s10], [sflag:$0x6], $0x10, s1, s7, $0xb8;
	[tilespmem:$0xF780] =	vst v63  }
0x1f8: {  	_ =	swait.ge [sflag:s18], $0x2000  }
0x1f9: {  	[sflag:s18] =	ssyncset.done $0x0  }
0x1fa: {  	s30 =	rddreg [dreg:$0x19];
	[sflag:s18] =	ssyncadd.s32 $0xFFFFE000  }
0x1fb: {  	[spmem:s2] =	stream.indirect.scatter.add.f32 [tilespmem:s9], [sflag:$0x7], $0x10, s30, s7, $0xb8;
	[tilespmem:$0xF780] =	vst v63  }
0x1fc: {  	_ =	swait.ge [sflag:s16], $0x2000  }
0x1fd: {  	[sflag:s16] =	ssyncset.done $0x0  }
0x1fe: {  	s31 =	rddreg [dreg:$0x1a];
	[sflag:s16] =	ssyncadd.s32 $0xFFFFE000  }
0x1ff: {  	[spmem:s2] =	stream.indirect.scatter.add.f32 [tilespmem:s8], [sflag:$0x8], $0x10, s31, s7, $0xb8;
	[tilespmem:$0xF780] =	vst v63  }
0x200: {  	_ =	swait.ge [sflag:s12], $0x2000  }
0x201: {  	[sflag:s12] =	ssyncset.done $0x0  }
0x202: {  	s1 =	rddreg [dreg:$0x1b];
	[sflag:s12] =	ssyncadd.s32 $0xFFFFE000  }
0x203: {  	[tilespmem:s11], [sflag:$0x1] =	stream.indirect.gather [hbm4b:s4+s7], $0x10, s1, s7, $0xb8;
	[tilespmem:$0xF780] =	vst v63  }
0x204: {  	_ =	swait.ge [sflag:s13], $0x2000  }
0x205: {  	[sflag:s13] =	ssyncset.done $0x0  }
0x206: {  	s30 =	rddreg [dreg:$0x1c];
	[sflag:s13] =	ssyncadd.s32 $0xFFFFE000  }
0x207: {  	[tilespmem:s10], [sflag:$0x2] =	stream.indirect.gather [hbm4b:s4+s7], $0x10, s30, s7, $0xb8;
	[tilespmem:$0xF780] =	vst v63  }
0x208: {  	_ =	swait.ge [sflag:s14], $0x2000  }
0x209: {  	[sflag:s14] =	ssyncset.done $0x0  }
0x20a: {  	s31 =	rddreg [dreg:$0x1d];
	[sflag:s14] =	ssyncadd.s32 $0xFFFFE000  }
0x20b: {  	[tilespmem:s9], [sflag:$0x3] =	stream.indirect.gather [hbm4b:s4+s7], $0x10, s31, s7, $0xb8;
	[tilespmem:$0xF780] =	vst v63  }
0x20c: {  	_ =	swait.ge [sflag:s15], $0x2000  }
0x20d: {  	[sflag:s15] =	ssyncset.done $0x0  }
0x20e: {  	s1 =	rddreg [dreg:$0x1e];
	[sflag:s15] =	ssyncadd.s32 $0xFFFFE000  }
0x20f: {  	[tilespmem:s8], [sflag:$0x4] =	stream.indirect.gather [hbm4b:s4+s7], $0x10, s1, s7, $0xb8;
	[tilespmem:$0xF780] =	vst v63  }
0x210: {  	_ =	swait.ge [sflag:s20], $0x2000  }
0x211: {  	[sflag:s20] =	ssyncset.done $0x0  }
0x212: {  	s30 =	rddreg [dreg:$0x1f];
	[sflag:s20] =	ssyncadd.s32 $0xFFFFE000  }
0x213: {  	[spmem:s2] =	stream.indirect.scatter.add.f32 [tilespmem:s11], [sflag:$0x5], $0x10, s30, s7, $0xb8;
	[tilespmem:$0xF780] =	vst v63  }
0x214: {  	_ =	swait.ge [sflag:s19], $0x2000  }
0x215: {  	s31 =	sld [smem:$0x7FB]  }
0x216: {  	[sflag:s19] =	ssyncset.done $0x0  }
0x217: {  	[sflag:s19] =	ssyncadd.s32 $0xFFFFE000  }
0x218: {  	[spmem:s2] =	stream.indirect.scatter.add.f32 [tilespmem:s10], [sflag:$0x6], $0x10, s31, s7, $0xb8;
	[tilespmem:$0xF780] =	vst v63  }
0x219: {  	_ =	swait.ge [sflag:s18], $0x2000  }
0x21a: {  	s1 =	sld [smem:$0x7FC]  }
0x21b: {  	[sflag:s18] =	ssyncset.done $0x0  }
0x21c: {  	[sflag:s18] =	ssyncadd.s32 $0xFFFFE000  }
0x21d: {  	[spmem:s2] =	stream.indirect.scatter.add.f32 [tilespmem:s9], [sflag:$0x7], $0x10, s1, s7, $0xb8;
	[tilespmem:$0xF780] =	vst v63  }
0x21e: {  	_ =	swait.ge [sflag:s16], $0x2000  }
0x21f: {  	s30 =	sld [smem:$0x7FD]  }
0x220: {  	[sflag:s16] =	ssyncset.done $0x0  }
0x221: {  	[sflag:s16] =	ssyncadd.s32 $0xFFFFE000  }
0x222: {  	[spmem:s2] =	stream.indirect.scatter.add.f32 [tilespmem:s8], [sflag:$0x8], $0x10, s30, s7, $0xb8;
	[tilespmem:$0xF780] =	vst v63  }
0x223: {  	_ =	swait.ge [sflag:s12], $0x2000  }
0x224: {  	[sflag:s12] =	ssyncset.done $0x0  }
0x225: {  	[sflag:s12] =	ssyncadd.s32 $0xFFFFE000  }
0x226: {  	[tilespmem:s11], [sflag:$0x1] =	stream.indirect.gather [hbm4b:s4+s7], $0x10, s29, s7, $0xb8;
	[tilespmem:$0xF780] =	vst v63  }
0x227: {  	_ =	swait.ge [sflag:s13], $0x2000  }
0x228: {  	[sflag:s13] =	ssyncset.done $0x0  }
0x229: {  	[sflag:s13] =	ssyncadd.s32 $0xFFFFE000  }
0x22a: {  	[tilespmem:s10], [sflag:$0x2] =	stream.indirect.gather [hbm4b:s4+s7], $0x10, s26, s7, $0xb8;
	[tilespmem:$0xF780] =	vst v63  }
0x22b: {  	_ =	swait.ge [sflag:s14], $0x2000  }
0x22c: {  	[sflag:s14] =	ssyncset.done $0x0  }
0x22d: {  	[sflag:s14] =	ssyncadd.s32 $0xFFFFE000  }
0x22e: {  	[tilespmem:s9], [sflag:$0x3] =	stream.indirect.gather [hbm4b:s4+s7], $0x10, s28, s7, $0xb8;
	[tilespmem:$0xF780] =	vst v63  }
0x22f: {  	_ =	swait.ge [sflag:s15], $0x2000  }
0x230: {  	[sflag:s15] =	ssyncset.done $0x0  }
0x231: {  	[sflag:s15] =	ssyncadd.s32 $0xFFFFE000  }
0x232: {  	[tilespmem:s8], [sflag:$0x4] =	stream.indirect.gather [hbm4b:s4+s7], $0x10, s25, s7, $0xb8;
	[tilespmem:$0xF780] =	vst v63  }
0x233: {  	_ =	swait.ge [sflag:s20], $0x2000  }
0x234: {  	[sflag:s20] =	ssyncset.done $0x0  }
0x235: {  	[sflag:s20] =	ssyncadd.s32 $0xFFFFE000  }
0x236: {  	[spmem:s2] =	stream.indirect.scatter.add.f32 [tilespmem:s11], [sflag:$0x5], $0x10, s24, s7, $0xb8;
	[tilespmem:$0xF780] =	vst v63  }
0x237: {  	_ =	swait.ge [sflag:s19], $0x2000  }
0x238: {  	[sflag:s19] =	ssyncset.done $0x0  }
0x239: {  	[sflag:s19] =	ssyncadd.s32 $0xFFFFE000  }
0x23a: {  	[spmem:s2] =	stream.indirect.scatter.add.f32 [tilespmem:s10], [sflag:$0x6], $0x10, s23, s7, $0xb8;
	[tilespmem:$0xF780] =	vst v63  }
0x23b: {  	_ =	swait.ge [sflag:s18], $0x2000  }
0x23c: {  	[sflag:s18] =	ssyncset.done $0x0  }
0x23d: {  	[sflag:s18] =	ssyncadd.s32 $0xFFFFE000  }
0x23e: {  	[spmem:s2] =	stream.indirect.scatter.add.f32 [tilespmem:s9], [sflag:$0x7], $0x10, s22, s7, $0xb8;
	[tilespmem:$0xF780] =	vst v63  }
0x23f: {  	_ =	swait.ge [sflag:s16], $0x2000  }
0x240: {  	[sflag:s16] =	ssyncset.done $0x0  }
0x241: {  	[sflag:s16] =	ssyncadd.s32 $0xFFFFE000  }
0x242: {  	[spmem:s2] =	stream.indirect.scatter.add.f32 [tilespmem:s8], [sflag:$0x8], $0x10, s21, s7, $0xb8;
	[tilespmem:$0xF780] =	vst v63  }
0x243: {  	_ =	swait.ge [sflag:s12], $0x2000  }
0x244: {  	[sflag:s12] =	ssyncset.done $0x0  }
0x245: {  	[sflag:s12] =	ssyncadd.s32 $0xFFFFE000  }
0x246: {  	_ =	swait.ge [sflag:s13], $0x2000  }
0x247: {  	[sflag:s13] =	ssyncset.done $0x0  }
0x248: {  	[sflag:s13] =	ssyncadd.s32 $0xFFFFE000  }
0x249: {  	_ =	swait.ge [sflag:s14], $0x2000  }
0x24a: {  	[sflag:s14] =	ssyncset.done $0x0  }
0x24b: {  	[sflag:s14] =	ssyncadd.s32 $0xFFFFE000  }
0x24c: {  	_ =	swait.ge [sflag:s15], $0x2000  }
0x24d: {  	[sflag:s15] =	ssyncset.done $0x0  }
0x24e: {  	[sflag:s15] =	ssyncadd.s32 $0xFFFFE000  }
0x24f: {  	[bflag:$0x0] =	sbarrier.arrive $0xFFFF  }
0x250: {  	[hbm:s17], [sflag:s3] =	dma.local [spmem:s5], $0x4F0  }
0x251: {  	_ =	swait.ge [sflag:s6], $0x4F0  }
0x252: {  	[sflag:s6] =	ssyncset.done $0x0  }
0x253: {  	[sflag:s6] =	ssyncadd.s32 $0xFFFFFB10  }
0x254: {  	_ =	sfence.sel $0x180000  }
0x255: {  	[bflag:$0x0] =	sbarrier.arrive $0xFFFF  }
0x256: {  	_ =	strace $0x9000004D  }
0x257: {  	s31 =	stileid.u32;
	[bflag:$0x2] =	sbarrier.arrive $0xFFFF  }
0x258: {  	p0 =	sne.s32 s31, $0x0;
	s0 =	rddreg [dreg:$0x2]  }
0x259: {  	s0 =	sadd.s32 @!p0 $0x100000, s0  }
0x25a: {  	[sflag:s0] =	ssyncadd.tile.s32 @!p0 $0x1;
	_ =	shalt  }
.Lfunc_end2:
_tile_overlayer_lowered:
.L_overlay_start_2:
0x25b: {  	(tag) =	ssettag $0x2  }
0x25c: {  	s0 =	rddreg [dreg:$0x0];
	s2 =	stileid.u32  }
0x25d: {  	s1 =	rddreg [dreg:$0x1];
	p0 =	sne.s32 s2, $0x0  }
0x25e: {  	s3 =	rddreg [dreg:$0x2];
	[bflag:$0x3] =	sbarrier.arrive $0xFFFF;
	s2 =	simm.s32 @!p0 $0x1C09  }
0x25f: {  	[timem:s3], [sflag:s2] =	dma.local @!p0 [hbm:s0], s1  }
0x260: {  	s0 =	simm.s32 @!p0 $0x9  }
0x261: {  	_ =	swait.ge @!p0 [sflag:s0], s1  }
0x262: {  	s1 =	ssub.s32 @!p0 $0x0, s1;
	[sflag:s0] =	ssyncset.done @!p0 $0x0  }
0x263: {  	[sflag:s0] =	ssyncadd.s32 @!p0 s1  }
0x264: {  	[bflag:$0x3] =	sbarrier.arrive $0xFFFF  }
0x265: {  	_ =	shalt  }

// kernel: kernel.9.cloned.1.call-start
scs
__scs_entry_jumppad:
0x0: {  	(pc) =	sbr.rel $0x88, $3  }
0x1: {  	(tag) =	ssettag $0x0;
	lr =	simm.s32 $0x1  }
0x2: {  	[smem:$0x3F99] =	sst lr;
	_ =	strace $0xD0000000  }
0x3: {  	_ = 	snop  }
0x4: {  	_ = 	snop  }
0x5: {  	_ = 	snop  }
0x6: {  	_ = 	snop  }
0x7: {  	_ = 	snop  }
__scs_overlays_trampoline_lowered:
0x8: {  	[smem:$0x3FA8] =	sst s0  }
0x9: {  	[smem:$0x3FA9] =	sst s1  }
0xa: {  	[smem:$0x3FAA] =	sst s2  }
0xb: {  	[smem:$0x3FAB] =	sst s3  }
0xc: {  	[smem:$0x3FAC] =	sst s4  }
0xd: {  	[smem:$0x3FAD] =	sst s5  }
0xe: {  	[smem:$0x3FAE] =	sst s6  }
0xf: {  	[smem:$0x3FAF] =	sst s7  }
0x10: {  	[smem:$0x3FB0] =	sst s8  }
0x11: {  	[smem:$0x3FB1] =	sst s9;
	s0 =	simm.s32 @!p0 $0x0  }
0x12: {  	s1 =	sld [smem:$0x3F97];
	s0 =	simm.s32 @p0 $0x1  }
0x13: {  	[smem:$0x3FB2] =	sst s0;
	s0 =	simm.s32 @!p1 $0x0  }
0x14: {  	s2 =	sld [smem:$0x3F96];
	s0 =	simm.s32 @p1 $0x1  }
0x15: {  	[smem:$0x3FB3] =	sst s0;
	s0 =	simm.s32 @!p2 $0x0  }
0x16: {  	s3 =	sld [smem:$0x3FDB];
	s0 =	simm.s32 @p2 $0x1  }
0x17: {  	s4 =	simm.s32 $0x1BF5;
	[smem:$0x3FB5] =	sst s0  }
0x18: {  	s0 =	sld [smem:$0x3F98];
	_ =	swait.ge [sflag:s4], $0x0  }
0x19: {  	s7 =	sld [smem:$0x3F99]  }
0x1a: {  	s8 =	sadd.s32 $0xFFFFE003, lr  }
0x1b: {  	s9 =	sadd.s32 $0xFFFFFEF7, lr;
	s5 =	simm.s32 $0xFFFFFFFF;
	p2 =	slt.u32 s8, $0xFFFFF086  }
0x1c: {  	p1 =	slt.u32 s9, $0xF7A;
	s5 =	simm.s32 @!p2 $0x0  }
0x1d: {  	s5 =	simm.s32 @p1 $0x1;
	p0 =	seq.s32 s7, s2  }
0x1e: {  	s7 =	smul.u32 @!p0 $0xF7A, s2;
	p2 =	seq.s32 @!p0 s5, $0x0  }
0x1f: {  	s9 =	smul.u32 $0xF7A, s1;
	s8 =	simm.s32 @!p0 $0x1BF5;
	p2 =	por !p2, p0  }
0x20: {  	[sflag:s8] =	ssyncset.s32 @!p0 $0xFFFFF086;
	s6 =	sadd.s32 @!p0 s3, s7;
	s7 =	simm.s32 @!p0 $0x108  }
0x21: {  	s3 =	sadd.s32 s3, s9;
	s6 =	sadd.s32 @!p0 $0x88, s6;
	s7 =	simm.s32 @p2 $0x1082  }
0x22: {  	[simem:s7], [sflag:s8] =	dma.local @!p0 [hbm:s6], $0xF7A  }
0x23: {  	s9 =	sor.u32 $0xD0000000, s2;
	s6 =	simm.s32 $0x108;
	_ =	swait.ge @!p0 [sflag:s8], $0x0  }
0x24: {  	s3 =	sadd.s32 $0x88, s3;
	s6 =	simm.s32 @!p1 $0x1082;
	[sflag:s4] =	ssyncset.s32 $0xFFFFF086  }
0x25: {  	[simem:s6], [sflag:s4] =	dma.local [hbm:s3], $0xF7A  }
0x26: {  	[smem:$0x3F99] =	sst s1;
	(tag) =	ssettag s2;
	_ =	strace s9  }
0x27: {  	s1 =	sld [smem:$0x3FA9]  }
0x28: {  	s2 =	sld [smem:$0x3FAA]  }
0x29: {  	s4 =	sld [smem:$0x3FAC]  }
0x2a: {  	p0 =	seq.s32 s5, $0x0;
	s5 =	sld [smem:$0x3FAD]  }
0x2b: {  	s6 =	sld [smem:$0x3FAE]  }
0x2c: {  	s7 =	sld [smem:$0x3FAF]  }
0x2d: {  	s3 =	simm.s32 $0x108;
	s8 =	sld [smem:$0x3FB0]  }
0x2e: {  	s3 =	simm.s32 @!p0 $0x1082;
	s9 =	sld [smem:$0x3FB1]  }
0x2f: {  	lr =	sadd.s32 s0, s3;
	s0 =	sld [smem:$0x3FA8]  }
0x30: {  	s3 =	sld [smem:$0x3FAB]  }
0x31: {  	[smem:$0x3FB4] =	sst s10  }
0x32: {  	s10 =	sld [smem:$0x3FB2];
	_ =	sdelay $0x3  }
0x33: {  	p0 =	seq.s32 s10, $0x1;
	s10 =	sld [smem:$0x3FB4];
	_ =	sdelay $0x3  }
0x34: {  	[smem:$0x3FB4] =	sst s10  }
0x35: {  	s10 =	sld [smem:$0x3FB3];
	_ =	sdelay $0x3  }
0x36: {  	p1 =	seq.s32 s10, $0x1;
	s10 =	sld [smem:$0x3FB4];
	_ =	sdelay $0x3  }
0x37: {  	[smem:$0x3FB4] =	sst s10  }
0x38: {  	s10 =	sld [smem:$0x3FB5]  }
0x39: {  	_ = 	snop;
	(pc) =	sbr.ind lr, $3  }
0x3a: {  	_ = 	snop  }
0x3b: {  	_ = 	snop  }
0x3c: {  	p2 =	seq.s32 s10, $0x1;
	s10 =	sld [smem:$0x3FB4]  }
0x3d: {  	_ =	shalt  }
0x3e: {  	_ =	shalt  }
0x3f: {  	_ =	shalt  }
0x40: {  	_ =	shalt  }
0x41: {  	_ =	shalt  }
0x42: {  	_ =	shalt  }
0x43: {  	_ =	shalt  }
0x44: {  	_ =	shalt  }
0x45: {  	_ =	shalt  }
0x46: {  	_ =	shalt  }
0x47: {  	_ =	shalt  }
0x48: {  	_ =	shalt  }
0x49: {  	_ =	shalt  }
0x4a: {  	_ =	shalt  }
0x4b: {  	_ =	shalt  }
0x4c: {  	_ =	shalt  }
0x4d: {  	_ =	shalt  }
0x4e: {  	_ =	shalt  }
0x4f: {  	_ =	shalt  }
0x50: {  	_ =	shalt  }
0x51: {  	_ =	shalt  }
0x52: {  	_ =	shalt  }
0x53: {  	_ =	shalt  }
0x54: {  	_ =	shalt  }
0x55: {  	_ =	shalt  }
0x56: {  	_ =	shalt  }
0x57: {  	_ =	shalt  }
0x58: {  	_ =	shalt  }
0x59: {  	_ =	shalt  }
0x5a: {  	_ =	shalt  }
0x5b: {  	_ =	shalt  }
0x5c: {  	_ =	shalt  }
0x5d: {  	_ =	shalt  }
0x5e: {  	_ =	shalt  }
0x5f: {  	_ =	shalt  }
0x60: {  	_ =	shalt  }
0x61: {  	_ =	shalt  }
0x62: {  	_ =	shalt  }
0x63: {  	_ =	shalt  }
0x64: {  	_ =	shalt  }
0x65: {  	_ =	shalt  }
0x66: {  	_ =	shalt  }
0x67: {  	_ =	shalt  }
0x68: {  	_ =	shalt  }
0x69: {  	_ =	shalt  }
0x6a: {  	_ =	shalt  }
0x6b: {  	_ =	shalt  }
0x6c: {  	_ =	shalt  }
0x6d: {  	_ =	shalt  }
0x6e: {  	_ =	shalt  }
0x6f: {  	_ =	shalt  }
0x70: {  	_ =	shalt  }
0x71: {  	_ =	shalt  }
0x72: {  	_ =	shalt  }
0x73: {  	_ =	shalt  }
0x74: {  	_ =	shalt  }
0x75: {  	_ =	shalt  }
0x76: {  	_ =	shalt  }
0x77: {  	_ =	shalt  }
0x78: {  	_ =	shalt  }
0x79: {  	_ =	shalt  }
0x7a: {  	_ =	shalt  }
0x7b: {  	_ =	shalt  }
0x7c: {  	_ =	shalt  }
0x7d: {  	_ =	shalt  }
0x7e: {  	_ =	shalt  }
0x7f: {  	_ =	shalt  }
0x80: {  	_ =	shalt  }
0x81: {  	_ =	shalt  }
0x82: {  	_ =	shalt  }
0x83: {  	_ =	shalt  }
0x84: {  	_ =	shalt  }
0x85: {  	_ =	shalt  }
0x86: {  	_ =	shalt  }
0x87: {  	_ =	shalt  }
.Lfunc_end0:
.L_simem_size_0:
called_computation_lowered:
.L_overlay_start_0:
0x88: {  	s2 =	sld [smem:$0x3FD9]  }
0x89: {  	s3 =	sld [smem:$0x3FFE];
	_ =	sdelay $0x1  }
0x8a: {  	s1 =	srdreg.scid  }
0x8b: {  	s0 =	sand.u32 $0x1, s1  }
0x8c: {  	s17 =	sshll.u32 s0, $0xA;
	s2 =	sadd.s32 s3, s2  }
0x8d: {  	s2 =	sadd.s32 s2, s17  }
0x8e: {  	[smem:$0x3FC0] =	sst s2  }
0x8f: {  	_ = 	snop  }
0x90: {  	s2 =	sld [smem:$0x3FD0];
	(tm) =	ssettm $0x1  }
0x91: {  	s18 =	sld [smem:$0x3FFB];
	_ =	sdelay $0x3  }
0x92: {  	_ =	strace s18  }
0x93: {  	s3 =	sld [smem:$0x3FFC];
	_ =	sdelay $0x3  }
0x94: {  	_ =	strace s3  }
0x95: {  	s3 =	sld [smem:$0x3FFD];
	_ =	sdelay $0x3  }
0x96: {  	_ =	strace s3  }
0x97: {  	_ =	strace $0x8FFFFFFF  }
0x98: {  	s19 =	sld [smem:$0x3FDB];
	_ =	sdelay $0x1  }
0x99: {  	s4 =	simm.s32 $_scs_section_size  }
0x9a: {  	s5 =	simm.s32 $_size__tile_overlayer_lowered;
	s6 =	simm.s32 $_tile_overlayer_lowered  }
0x9b: {  	s22 =	simm.s32 $0x1BFF;
	s21 =	sshll.u32 s6, $0x1;
	s3 =	sadd.s32 s4, s19  }
0x9c: {  	s7 =	simm.s32 $0x0;
	s20 =	sshll.u32 s5, $0x1;
	s5 =	sadd.s32 s21, s3  }
0x9d: {  	[timem:s7], [sflag:s22] =	dma.local [hbm:s5], s20  }
0x9e: {  	_ =	swait.ge [sflag:s22], s20  }
0x9f: {  	s4 =	ssub.s32 $0x0, s20;
	[sflag:s22] =	ssyncset.done $0x0  }
0xa0: {  	[sflag:s22] =	ssyncadd.s32 s4;
	_ =	sdelay $0x1  }
0xa1: {  	s23 =	simm.s32 $0x1B8B  }
0xa2: {  	_ =	swait.ge [sflag:s23], $0x1  }
0xa3: {  	[sflag:s23] =	ssyncset.done $0x0  }
0xa4: {  	s25 =	simm.s32 $0x1B8E;
	s24 =	sld [smem:$0x3FFE];
	[sflag:s23] =	ssyncadd.s32 $0xFFFFFFFF  }
0xa5: {  	s26 =	simm.s32 $execute0_lowered;
	[smem:$0x3FD2] =	sst s25  }
0xa6: {  	s5 =	sshll.u32 s26, $0x1;
	_ =	strace $0x80000046;
	[dreg:$0x1] =	wrdreg $0xFFFFFFFF  }
0xa7: {  	s28 =	simm.s32 $_size_execute0_lowered;
	s3 =	sadd.s32 s3, s5;
	[dreg:$0x0] =	wrdreg $0x0  }
0xa8: {  	s5 =	sshll.u32 s28, $0x1;
	[dreg:$0x2] =	wrdreg s3  }
0xa9: {  	[dreg:$0x3] =	wrdreg s5  }
0xaa: {  	[dreg:$0x4] =	wrdreg $0xC0  }
0xab: {  	_ =	task [dreg:s7], $0x5FFFF  }
0xac: {  	[dreg:$0x1] =	wrdreg $0xFFFFFFFF  }
0xad: {  	[dreg:$0x0] =	wrdreg $0x60  }
0xae: {  	[dreg:$0x2] =	wrdreg s24  }
0xaf: {  	[dreg:$0x3] =	wrdreg s2  }
0xb0: {  	[dreg:$0x4] =	wrdreg $0x48000  }
0xb1: {  	[dreg:$0x5] =	wrdreg $0x9  }
0xb2: {  	_ =	task.clear_ibuf [dreg:s7], $0x6FFFF;
	_ =	strace $0x90000046  }
0xb3: {  	s29 =	simm.s32 $0x9;
	_ =	strace $0x80000048  }
0xb4: {  	_ =	swait.ge [sflag:s29], $0x1  }
0xb5: {  	[sflag:s29] =	ssyncadd.s32 $0xFFFFFFFF  }
0xb6: {  	_ =	strace $0x90000048  }
0xb7: {  	_ =	sfence  }
0xb8: {  	s30 =	sld [smem:$0x0];
	_ =	sdelay $0x2  }
0xb9: {  	s31 =	sshll.u32 s1, $0xD;
	s1 =	sshrl.u32 s1, $0x2  }
0xba: {  	s3 =	sand.u32 $0x4000, s31;
	s1 =	sadd.s32 s1, s30  }
0xbb: {  	s0 =	sor.u32 s3, s0;
	s1 =	sshll.u32 s1, $0x11  }
0xbc: {  	s0 =	sor.u32 s1, s0  }
0xbd: {  	s0 =	sadd.s32 $0x8F2B, s0  }
0xbe: {  	[sflag:s0] =	ssyncadd.remote.s32 $0x1  }
0xbf: {  	_ =	sfence.sel $0xFFFF  }
0xc0: {  	[dreg:$0x0] =	wrdreg $0xFFFFFFFF;
	(pc) =	sbr.abs _section_cstart, $3  }
0xc1: {  	[dreg:$0x1] =	wrdreg $0xFFFFFFFF  }
0xc2: {  	_ =	task.clear_ibuf [dreg:s7], $0x2FFFF;
	_ =	strace $0x9FFFFFFF  }
0xc3: {  	(tm) =	ssettm $0x7FFFFFFF  }
tec
execute0_lowered:
.L_overlay_start_1:
0x0: {  	(tag) =	ssettag $0x1  }
0x1: {  	s31 =	rddreg [dreg:$0x0]  }
0x2: {  	s1 =	rddreg [dreg:$0x1]  }
0x3: {  	s2 =	rddreg [dreg:$0x2]  }
0x4: {  	s0 =	stileid.u32;
	s24 =	srdreg.scid  }
0x5: {  	s3 =	simm.s32 $0x0;
	[dreg:$0x4] =	wrdreg s1;
	s4 =	smul.u32 $0x2780, s0  }
0x6: {  	s1 =	sand.u32 $0x1, s24;
	s5 =	sshll.u32 s0, $0x1;
	[smem:$0x7FF] =	sst s3  }
0x7: {  	s0 =	sshll.u32 s0, $0x6;
	s5 =	sor.u32 s1, s5;
	s6 =	sshrl.u32 s4, $0x3  }
0x8: {  	s8 =	smul.u32 $0x500, s5;
	s26 =	sadd.s32 s4, s2;
	s5 =	sor.u32 $0x1C02, s0  }
0x9: {  	[dreg:$0x5] =	wrdreg s6;
	s25 =	sadd.s32 s6, s31;
	s7 =	sshrl.u32 s26, $0x3  }
0xa: {  	s6 =	simm.s32 $0x2;
	_ =	strace $0x80000047;
	s4 =	sadd.s32 $0xBA00, s25  }
0xb: {  	[spmem:s7], [sflag:s5] =	dma.local [hbm:s4], $0x4F0  }
0xc: {  	_ =	swait.ge [sflag:s6], $0x4F0  }
0xd: {  	s8 =	sadd.s32 s8, s31;
	[sflag:s6] =	ssyncset.done $0x0  }
0xe: {  	s8 =	sadd.s32 $0x1A00, s8;
	[sflag:s6] =	ssyncadd.s32 $0xFFFFFB10  }
0xf: {  	[tilespmem:s3], [sflag:$0x2] =	stream.linear.gather [hbm4b:s8+s3], $0x2800, $0x38;
	[tilespmem:$0x6F80] =	vst v63  }
0x10: {  	_ =	swait.ge [sflag:s6], $0x2800  }
0x11: {  	[sflag:s6] =	ssyncset.done $0x0  }
0x12: {  	s9 =	simm.s32 $0x2800;
	s10 =	rddreg [dreg:$0x4];
	[sflag:s6] =	ssyncadd.s32 $0xFFFFD800  }
0x13: {  	[tilespmem:s9], [sflag:$0x2] =	stream.linear.gather [hbm4b:s10+s3], $0x2000, $0x38;
	[tilespmem:$0x6F80] =	vst v63  }
0x14: {  	_ =	swait.ge [sflag:s6], $0x2000  }
0x15: {  	[sflag:s6] =	ssyncset.done $0x0  }
0x16: {  	[sflag:s6] =	ssyncadd.s32 $0xFFFFE000  }
0x17: {  	s10 =	simm.s32 $0x200;
	[bflag:$0x0] =	sbarrier.arrive $0xFFFF  }
0x18: {  	[spmem:s2] =	stream.indirect.scatter.add.f32 [tilespmem:s9], [sflag:$0x1], $0x10, s3, s10, $0xb8;
	[tilespmem:$0x6F80] =	vst v63  }
0x19: {  	_ = 	snop  }
0x1a: {  	[spmem:s2] =	stream.indirect.scatter.add.f32 [tilespmem:s9], [sflag:$0x1], $0x10, s10, s10, $0xb8;
	[tilespmem:$0x6F80] =	vst v63  }
0x1b: {  	s11 =	simm.s32 $0x400  }
0x1c: {  	[spmem:s2] =	stream.indirect.scatter.add.f32 [tilespmem:s9], [sflag:$0x1], $0x10, s11, s10, $0xb8;
	[tilespmem:$0x6F80] =	vst v63  }
0x1d: {  	s12 =	simm.s32 $0x600  }
0x1e: {  	[spmem:s2] =	stream.indirect.scatter.add.f32 [tilespmem:s9], [sflag:$0x1], $0x10, s12, s10, $0xb8;
	[tilespmem:$0x6F80] =	vst v63  }
0x1f: {  	s13 =	simm.s32 $0x800  }
0x20: {  	[spmem:s2] =	stream.indirect.scatter.add.f32 [tilespmem:s9], [sflag:$0x1], $0x10, s13, s10, $0xb8;
	[tilespmem:$0x6F80] =	vst v63  }
0x21: {  	s14 =	simm.s32 $0xA00  }
0x22: {  	[spmem:s2] =	stream.indirect.scatter.add.f32 [tilespmem:s9], [sflag:$0x1], $0x10, s14, s10, $0xb8;
	[tilespmem:$0x6F80] =	vst v63  }
0x23: {  	s15 =	simm.s32 $0xC00  }
0x24: {  	[spmem:s2] =	stream.indirect.scatter.add.f32 [tilespmem:s9], [sflag:$0x1], $0x10, s15, s10, $0xb8;
	[tilespmem:$0x6F80] =	vst v63  }
0x25: {  	s16 =	simm.s32 $0xE00  }
0x26: {  	[spmem:s2] =	stream.indirect.scatter.add.f32 [tilespmem:s9], [sflag:$0x1], $0x10, s16, s10, $0xb8;
	[tilespmem:$0x6F80] =	vst v63  }
0x27: {  	s17 =	simm.s32 $0x1000  }
0x28: {  	[spmem:s2] =	stream.indirect.scatter.add.f32 [tilespmem:s9], [sflag:$0x1], $0x10, s17, s10, $0xb8;
	[tilespmem:$0x6F80] =	vst v63  }
0x29: {  	s18 =	simm.s32 $0x1200  }
0x2a: {  	[spmem:s2] =	stream.indirect.scatter.add.f32 [tilespmem:s9], [sflag:$0x1], $0x10, s18, s10, $0xb8;
	[tilespmem:$0x6F80] =	vst v63  }
0x2b: {  	s19 =	simm.s32 $0x1400  }
0x2c: {  	[spmem:s2] =	stream.indirect.scatter.add.f32 [tilespmem:s9], [sflag:$0x1], $0x10, s19, s10, $0xb8;
	[tilespmem:$0x6F80] =	vst v63  }
0x2d: {  	s20 =	simm.s32 $0x1600  }
0x2e: {  	[spmem:s2] =	stream.indirect.scatter.add.f32 [tilespmem:s9], [sflag:$0x1], $0x10, s20, s10, $0xb8;
	[tilespmem:$0x6F80] =	vst v63  }
0x2f: {  	s21 =	simm.s32 $0x1800  }
0x30: {  	[spmem:s2] =	stream.indirect.scatter.add.f32 [tilespmem:s9], [sflag:$0x1], $0x10, s21, s10, $0xb8;
	[tilespmem:$0x6F80] =	vst v63  }
0x31: {  	s22 =	simm.s32 $0x1A00  }
0x32: {  	[spmem:s2] =	stream.indirect.scatter.add.f32 [tilespmem:s9], [sflag:$0x1], $0x10, s22, s10, $0xb8;
	[tilespmem:$0x6F80] =	vst v63  }
0x33: {  	s23 =	simm.s32 $0x1C00  }
0x34: {  	[spmem:s2] =	stream.indirect.scatter.add.f32 [tilespmem:s9], [sflag:$0x1], $0x10, s23, s10, $0xb8;
	[tilespmem:$0x6F80] =	vst v63  }
0x35: {  	s24 =	simm.s32 $0x1E00  }
0x36: {  	[spmem:s2] =	stream.indirect.scatter.add.f32 [tilespmem:s9], [sflag:$0x1], $0x10, s24, s10, $0xb8;
	[tilespmem:$0x6F80] =	vst v63  }
0x37: {  	s25 =	simm.s32 $0x2000  }
0x38: {  	[spmem:s2] =	stream.indirect.scatter.add.f32 [tilespmem:s9], [sflag:$0x1], $0x10, s25, s10, $0xb8;
	[tilespmem:$0x6F80] =	vst v63  }
0x39: {  	s26 =	simm.s32 $0x2200  }
0x3a: {  	[spmem:s2] =	stream.indirect.scatter.add.f32 [tilespmem:s9], [sflag:$0x1], $0x10, s26, s10, $0xb8;
	[tilespmem:$0x6F80] =	vst v63  }
0x3b: {  	s28 =	simm.s32 $0x2400  }
0x3c: {  	[spmem:s2] =	stream.indirect.scatter.add.f32 [tilespmem:s9], [sflag:$0x1], $0x10, s28, s10, $0xb8;
	[tilespmem:$0x6F80] =	vst v63  }
0x3d: {  	s29 =	simm.s32 $0x2600;
	s30 =	simm.s32 $0x1  }
0x3e: {  	[spmem:s2] =	stream.indirect.scatter.add.f32 [tilespmem:s9], [sflag:$0x1], $0x10, s29, s10, $0xb8;
	[tilespmem:$0x6F80] =	vst v63  }
0x3f: {  	_ =	swait.ge [sflag:s30], $0x2000  }
0x40: {  	[sflag:s30] =	ssyncset.done $0x0  }
0x41: {  	[sflag:s30] =	ssyncadd.s32 $0xFFFFE000  }
0x42: {  	_ =	swait.ge [sflag:s30], $0x2000  }
0x43: {  	[sflag:s30] =	ssyncset.done $0x0  }
0x44: {  	[sflag:s30] =	ssyncadd.s32 $0xFFFFE000  }
0x45: {  	_ =	swait.ge [sflag:s30], $0x2000  }
0x46: {  	[sflag:s30] =	ssyncset.done $0x0  }
0x47: {  	[sflag:s30] =	ssyncadd.s32 $0xFFFFE000  }
0x48: {  	_ =	swait.ge [sflag:s30], $0x2000  }
0x49: {  	[sflag:s30] =	ssyncset.done $0x0  }
0x4a: {  	[sflag:s30] =	ssyncadd.s32 $0xFFFFE000  }
0x4b: {  	_ =	swait.ge [sflag:s30], $0x2000  }
0x4c: {  	[sflag:s30] =	ssyncset.done $0x0  }
0x4d: {  	[sflag:s30] =	ssyncadd.s32 $0xFFFFE000  }
0x4e: {  	_ =	swait.ge [sflag:s30], $0x2000  }
0x4f: {  	[sflag:s30] =	ssyncset.done $0x0  }
0x50: {  	[sflag:s30] =	ssyncadd.s32 $0xFFFFE000  }
0x51: {  	_ =	swait.ge [sflag:s30], $0x2000  }
0x52: {  	[sflag:s30] =	ssyncset.done $0x0  }
0x53: {  	[sflag:s30] =	ssyncadd.s32 $0xFFFFE000  }
0x54: {  	_ =	swait.ge [sflag:s30], $0x2000  }
0x55: {  	[sflag:s30] =	ssyncset.done $0x0  }
0x56: {  	[sflag:s30] =	ssyncadd.s32 $0xFFFFE000  }
0x57: {  	_ =	swait.ge [sflag:s30], $0x2000  }
0x58: {  	[sflag:s30] =	ssyncset.done $0x0  }
0x59: {  	[sflag:s30] =	ssyncadd.s32 $0xFFFFE000  }
0x5a: {  	_ =	swait.ge [sflag:s30], $0x2000  }
0x5b: {  	[sflag:s30] =	ssyncset.done $0x0  }
0x5c: {  	[sflag:s30] =	ssyncadd.s32 $0xFFFFE000  }
0x5d: {  	_ =	swait.ge [sflag:s30], $0x2000  }
0x5e: {  	[sflag:s30] =	ssyncset.done $0x0  }
0x5f: {  	[sflag:s30] =	ssyncadd.s32 $0xFFFFE000  }
0x60: {  	_ =	swait.ge [sflag:s30], $0x2000  }
0x61: {  	[sflag:s30] =	ssyncset.done $0x0  }
0x62: {  	[sflag:s30] =	ssyncadd.s32 $0xFFFFE000  }
0x63: {  	_ =	swait.ge [sflag:s30], $0x2000  }
0x64: {  	[sflag:s30] =	ssyncset.done $0x0  }
0x65: {  	[sflag:s30] =	ssyncadd.s32 $0xFFFFE000  }
0x66: {  	_ =	swait.ge [sflag:s30], $0x2000  }
0x67: {  	[sflag:s30] =	ssyncset.done $0x0  }
0x68: {  	[sflag:s30] =	ssyncadd.s32 $0xFFFFE000  }
0x69: {  	_ =	swait.ge [sflag:s30], $0x2000  }
0x6a: {  	[sflag:s30] =	ssyncset.done $0x0  }
0x6b: {  	[sflag:s30] =	ssyncadd.s32 $0xFFFFE000  }
0x6c: {  	_ =	swait.ge [sflag:s30], $0x2000  }
0x6d: {  	[sflag:s30] =	ssyncset.done $0x0  }
0x6e: {  	[sflag:s30] =	ssyncadd.s32 $0xFFFFE000  }
0x6f: {  	_ =	swait.ge [sflag:s30], $0x2000  }
0x70: {  	[sflag:s30] =	ssyncset.done $0x0  }
0x71: {  	[sflag:s30] =	ssyncadd.s32 $0xFFFFE000  }
0x72: {  	_ =	swait.ge [sflag:s30], $0x2000  }
0x73: {  	[sflag:s30] =	ssyncset.done $0x0  }
0x74: {  	s0 =	smul.u32 $0x4F00, s1;
	[sflag:s30] =	ssyncadd.s32 $0xFFFFE000  }
0x75: {  	s1 =	ssub.s32 $0x2, s1;
	_ =	swait.ge [sflag:s30], $0x2000  }
0x76: {  	s0 =	sadd.s32 s0, s31;
	s31 =	sshrl.u32 s1, $0x1;
	[sflag:s30] =	ssyncset.done $0x0  }
0x77: {  	s1 =	ssub.s32 s1, s31;
	[sflag:s30] =	ssyncadd.s32 $0xFFFFE000  }
0x78: {  	s1 =	smax.u32 s1, $0x1;
	_ =	swait.ge [sflag:s30], $0x2000  }
0x79: {  	s0 =	sadd.s32 $0x10A00, s0;
	p0 =	sne.s32 s1, $0x1;
	[sflag:s30] =	ssyncset.done $0x0  }
.Ltmp0:
0x7a: {  	s31 =	rddreg [dreg:$0x5];
	[sflag:s30] =	ssyncadd.s32 $0xFFFFE000;
	(pc) =	sbr.rel @!p0 .LBB2_2-.Ltmp0, $4  }
0x7b: {  	s31 =	sadd.s32 s31, s0;
	[bflag:$0x0] =	sbarrier.arrive $0xFFFF  }
0x7c: {  	[hbm:s31], [sflag:s5] =	dma.local [spmem:s7], $0x4F0  }
0x7d: {  	_ =	swait.ge [sflag:s6], $0x4F0  }
0x7e: {  	s0 =	sadd.s32 $0xFFFFFFFF, s1;
	[sflag:s6] =	ssyncset.done $0x0  }
.LBB2_1:
0x7f: {  	[sflag:s6] =	ssyncadd.s32 $0xFFFFFB10  }
0x80: {  	[spmem:s7], [sflag:s5] =	dma.local [hbm:s4], $0x4F0  }
0x81: {  	_ =	swait.ge [sflag:s6], $0x4F0  }
0x82: {  	[sflag:s6] =	ssyncset.done $0x0  }
0x83: {  	[sflag:s6] =	ssyncadd.s32 $0xFFFFFB10  }
0x84: {  	[tilespmem:s3], [sflag:$0x2] =	stream.linear.gather [hbm4b:s8+s3], $0x2800, $0x38;
	[tilespmem:$0x6F80] =	vst v63  }
0x85: {  	_ =	swait.ge [sflag:s6], $0x2800  }
0x86: {  	[sflag:s6] =	ssyncset.done $0x0  }
0x87: {  	s1 =	rddreg [dreg:$0x4];
	[sflag:s6] =	ssyncadd.s32 $0xFFFFD800  }
0x88: {  	[tilespmem:s9], [sflag:$0x2] =	stream.linear.gather [hbm4b:s1+s3], $0x2000, $0x38;
	[tilespmem:$0x6F80] =	vst v63  }
0x89: {  	_ =	swait.ge [sflag:s6], $0x2000  }
0x8a: {  	[sflag:s6] =	ssyncset.done $0x0  }
0x8b: {  	[sflag:s6] =	ssyncadd.s32 $0xFFFFE000  }
0x8c: {  	[bflag:$0x0] =	sbarrier.arrive $0xFFFF  }
0x8d: {  	[spmem:s2] =	stream.indirect.scatter.add.f32 [tilespmem:s9], [sflag:$0x1], $0x10, s3, s10, $0xb8;
	[tilespmem:$0x6F80] =	vst v63  }
0x8e: {  	_ = 	snop  }
0x8f: {  	[spmem:s2] =	stream.indirect.scatter.add.f32 [tilespmem:s9], [sflag:$0x1], $0x10, s10, s10, $0xb8;
	[tilespmem:$0x6F80] =	vst v63  }
0x90: {  	_ = 	snop  }
0x91: {  	[spmem:s2] =	stream.indirect.scatter.add.f32 [tilespmem:s9], [sflag:$0x1], $0x10, s11, s10, $0xb8;
	[tilespmem:$0x6F80] =	vst v63  }
0x92: {  	_ = 	snop  }
0x93: {  	[spmem:s2] =	stream.indirect.scatter.add.f32 [tilespmem:s9], [sflag:$0x1], $0x10, s12, s10, $0xb8;
	[tilespmem:$0x6F80] =	vst v63  }
0x94: {  	_ = 	snop  }
0x95: {  	[spmem:s2] =	stream.indirect.scatter.add.f32 [tilespmem:s9], [sflag:$0x1], $0x10, s13, s10, $0xb8;
	[tilespmem:$0x6F80] =	vst v63  }
0x96: {  	_ = 	snop  }
0x97: {  	[spmem:s2] =	stream.indirect.scatter.add.f32 [tilespmem:s9], [sflag:$0x1], $0x10, s14, s10, $0xb8;
	[tilespmem:$0x6F80] =	vst v63  }
0x98: {  	_ = 	snop  }
0x99: {  	[spmem:s2] =	stream.indirect.scatter.add.f32 [tilespmem:s9], [sflag:$0x1], $0x10, s15, s10, $0xb8;
	[tilespmem:$0x6F80] =	vst v63  }
0x9a: {  	_ = 	snop  }
0x9b: {  	[spmem:s2] =	stream.indirect.scatter.add.f32 [tilespmem:s9], [sflag:$0x1], $0x10, s16, s10, $0xb8;
	[tilespmem:$0x6F80] =	vst v63  }
0x9c: {  	_ = 	snop  }
0x9d: {  	[spmem:s2] =	stream.indirect.scatter.add.f32 [tilespmem:s9], [sflag:$0x1], $0x10, s17, s10, $0xb8;
	[tilespmem:$0x6F80] =	vst v63  }
0x9e: {  	_ = 	snop  }
0x9f: {  	[spmem:s2] =	stream.indirect.scatter.add.f32 [tilespmem:s9], [sflag:$0x1], $0x10, s18, s10, $0xb8;
	[tilespmem:$0x6F80] =	vst v63  }
0xa0: {  	_ = 	snop  }
0xa1: {  	[spmem:s2] =	stream.indirect.scatter.add.f32 [tilespmem:s9], [sflag:$0x1], $0x10, s19, s10, $0xb8;
	[tilespmem:$0x6F80] =	vst v63  }
0xa2: {  	_ = 	snop  }
0xa3: {  	[spmem:s2] =	stream.indirect.scatter.add.f32 [tilespmem:s9], [sflag:$0x1], $0x10, s20, s10, $0xb8;
	[tilespmem:$0x6F80] =	vst v63  }
0xa4: {  	_ = 	snop  }
0xa5: {  	[spmem:s2] =	stream.indirect.scatter.add.f32 [tilespmem:s9], [sflag:$0x1], $0x10, s21, s10, $0xb8;
	[tilespmem:$0x6F80] =	vst v63  }
0xa6: {  	_ = 	snop  }
0xa7: {  	[spmem:s2] =	stream.indirect.scatter.add.f32 [tilespmem:s9], [sflag:$0x1], $0x10, s22, s10, $0xb8;
	[tilespmem:$0x6F80] =	vst v63  }
0xa8: {  	_ = 	snop  }
0xa9: {  	[spmem:s2] =	stream.indirect.scatter.add.f32 [tilespmem:s9], [sflag:$0x1], $0x10, s23, s10, $0xb8;
	[tilespmem:$0x6F80] =	vst v63  }
0xaa: {  	_ = 	snop  }
0xab: {  	[spmem:s2] =	stream.indirect.scatter.add.f32 [tilespmem:s9], [sflag:$0x1], $0x10, s24, s10, $0xb8;
	[tilespmem:$0x6F80] =	vst v63  }
0xac: {  	_ = 	snop  }
0xad: {  	[spmem:s2] =	stream.indirect.scatter.add.f32 [tilespmem:s9], [sflag:$0x1], $0x10, s25, s10, $0xb8;
	[tilespmem:$0x6F80] =	vst v63  }
0xae: {  	_ = 	snop  }
0xaf: {  	[spmem:s2] =	stream.indirect.scatter.add.f32 [tilespmem:s9], [sflag:$0x1], $0x10, s26, s10, $0xb8;
	[tilespmem:$0x6F80] =	vst v63  }
0xb0: {  	_ = 	snop  }
0xb1: {  	[spmem:s2] =	stream.indirect.scatter.add.f32 [tilespmem:s9], [sflag:$0x1], $0x10, s28, s10, $0xb8;
	[tilespmem:$0x6F80] =	vst v63  }
0xb2: {  	_ = 	snop  }
0xb3: {  	[spmem:s2] =	stream.indirect.scatter.add.f32 [tilespmem:s9], [sflag:$0x1], $0x10, s29, s10, $0xb8;
	[tilespmem:$0x6F80] =	vst v63  }
0xb4: {  	_ =	swait.ge [sflag:s30], $0x2000  }
0xb5: {  	[sflag:s30] =	ssyncset.done $0x0  }
0xb6: {  	[sflag:s30] =	ssyncadd.s32 $0xFFFFE000  }
0xb7: {  	_ =	swait.ge [sflag:s30], $0x2000  }
0xb8: {  	[sflag:s30] =	ssyncset.done $0x0  }
0xb9: {  	[sflag:s30] =	ssyncadd.s32 $0xFFFFE000  }
0xba: {  	_ =	swait.ge [sflag:s30], $0x2000  }
0xbb: {  	[sflag:s30] =	ssyncset.done $0x0  }
0xbc: {  	[sflag:s30] =	ssyncadd.s32 $0xFFFFE000  }
0xbd: {  	_ =	swait.ge [sflag:s30], $0x2000  }
0xbe: {  	[sflag:s30] =	ssyncset.done $0x0  }
0xbf: {  	[sflag:s30] =	ssyncadd.s32 $0xFFFFE000  }
0xc0: {  	_ =	swait.ge [sflag:s30], $0x2000  }
0xc1: {  	[sflag:s30] =	ssyncset.done $0x0  }
0xc2: {  	[sflag:s30] =	ssyncadd.s32 $0xFFFFE000  }
0xc3: {  	_ =	swait.ge [sflag:s30], $0x2000  }
0xc4: {  	[sflag:s30] =	ssyncset.done $0x0  }
0xc5: {  	[sflag:s30] =	ssyncadd.s32 $0xFFFFE000  }
0xc6: {  	_ =	swait.ge [sflag:s30], $0x2000  }
0xc7: {  	[sflag:s30] =	ssyncset.done $0x0  }
0xc8: {  	[sflag:s30] =	ssyncadd.s32 $0xFFFFE000  }
0xc9: {  	_ =	swait.ge [sflag:s30], $0x2000  }
0xca: {  	[sflag:s30] =	ssyncset.done $0x0  }
0xcb: {  	[sflag:s30] =	ssyncadd.s32 $0xFFFFE000  }
0xcc: {  	_ =	swait.ge [sflag:s30], $0x2000  }
0xcd: {  	[sflag:s30] =	ssyncset.done $0x0  }
0xce: {  	[sflag:s30] =	ssyncadd.s32 $0xFFFFE000  }
0xcf: {  	_ =	swait.ge [sflag:s30], $0x2000  }
0xd0: {  	[sflag:s30] =	ssyncset.done $0x0  }
0xd1: {  	[sflag:s30] =	ssyncadd.s32 $0xFFFFE000  }
0xd2: {  	_ =	swait.ge [sflag:s30], $0x2000  }
0xd3: {  	[sflag:s30] =	ssyncset.done $0x0  }
0xd4: {  	[sflag:s30] =	ssyncadd.s32 $0xFFFFE000  }
0xd5: {  	_ =	swait.ge [sflag:s30], $0x2000  }
0xd6: {  	[sflag:s30] =	ssyncset.done $0x0  }
0xd7: {  	[sflag:s30] =	ssyncadd.s32 $0xFFFFE000  }
0xd8: {  	_ =	swait.ge [sflag:s30], $0x2000  }
0xd9: {  	[sflag:s30] =	ssyncset.done $0x0  }
0xda: {  	[sflag:s30] =	ssyncadd.s32 $0xFFFFE000  }
0xdb: {  	_ =	swait.ge [sflag:s30], $0x2000  }
0xdc: {  	[sflag:s30] =	ssyncset.done $0x0  }
0xdd: {  	[sflag:s30] =	ssyncadd.s32 $0xFFFFE000  }
0xde: {  	_ =	swait.ge [sflag:s30], $0x2000  }
0xdf: {  	[sflag:s30] =	ssyncset.done $0x0  }
0xe0: {  	[sflag:s30] =	ssyncadd.s32 $0xFFFFE000  }
0xe1: {  	_ =	swait.ge [sflag:s30], $0x2000  }
0xe2: {  	[sflag:s30] =	ssyncset.done $0x0  }
0xe3: {  	[sflag:s30] =	ssyncadd.s32 $0xFFFFE000  }
0xe4: {  	_ =	swait.ge [sflag:s30], $0x2000  }
0xe5: {  	[sflag:s30] =	ssyncset.done $0x0  }
0xe6: {  	[sflag:s30] =	ssyncadd.s32 $0xFFFFE000  }
0xe7: {  	_ =	swait.ge [sflag:s30], $0x2000  }
0xe8: {  	[sflag:s30] =	ssyncset.done $0x0  }
0xe9: {  	[sflag:s30] =	ssyncadd.s32 $0xFFFFE000  }
0xea: {  	_ =	swait.ge [sflag:s30], $0x2000  }
0xeb: {  	[sflag:s30] =	ssyncset.done $0x0  }
0xec: {  	[sflag:s30] =	ssyncadd.s32 $0xFFFFE000  }
0xed: {  	_ =	swait.ge [sflag:s30], $0x2000  }
0xee: {  	p0 =	sne.s32 s0, $0x1;
	[sflag:s30] =	ssyncset.done $0x0  }
.Ltmp1:
0xef: {  	[sflag:s30] =	ssyncadd.s32 $0xFFFFE000;
	(pc) =	sbr.rel @p0 .LBB2_1-.Ltmp1, $4  }
0xf0: {  	[bflag:$0x0] =	sbarrier.arrive $0xFFFF  }
0xf1: {  	[hbm:s31], [sflag:s5] =	dma.local [spmem:s7], $0x4F0  }
0xf2: {  	_ =	swait.ge [sflag:s6], $0x4F0  }
0xf3: {  	s0 =	sadd.s32 $0xFFFFFFFF, s0;
	[sflag:s6] =	ssyncset.done $0x0  }
.LBB2_2:
0xf4: {  	[sflag:s6] =	ssyncadd.s32 $0xFFFFFB10  }
0xf5: {  	_ =	sfence.sel $0x180000  }
0xf6: {  	[bflag:$0x0] =	sbarrier.arrive $0xFFFF  }
0xf7: {  	_ =	strace $0x90000047  }
0xf8: {  	s0 =	stileid.u32;
	[bflag:$0x2] =	sbarrier.arrive $0xFFFF  }
0xf9: {  	p0 =	sne.s32 s0, $0x0;
	s0 =	rddreg [dreg:$0x3]  }
0xfa: {  	s0 =	sadd.s32 @!p0 $0x100000, s0  }
0xfb: {  	[sflag:s0] =	ssyncadd.tile.s32 @!p0 $0x1;
	_ =	shalt  }
.Lfunc_end2:
_tile_overlayer_lowered:
.L_overlay_start_2:
0xfc: {  	(tag) =	ssettag $0x2  }
0xfd: {  	s0 =	rddreg [dreg:$0x0];
	s2 =	stileid.u32  }
0xfe: {  	s1 =	rddreg [dreg:$0x1];
	p0 =	sne.s32 s2, $0x0  }
0xff: {  	s3 =	rddreg [dreg:$0x2];
	[bflag:$0x3] =	sbarrier.arrive $0xFFFF;
	s2 =	simm.s32 @!p0 $0x1C02  }
0x100: {  	[timem:s3], [sflag:s2] =	dma.local @!p0 [hbm:s0], s1  }
0x101: {  	s0 =	simm.s32 @!p0 $0x2  }
0x102: {  	_ =	swait.ge @!p0 [sflag:s0], s1  }
0x103: {  	s1 =	ssub.s32 @!p0 $0x0, s1;
	[sflag:s0] =	ssyncset.done @!p0 $0x0  }
0x104: {  	[sflag:s0] =	ssyncadd.s32 @!p0 s1  }
0x105: {  	[bflag:$0x3] =	sbarrier.arrive $0xFFFF  }
0x106: {  	_ =	shalt  }

</sc_bundles>
